<compile_context>
chip_gen: v7x
topology: tpu7x:2x2x1
jax: 0.10.2.dev20260603
libtpu: 0.0.44.dev20260713+nightly
codegen_flags: <defaults>
</compile_context>

<pallas_src>
import jax
import jax.numpy as jnp
from jax import lax
from jax.experimental import pallas as pl
from jax.experimental.pallas import tpu as pltpu
from jax.experimental.pallas import tpu_sc as plsc

NC = 2
NS = 16
NW = NC * NS
L = 16

B = 16384
D = 64
SUBL = 8
BPW = B // NW
CH = 16
NCHUNK = BPW // CH
NBUF = 2


def _nc_body(uid_hbm, iid_hbm, ut_hbm, it_hbm, wb_hbm, out_hbm,
             uid_v, iid_v, ubuf_v, ibuf_v, out_v, accs_v, wb_v, gsem):
    wid = lax.axis_index("s") * NC + lax.axis_index("c")
    base = wid * BPW

    ut3 = ut_hbm.reshape(ut_hbm.shape[0] // SUBL, SUBL, D)
    it3 = it_hbm.reshape(it_hbm.shape[0] // SUBL, SUBL, D)

    pltpu.sync_copy(uid_hbm.at[pl.ds(base, BPW)], uid_v)
    pltpu.sync_copy(iid_hbm.at[pl.ds(base, BPW)], iid_v)
    pltpu.sync_copy(wb_hbm, wb_v)

    w0 = wb_v[pl.ds(0, L)]
    w1 = wb_v[pl.ds(L, L)]
    w2 = wb_v[pl.ds(2 * L, L)]
    w3 = wb_v[pl.ds(3 * L, L)]
    bvec = wb_v[pl.ds(4 * L, L)]
    iota16 = lax.iota(jnp.int32, L)

    def fire(c):
        buf = lax.rem(c, NBUF)
        utv = uid_v[pl.ds(c * CH, L)] >> 3
        itv = iid_v[pl.ds(c * CH, L)] >> 3
        for j in range(CH):
            pltpu.async_copy(ut3.at[utv[j]], ubuf_v.at[buf * CH + j], gsem)
            pltpu.async_copy(it3.at[itv[j]], ibuf_v.at[buf * CH + j], gsem)

    def drain(c):
        buf = lax.rem(c, NBUF)
        for j in range(CH):
            pltpu.make_async_copy(ut3.at[0], ubuf_v.at[buf * CH + j],
                                  gsem).wait()
            pltpu.make_async_copy(it3.at[0], ibuf_v.at[buf * CH + j],
                                  gsem).wait()

    fire(0)

    def chunk_body(c, carry):
        @pl.when(c + 1 < NCHUNK)
        def _():
            fire(c + 1)

        drain(c)
        buf = lax.rem(c, NBUF)
        usub = uid_v[pl.ds(c * CH, L)] & (SUBL - 1)
        isub = iid_v[pl.ds(c * CH, L)] & (SUBL - 1)

        for j in range(CH):
            us = usub[j]
            zs = isub[j]
            slot = buf * CH + j
            acc = (ubuf_v[slot, us, pl.ds(0, L)]
                   * ibuf_v[slot, zs, pl.ds(0, L)] * w0)
            acc += (ubuf_v[slot, us, pl.ds(L, L)]
                    * ibuf_v[slot, zs, pl.ds(L, L)] * w1)
            acc += (ubuf_v[slot, us, pl.ds(2 * L, L)]
                    * ibuf_v[slot, zs, pl.ds(2 * L, L)] * w2)
            acc += (ubuf_v[slot, us, pl.ds(3 * L, L)]
                    * ibuf_v[slot, zs, pl.ds(3 * L, L)] * w3)
            accs_v[pl.ds(j * L, L)] = acc

        tot = bvec
        for col in range(L):
            tot = tot + plsc.load_gather(accs_v, [iota16 * L + col])
        out_v[pl.ds(c * CH, L)] = tot
        return carry

    lax.fori_loop(0, NCHUNK, chunk_body, 0)

    pltpu.sync_copy(out_v, out_hbm.at[pl.ds(base, BPW)])


@jax.jit
def _neural_cf(uids, iids, user_table, item_table, wb):
    mesh = plsc.VectorSubcoreMesh(core_axis_name="c", subcore_axis_name="s",
                                  num_cores=NC, num_subcores=NS)
    run = pl.kernel(
        _nc_body,
        out_type=jax.ShapeDtypeStruct((B,), jnp.float32),
        mesh=mesh,
        scratch_types=[
            pltpu.VMEM((BPW,), jnp.int32),
            pltpu.VMEM((BPW,), jnp.int32),
            pltpu.VMEM((NBUF * CH, SUBL, D), jnp.float32),
            pltpu.VMEM((NBUF * CH, SUBL, D), jnp.float32),
            pltpu.VMEM((BPW,), jnp.float32),
            pltpu.VMEM((CH * L,), jnp.float32),
            pltpu.VMEM((5 * L,), jnp.float32),
            pltpu.SemaphoreType.DMA,
        ],
        compiler_params=pltpu.CompilerParams(needs_layout_passes=False),
    )
    return run(uids, iids, user_table, item_table, wb)


def kernel(user_ids, item_ids, user_table, item_table,
           user_bias_table, item_bias_table, W, b):
    del user_bias_table, item_bias_table
    uids = user_ids.astype(jnp.int32)
    iids = item_ids.astype(jnp.int32)
    wb = jnp.concatenate([W.astype(jnp.float32).reshape(D),
                          jnp.broadcast_to(b.astype(jnp.float32), (L,))])
    return _neural_cf(uids, iids, user_table, item_table, wb)

# --- scband reference (transcript-rebuilt; emitter-appended) ---
"""Pipeline reference for scband-neural-cf-61340722921507 (READ-ONLY COPY).

The authoritative reference and input builder live on the scoring server;
editing this copy changes nothing except your own understanding.
"""

import jax, jax.numpy as jnp
import numpy as np

NUM_USERS = 1000000
NUM_ITEMS = 1000000
EMBED_DIM = 64
BATCH = 16384

def setup_inputs(seed: int = 0) -> dict:
    key = jax.random.key(seed)
    k1, k2, k3, k4, k5, k6 = jax.random.split(key, 6)
    user_ids = jax.random.randint(k1, (BATCH,), 0, NUM_USERS, dtype=jnp.int64 if jax.config.jax_enable_x64 else jnp.int32)
    item_ids = jax.random.randint(k2, (BATCH,), 0, NUM_ITEMS, dtype=jnp.int64 if jax.config.jax_enable_x64 else jnp.int32)
    # ScaledEmbedding: normal init scaled by 1/embedding_dim
    user_table = jax.random.normal(k3, (NUM_USERS, EMBED_DIM), dtype=jnp.float32) / EMBED_DIM
    item_table = jax.random.normal(k4, (NUM_ITEMS, EMBED_DIM), dtype=jnp.float32) / EMBED_DIM
    # ZeroEmbedding: zero-initialized bias tables
    user_bias_table = jnp.zeros((NUM_USERS, 1), dtype=jnp.float32)
    item_bias_table = jnp.zeros((NUM_ITEMS, 1), dtype=jnp.float32)
    # nn.Linear(embedding_dim, 1)
    bound = 1.0 / np.sqrt(EMBED_DIM)
    W = jax.random.uniform(k5, (EMBED_DIM, 1), dtype=jnp.float32, minval=-bound, maxval=bound)
    b = jax.random.uniform(k6, (1,), dtype=jnp.float32, minval=-bound, maxval=bound)
    return {"user_ids": user_ids, "item_ids": item_ids,
            "user_table": user_table, "item_table": item_table,
            "user_bias_table": user_bias_table, "item_bias_table": item_bias_table,
            "W": W, "b": b}

def reference(user_ids, item_ids, user_table, item_table, user_bias_table, item_bias_table, W, b):
    user_embedding = jnp.take(user_table, user_ids, axis=0)            # [B, D]
    item_embedding = jnp.take(item_table, item_ids, axis=0)            # [B, D]
    user_bias = jnp.take(user_bias_table, user_ids, axis=0).squeeze(-1)  # [B]
    item_bias = jnp.take(item_bias_table, item_ids, axis=0).squeeze(-1)  # [B]
    pointwise = user_embedding * item_embedding                        # [B, D]
    linear = (pointwise @ W + b).squeeze(-1)                           # [B]
    return linear + user_bias + item_bias

if __name__ == "__main__":
    import jax
    _d = setup_inputs()
    print(jax.jit(kernel)(*tuple(_d.values())))

</pallas_src>

<mosaic_0001>
#map = affine_map<(d0, d1) -> (0)>
#map1 = affine_map<(d0, d1) -> (0, 0)>
module attributes {stable_mosaic.version = 14 : i64} {
  func.func @_nc_body(%arg0: i32, %arg1: i32, %arg2: memref<16384xi32, #tpu.memory_space<hbm>>, %arg3: memref<16384xi32, #tpu.memory_space<hbm>>, %arg4: memref<1000000x64xf32, #tpu.memory_space<hbm>>, %arg5: memref<1000000x64xf32, #tpu.memory_space<hbm>>, %arg6: memref<80xf32, #tpu.memory_space<hbm>>, %arg7: memref<16384xf32, #tpu.memory_space<hbm>>, %arg8: memref<512xi32, #tpu.memory_space<vmem>>, %arg9: memref<512xi32, #tpu.memory_space<vmem>>, %arg10: memref<32x8x64xf32, #tpu.memory_space<vmem>>, %arg11: memref<32x8x64xf32, #tpu.memory_space<vmem>>, %arg12: memref<512xf32, #tpu.memory_space<vmem>>, %arg13: memref<256xf32, #tpu.memory_space<vmem>>, %arg14: memref<80xf32, #tpu.memory_space<vmem>>, %arg15: memref<!tpu.dma_semaphore, #tpu.memory_space<semaphore_mem>>) attributes {dimension_semantics = [#tpu.dimension_semantics<core_parallel>, #tpu.dimension_semantics<subcore_parallel>], iteration_bounds = array<i64: 2, 16>, scalar_prefetch = 0 : i64, scratch_operands = 8 : i64, tpu.core_type = #tpu.core_type<sc_vector_subcore>, window_params = [{transform_indices = #map}, {transform_indices = #map}, {transform_indices = #map1}, {transform_indices = #map1}, {transform_indices = #map}, {transform_indices = #map}]} {
    %mul3A = arith.constant 2 : i32
    %mul3A_0 = arith.muli %arg1, %mul3A : i32
    %add3A = arith.addi %mul3A_0, %arg0 : i32
    %mul3A_1 = arith.constant 512 : i32
    %mul3A_2 = arith.muli %add3A, %mul3A_1 : i32
    "tpu.region"() ({
      %run_scoped3A = tpu.sem_alloc : memref<!tpu.dma_semaphore, #tpu.memory_space<semaphore_mem>>
      %dma_start3A_793 = tpu.memref_slice %arg2[%mul3A_2] : memref<16384xi32, #tpu.memory_space<hbm>> -> memref<512xi32, #tpu.memory_space<hbm>>
      %dma_start3A_794 = tpu.memref_slice %arg2[%mul3A_2] : memref<16384xi32, #tpu.memory_space<hbm>> -> memref<512xi32, #tpu.memory_space<hbm>>
      tpu.enqueue_dma source(%dma_start3A_794 : memref<512xi32, #tpu.memory_space<hbm>>) target(%arg8 : memref<512xi32, #tpu.memory_space<vmem>>) target_semaphore(%run_scoped3A : memref<!tpu.dma_semaphore, #tpu.memory_space<semaphore_mem>>)
      %dma_wait3A = tpu.memref_slice %arg2[%mul3A_2] : memref<16384xi32, #tpu.memory_space<hbm>> -> memref<512xi32, #tpu.memory_space<hbm>>
      %dma_wait3A_795 = tpu.memref_slice %arg2[%mul3A_2] : memref<16384xi32, #tpu.memory_space<hbm>> -> memref<512xi32, #tpu.memory_space<hbm>>
      tpu.wait_dma2 semaphore(%run_scoped3A : memref<!tpu.dma_semaphore, #tpu.memory_space<semaphore_mem>>) src(%dma_wait3A_795 : memref<512xi32, #tpu.memory_space<hbm>>) dst(%arg8 : memref<512xi32, #tpu.memory_space<vmem>>)
      tpu.yield
    }) : () -> ()
    "tpu.region"() ({
      %run_scoped3A = tpu.sem_alloc : memref<!tpu.dma_semaphore, #tpu.memory_space<semaphore_mem>>
      %dma_start3A_793 = tpu.memref_slice %arg3[%mul3A_2] : memref<16384xi32, #tpu.memory_space<hbm>> -> memref<512xi32, #tpu.memory_space<hbm>>
      %dma_start3A_794 = tpu.memref_slice %arg3[%mul3A_2] : memref<16384xi32, #tpu.memory_space<hbm>> -> memref<512xi32, #tpu.memory_space<hbm>>
      tpu.enqueue_dma source(%dma_start3A_794 : memref<512xi32, #tpu.memory_space<hbm>>) target(%arg9 : memref<512xi32, #tpu.memory_space<vmem>>) target_semaphore(%run_scoped3A : memref<!tpu.dma_semaphore, #tpu.memory_space<semaphore_mem>>)
      %dma_wait3A = tpu.memref_slice %arg3[%mul3A_2] : memref<16384xi32, #tpu.memory_space<hbm>> -> memref<512xi32, #tpu.memory_space<hbm>>
      %dma_wait3A_795 = tpu.memref_slice %arg3[%mul3A_2] : memref<16384xi32, #tpu.memory_space<hbm>> -> memref<512xi32, #tpu.memory_space<hbm>>
      tpu.wait_dma2 semaphore(%run_scoped3A : memref<!tpu.dma_semaphore, #tpu.memory_space<semaphore_mem>>) src(%dma_wait3A_795 : memref<512xi32, #tpu.memory_space<hbm>>) dst(%arg9 : memref<512xi32, #tpu.memory_space<vmem>>)
      tpu.yield
    }) : () -> ()
    "tpu.region"() ({
      %run_scoped3A = tpu.sem_alloc : memref<!tpu.dma_semaphore, #tpu.memory_space<semaphore_mem>>
      tpu.enqueue_dma source(%arg6 : memref<80xf32, #tpu.memory_space<hbm>>) target(%arg14 : memref<80xf32, #tpu.memory_space<vmem>>) target_semaphore(%run_scoped3A : memref<!tpu.dma_semaphore, #tpu.memory_space<semaphore_mem>>)
      tpu.wait_dma2 semaphore(%run_scoped3A : memref<!tpu.dma_semaphore, #tpu.memory_space<semaphore_mem>>) src(%arg6 : memref<80xf32, #tpu.memory_space<hbm>>) dst(%arg14 : memref<80xf32, #tpu.memory_space<vmem>>)
      tpu.yield
    }) : () -> ()
    %get3A = arith.constant 0 : index
    %get3A_3 = tpu.vector_load %arg14[%get3A] {strides = array<i32>} : memref<80xf32, #tpu.memory_space<vmem>>, vector<16xf32>,
    %get3A_4 = arith.constant 16 : index
    %get3A_5 = tpu.vector_load %arg14[%get3A_4] {strides = array<i32>} : memref<80xf32, #tpu.memory_space<vmem>>, vector<16xf32>,
    %get3A_6 = arith.constant 32 : index
    %get3A_7 = tpu.vector_load %arg14[%get3A_6] {strides = array<i32>} : memref<80xf32, #tpu.memory_space<vmem>>, vector<16xf32>,
    %get3A_8 = arith.constant 48 : index
    %get3A_9 = tpu.vector_load %arg14[%get3A_8] {strides = array<i32>} : memref<80xf32, #tpu.memory_space<vmem>>, vector<16xf32>,
    %get3A_10 = arith.constant 64 : index
    %get3A_11 = tpu.vector_load %arg14[%get3A_10] {strides = array<i32>} : memref<80xf32, #tpu.memory_space<vmem>>, vector<16xf32>,
    %iota3A = tpu.iota {dimensions = array<i32: 0>} : vector<16xi32>
    %rem3A = arith.constant 0 : i32
    %rem3A_12 = arith.constant 2 : i32
    %rem3A_13 = arith.remsi %rem3A, %rem3A_12 : i32
    %get3A_14 = arith.constant 0 : index
    %get3A_15 = tpu.vector_load %arg8[%get3A_14] {strides = array<i32>} : memref<512xi32, #tpu.memory_space<vmem>>, vector<16xi32>,
    %shift_right_arithmetic3A = arith.constant 3 : i32
    %shift_right_arithmetic3A_16 = vector.broadcast %shift_right_arithmetic3A : i32 to vector<16xi32>
    %shift_right_arithmetic3A_17 = arith.shrsi %get3A_15, %shift_right_arithmetic3A_16 : vector<16xi32>
    %get3A_18 = arith.constant 0 : index
    %get3A_19 = tpu.vector_load %arg9[%get3A_18] {strides = array<i32>} : memref<512xi32, #tpu.memory_space<vmem>>, vector<16xi32>,
    %shift_right_arithmetic3A_20 = arith.constant 3 : i32
    %shift_right_arithmetic3A_21 = vector.broadcast %shift_right_arithmetic3A_20 : i32 to vector<16xi32>
    %shift_right_arithmetic3A_22 = arith.shrsi %get3A_19, %shift_right_arithmetic3A_21 : vector<16xi32>
    %slice3A = vector.extract_strided_slice %shift_right_arithmetic3A_17 {offsets = [0], sizes = [1], strides = [1]} : vector<16xi32> to vector<1xi32>
    %squeeze3A = vector.extract %slice3A[0] : i32 from vector<1xi32>
    %mul3A_23 = arith.constant 16 : i32
    %mul3A_24 = arith.muli %rem3A_13, %mul3A_23 : i32
    %add3A_25 = arith.constant 0 : i32
    %add3A_26 = arith.addi %mul3A_24, %add3A_25 : i32
    %dma_start3A = arith.constant 0 : i32
    %dma_start3A_27 = arith.constant 0 : i32
    %dma_start3A_28 = tpu.memref_slice %arg10[%add3A_26, %dma_start3A, %dma_start3A_27] : memref<32x8x64xf32, #tpu.memory_space<vmem>> -> memref<1x8x64xf32, #tpu.memory_space<vmem>>
    %dma_start3A_29 = tpu.memref_squeeze %dma_start3A_28 : memref<1x8x64xf32, #tpu.memory_space<vmem>> -> memref<8x64xf32, #tpu.memory_space<vmem>>
    %dma_start3A_30 = tpu.memref_reshape %arg4 : memref<1000000x64xf32, #tpu.memory_space<hbm>> -> memref<125000x8x64xf32, #tpu.memory_space<hbm>>
    %dma_start3A_31 = arith.constant 0 : i32
    %dma_start3A_32 = arith.constant 0 : i32
    %dma_start3A_33 = tpu.memref_slice %dma_start3A_30[%squeeze3A, %dma_start3A_31, %dma_start3A_32] : memref<125000x8x64xf32, #tpu.memory_space<hbm>> -> memref<1x8x64xf32, #tpu.memory_space<hbm>>
    %dma_start3A_34 = tpu.memref_squeeze %dma_start3A_33 : memref<1x8x64xf32, #tpu.memory_space<hbm>> -> memref<8x64xf32, #tpu.memory_space<hbm>>
    %dma_start3A_35 = arith.constant 0 : i32
    %dma_start3A_36 = arith.constant 0 : i32
    %dma_start3A_37 = tpu.memref_slice %arg10[%add3A_26, %dma_start3A_35, %dma_start3A_36] : memref<32x8x64xf32, #tpu.memory_space<vmem>> -> memref<1x8x64xf32, #tpu.memory_space<vmem>>
    %dma_start3A_38 = tpu.memref_squeeze %dma_start3A_37 : memref<1x8x64xf32, #tpu.memory_space<vmem>> -> memref<8x64xf32, #tpu.memory_space<vmem>>
    %dma_start3A_39 = tpu.memref_reshape %arg4 : memref<1000000x64xf32, #tpu.memory_space<hbm>> -> memref<125000x8x64xf32, #tpu.memory_space<hbm>>
    %dma_start3A_40 = arith.constant 0 : i32
    %dma_start3A_41 = arith.constant 0 : i32
    %dma_start3A_42 = tpu.memref_slice %dma_start3A_39[%squeeze3A, %dma_start3A_40, %dma_start3A_41] : memref<125000x8x64xf32, #tpu.memory_space<hbm>> -> memref<1x8x64xf32, #tpu.memory_space<hbm>>
    %dma_start3A_43 = tpu.memref_squeeze %dma_start3A_42 : memref<1x8x64xf32, #tpu.memory_space<hbm>> -> memref<8x64xf32, #tpu.memory_space<hbm>>
    tpu.enqueue_dma source(%dma_start3A_43 : memref<8x64xf32, #tpu.memory_space<hbm>>) target(%dma_start3A_38 : memref<8x64xf32, #tpu.memory_space<vmem>>) target_semaphore(%arg15 : memref<!tpu.dma_semaphore, #tpu.memory_space<semaphore_mem>>)
    %slice3A_44 = vector.extract_strided_slice %shift_right_arithmetic3A_22 {offsets = [0], sizes = [1], strides = [1]} : vector<16xi32> to vector<1xi32>
    %squeeze3A_45 = vector.extract %slice3A_44[0] : i32 from vector<1xi32>
    %mul3A_46 = arith.constant 16 : i32
    %mul3A_47 = arith.muli %rem3A_13, %mul3A_46 : i32
    %add3A_48 = arith.constant 0 : i32
    %add3A_49 = arith.addi %mul3A_47, %add3A_48 : i32
    %dma_start3A_50 = arith.constant 0 : i32
    %dma_start3A_51 = arith.constant 0 : i32
    %dma_start3A_52 = tpu.memref_slice %arg11[%add3A_49, %dma_start3A_50, %dma_start3A_51] : memref<32x8x64xf32, #tpu.memory_space<vmem>> -> memref<1x8x64xf32, #tpu.memory_space<vmem>>
    %dma_start3A_53 = tpu.memref_squeeze %dma_start3A_52 : memref<1x8x64xf32, #tpu.memory_space<vmem>> -> memref<8x64xf32, #tpu.memory_space<vmem>>
    %dma_start3A_54 = tpu.memref_reshape %arg5 : memref<1000000x64xf32, #tpu.memory_space<hbm>> -> memref<125000x8x64xf32, #tpu.memory_space<hbm>>
    %dma_start3A_55 = arith.constant 0 : i32
    %dma_start3A_56 = arith.constant 0 : i32
    %dma_start3A_57 = tpu.memref_slice %dma_start3A_54[%squeeze3A_45, %dma_start3A_55, %dma_start3A_56] : memref<125000x8x64xf32, #tpu.memory_space<hbm>> -> memref<1x8x64xf32, #tpu.memory_space<hbm>>
    %dma_start3A_58 = tpu.memref_squeeze %dma_start3A_57 : memref<1x8x64xf32, #tpu.memory_space<hbm>> -> memref<8x64xf32, #tpu.memory_space<hbm>>
    %dma_start3A_59 = arith.constant 0 : i32
    %dma_start3A_60 = arith.constant 0 : i32
    %dma_start3A_61 = tpu.memref_slice %arg11[%add3A_49, %dma_start3A_59, %dma_start3A_60] : memref<32x8x64xf32, #tpu.memory_space<vmem>> -> memref<1x8x64xf32, #tpu.memory_space<vmem>>
    %dma_start3A_62 = tpu.memref_squeeze %dma_start3A_61 : memref<1x8x64xf32, #tpu.memory_space<vmem>> -> memref<8x64xf32, #tpu.memory_space<vmem>>
    %dma_start3A_63 = tpu.memref_reshape %arg5 : memref<1000000x64xf32, #tpu.memory_space<hbm>> -> memref<125000x8x64xf32, #tpu.memory_space<hbm>>
    %dma_start3A_64 = arith.constant 0 : i32
    %dma_start3A_65 = arith.constant 0 : i32
    %dma_start3A_66 = tpu.memref_slice %dma_start3A_63[%squeeze3A_45, %dma_start3A_64, %dma_start3A_65] : memref<125000x8x64xf32, #tpu.memory_space<hbm>> -> memref<1x8x64xf32, #tpu.memory_space<hbm>>
    %dma_start3A_67 = tpu.memref_squeeze %dma_start3A_66 : memref<1x8x64xf32, #tpu.memory_space<hbm>> -> memref<8x64xf32, #tpu.memory_space<hbm>>
    tpu.enqueue_dma source(%dma_start3A_67 : memref<8x64xf32, #tpu.memory_space<hbm>>) target(%dma_start3A_62 : memref<8x64xf32, #tpu.memory_space<vmem>>) target_semaphore(%arg15 : memref<!tpu.dma_semaphore, #tpu.memory_space<semaphore_mem>>)
    %slice3A_68 = vector.extract_strided_slice %shift_right_arithmetic3A_17 {offsets = [1], sizes = [1], strides = [1]} : vector<16xi32> to vector<1xi32>
    %squeeze3A_69 = vector.extract %slice3A_68[0] : i32 from vector<1xi32>
    %mul3A_70 = arith.constant 16 : i32
    %mul3A_71 = arith.muli %rem3A_13, %mul3A_70 : i32
    %add3A_72 = arith.constant 1 : i32
    %add3A_73 = arith.addi %mul3A_71, %add3A_72 : i32
    %dma_start3A_74 = arith.constant 0 : i32
    %dma_start3A_75 = arith.constant 0 : i32
    %dma_start3A_76 = tpu.memref_slice %arg10[%add3A_73, %dma_start3A_74, %dma_start3A_75] : memref<32x8x64xf32, #tpu.memory_space<vmem>> -> memref<1x8x64xf32, #tpu.memory_space<vmem>>
    %dma_start3A_77 = tpu.memref_squeeze %dma_start3A_76 : memref<1x8x64xf32, #tpu.memory_space<vmem>> -> memref<8x64xf32, #tpu.memory_space<vmem>>
    %dma_start3A_78 = tpu.memref_reshape %arg4 : memref<1000000x64xf32, #tpu.memory_space<hbm>> -> memref<125000x8x64xf32, #tpu.memory_space<hbm>>
    %dma_start3A_79 = arith.constant 0 : i32
    %dma_start3A_80 = arith.constant 0 : i32
    %dma_start3A_81 = tpu.memref_slice %dma_start3A_78[%squeeze3A_69, %dma_start3A_79, %dma_start3A_80] : memref<125000x8x64xf32, #tpu.memory_space<hbm>> -> memref<1x8x64xf32, #tpu.memory_space<hbm>>
    %dma_start3A_82 = tpu.memref_squeeze %dma_start3A_81 : memref<1x8x64xf32, #tpu.memory_space<hbm>> -> memref<8x64xf32, #tpu.memory_space<hbm>>
    %dma_start3A_83 = arith.constant 0 : i32
    %dma_start3A_84 = arith.constant 0 : i32
    %dma_start3A_85 = tpu.memref_slice %arg10[%add3A_73, %dma_start3A_83, %dma_start3A_84] : memref<32x8x64xf32, #tpu.memory_space<vmem>> -> memref<1x8x64xf32, #tpu.memory_space<vmem>>
    %dma_start3A_86 = tpu.memref_squeeze %dma_start3A_85 : memref<1x8x64xf32, #tpu.memory_space<vmem>> -> memref<8x64xf32, #tpu.memory_space<vmem>>
    %dma_start3A_87 = tpu.memref_reshape %arg4 : memref<1000000x64xf32, #tpu.memory_space<hbm>> -> memref<125000x8x64xf32, #tpu.memory_space<hbm>>
    %dma_start3A_88 = arith.constant 0 : i32
    %dma_start3A_89 = arith.constant 0 : i32
    %dma_start3A_90 = tpu.memref_slice %dma_start3A_87[%squeeze3A_69, %dma_start3A_88, %dma_start3A_89] : memref<125000x8x64xf32, #tpu.memory_space<hbm>> -> memref<1x8x64xf32, #tpu.memory_space<hbm>>
    %dma_start3A_91 = tpu.memref_squeeze %dma_start3A_90 : memref<1x8x64xf32, #tpu.memory_space<hbm>> -> memref<8x64xf32, #tpu.memory_space<hbm>>
    tpu.enqueue_dma source(%dma_start3A_91 : memref<8x64xf32, #tpu.memory_space<hbm>>) target(%dma_start3A_86 : memref<8x64xf32, #tpu.memory_space<vmem>>) target_semaphore(%arg15 : memref<!tpu.dma_semaphore, #tpu.memory_space<semaphore_mem>>)
    %slice3A_92 = vector.extract_strided_slice %shift_right_arithmetic3A_22 {offsets = [1], sizes = [1], strides = [1]} : vector<16xi32> to vector<1xi32>
    %squeeze3A_93 = vector.extract %slice3A_92[0] : i32 from vector<1xi32>
    %mul3A_94 = arith.constant 16 : i32
    %mul3A_95 = arith.muli %rem3A_13, %mul3A_94 : i32
    %add3A_96 = arith.constant 1 : i32
    %add3A_97 = arith.addi %mul3A_95, %add3A_96 : i32
    %dma_start3A_98 = arith.constant 0 : i32
    %dma_start3A_99 = arith.constant 0 : i32
    %dma_start3A_100 = tpu.memref_slice %arg11[%add3A_97, %dma_start3A_98, %dma_start3A_99] : memref<32x8x64xf32, #tpu.memory_space<vmem>> -> memref<1x8x64xf32, #tpu.memory_space<vmem>>
    %dma_start3A_101 = tpu.memref_squeeze %dma_start3A_100 : memref<1x8x64xf32, #tpu.memory_space<vmem>> -> memref<8x64xf32, #tpu.memory_space<vmem>>
    %dma_start3A_102 = tpu.memref_reshape %arg5 : memref<1000000x64xf32, #tpu.memory_space<hbm>> -> memref<125000x8x64xf32, #tpu.memory_space<hbm>>
    %dma_start3A_103 = arith.constant 0 : i32
    %dma_start3A_104 = arith.constant 0 : i32
    %dma_start3A_105 = tpu.memref_slice %dma_start3A_102[%squeeze3A_93, %dma_start3A_103, %dma_start3A_104] : memref<125000x8x64xf32, #tpu.memory_space<hbm>> -> memref<1x8x64xf32, #tpu.memory_space<hbm>>
    %dma_start3A_106 = tpu.memref_squeeze %dma_start3A_105 : memref<1x8x64xf32, #tpu.memory_space<hbm>> -> memref<8x64xf32, #tpu.memory_space<hbm>>
    %dma_start3A_107 = arith.constant 0 : i32
    %dma_start3A_108 = arith.constant 0 : i32
    %dma_start3A_109 = tpu.memref_slice %arg11[%add3A_97, %dma_start3A_107, %dma_start3A_108] : memref<32x8x64xf32, #tpu.memory_space<vmem>> -> memref<1x8x64xf32, #tpu.memory_space<vmem>>
    %dma_start3A_110 = tpu.memref_squeeze %dma_start3A_109 : memref<1x8x64xf32, #tpu.memory_space<vmem>> -> memref<8x64xf32, #tpu.memory_space<vmem>>
    %dma_start3A_111 = tpu.memref_reshape %arg5 : memref<1000000x64xf32, #tpu.memory_space<hbm>> -> memref<125000x8x64xf32, #tpu.memory_space<hbm>>
    %dma_start3A_112 = arith.constant 0 : i32
    %dma_start3A_113 = arith.constant 0 : i32
    %dma_start3A_114 = tpu.memref_slice %dma_start3A_111[%squeeze3A_93, %dma_start3A_112, %dma_start3A_113] : memref<125000x8x64xf32, #tpu.memory_space<hbm>> -> memref<1x8x64xf32, #tpu.memory_space<hbm>>
    %dma_start3A_115 = tpu.memref_squeeze %dma_start3A_114 : memref<1x8x64xf32, #tpu.memory_space<hbm>> -> memref<8x64xf32, #tpu.memory_space<hbm>>
    tpu.enqueue_dma source(%dma_start3A_115 : memref<8x64xf32, #tpu.memory_space<hbm>>) target(%dma_start3A_110 : memref<8x64xf32, #tpu.memory_space<vmem>>) target_semaphore(%arg15 : memref<!tpu.dma_semaphore, #tpu.memory_space<semaphore_mem>>)
    %slice3A_116 = vector.extract_strided_slice %shift_right_arithmetic3A_17 {offsets = [2], sizes = [1], strides = [1]} : vector<16xi32> to vector<1xi32>
    %squeeze3A_117 = vector.extract %slice3A_116[0] : i32 from vector<1xi32>
    %mul3A_118 = arith.constant 16 : i32
    %mul3A_119 = arith.muli %rem3A_13, %mul3A_118 : i32
    %add3A_120 = arith.constant 2 : i32
    %add3A_121 = arith.addi %mul3A_119, %add3A_120 : i32
    %dma_start3A_122 = arith.constant 0 : i32
    %dma_start3A_123 = arith.constant 0 : i32
    %dma_start3A_124 = tpu.memref_slice %arg10[%add3A_121, %dma_start3A_122, %dma_start3A_123] : memref<32x8x64xf32, #tpu.memory_space<vmem>> -> memref<1x8x64xf32, #tpu.memory_space<vmem>>
    %dma_start3A_125 = tpu.memref_squeeze %dma_start3A_124 : memref<1x8x64xf32, #tpu.memory_space<vmem>> -> memref<8x64xf32, #tpu.memory_space<vmem>>
    %dma_start3A_126 = tpu.memref_reshape %arg4 : memref<1000000x64xf32, #tpu.memory_space<hbm>> -> memref<125000x8x64xf32, #tpu.memory_space<hbm>>
    %dma_start3A_127 = arith.constant 0 : i32
    %dma_start3A_128 = arith.constant 0 : i32
    %dma_start3A_129 = tpu.memref_slice %dma_start3A_126[%squeeze3A_117, %dma_start3A_127, %dma_start3A_128] : memref<125000x8x64xf32, #tpu.memory_space<hbm>> -> memref<1x8x64xf32, #tpu.memory_space<hbm>>
    %dma_start3A_130 = tpu.memref_squeeze %dma_start3A_129 : memref<1x8x64xf32, #tpu.memory_space<hbm>> -> memref<8x64xf32, #tpu.memory_space<hbm>>
    %dma_start3A_131 = arith.constant 0 : i32
    %dma_start3A_132 = arith.constant 0 : i32
    %dma_start3A_133 = tpu.memref_slice %arg10[%add3A_121, %dma_start3A_131, %dma_start3A_132] : memref<32x8x64xf32, #tpu.memory_space<vmem>> -> memref<1x8x64xf32, #tpu.memory_space<vmem>>
    %dma_start3A_134 = tpu.memref_squeeze %dma_start3A_133 : memref<1x8x64xf32, #tpu.memory_space<vmem>> -> memref<8x64xf32, #tpu.memory_space<vmem>>
    %dma_start3A_135 = tpu.memref_reshape %arg4 : memref<1000000x64xf32, #tpu.memory_space<hbm>> -> memref<125000x8x64xf32, #tpu.memory_space<hbm>>
    %dma_start3A_136 = arith.constant 0 : i32
    %dma_start3A_137 = arith.constant 0 : i32
    %dma_start3A_138 = tpu.memref_slice %dma_start3A_135[%squeeze3A_117, %dma_start3A_136, %dma_start3A_137] : memref<125000x8x64xf32, #tpu.memory_space<hbm>> -> memref<1x8x64xf32, #tpu.memory_space<hbm>>
    %dma_start3A_139 = tpu.memref_squeeze %dma_start3A_138 : memref<1x8x64xf32, #tpu.memory_space<hbm>> -> memref<8x64xf32, #tpu.memory_space<hbm>>
    tpu.enqueue_dma source(%dma_start3A_139 : memref<8x64xf32, #tpu.memory_space<hbm>>) target(%dma_start3A_134 : memref<8x64xf32, #tpu.memory_space<vmem>>) target_semaphore(%arg15 : memref<!tpu.dma_semaphore, #tpu.memory_space<semaphore_mem>>)
    %slice3A_140 = vector.extract_strided_slice %shift_right_arithmetic3A_22 {offsets = [2], sizes = [1], strides = [1]} : vector<16xi32> to vector<1xi32>
    %squeeze3A_141 = vector.extract %slice3A_140[0] : i32 from vector<1xi32>
    %mul3A_142 = arith.constant 16 : i32
    %mul3A_143 = arith.muli %rem3A_13, %mul3A_142 : i32
    %add3A_144 = arith.constant 2 : i32
    %add3A_145 = arith.addi %mul3A_143, %add3A_144 : i32
    %dma_start3A_146 = arith.constant 0 : i32
    %dma_start3A_147 = arith.constant 0 : i32
    %dma_start3A_148 = tpu.memref_slice %arg11[%add3A_145, %dma_start3A_146, %dma_start3A_147] : memref<32x8x64xf32, #tpu.memory_space<vmem>> -> memref<1x8x64xf32, #tpu.memory_space<vmem>>
    %dma_start3A_149 = tpu.memref_squeeze %dma_start3A_148 : memref<1x8x64xf32, #tpu.memory_space<vmem>> -> memref<8x64xf32, #tpu.memory_space<vmem>>
    %dma_start3A_150 = tpu.memref_reshape %arg5 : memref<1000000x64xf32, #tpu.memory_space<hbm>> -> memref<125000x8x64xf32, #tpu.memory_space<hbm>>
    %dma_start3A_151 = arith.constant 0 : i32
    %dma_start3A_152 = arith.constant 0 : i32
    %dma_start3A_153 = tpu.memref_slice %dma_start3A_150[%squeeze3A_141, %dma_start3A_151, %dma_start3A_152] : memref<125000x8x64xf32, #tpu.memory_space<hbm>> -> memref<1x8x64xf32, #tpu.memory_space<hbm>>
    %dma_start3A_154 = tpu.memref_squeeze %dma_start3A_153 : memref<1x8x64xf32, #tpu.memory_space<hbm>> -> memref<8x64xf32, #tpu.memory_space<hbm>>
    %dma_start3A_155 = arith.constant 0 : i32
    %dma_start3A_156 = arith.constant 0 : i32
    %dma_start3A_157 = tpu.memref_slice %arg11[%add3A_145, %dma_start3A_155, %dma_start3A_156] : memref<32x8x64xf32, #tpu.memory_space<vmem>> -> memref<1x8x64xf32, #tpu.memory_space<vmem>>
    %dma_start3A_158 = tpu.memref_squeeze %dma_start3A_157 : memref<1x8x64xf32, #tpu.memory_space<vmem>> -> memref<8x64xf32, #tpu.memory_space<vmem>>
    %dma_start3A_159 = tpu.memref_reshape %arg5 : memref<1000000x64xf32, #tpu.memory_space<hbm>> -> memref<125000x8x64xf32, #tpu.memory_space<hbm>>
    %dma_start3A_160 = arith.constant 0 : i32
    %dma_start3A_161 = arith.constant 0 : i32
    %dma_start3A_162 = tpu.memref_slice %dma_start3A_159[%squeeze3A_141, %dma_start3A_160, %dma_start3A_161] : memref<125000x8x64xf32, #tpu.memory_space<hbm>> -> memref<1x8x64xf32, #tpu.memory_space<hbm>>
    %dma_start3A_163 = tpu.memref_squeeze %dma_start3A_162 : memref<1x8x64xf32, #tpu.memory_space<hbm>> -> memref<8x64xf32, #tpu.memory_space<hbm>>
    tpu.enqueue_dma source(%dma_start3A_163 : memref<8x64xf32, #tpu.memory_space<hbm>>) target(%dma_start3A_158 : memref<8x64xf32, #tpu.memory_space<vmem>>) target_semaphore(%arg15 : memref<!tpu.dma_semaphore, #tpu.memory_space<semaphore_mem>>)
    %slice3A_164 = vector.extract_strided_slice %shift_right_arithmetic3A_17 {offsets = [3], sizes = [1], strides = [1]} : vector<16xi32> to vector<1xi32>
    %squeeze3A_165 = vector.extract %slice3A_164[0] : i32 from vector<1xi32>
    %mul3A_166 = arith.constant 16 : i32
    %mul3A_167 = arith.muli %rem3A_13, %mul3A_166 : i32
    %add3A_168 = arith.constant 3 : i32
    %add3A_169 = arith.addi %mul3A_167, %add3A_168 : i32
    %dma_start3A_170 = arith.constant 0 : i32
    %dma_start3A_171 = arith.constant 0 : i32
    %dma_start3A_172 = tpu.memref_slice %arg10[%add3A_169, %dma_start3A_170, %dma_start3A_171] : memref<32x8x64xf32, #tpu.memory_space<vmem>> -> memref<1x8x64xf32, #tpu.memory_space<vmem>>
    %dma_start3A_173 = tpu.memref_squeeze %dma_start3A_172 : memref<1x8x64xf32, #tpu.memory_space<vmem>> -> memref<8x64xf32, #tpu.memory_space<vmem>>
    %dma_start3A_174 = tpu.memref_reshape %arg4 : memref<1000000x64xf32, #tpu.memory_space<hbm>> -> memref<125000x8x64xf32, #tpu.memory_space<hbm>>
    %dma_start3A_175 = arith.constant 0 : i32
    %dma_start3A_176 = arith.constant 0 : i32
    %dma_start3A_177 = tpu.memref_slice %dma_start3A_174[%squeeze3A_165, %dma_start3A_175, %dma_start3A_176] : memref<125000x8x64xf32, #tpu.memory_space<hbm>> -> memref<1x8x64xf32, #tpu.memory_space<hbm>>
    %dma_start3A_178 = tpu.memref_squeeze %dma_start3A_177 : memref<1x8x64xf32, #tpu.memory_space<hbm>> -> memref<8x64xf32, #tpu.memory_space<hbm>>
    %dma_start3A_179 = arith.constant 0 : i32
    %dma_start3A_180 = arith.constant 0 : i32
    %dma_start3A_181 = tpu.memref_slice %arg10[%add3A_169, %dma_start3A_179, %dma_start3A_180] : memref<32x8x64xf32, #tpu.memory_space<vmem>> -> memref<1x8x64xf32, #tpu.memory_space<vmem>>
    %dma_start3A_182 = tpu.memref_squeeze %dma_start3A_181 : memref<1x8x64xf32, #tpu.memory_space<vmem>> -> memref<8x64xf32, #tpu.memory_space<vmem>>
    %dma_start3A_183 = tpu.memref_reshape %arg4 : memref<1000000x64xf32, #tpu.memory_space<hbm>> -> memref<125000x8x64xf32, #tpu.memory_space<hbm>>
    %dma_start3A_184 = arith.constant 0 : i32
    %dma_start3A_185 = arith.constant 0 : i32
    %dma_start3A_186 = tpu.memref_slice %dma_start3A_183[%squeeze3A_165, %dma_start3A_184, %dma_start3A_185] : memref<125000x8x64xf32, #tpu.memory_space<hbm>> -> memref<1x8x64xf32, #tpu.memory_space<hbm>>
    %dma_start3A_187 = tpu.memref_squeeze %dma_start3A_186 : memref<1x8x64xf32, #tpu.memory_space<hbm>> -> memref<8x64xf32, #tpu.memory_space<hbm>>
    tpu.enqueue_dma source(%dma_start3A_187 : memref<8x64xf32, #tpu.memory_space<hbm>>) target(%dma_start3A_182 : memref<8x64xf32, #tpu.memory_space<vmem>>) target_semaphore(%arg15 : memref<!tpu.dma_semaphore, #tpu.memory_space<semaphore_mem>>)
    %slice3A_188 = vector.extract_strided_slice %shift_right_arithmetic3A_22 {offsets = [3], sizes = [1], strides = [1]} : vector<16xi32> to vector<1xi32>
    %squeeze3A_189 = vector.extract %slice3A_188[0] : i32 from vector<1xi32>
    %mul3A_190 = arith.constant 16 : i32
    %mul3A_191 = arith.muli %rem3A_13, %mul3A_190 : i32
    %add3A_192 = arith.constant 3 : i32
    %add3A_193 = arith.addi %mul3A_191, %add3A_192 : i32
    %dma_start3A_194 = arith.constant 0 : i32
    %dma_start3A_195 = arith.constant 0 : i32
    %dma_start3A_196 = tpu.memref_slice %arg11[%add3A_193, %dma_start3A_194, %dma_start3A_195] : memref<32x8x64xf32, #tpu.memory_space<vmem>> -> memref<1x8x64xf32, #tpu.memory_space<vmem>>
    %dma_start3A_197 = tpu.memref_squeeze %dma_start3A_196 : memref<1x8x64xf32, #tpu.memory_space<vmem>> -> memref<8x64xf32, #tpu.memory_space<vmem>>
    %dma_start3A_198 = tpu.memref_reshape %arg5 : memref<1000000x64xf32, #tpu.memory_space<hbm>> -> memref<125000x8x64xf32, #tpu.memory_space<hbm>>
    %dma_start3A_199 = arith.constant 0 : i32
    %dma_start3A_200 = arith.constant 0 : i32
    %dma_start3A_201 = tpu.memref_slice %dma_start3A_198[%squeeze3A_189, %dma_start3A_199, %dma_start3A_200] : memref<125000x8x64xf32, #tpu.memory_space<hbm>> -> memref<1x8x64xf32, #tpu.memory_space<hbm>>
    %dma_start3A_202 = tpu.memref_squeeze %dma_start3A_201 : memref<1x8x64xf32, #tpu.memory_space<hbm>> -> memref<8x64xf32, #tpu.memory_space<hbm>>
    %dma_start3A_203 = arith.constant 0 : i32
    %dma_start3A_204 = arith.constant 0 : i32
    %dma_start3A_205 = tpu.memref_slice %arg11[%add3A_193, %dma_start3A_203, %dma_start3A_204] : memref<32x8x64xf32, #tpu.memory_space<vmem>> -> memref<1x8x64xf32, #tpu.memory_space<vmem>>
    %dma_start3A_206 = tpu.memref_squeeze %dma_start3A_205 : memref<1x8x64xf32, #tpu.memory_space<vmem>> -> memref<8x64xf32, #tpu.memory_space<vmem>>
    %dma_start3A_207 = tpu.memref_reshape %arg5 : memref<1000000x64xf32, #tpu.memory_space<hbm>> -> memref<125000x8x64xf32, #tpu.memory_space<hbm>>
    %dma_start3A_208 = arith.constant 0 : i32
    %dma_start3A_209 = arith.constant 0 : i32
    %dma_start3A_210 = tpu.memref_slice %dma_start3A_207[%squeeze3A_189, %dma_start3A_208, %dma_start3A_209] : memref<125000x8x64xf32, #tpu.memory_space<hbm>> -> memref<1x8x64xf32, #tpu.memory_space<hbm>>
    %dma_start3A_211 = tpu.memref_squeeze %dma_start3A_210 : memref<1x8x64xf32, #tpu.memory_space<hbm>> -> memref<8x64xf32, #tpu.memory_space<hbm>>
    tpu.enqueue_dma source(%dma_start3A_211 : memref<8x64xf32, #tpu.memory_space<hbm>>) target(%dma_start3A_206 : memref<8x64xf32, #tpu.memory_space<vmem>>) target_semaphore(%arg15 : memref<!tpu.dma_semaphore, #tpu.memory_space<semaphore_mem>>)
    %slice3A_212 = vector.extract_strided_slice %shift_right_arithmetic3A_17 {offsets = [4], sizes = [1], strides = [1]} : vector<16xi32> to vector<1xi32>
    %squeeze3A_213 = vector.extract %slice3A_212[0] : i32 from vector<1xi32>
    %mul3A_214 = arith.constant 16 : i32
    %mul3A_215 = arith.muli %rem3A_13, %mul3A_214 : i32
    %add3A_216 = arith.constant 4 : i32
    %add3A_217 = arith.addi %mul3A_215, %add3A_216 : i32
    %dma_start3A_218 = arith.constant 0 : i32
    %dma_start3A_219 = arith.constant 0 : i32
    %dma_start3A_220 = tpu.memref_slice %arg10[%add3A_217, %dma_start3A_218, %dma_start3A_219] : memref<32x8x64xf32, #tpu.memory_space<vmem>> -> memref<1x8x64xf32, #tpu.memory_space<vmem>>
    %dma_start3A_221 = tpu.memref_squeeze %dma_start3A_220 : memref<1x8x64xf32, #tpu.memory_space<vmem>> -> memref<8x64xf32, #tpu.memory_space<vmem>>
    %dma_start3A_222 = tpu.memref_reshape %arg4 : memref<1000000x64xf32, #tpu.memory_space<hbm>> -> memref<125000x8x64xf32, #tpu.memory_space<hbm>>
    %dma_start3A_223 = arith.constant 0 : i32
    %dma_start3A_224 = arith.constant 0 : i32
    %dma_start3A_225 = tpu.memref_slice %dma_start3A_222[%squeeze3A_213, %dma_start3A_223, %dma_start3A_224] : memref<125000x8x64xf32, #tpu.memory_space<hbm>> -> memref<1x8x64xf32, #tpu.memory_space<hbm>>
    %dma_start3A_226 = tpu.memref_squeeze %dma_start3A_225 : memref<1x8x64xf32, #tpu.memory_space<hbm>> -> memref<8x64xf32, #tpu.memory_space<hbm>>
    %dma_start3A_227 = arith.constant 0 : i32
    %dma_start3A_228 = arith.constant 0 : i32
    %dma_start3A_229 = tpu.memref_slice %arg10[%add3A_217, %dma_start3A_227, %dma_start3A_228] : memref<32x8x64xf32, #tpu.memory_space<vmem>> -> memref<1x8x64xf32, #tpu.memory_space<vmem>>
    %dma_start3A_230 = tpu.memref_squeeze %dma_start3A_229 : memref<1x8x64xf32, #tpu.memory_space<vmem>> -> memref<8x64xf32, #tpu.memory_space<vmem>>
    %dma_start3A_231 = tpu.memref_reshape %arg4 : memref<1000000x64xf32, #tpu.memory_space<hbm>> -> memref<125000x8x64xf32, #tpu.memory_space<hbm>>
    %dma_start3A_232 = arith.constant 0 : i32
    %dma_start3A_233 = arith.constant 0 : i32
    %dma_start3A_234 = tpu.memref_slice %dma_start3A_231[%squeeze3A_213, %dma_start3A_232, %dma_start3A_233] : memref<125000x8x64xf32, #tpu.memory_space<hbm>> -> memref<1x8x64xf32, #tpu.memory_space<hbm>>
    %dma_start3A_235 = tpu.memref_squeeze %dma_start3A_234 : memref<1x8x64xf32, #tpu.memory_space<hbm>> -> memref<8x64xf32, #tpu.memory_space<hbm>>
    tpu.enqueue_dma source(%dma_start3A_235 : memref<8x64xf32, #tpu.memory_space<hbm>>) target(%dma_start3A_230 : memref<8x64xf32, #tpu.memory_space<vmem>>) target_semaphore(%arg15 : memref<!tpu.dma_semaphore, #tpu.memory_space<semaphore_mem>>)
    %slice3A_236 = vector.extract_strided_slice %shift_right_arithmetic3A_22 {offsets = [4], sizes = [1], strides = [1]} : vector<16xi32> to vector<1xi32>
    %squeeze3A_237 = vector.extract %slice3A_236[0] : i32 from vector<1xi32>
    %mul3A_238 = arith.constant 16 : i32
    %mul3A_239 = arith.muli %rem3A_13, %mul3A_238 : i32
    %add3A_240 = arith.constant 4 : i32
    %add3A_241 = arith.addi %mul3A_239, %add3A_240 : i32
    %dma_start3A_242 = arith.constant 0 : i32
    %dma_start3A_243 = arith.constant 0 : i32
    %dma_start3A_244 = tpu.memref_slice %arg11[%add3A_241, %dma_start3A_242, %dma_start3A_243] : memref<32x8x64xf32, #tpu.memory_space<vmem>> -> memref<1x8x64xf32, #tpu.memory_space<vmem>>
    %dma_start3A_245 = tpu.memref_squeeze %dma_start3A_244 : memref<1x8x64xf32, #tpu.memory_space<vmem>> -> memref<8x64xf32, #tpu.memory_space<vmem>>
    %dma_start3A_246 = tpu.memref_reshape %arg5 : memref<1000000x64xf32, #tpu.memory_space<hbm>> -> memref<125000x8x64xf32, #tpu.memory_space<hbm>>
    %dma_start3A_247 = arith.constant 0 : i32
    %dma_start3A_248 = arith.constant 0 : i32
    %dma_start3A_249 = tpu.memref_slice %dma_start3A_246[%squeeze3A_237, %dma_start3A_247, %dma_start3A_248] : memref<125000x8x64xf32, #tpu.memory_space<hbm>> -> memref<1x8x64xf32, #tpu.memory_space<hbm>>
    %dma_start3A_250 = tpu.memref_squeeze %dma_start3A_249 : memref<1x8x64xf32, #tpu.memory_space<hbm>> -> memref<8x64xf32, #tpu.memory_space<hbm>>
    %dma_start3A_251 = arith.constant 0 : i32
    %dma_start3A_252 = arith.constant 0 : i32
    %dma_start3A_253 = tpu.memref_slice %arg11[%add3A_241, %dma_start3A_251, %dma_start3A_252] : memref<32x8x64xf32, #tpu.memory_space<vmem>> -> memref<1x8x64xf32, #tpu.memory_space<vmem>>
    %dma_start3A_254 = tpu.memref_squeeze %dma_start3A_253 : memref<1x8x64xf32, #tpu.memory_space<vmem>> -> memref<8x64xf32, #tpu.memory_space<vmem>>
    %dma_start3A_255 = tpu.memref_reshape %arg5 : memref<1000000x64xf32, #tpu.memory_space<hbm>> -> memref<125000x8x64xf32, #tpu.memory_space<hbm>>
    %dma_start3A_256 = arith.constant 0 : i32
    %dma_start3A_257 = arith.constant 0 : i32
    %dma_start3A_258 = tpu.memref_slice %dma_start3A_255[%squeeze3A_237, %dma_start3A_256, %dma_start3A_257] : memref<125000x8x64xf32, #tpu.memory_space<hbm>> -> memref<1x8x64xf32, #tpu.memory_space<hbm>>
    %dma_start3A_259 = tpu.memref_squeeze %dma_start3A_258 : memref<1x8x64xf32, #tpu.memory_space<hbm>> -> memref<8x64xf32, #tpu.memory_space<hbm>>
    tpu.enqueue_dma source(%dma_start3A_259 : memref<8x64xf32, #tpu.memory_space<hbm>>) target(%dma_start3A_254 : memref<8x64xf32, #tpu.memory_space<vmem>>) target_semaphore(%arg15 : memref<!tpu.dma_semaphore, #tpu.memory_space<semaphore_mem>>)
    %slice3A_260 = vector.extract_strided_slice %shift_right_arithmetic3A_17 {offsets = [5], sizes = [1], strides = [1]} : vector<16xi32> to vector<1xi32>
    %squeeze3A_261 = vector.extract %slice3A_260[0] : i32 from vector<1xi32>
    %mul3A_262 = arith.constant 16 : i32
    %mul3A_263 = arith.muli %rem3A_13, %mul3A_262 : i32
    %add3A_264 = arith.constant 5 : i32
    %add3A_265 = arith.addi %mul3A_263, %add3A_264 : i32
    %dma_start3A_266 = arith.constant 0 : i32
    %dma_start3A_267 = arith.constant 0 : i32
    %dma_start3A_268 = tpu.memref_slice %arg10[%add3A_265, %dma_start3A_266, %dma_start3A_267] : memref<32x8x64xf32, #tpu.memory_space<vmem>> -> memref<1x8x64xf32, #tpu.memory_space<vmem>>
    %dma_start3A_269 = tpu.memref_squeeze %dma_start3A_268 : memref<1x8x64xf32, #tpu.memory_space<vmem>> -> memref<8x64xf32, #tpu.memory_space<vmem>>
    %dma_start3A_270 = tpu.memref_reshape %arg4 : memref<1000000x64xf32, #tpu.memory_space<hbm>> -> memref<125000x8x64xf32, #tpu.memory_space<hbm>>
    %dma_start3A_271 = arith.constant 0 : i32
    %dma_start3A_272 = arith.constant 0 : i32
    %dma_start3A_273 = tpu.memref_slice %dma_start3A_270[%squeeze3A_261, %dma_start3A_271, %dma_start3A_272] : memref<125000x8x64xf32, #tpu.memory_space<hbm>> -> memref<1x8x64xf32, #tpu.memory_space<hbm>>
    %dma_start3A_274 = tpu.memref_squeeze %dma_start3A_273 : memref<1x8x64xf32, #tpu.memory_space<hbm>> -> memref<8x64xf32, #tpu.memory_space<hbm>>
    %dma_start3A_275 = arith.constant 0 : i32
    %dma_start3A_276 = arith.constant 0 : i32
    %dma_start3A_277 = tpu.memref_slice %arg10[%add3A_265, %dma_start3A_275, %dma_start3A_276] : memref<32x8x64xf32, #tpu.memory_space<vmem>> -> memref<1x8x64xf32, #tpu.memory_space<vmem>>
    %dma_start3A_278 = tpu.memref_squeeze %dma_start3A_277 : memref<1x8x64xf32, #tpu.memory_space<vmem>> -> memref<8x64xf32, #tpu.memory_space<vmem>>
    %dma_start3A_279 = tpu.memref_reshape %arg4 : memref<1000000x64xf32, #tpu.memory_space<hbm>> -> memref<125000x8x64xf32, #tpu.memory_space<hbm>>
    %dma_start3A_280 = arith.constant 0 : i32
    %dma_start3A_281 = arith.constant 0 : i32
    %dma_start3A_282 = tpu.memref_slice %dma_start3A_279[%squeeze3A_261, %dma_start3A_280, %dma_start3A_281] : memref<125000x8x64xf32, #tpu.memory_space<hbm>> -> memref<1x8x64xf32, #tpu.memory_space<hbm>>
    %dma_start3A_283 = tpu.memref_squeeze %dma_start3A_282 : memref<1x8x64xf32, #tpu.memory_space<hbm>> -> memref<8x64xf32, #tpu.memory_space<hbm>>
    tpu.enqueue_dma source(%dma_start3A_283 : memref<8x64xf32, #tpu.memory_space<hbm>>) target(%dma_start3A_278 : memref<8x64xf32, #tpu.memory_space<vmem>>) target_semaphore(%arg15 : memref<!tpu.dma_semaphore, #tpu.memory_space<semaphore_mem>>)
    %slice3A_284 = vector.extract_strided_slice %shift_right_arithmetic3A_22 {offsets = [5], sizes = [1], strides = [1]} : vector<16xi32> to vector<1xi32>
    %squeeze3A_285 = vector.extract %slice3A_284[0] : i32 from vector<1xi32>
    %mul3A_286 = arith.constant 16 : i32
    %mul3A_287 = arith.muli %rem3A_13, %mul3A_286 : i32
    %add3A_288 = arith.constant 5 : i32
    %add3A_289 = arith.addi %mul3A_287, %add3A_288 : i32
    %dma_start3A_290 = arith.constant 0 : i32
    %dma_start3A_291 = arith.constant 0 : i32
    %dma_start3A_292 = tpu.memref_slice %arg11[%add3A_289, %dma_start3A_290, %dma_start3A_291] : memref<32x8x64xf32, #tpu.memory_space<vmem>> -> memref<1x8x64xf32, #tpu.memory_space<vmem>>
    %dma_start3A_293 = tpu.memref_squeeze %dma_start3A_292 : memref<1x8x64xf32, #tpu.memory_space<vmem>> -> memref<8x64xf32, #tpu.memory_space<vmem>>
    %dma_start3A_294 = tpu.memref_reshape %arg5 : memref<1000000x64xf32, #tpu.memory_space<hbm>> -> memref<125000x8x64xf32, #tpu.memory_space<hbm>>
    %dma_start3A_295 = arith.constant 0 : i32
    %dma_start3A_296 = arith.constant 0 : i32
    %dma_start3A_297 = tpu.memref_slice %dma_start3A_294[%squeeze3A_285, %dma_start3A_295, %dma_start3A_296] : memref<125000x8x64xf32, #tpu.memory_space<hbm>> -> memref<1x8x64xf32, #tpu.memory_space<hbm>>
    %dma_start3A_298 = tpu.memref_squeeze %dma_start3A_297 : memref<1x8x64xf32, #tpu.memory_space<hbm>> -> memref<8x64xf32, #tpu.memory_space<hbm>>
    %dma_start3A_299 = arith.constant 0 : i32
    %dma_start3A_300 = arith.constant 0 : i32
    %dma_start3A_301 = tpu.memref_slice %arg11[%add3A_289, %dma_start3A_299, %dma_start3A_300] : memref<32x8x64xf32, #tpu.memory_space<vmem>> -> memref<1x8x64xf32, #tpu.memory_space<vmem>>
    %dma_start3A_302 = tpu.memref_squeeze %dma_start3A_301 : memref<1x8x64xf32, #tpu.memory_space<vmem>> -> memref<8x64xf32, #tpu.memory_space<vmem>>
    %dma_start3A_303 = tpu.memref_reshape %arg5 : memref<1000000x64xf32, #tpu.memory_space<hbm>> -> memref<125000x8x64xf32, #tpu.memory_space<hbm>>
    %dma_start3A_304 = arith.constant 0 : i32
    %dma_start3A_305 = arith.constant 0 : i32
    %dma_start3A_306 = tpu.memref_slice %dma_start3A_303[%squeeze3A_285, %dma_start3A_304, %dma_start3A_305] : memref<125000x8x64xf32, #tpu.memory_space<hbm>> -> memref<1x8x64xf32, #tpu.memory_space<hbm>>
    %dma_start3A_307 = tpu.memref_squeeze %dma_start3A_306 : memref<1x8x64xf32, #tpu.memory_space<hbm>> -> memref<8x64xf32, #tpu.memory_space<hbm>>
    tpu.enqueue_dma source(%dma_start3A_307 : memref<8x64xf32, #tpu.memory_space<hbm>>) target(%dma_start3A_302 : memref<8x64xf32, #tpu.memory_space<vmem>>) target_semaphore(%arg15 : memref<!tpu.dma_semaphore, #tpu.memory_space<semaphore_mem>>)
    %slice3A_308 = vector.extract_strided_slice %shift_right_arithmetic3A_17 {offsets = [6], sizes = [1], strides = [1]} : vector<16xi32> to vector<1xi32>
    %squeeze3A_309 = vector.extract %slice3A_308[0] : i32 from vector<1xi32>
    %mul3A_310 = arith.constant 16 : i32
    %mul3A_311 = arith.muli %rem3A_13, %mul3A_310 : i32
    %add3A_312 = arith.constant 6 : i32
    %add3A_313 = arith.addi %mul3A_311, %add3A_312 : i32
    %dma_start3A_314 = arith.constant 0 : i32
    %dma_start3A_315 = arith.constant 0 : i32
    %dma_start3A_316 = tpu.memref_slice %arg10[%add3A_313, %dma_start3A_314, %dma_start3A_315] : memref<32x8x64xf32, #tpu.memory_space<vmem>> -> memref<1x8x64xf32, #tpu.memory_space<vmem>>
    %dma_start3A_317 = tpu.memref_squeeze %dma_start3A_316 : memref<1x8x64xf32, #tpu.memory_space<vmem>> -> memref<8x64xf32, #tpu.memory_space<vmem>>
    %dma_start3A_318 = tpu.memref_reshape %arg4 : memref<1000000x64xf32, #tpu.memory_space<hbm>> -> memref<125000x8x64xf32, #tpu.memory_space<hbm>>
    %dma_start3A_319 = arith.constant 0 : i32
    %dma_start3A_320 = arith.constant 0 : i32
    %dma_start3A_321 = tpu.memref_slice %dma_start3A_318[%squeeze3A_309, %dma_start3A_319, %dma_start3A_320] : memref<125000x8x64xf32, #tpu.memory_space<hbm>> -> memref<1x8x64xf32, #tpu.memory_space<hbm>>
    %dma_start3A_322 = tpu.memref_squeeze %dma_start3A_321 : memref<1x8x64xf32, #tpu.memory_space<hbm>> -> memref<8x64xf32, #tpu.memory_space<hbm>>
    %dma_start3A_323 = arith.constant 0 : i32
    %dma_start3A_324 = arith.constant 0 : i32
    %dma_start3A_325 = tpu.memref_slice %arg10[%add3A_313, %dma_start3A_323, %dma_start3A_324] : memref<32x8x64xf32, #tpu.memory_space<vmem>> -> memref<1x8x64xf32, #tpu.memory_space<vmem>>
    %dma_start3A_326 = tpu.memref_squeeze %dma_start3A_325 : memref<1x8x64xf32, #tpu.memory_space<vmem>> -> memref<8x64xf32, #tpu.memory_space<vmem>>
    %dma_start3A_327 = tpu.memref_reshape %arg4 : memref<1000000x64xf32, #tpu.memory_space<hbm>> -> memref<125000x8x64xf32, #tpu.memory_space<hbm>>
    %dma_start3A_328 = arith.constant 0 : i32
    %dma_start3A_329 = arith.constant 0 : i32
    %dma_start3A_330 = tpu.memref_slice %dma_start3A_327[%squeeze3A_309, %dma_start3A_328, %dma_start3A_329] : memref<125000x8x64xf32, #tpu.memory_space<hbm>> -> memref<1x8x64xf32, #tpu.memory_space<hbm>>
    %dma_start3A_331 = tpu.memref_squeeze %dma_start3A_330 : memref<1x8x64xf32, #tpu.memory_space<hbm>> -> memref<8x64xf32, #tpu.memory_space<hbm>>
    tpu.enqueue_dma source(%dma_start3A_331 : memref<8x64xf32, #tpu.memory_space<hbm>>) target(%dma_start3A_326 : memref<8x64xf32, #tpu.memory_space<vmem>>) target_semaphore(%arg15 : memref<!tpu.dma_semaphore, #tpu.memory_space<semaphore_mem>>)
    %slice3A_332 = vector.extract_strided_slice %shift_right_arithmetic3A_22 {offsets = [6], sizes = [1], strides = [1]} : vector<16xi32> to vector<1xi32>
    %squeeze3A_333 = vector.extract %slice3A_332[0] : i32 from vector<1xi32>
    %mul3A_334 = arith.constant 16 : i32
    %mul3A_335 = arith.muli %rem3A_13, %mul3A_334 : i32
    %add3A_336 = arith.constant 6 : i32
    %add3A_337 = arith.addi %mul3A_335, %add3A_336 : i32
    %dma_start3A_338 = arith.constant 0 : i32
    %dma_start3A_339 = arith.constant 0 : i32
    %dma_start3A_340 = tpu.memref_slice %arg11[%add3A_337, %dma_start3A_338, %dma_start3A_339] : memref<32x8x64xf32, #tpu.memory_space<vmem>> -> memref<1x8x64xf32, #tpu.memory_space<vmem>>
    %dma_start3A_341 = tpu.memref_squeeze %dma_start3A_340 : memref<1x8x64xf32, #tpu.memory_space<vmem>> -> memref<8x64xf32, #tpu.memory_space<vmem>>
    %dma_start3A_342 = tpu.memref_reshape %arg5 : memref<1000000x64xf32, #tpu.memory_space<hbm>> -> memref<125000x8x64xf32, #tpu.memory_space<hbm>>
    %dma_start3A_343 = arith.constant 0 : i32
    %dma_start3A_344 = arith.constant 0 : i32
    %dma_start3A_345 = tpu.memref_slice %dma_start3A_342[%squeeze3A_333, %dma_start3A_343, %dma_start3A_344] : memref<125000x8x64xf32, #tpu.memory_space<hbm>> -> memref<1x8x64xf32, #tpu.memory_space<hbm>>
    %dma_start3A_346 = tpu.memref_squeeze %dma_start3A_345 : memref<1x8x64xf32, #tpu.memory_space<hbm>> -> memref<8x64xf32, #tpu.memory_space<hbm>>
    %dma_start3A_347 = arith.constant 0 : i32
    %dma_start3A_348 = arith.constant 0 : i32
    %dma_start3A_349 = tpu.memref_slice %arg11[%add3A_337, %dma_start3A_347, %dma_start3A_348] : memref<32x8x64xf32, #tpu.memory_space<vmem>> -> memref<1x8x64xf32, #tpu.memory_space<vmem>>
    %dma_start3A_350 = tpu.memref_squeeze %dma_start3A_349 : memref<1x8x64xf32, #tpu.memory_space<vmem>> -> memref<8x64xf32, #tpu.memory_space<vmem>>
    %dma_start3A_351 = tpu.memref_reshape %arg5 : memref<1000000x64xf32, #tpu.memory_space<hbm>> -> memref<125000x8x64xf32, #tpu.memory_space<hbm>>
    %dma_start3A_352 = arith.constant 0 : i32
    %dma_start3A_353 = arith.constant 0 : i32
    %dma_start3A_354 = tpu.memref_slice %dma_start3A_351[%squeeze3A_333, %dma_start3A_352, %dma_start3A_353] : memref<125000x8x64xf32, #tpu.memory_space<hbm>> -> memref<1x8x64xf32, #tpu.memory_space<hbm>>
    %dma_start3A_355 = tpu.memref_squeeze %dma_start3A_354 : memref<1x8x64xf32, #tpu.memory_space<hbm>> -> memref<8x64xf32, #tpu.memory_space<hbm>>
    tpu.enqueue_dma source(%dma_start3A_355 : memref<8x64xf32, #tpu.memory_space<hbm>>) target(%dma_start3A_350 : memref<8x64xf32, #tpu.memory_space<vmem>>) target_semaphore(%arg15 : memref<!tpu.dma_semaphore, #tpu.memory_space<semaphore_mem>>)
    %slice3A_356 = vector.extract_strided_slice %shift_right_arithmetic3A_17 {offsets = [7], sizes = [1], strides = [1]} : vector<16xi32> to vector<1xi32>
    %squeeze3A_357 = vector.extract %slice3A_356[0] : i32 from vector<1xi32>
    %mul3A_358 = arith.constant 16 : i32
    %mul3A_359 = arith.muli %rem3A_13, %mul3A_358 : i32
    %add3A_360 = arith.constant 7 : i32
    %add3A_361 = arith.addi %mul3A_359, %add3A_360 : i32
    %dma_start3A_362 = arith.constant 0 : i32
    %dma_start3A_363 = arith.constant 0 : i32
    %dma_start3A_364 = tpu.memref_slice %arg10[%add3A_361, %dma_start3A_362, %dma_start3A_363] : memref<32x8x64xf32, #tpu.memory_space<vmem>> -> memref<1x8x64xf32, #tpu.memory_space<vmem>>
    %dma_start3A_365 = tpu.memref_squeeze %dma_start3A_364 : memref<1x8x64xf32, #tpu.memory_space<vmem>> -> memref<8x64xf32, #tpu.memory_space<vmem>>
    %dma_start3A_366 = tpu.memref_reshape %arg4 : memref<1000000x64xf32, #tpu.memory_space<hbm>> -> memref<125000x8x64xf32, #tpu.memory_space<hbm>>
    %dma_start3A_367 = arith.constant 0 : i32
    %dma_start3A_368 = arith.constant 0 : i32
    %dma_start3A_369 = tpu.memref_slice %dma_start3A_366[%squeeze3A_357, %dma_start3A_367, %dma_start3A_368] : memref<125000x8x64xf32, #tpu.memory_space<hbm>> -> memref<1x8x64xf32, #tpu.memory_space<hbm>>
    %dma_start3A_370 = tpu.memref_squeeze %dma_start3A_369 : memref<1x8x64xf32, #tpu.memory_space<hbm>> -> memref<8x64xf32, #tpu.memory_space<hbm>>
    %dma_start3A_371 = arith.constant 0 : i32
    %dma_start3A_372 = arith.constant 0 : i32
    %dma_start3A_373 = tpu.memref_slice %arg10[%add3A_361, %dma_start3A_371, %dma_start3A_372] : memref<32x8x64xf32, #tpu.memory_space<vmem>> -> memref<1x8x64xf32, #tpu.memory_space<vmem>>
    %dma_start3A_374 = tpu.memref_squeeze %dma_start3A_373 : memref<1x8x64xf32, #tpu.memory_space<vmem>> -> memref<8x64xf32, #tpu.memory_space<vmem>>
    %dma_start3A_375 = tpu.memref_reshape %arg4 : memref<1000000x64xf32, #tpu.memory_space<hbm>> -> memref<125000x8x64xf32, #tpu.memory_space<hbm>>
    %dma_start3A_376 = arith.constant 0 : i32
    %dma_start3A_377 = arith.constant 0 : i32
    %dma_start3A_378 = tpu.memref_slice %dma_start3A_375[%squeeze3A_357, %dma_start3A_376, %dma_start3A_377] : memref<125000x8x64xf32, #tpu.memory_space<hbm>> -> memref<1x8x64xf32, #tpu.memory_space<hbm>>
    %dma_start3A_379 = tpu.memref_squeeze %dma_start3A_378 : memref<1x8x64xf32, #tpu.memory_space<hbm>> -> memref<8x64xf32, #tpu.memory_space<hbm>>
    tpu.enqueue_dma source(%dma_start3A_379 : memref<8x64xf32, #tpu.memory_space<hbm>>) target(%dma_start3A_374 : memref<8x64xf32, #tpu.memory_space<vmem>>) target_semaphore(%arg15 : memref<!tpu.dma_semaphore, #tpu.memory_space<semaphore_mem>>)
    %slice3A_380 = vector.extract_strided_slice %shift_right_arithmetic3A_22 {offsets = [7], sizes = [1], strides = [1]} : vector<16xi32> to vector<1xi32>
    %squeeze3A_381 = vector.extract %slice3A_380[0] : i32 from vector<1xi32>
    %mul3A_382 = arith.constant 16 : i32
    %mul3A_383 = arith.muli %rem3A_13, %mul3A_382 : i32
    %add3A_384 = arith.constant 7 : i32
    %add3A_385 = arith.addi %mul3A_383, %add3A_384 : i32
    %dma_start3A_386 = arith.constant 0 : i32
    %dma_start3A_387 = arith.constant 0 : i32
    %dma_start3A_388 = tpu.memref_slice %arg11[%add3A_385, %dma_start3A_386, %dma_start3A_387] : memref<32x8x64xf32, #tpu.memory_space<vmem>> -> memref<1x8x64xf32, #tpu.memory_space<vmem>>
    %dma_start3A_389 = tpu.memref_squeeze %dma_start3A_388 : memref<1x8x64xf32, #tpu.memory_space<vmem>> -> memref<8x64xf32, #tpu.memory_space<vmem>>
    %dma_start3A_390 = tpu.memref_reshape %arg5 : memref<1000000x64xf32, #tpu.memory_space<hbm>> -> memref<125000x8x64xf32, #tpu.memory_space<hbm>>
    %dma_start3A_391 = arith.constant 0 : i32
    %dma_start3A_392 = arith.constant 0 : i32
    %dma_start3A_393 = tpu.memref_slice %dma_start3A_390[%squeeze3A_381, %dma_start3A_391, %dma_start3A_392] : memref<125000x8x64xf32, #tpu.memory_space<hbm>> -> memref<1x8x64xf32, #tpu.memory_space<hbm>>
    %dma_start3A_394 = tpu.memref_squeeze %dma_start3A_393 : memref<1x8x64xf32, #tpu.memory_space<hbm>> -> memref<8x64xf32, #tpu.memory_space<hbm>>
    %dma_start3A_395 = arith.constant 0 : i32
    %dma_start3A_396 = arith.constant 0 : i32
    %dma_start3A_397 = tpu.memref_slice %arg11[%add3A_385, %dma_start3A_395, %dma_start3A_396] : memref<32x8x64xf32, #tpu.memory_space<vmem>> -> memref<1x8x64xf32, #tpu.memory_space<vmem>>
    %dma_start3A_398 = tpu.memref_squeeze %dma_start3A_397 : memref<1x8x64xf32, #tpu.memory_space<vmem>> -> memref<8x64xf32, #tpu.memory_space<vmem>>
    %dma_start3A_399 = tpu.memref_reshape %arg5 : memref<1000000x64xf32, #tpu.memory_space<hbm>> -> memref<125000x8x64xf32, #tpu.memory_space<hbm>>
    %dma_start3A_400 = arith.constant 0 : i32
    %dma_start3A_401 = arith.constant 0 : i32
    %dma_start3A_402 = tpu.memref_slice %dma_start3A_399[%squeeze3A_381, %dma_start3A_400, %dma_start3A_401] : memref<125000x8x64xf32, #tpu.memory_space<hbm>> -> memref<1x8x64xf32, #tpu.memory_space<hbm>>
    %dma_start3A_403 = tpu.memref_squeeze %dma_start3A_402 : memref<1x8x64xf32, #tpu.memory_space<hbm>> -> memref<8x64xf32, #tpu.memory_space<hbm>>
    tpu.enqueue_dma source(%dma_start3A_403 : memref<8x64xf32, #tpu.memory_space<hbm>>) target(%dma_start3A_398 : memref<8x64xf32, #tpu.memory_space<vmem>>) target_semaphore(%arg15 : memref<!tpu.dma_semaphore, #tpu.memory_space<semaphore_mem>>)
    %slice3A_404 = vector.extract_strided_slice %shift_right_arithmetic3A_17 {offsets = [8], sizes = [1], strides = [1]} : vector<16xi32> to vector<1xi32>
    %squeeze3A_405 = vector.extract %slice3A_404[0] : i32 from vector<1xi32>
    %mul3A_406 = arith.constant 16 : i32
    %mul3A_407 = arith.muli %rem3A_13, %mul3A_406 : i32
    %add3A_408 = arith.constant 8 : i32
    %add3A_409 = arith.addi %mul3A_407, %add3A_408 : i32
    %dma_start3A_410 = arith.constant 0 : i32
    %dma_start3A_411 = arith.constant 0 : i32
    %dma_start3A_412 = tpu.memref_slice %arg10[%add3A_409, %dma_start3A_410, %dma_start3A_411] : memref<32x8x64xf32, #tpu.memory_space<vmem>> -> memref<1x8x64xf32, #tpu.memory_space<vmem>>
    %dma_start3A_413 = tpu.memref_squeeze %dma_start3A_412 : memref<1x8x64xf32, #tpu.memory_space<vmem>> -> memref<8x64xf32, #tpu.memory_space<vmem>>
    %dma_start3A_414 = tpu.memref_reshape %arg4 : memref<1000000x64xf32, #tpu.memory_space<hbm>> -> memref<125000x8x64xf32, #tpu.memory_space<hbm>>
    %dma_start3A_415 = arith.constant 0 : i32
    %dma_start3A_416 = arith.constant 0 : i32
    %dma_start3A_417 = tpu.memref_slice %dma_start3A_414[%squeeze3A_405, %dma_start3A_415, %dma_start3A_416] : memref<125000x8x64xf32, #tpu.memory_space<hbm>> -> memref<1x8x64xf32, #tpu.memory_space<hbm>>
    %dma_start3A_418 = tpu.memref_squeeze %dma_start3A_417 : memref<1x8x64xf32, #tpu.memory_space<hbm>> -> memref<8x64xf32, #tpu.memory_space<hbm>>
    %dma_start3A_419 = arith.constant 0 : i32
    %dma_start3A_420 = arith.constant 0 : i32
    %dma_start3A_421 = tpu.memref_slice %arg10[%add3A_409, %dma_start3A_419, %dma_start3A_420] : memref<32x8x64xf32, #tpu.memory_space<vmem>> -> memref<1x8x64xf32, #tpu.memory_space<vmem>>
    %dma_start3A_422 = tpu.memref_squeeze %dma_start3A_421 : memref<1x8x64xf32, #tpu.memory_space<vmem>> -> memref<8x64xf32, #tpu.memory_space<vmem>>
    %dma_start3A_423 = tpu.memref_reshape %arg4 : memref<1000000x64xf32, #tpu.memory_space<hbm>> -> memref<125000x8x64xf32, #tpu.memory_space<hbm>>
    %dma_start3A_424 = arith.constant 0 : i32
    %dma_start3A_425 = arith.constant 0 : i32
    %dma_start3A_426 = tpu.memref_slice %dma_start3A_423[%squeeze3A_405, %dma_start3A_424, %dma_start3A_425] : memref<125000x8x64xf32, #tpu.memory_space<hbm>> -> memref<1x8x64xf32, #tpu.memory_space<hbm>>
    %dma_start3A_427 = tpu.memref_squeeze %dma_start3A_426 : memref<1x8x64xf32, #tpu.memory_space<hbm>> -> memref<8x64xf32, #tpu.memory_space<hbm>>
    tpu.enqueue_dma source(%dma_start3A_427 : memref<8x64xf32, #tpu.memory_space<hbm>>) target(%dma_start3A_422 : memref<8x64xf32, #tpu.memory_space<vmem>>) target_semaphore(%arg15 : memref<!tpu.dma_semaphore, #tpu.memory_space<semaphore_mem>>)
    %slice3A_428 = vector.extract_strided_slice %shift_right_arithmetic3A_22 {offsets = [8], sizes = [1], strides = [1]} : vector<16xi32> to vector<1xi32>
    %squeeze3A_429 = vector.extract %slice3A_428[0] : i32 from vector<1xi32>
    %mul3A_430 = arith.constant 16 : i32
    %mul3A_431 = arith.muli %rem3A_13, %mul3A_430 : i32
    %add3A_432 = arith.constant 8 : i32
    %add3A_433 = arith.addi %mul3A_431, %add3A_432 : i32
    %dma_start3A_434 = arith.constant 0 : i32
    %dma_start3A_435 = arith.constant 0 : i32
    %dma_start3A_436 = tpu.memref_slice %arg11[%add3A_433, %dma_start3A_434, %dma_start3A_435] : memref<32x8x64xf32, #tpu.memory_space<vmem>> -> memref<1x8x64xf32, #tpu.memory_space<vmem>>
    %dma_start3A_437 = tpu.memref_squeeze %dma_start3A_436 : memref<1x8x64xf32, #tpu.memory_space<vmem>> -> memref<8x64xf32, #tpu.memory_space<vmem>>
    %dma_start3A_438 = tpu.memref_reshape %arg5 : memref<1000000x64xf32, #tpu.memory_space<hbm>> -> memref<125000x8x64xf32, #tpu.memory_space<hbm>>
    %dma_start3A_439 = arith.constant 0 : i32
    %dma_start3A_440 = arith.constant 0 : i32
    %dma_start3A_441 = tpu.memref_slice %dma_start3A_438[%squeeze3A_429, %dma_start3A_439, %dma_start3A_440] : memref<125000x8x64xf32, #tpu.memory_space<hbm>> -> memref<1x8x64xf32, #tpu.memory_space<hbm>>
    %dma_start3A_442 = tpu.memref_squeeze %dma_start3A_441 : memref<1x8x64xf32, #tpu.memory_space<hbm>> -> memref<8x64xf32, #tpu.memory_space<hbm>>
    %dma_start3A_443 = arith.constant 0 : i32
    %dma_start3A_444 = arith.constant 0 : i32
    %dma_start3A_445 = tpu.memref_slice %arg11[%add3A_433, %dma_start3A_443, %dma_start3A_444] : memref<32x8x64xf32, #tpu.memory_space<vmem>> -> memref<1x8x64xf32, #tpu.memory_space<vmem>>
    %dma_start3A_446 = tpu.memref_squeeze %dma_start3A_445 : memref<1x8x64xf32, #tpu.memory_space<vmem>> -> memref<8x64xf32, #tpu.memory_space<vmem>>
    %dma_start3A_447 = tpu.memref_reshape %arg5 : memref<1000000x64xf32, #tpu.memory_space<hbm>> -> memref<125000x8x64xf32, #tpu.memory_space<hbm>>
    %dma_start3A_448 = arith.constant 0 : i32
    %dma_start3A_449 = arith.constant 0 : i32
    %dma_start3A_450 = tpu.memref_slice %dma_start3A_447[%squeeze3A_429, %dma_start3A_448, %dma_start3A_449] : memref<125000x8x64xf32, #tpu.memory_space<hbm>> -> memref<1x8x64xf32, #tpu.memory_space<hbm>>
    %dma_start3A_451 = tpu.memref_squeeze %dma_start3A_450 : memref<1x8x64xf32, #tpu.memory_space<hbm>> -> memref<8x64xf32, #tpu.memory_space<hbm>>
    tpu.enqueue_dma source(%dma_start3A_451 : memref<8x64xf32, #tpu.memory_space<hbm>>) target(%dma_start3A_446 : memref<8x64xf32, #tpu.memory_space<vmem>>) target_semaphore(%arg15 : memref<!tpu.dma_semaphore, #tpu.memory_space<semaphore_mem>>)
    %slice3A_452 = vector.extract_strided_slice %shift_right_arithmetic3A_17 {offsets = [9], sizes = [1], strides = [1]} : vector<16xi32> to vector<1xi32>
    %squeeze3A_453 = vector.extract %slice3A_452[0] : i32 from vector<1xi32>
    %mul3A_454 = arith.constant 16 : i32
    %mul3A_455 = arith.muli %rem3A_13, %mul3A_454 : i32
    %add3A_456 = arith.constant 9 : i32
    %add3A_457 = arith.addi %mul3A_455, %add3A_456 : i32
    %dma_start3A_458 = arith.constant 0 : i32
    %dma_start3A_459 = arith.constant 0 : i32
    %dma_start3A_460 = tpu.memref_slice %arg10[%add3A_457, %dma_start3A_458, %dma_start3A_459] : memref<32x8x64xf32, #tpu.memory_space<vmem>> -> memref<1x8x64xf32, #tpu.memory_space<vmem>>
    %dma_start3A_461 = tpu.memref_squeeze %dma_start3A_460 : memref<1x8x64xf32, #tpu.memory_space<vmem>> -> memref<8x64xf32, #tpu.memory_space<vmem>>
    %dma_start3A_462 = tpu.memref_reshape %arg4 : memref<1000000x64xf32, #tpu.memory_space<hbm>> -> memref<125000x8x64xf32, #tpu.memory_space<hbm>>
    %dma_start3A_463 = arith.constant 0 : i32
    %dma_start3A_464 = arith.constant 0 : i32
    %dma_start3A_465 = tpu.memref_slice %dma_start3A_462[%squeeze3A_453, %dma_start3A_463, %dma_start3A_464] : memref<125000x8x64xf32, #tpu.memory_space<hbm>> -> memref<1x8x64xf32, #tpu.memory_space<hbm>>
    %dma_start3A_466 = tpu.memref_squeeze %dma_start3A_465 : memref<1x8x64xf32, #tpu.memory_space<hbm>> -> memref<8x64xf32, #tpu.memory_space<hbm>>
    %dma_start3A_467 = arith.constant 0 : i32
    %dma_start3A_468 = arith.constant 0 : i32
    %dma_start3A_469 = tpu.memref_slice %arg10[%add3A_457, %dma_start3A_467, %dma_start3A_468] : memref<32x8x64xf32, #tpu.memory_space<vmem>> -> memref<1x8x64xf32, #tpu.memory_space<vmem>>
    %dma_start3A_470 = tpu.memref_squeeze %dma_start3A_469 : memref<1x8x64xf32, #tpu.memory_space<vmem>> -> memref<8x64xf32, #tpu.memory_space<vmem>>
    %dma_start3A_471 = tpu.memref_reshape %arg4 : memref<1000000x64xf32, #tpu.memory_space<hbm>> -> memref<125000x8x64xf32, #tpu.memory_space<hbm>>
    %dma_start3A_472 = arith.constant 0 : i32
    %dma_start3A_473 = arith.constant 0 : i32
    %dma_start3A_474 = tpu.memref_slice %dma_start3A_471[%squeeze3A_453, %dma_start3A_472, %dma_start3A_473] : memref<125000x8x64xf32, #tpu.memory_space<hbm>> -> memref<1x8x64xf32, #tpu.memory_space<hbm>>
    %dma_start3A_475 = tpu.memref_squeeze %dma_start3A_474 : memref<1x8x64xf32, #tpu.memory_space<hbm>> -> memref<8x64xf32, #tpu.memory_space<hbm>>
    tpu.enqueue_dma source(%dma_start3A_475 : memref<8x64xf32, #tpu.memory_space<hbm>>) target(%dma_start3A_470 : memref<8x64xf32, #tpu.memory_space<vmem>>) target_semaphore(%arg15 : memref<!tpu.dma_semaphore, #tpu.memory_space<semaphore_mem>>)
    %slice3A_476 = vector.extract_strided_slice %shift_right_arithmetic3A_22 {offsets = [9], sizes = [1], strides = [1]} : vector<16xi32> to vector<1xi32>
    %squeeze3A_477 = vector.extract %slice3A_476[0] : i32 from vector<1xi32>
    %mul3A_478 = arith.constant 16 : i32
    %mul3A_479 = arith.muli %rem3A_13, %mul3A_478 : i32
    %add3A_480 = arith.constant 9 : i32
    %add3A_481 = arith.addi %mul3A_479, %add3A_480 : i32
    %dma_start3A_482 = arith.constant 0 : i32
    %dma_start3A_483 = arith.constant 0 : i32
    %dma_start3A_484 = tpu.memref_slice %arg11[%add3A_481, %dma_start3A_482, %dma_start3A_483] : memref<32x8x64xf32, #tpu.memory_space<vmem>> -> memref<1x8x64xf32, #tpu.memory_space<vmem>>
    %dma_start3A_485 = tpu.memref_squeeze %dma_start3A_484 : memref<1x8x64xf32, #tpu.memory_space<vmem>> -> memref<8x64xf32, #tpu.memory_space<vmem>>
    %dma_start3A_486 = tpu.memref_reshape %arg5 : memref<1000000x64xf32, #tpu.memory_space<hbm>> -> memref<125000x8x64xf32, #tpu.memory_space<hbm>>
    %dma_start3A_487 = arith.constant 0 : i32
    %dma_start3A_488 = arith.constant 0 : i32
    %dma_start3A_489 = tpu.memref_slice %dma_start3A_486[%squeeze3A_477, %dma_start3A_487, %dma_start3A_488] : memref<125000x8x64xf32, #tpu.memory_space<hbm>> -> memref<1x8x64xf32, #tpu.memory_space<hbm>>
    %dma_start3A_490 = tpu.memref_squeeze %dma_start3A_489 : memref<1x8x64xf32, #tpu.memory_space<hbm>> -> memref<8x64xf32, #tpu.memory_space<hbm>>
    %dma_start3A_491 = arith.constant 0 : i32
    %dma_start3A_492 = arith.constant 0 : i32
    %dma_start3A_493 = tpu.memref_slice %arg11[%add3A_481, %dma_start3A_491, %dma_start3A_492] : memref<32x8x64xf32, #tpu.memory_space<vmem>> -> memref<1x8x64xf32, #tpu.memory_space<vmem>>
    %dma_start3A_494 = tpu.memref_squeeze %dma_start3A_493 : memref<1x8x64xf32, #tpu.memory_space<vmem>> -> memref<8x64xf32, #tpu.memory_space<vmem>>
    %dma_start3A_495 = tpu.memref_reshape %arg5 : memref<1000000x64xf32, #tpu.memory_space<hbm>> -> memref<125000x8x64xf32, #tpu.memory_space<hbm>>
    %dma_start3A_496 = arith.constant 0 : i32
    %dma_start3A_497 = arith.constant 0 : i32
    %dma_start3A_498 = tpu.memref_slice %dma_start3A_495[%squeeze3A_477, %dma_start3A_496, %dma_start3A_497] : memref<125000x8x64xf32, #tpu.memory_space<hbm>> -> memref<1x8x64xf32, #tpu.memory_space<hbm>>
    %dma_start3A_499 = tpu.memref_squeeze %dma_start3A_498 : memref<1x8x64xf32, #tpu.memory_space<hbm>> -> memref<8x64xf32, #tpu.memory_space<hbm>>
    tpu.enqueue_dma source(%dma_start3A_499 : memref<8x64xf32, #tpu.memory_space<hbm>>) target(%dma_start3A_494 : memref<8x64xf32, #tpu.memory_space<vmem>>) target_semaphore(%arg15 : memref<!tpu.dma_semaphore, #tpu.memory_space<semaphore_mem>>)
    %slice3A_500 = vector.extract_strided_slice %shift_right_arithmetic3A_17 {offsets = [10], sizes = [1], strides = [1]} : vector<16xi32> to vector<1xi32>
    %squeeze3A_501 = vector.extract %slice3A_500[0] : i32 from vector<1xi32>
    %mul3A_502 = arith.constant 16 : i32
    %mul3A_503 = arith.muli %rem3A_13, %mul3A_502 : i32
    %add3A_504 = arith.constant 10 : i32
    %add3A_505 = arith.addi %mul3A_503, %add3A_504 : i32
    %dma_start3A_506 = arith.constant 0 : i32
    %dma_start3A_507 = arith.constant 0 : i32
    %dma_start3A_508 = tpu.memref_slice %arg10[%add3A_505, %dma_start3A_506, %dma_start3A_507] : memref<32x8x64xf32, #tpu.memory_space<vmem>> -> memref<1x8x64xf32, #tpu.memory_space<vmem>>
    %dma_start3A_509 = tpu.memref_squeeze %dma_start3A_508 : memref<1x8x64xf32, #tpu.memory_space<vmem>> -> memref<8x64xf32, #tpu.memory_space<vmem>>
    %dma_start3A_510 = tpu.memref_reshape %arg4 : memref<1000000x64xf32, #tpu.memory_space<hbm>> -> memref<125000x8x64xf32, #tpu.memory_space<hbm>>
    %dma_start3A_511 = arith.constant 0 : i32
    %dma_start3A_512 = arith.constant 0 : i32
    %dma_start3A_513 = tpu.memref_slice %dma_start3A_510[%squeeze3A_501, %dma_start3A_511, %dma_start3A_512] : memref<125000x8x64xf32, #tpu.memory_space<hbm>> -> memref<1x8x64xf32, #tpu.memory_space<hbm>>
    %dma_start3A_514 = tpu.memref_squeeze %dma_start3A_513 : memref<1x8x64xf32, #tpu.memory_space<hbm>> -> memref<8x64xf32, #tpu.memory_space<hbm>>
    %dma_start3A_515 = arith.constant 0 : i32
    %dma_start3A_516 = arith.constant 0 : i32
    %dma_start3A_517 = tpu.memref_slice %arg10[%add3A_505, %dma_start3A_515, %dma_start3A_516] : memref<32x8x64xf32, #tpu.memory_space<vmem>> -> memref<1x8x64xf32, #tpu.memory_space<vmem>>
    %dma_start3A_518 = tpu.memref_squeeze %dma_start3A_517 : memref<1x8x64xf32, #tpu.memory_space<vmem>> -> memref<8x64xf32, #tpu.memory_space<vmem>>
    %dma_start3A_519 = tpu.memref_reshape %arg4 : memref<1000000x64xf32, #tpu.memory_space<hbm>> -> memref<125000x8x64xf32, #tpu.memory_space<hbm>>
    %dma_start3A_520 = arith.constant 0 : i32
    %dma_start3A_521 = arith.constant 0 : i32
    %dma_start3A_522 = tpu.memref_slice %dma_start3A_519[%squeeze3A_501, %dma_start3A_520, %dma_start3A_521] : memref<125000x8x64xf32, #tpu.memory_space<hbm>> -> memref<1x8x64xf32, #tpu.memory_space<hbm>>
    %dma_start3A_523 = tpu.memref_squeeze %dma_start3A_522 : memref<1x8x64xf32, #tpu.memory_space<hbm>> -> memref<8x64xf32, #tpu.memory_space<hbm>>
    tpu.enqueue_dma source(%dma_start3A_523 : memref<8x64xf32, #tpu.memory_space<hbm>>) target(%dma_start3A_518 : memref<8x64xf32, #tpu.memory_space<vmem>>) target_semaphore(%arg15 : memref<!tpu.dma_semaphore, #tpu.memory_space<semaphore_mem>>)
    %slice3A_524 = vector.extract_strided_slice %shift_right_arithmetic3A_22 {offsets = [10], sizes = [1], strides = [1]} : vector<16xi32> to vector<1xi32>
    %squeeze3A_525 = vector.extract %slice3A_524[0] : i32 from vector<1xi32>
    %mul3A_526 = arith.constant 16 : i32
    %mul3A_527 = arith.muli %rem3A_13, %mul3A_526 : i32
    %add3A_528 = arith.constant 10 : i32
    %add3A_529 = arith.addi %mul3A_527, %add3A_528 : i32
    %dma_start3A_530 = arith.constant 0 : i32
    %dma_start3A_531 = arith.constant 0 : i32
    %dma_start3A_532 = tpu.memref_slice %arg11[%add3A_529, %dma_start3A_530, %dma_start3A_531] : memref<32x8x64xf32, #tpu.memory_space<vmem>> -> memref<1x8x64xf32, #tpu.memory_space<vmem>>
    %dma_start3A_533 = tpu.memref_squeeze %dma_start3A_532 : memref<1x8x64xf32, #tpu.memory_space<vmem>> -> memref<8x64xf32, #tpu.memory_space<vmem>>
    %dma_start3A_534 = tpu.memref_reshape %arg5 : memref<1000000x64xf32, #tpu.memory_space<hbm>> -> memref<125000x8x64xf32, #tpu.memory_space<hbm>>
    %dma_start3A_535 = arith.constant 0 : i32
    %dma_start3A_536 = arith.constant 0 : i32
    %dma_start3A_537 = tpu.memref_slice %dma_start3A_534[%squeeze3A_525, %dma_start3A_535, %dma_start3A_536] : memref<125000x8x64xf32, #tpu.memory_space<hbm>> -> memref<1x8x64xf32, #tpu.memory_space<hbm>>
    %dma_start3A_538 = tpu.memref_squeeze %dma_start3A_537 : memref<1x8x64xf32, #tpu.memory_space<hbm>> -> memref<8x64xf32, #tpu.memory_space<hbm>>
    %dma_start3A_539 = arith.constant 0 : i32
    %dma_start3A_540 = arith.constant 0 : i32
    %dma_start3A_541 = tpu.memref_slice %arg11[%add3A_529, %dma_start3A_539, %dma_start3A_540] : memref<32x8x64xf32, #tpu.memory_space<vmem>> -> memref<1x8x64xf32, #tpu.memory_space<vmem>>
    %dma_start3A_542 = tpu.memref_squeeze %dma_start3A_541 : memref<1x8x64xf32, #tpu.memory_space<vmem>> -> memref<8x64xf32, #tpu.memory_space<vmem>>
    %dma_start3A_543 = tpu.memref_reshape %arg5 : memref<1000000x64xf32, #tpu.memory_space<hbm>> -> memref<125000x8x64xf32, #tpu.memory_space<hbm>>
    %dma_start3A_544 = arith.constant 0 : i32
    %dma_start3A_545 = arith.constant 0 : i32
    %dma_start3A_546 = tpu.memref_slice %dma_start3A_543[%squeeze3A_525, %dma_start3A_544, %dma_start3A_545] : memref<125000x8x64xf32, #tpu.memory_space<hbm>> -> memref<1x8x64xf32, #tpu.memory_space<hbm>>
    %dma_start3A_547 = tpu.memref_squeeze %dma_start3A_546 : memref<1x8x64xf32, #tpu.memory_space<hbm>> -> memref<8x64xf32, #tpu.memory_space<hbm>>
    tpu.enqueue_dma source(%dma_start3A_547 : memref<8x64xf32, #tpu.memory_space<hbm>>) target(%dma_start3A_542 : memref<8x64xf32, #tpu.memory_space<vmem>>) target_semaphore(%arg15 : memref<!tpu.dma_semaphore, #tpu.memory_space<semaphore_mem>>)
    %slice3A_548 = vector.extract_strided_slice %shift_right_arithmetic3A_17 {offsets = [11], sizes = [1], strides = [1]} : vector<16xi32> to vector<1xi32>
    %squeeze3A_549 = vector.extract %slice3A_548[0] : i32 from vector<1xi32>
    %mul3A_550 = arith.constant 16 : i32
    %mul3A_551 = arith.muli %rem3A_13, %mul3A_550 : i32
    %add3A_552 = arith.constant 11 : i32
    %add3A_553 = arith.addi %mul3A_551, %add3A_552 : i32
    %dma_start3A_554 = arith.constant 0 : i32
    %dma_start3A_555 = arith.constant 0 : i32
    %dma_start3A_556 = tpu.memref_slice %arg10[%add3A_553, %dma_start3A_554, %dma_start3A_555] : memref<32x8x64xf32, #tpu.memory_space<vmem>> -> memref<1x8x64xf32, #tpu.memory_space<vmem>>
    %dma_start3A_557 = tpu.memref_squeeze %dma_start3A_556 : memref<1x8x64xf32, #tpu.memory_space<vmem>> -> memref<8x64xf32, #tpu.memory_space<vmem>>
    %dma_start3A_558 = tpu.memref_reshape %arg4 : memref<1000000x64xf32, #tpu.memory_space<hbm>> -> memref<125000x8x64xf32, #tpu.memory_space<hbm>>
    %dma_start3A_559 = arith.constant 0 : i32
    %dma_start3A_560 = arith.constant 0 : i32
    %dma_start3A_561 = tpu.memref_slice %dma_start3A_558[%squeeze3A_549, %dma_start3A_559, %dma_start3A_560] : memref<125000x8x64xf32, #tpu.memory_space<hbm>> -> memref<1x8x64xf32, #tpu.memory_space<hbm>>
    %dma_start3A_562 = tpu.memref_squeeze %dma_start3A_561 : memref<1x8x64xf32, #tpu.memory_space<hbm>> -> memref<8x64xf32, #tpu.memory_space<hbm>>
    %dma_start3A_563 = arith.constant 0 : i32
    %dma_start3A_564 = arith.constant 0 : i32
    %dma_start3A_565 = tpu.memref_slice %arg10[%add3A_553, %dma_start3A_563, %dma_start3A_564] : memref<32x8x64xf32, #tpu.memory_space<vmem>> -> memref<1x8x64xf32, #tpu.memory_space<vmem>>
    %dma_start3A_566 = tpu.memref_squeeze %dma_start3A_565 : memref<1x8x64xf32, #tpu.memory_space<vmem>> -> memref<8x64xf32, #tpu.memory_space<vmem>>
    %dma_start3A_567 = tpu.memref_reshape %arg4 : memref<1000000x64xf32, #tpu.memory_space<hbm>> -> memref<125000x8x64xf32, #tpu.memory_space<hbm>>
    %dma_start3A_568 = arith.constant 0 : i32
    %dma_start3A_569 = arith.constant 0 : i32
    %dma_start3A_570 = tpu.memref_slice %dma_start3A_567[%squeeze3A_549, %dma_start3A_568, %dma_start3A_569] : memref<125000x8x64xf32, #tpu.memory_space<hbm>> -> memref<1x8x64xf32, #tpu.memory_space<hbm>>
    %dma_start3A_571 = tpu.memref_squeeze %dma_start3A_570 : memref<1x8x64xf32, #tpu.memory_space<hbm>> -> memref<8x64xf32, #tpu.memory_space<hbm>>
    tpu.enqueue_dma source(%dma_start3A_571 : memref<8x64xf32, #tpu.memory_space<hbm>>) target(%dma_start3A_566 : memref<8x64xf32, #tpu.memory_space<vmem>>) target_semaphore(%arg15 : memref<!tpu.dma_semaphore, #tpu.memory_space<semaphore_mem>>)
    %slice3A_572 = vector.extract_strided_slice %shift_right_arithmetic3A_22 {offsets = [11], sizes = [1], strides = [1]} : vector<16xi32> to vector<1xi32>
    %squeeze3A_573 = vector.extract %slice3A_572[0] : i32 from vector<1xi32>
    %mul3A_574 = arith.constant 16 : i32
    %mul3A_575 = arith.muli %rem3A_13, %mul3A_574 : i32
    %add3A_576 = arith.constant 11 : i32
    %add3A_577 = arith.addi %mul3A_575, %add3A_576 : i32
    %dma_start3A_578 = arith.constant 0 : i32
    %dma_start3A_579 = arith.constant 0 : i32
    %dma_start3A_580 = tpu.memref_slice %arg11[%add3A_577, %dma_start3A_578, %dma_start3A_579] : memref<32x8x64xf32, #tpu.memory_space<vmem>> -> memref<1x8x64xf32, #tpu.memory_space<vmem>>
    %dma_start3A_581 = tpu.memref_squeeze %dma_start3A_580 : memref<1x8x64xf32, #tpu.memory_space<vmem>> -> memref<8x64xf32, #tpu.memory_space<vmem>>
    %dma_start3A_582 = tpu.memref_reshape %arg5 : memref<1000000x64xf32, #tpu.memory_space<hbm>> -> memref<125000x8x64xf32, #tpu.memory_space<hbm>>
    %dma_start3A_583 = arith.constant 0 : i32
    %dma_start3A_584 = arith.constant 0 : i32
    %dma_start3A_585 = tpu.memref_slice %dma_start3A_582[%squeeze3A_573, %dma_start3A_583, %dma_start3A_584] : memref<125000x8x64xf32, #tpu.memory_space<hbm>> -> memref<1x8x64xf32, #tpu.memory_space<hbm>>
    %dma_start3A_586 = tpu.memref_squeeze %dma_start3A_585 : memref<1x8x64xf32, #tpu.memory_space<hbm>> -> memref<8x64xf32, #tpu.memory_space<hbm>>
    %dma_start3A_587 = arith.constant 0 : i32
    %dma_start3A_588 = arith.constant 0 : i32
    %dma_start3A_589 = tpu.memref_slice %arg11[%add3A_577, %dma_start3A_587, %dma_start3A_588] : memref<32x8x64xf32, #tpu.memory_space<vmem>> -> memref<1x8x64xf32, #tpu.memory_space<vmem>>
    %dma_start3A_590 = tpu.memref_squeeze %dma_start3A_589 : memref<1x8x64xf32, #tpu.memory_space<vmem>> -> memref<8x64xf32, #tpu.memory_space<vmem>>
    %dma_start3A_591 = tpu.memref_reshape %arg5 : memref<1000000x64xf32, #tpu.memory_space<hbm>> -> memref<125000x8x64xf32, #tpu.memory_space<hbm>>
    %dma_start3A_592 = arith.constant 0 : i32
    %dma_start3A_593 = arith.constant 0 : i32
    %dma_start3A_594 = tpu.memref_slice %dma_start3A_591[%squeeze3A_573, %dma_start3A_592, %dma_start3A_593] : memref<125000x8x64xf32, #tpu.memory_space<hbm>> -> memref<1x8x64xf32, #tpu.memory_space<hbm>>
    %dma_start3A_595 = tpu.memref_squeeze %dma_start3A_594 : memref<1x8x64xf32, #tpu.memory_space<hbm>> -> memref<8x64xf32, #tpu.memory_space<hbm>>
    tpu.enqueue_dma source(%dma_start3A_595 : memref<8x64xf32, #tpu.memory_space<hbm>>) target(%dma_start3A_590 : memref<8x64xf32, #tpu.memory_space<vmem>>) target_semaphore(%arg15 : memref<!tpu.dma_semaphore, #tpu.memory_space<semaphore_mem>>)
    %slice3A_596 = vector.extract_strided_slice %shift_right_arithmetic3A_17 {offsets = [12], sizes = [1], strides = [1]} : vector<16xi32> to vector<1xi32>
    %squeeze3A_597 = vector.extract %slice3A_596[0] : i32 from vector<1xi32>
    %mul3A_598 = arith.constant 16 : i32
    %mul3A_599 = arith.muli %rem3A_13, %mul3A_598 : i32
    %add3A_600 = arith.constant 12 : i32
    %add3A_601 = arith.addi %mul3A_599, %add3A_600 : i32
    %dma_start3A_602 = arith.constant 0 : i32
    %dma_start3A_603 = arith.constant 0 : i32
    %dma_start3A_604 = tpu.memref_slice %arg10[%add3A_601, %dma_start3A_602, %dma_start3A_603] : memref<32x8x64xf32, #tpu.memory_space<vmem>> -> memref<1x8x64xf32, #tpu.memory_space<vmem>>
    %dma_start3A_605 = tpu.memref_squeeze %dma_start3A_604 : memref<1x8x64xf32, #tpu.memory_space<vmem>> -> memref<8x64xf32, #tpu.memory_space<vmem>>
    %dma_start3A_606 = tpu.memref_reshape %arg4 : memref<1000000x64xf32, #tpu.memory_space<hbm>> -> memref<125000x8x64xf32, #tpu.memory_space<hbm>>
    %dma_start3A_607 = arith.constant 0 : i32
    %dma_start3A_608 = arith.constant 0 : i32
    %dma_start3A_609 = tpu.memref_slice %dma_start3A_606[%squeeze3A_597, %dma_start3A_607, %dma_start3A_608] : memref<125000x8x64xf32, #tpu.memory_space<hbm>> -> memref<1x8x64xf32, #tpu.memory_space<hbm>>
    %dma_start3A_610 = tpu.memref_squeeze %dma_start3A_609 : memref<1x8x64xf32, #tpu.memory_space<hbm>> -> memref<8x64xf32, #tpu.memory_space<hbm>>
    %dma_start3A_611 = arith.constant 0 : i32
    %dma_start3A_612 = arith.constant 0 : i32
    %dma_start3A_613 = tpu.memref_slice %arg10[%add3A_601, %dma_start3A_611, %dma_start3A_612] : memref<32x8x64xf32, #tpu.memory_space<vmem>> -> memref<1x8x64xf32, #tpu.memory_space<vmem>>
    %dma_start3A_614 = tpu.memref_squeeze %dma_start3A_613 : memref<1x8x64xf32, #tpu.memory_space<vmem>> -> memref<8x64xf32, #tpu.memory_space<vmem>>
    %dma_start3A_615 = tpu.memref_reshape %arg4 : memref<1000000x64xf32, #tpu.memory_space<hbm>> -> memref<125000x8x64xf32, #tpu.memory_space<hbm>>
    %dma_start3A_616 = arith.constant 0 : i32
    %dma_start3A_617 = arith.constant 0 : i32
    %dma_start3A_618 = tpu.memref_slice %dma_start3A_615[%squeeze3A_597, %dma_start3A_616, %dma_start3A_617] : memref<125000x8x64xf32, #tpu.memory_space<hbm>> -> memref<1x8x64xf32, #tpu.memory_space<hbm>>
    %dma_start3A_619 = tpu.memref_squeeze %dma_start3A_618 : memref<1x8x64xf32, #tpu.memory_space<hbm>> -> memref<8x64xf32, #tpu.memory_space<hbm>>
    tpu.enqueue_dma source(%dma_start3A_619 : memref<8x64xf32, #tpu.memory_space<hbm>>) target(%dma_start3A_614 : memref<8x64xf32, #tpu.memory_space<vmem>>) target_semaphore(%arg15 : memref<!tpu.dma_semaphore, #tpu.memory_space<semaphore_mem>>)
    %slice3A_620 = vector.extract_strided_slice %shift_right_arithmetic3A_22 {offsets = [12], sizes = [1], strides = [1]} : vector<16xi32> to vector<1xi32>
    %squeeze3A_621 = vector.extract %slice3A_620[0] : i32 from vector<1xi32>
    %mul3A_622 = arith.constant 16 : i32
    %mul3A_623 = arith.muli %rem3A_13, %mul3A_622 : i32
    %add3A_624 = arith.constant 12 : i32
    %add3A_625 = arith.addi %mul3A_623, %add3A_624 : i32
    %dma_start3A_626 = arith.constant 0 : i32
    %dma_start3A_627 = arith.constant 0 : i32
    %dma_start3A_628 = tpu.memref_slice %arg11[%add3A_625, %dma_start3A_626, %dma_start3A_627] : memref<32x8x64xf32, #tpu.memory_space<vmem>> -> memref<1x8x64xf32, #tpu.memory_space<vmem>>
    %dma_start3A_629 = tpu.memref_squeeze %dma_start3A_628 : memref<1x8x64xf32, #tpu.memory_space<vmem>> -> memref<8x64xf32, #tpu.memory_space<vmem>>
    %dma_start3A_630 = tpu.memref_reshape %arg5 : memref<1000000x64xf32, #tpu.memory_space<hbm>> -> memref<125000x8x64xf32, #tpu.memory_space<hbm>>
    %dma_start3A_631 = arith.constant 0 : i32
    %dma_start3A_632 = arith.constant 0 : i32
    %dma_start3A_633 = tpu.memref_slice %dma_start3A_630[%squeeze3A_621, %dma_start3A_631, %dma_start3A_632] : memref<125000x8x64xf32, #tpu.memory_space<hbm>> -> memref<1x8x64xf32, #tpu.memory_space<hbm>>
    %dma_start3A_634 = tpu.memref_squeeze %dma_start3A_633 : memref<1x8x64xf32, #tpu.memory_space<hbm>> -> memref<8x64xf32, #tpu.memory_space<hbm>>
    %dma_start3A_635 = arith.constant 0 : i32
    %dma_start3A_636 = arith.constant 0 : i32
    %dma_start3A_637 = tpu.memref_slice %arg11[%add3A_625, %dma_start3A_635, %dma_start3A_636] : memref<32x8x64xf32, #tpu.memory_space<vmem>> -> memref<1x8x64xf32, #tpu.memory_space<vmem>>
    %dma_start3A_638 = tpu.memref_squeeze %dma_start3A_637 : memref<1x8x64xf32, #tpu.memory_space<vmem>> -> memref<8x64xf32, #tpu.memory_space<vmem>>
    %dma_start3A_639 = tpu.memref_reshape %arg5 : memref<1000000x64xf32, #tpu.memory_space<hbm>> -> memref<125000x8x64xf32, #tpu.memory_space<hbm>>
    %dma_start3A_640 = arith.constant 0 : i32
    %dma_start3A_641 = arith.constant 0 : i32
    %dma_start3A_642 = tpu.memref_slice %dma_start3A_639[%squeeze3A_621, %dma_start3A_640, %dma_start3A_641] : memref<125000x8x64xf32, #tpu.memory_space<hbm>> -> memref<1x8x64xf32, #tpu.memory_space<hbm>>
    %dma_start3A_643 = tpu.memref_squeeze %dma_start3A_642 : memref<1x8x64xf32, #tpu.memory_space<hbm>> -> memref<8x64xf32, #tpu.memory_space<hbm>>
    tpu.enqueue_dma source(%dma_start3A_643 : memref<8x64xf32, #tpu.memory_space<hbm>>) target(%dma_start3A_638 : memref<8x64xf32, #tpu.memory_space<vmem>>) target_semaphore(%arg15 : memref<!tpu.dma_semaphore, #tpu.memory_space<semaphore_mem>>)
    %slice3A_644 = vector.extract_strided_slice %shift_right_arithmetic3A_17 {offsets = [13], sizes = [1], strides = [1]} : vector<16xi32> to vector<1xi32>
    %squeeze3A_645 = vector.extract %slice3A_644[0] : i32 from vector<1xi32>
    %mul3A_646 = arith.constant 16 : i32
    %mul3A_647 = arith.muli %rem3A_13, %mul3A_646 : i32
    %add3A_648 = arith.constant 13 : i32
    %add3A_649 = arith.addi %mul3A_647, %add3A_648 : i32
    %dma_start3A_650 = arith.constant 0 : i32
    %dma_start3A_651 = arith.constant 0 : i32
    %dma_start3A_652 = tpu.memref_slice %arg10[%add3A_649, %dma_start3A_650, %dma_start3A_651] : memref<32x8x64xf32, #tpu.memory_space<vmem>> -> memref<1x8x64xf32, #tpu.memory_space<vmem>>
    %dma_start3A_653 = tpu.memref_squeeze %dma_start3A_652 : memref<1x8x64xf32, #tpu.memory_space<vmem>> -> memref<8x64xf32, #tpu.memory_space<vmem>>
    %dma_start3A_654 = tpu.memref_reshape %arg4 : memref<1000000x64xf32, #tpu.memory_space<hbm>> -> memref<125000x8x64xf32, #tpu.memory_space<hbm>>
    %dma_start3A_655 = arith.constant 0 : i32
    %dma_start3A_656 = arith.constant 0 : i32
    %dma_start3A_657 = tpu.memref_slice %dma_start3A_654[%squeeze3A_645, %dma_start3A_655, %dma_start3A_656] : memref<125000x8x64xf32, #tpu.memory_space<hbm>> -> memref<1x8x64xf32, #tpu.memory_space<hbm>>
    %dma_start3A_658 = tpu.memref_squeeze %dma_start3A_657 : memref<1x8x64xf32, #tpu.memory_space<hbm>> -> memref<8x64xf32, #tpu.memory_space<hbm>>
    %dma_start3A_659 = arith.constant 0 : i32
    %dma_start3A_660 = arith.constant 0 : i32
    %dma_start3A_661 = tpu.memref_slice %arg10[%add3A_649, %dma_start3A_659, %dma_start3A_660] : memref<32x8x64xf32, #tpu.memory_space<vmem>> -> memref<1x8x64xf32, #tpu.memory_space<vmem>>
    %dma_start3A_662 = tpu.memref_squeeze %dma_start3A_661 : memref<1x8x64xf32, #tpu.memory_space<vmem>> -> memref<8x64xf32, #tpu.memory_space<vmem>>
    %dma_start3A_663 = tpu.memref_reshape %arg4 : memref<1000000x64xf32, #tpu.memory_space<hbm>> -> memref<125000x8x64xf32, #tpu.memory_space<hbm>>
    %dma_start3A_664 = arith.constant 0 : i32
    %dma_start3A_665 = arith.constant 0 : i32
    %dma_start3A_666 = tpu.memref_slice %dma_start3A_663[%squeeze3A_645, %dma_start3A_664, %dma_start3A_665] : memref<125000x8x64xf32, #tpu.memory_space<hbm>> -> memref<1x8x64xf32, #tpu.memory_space<hbm>>
    %dma_start3A_667 = tpu.memref_squeeze %dma_start3A_666 : memref<1x8x64xf32, #tpu.memory_space<hbm>> -> memref<8x64xf32, #tpu.memory_space<hbm>>
    tpu.enqueue_dma source(%dma_start3A_667 : memref<8x64xf32, #tpu.memory_space<hbm>>) target(%dma_start3A_662 : memref<8x64xf32, #tpu.memory_space<vmem>>) target_semaphore(%arg15 : memref<!tpu.dma_semaphore, #tpu.memory_space<semaphore_mem>>)
    %slice3A_668 = vector.extract_strided_slice %shift_right_arithmetic3A_22 {offsets = [13], sizes = [1], strides = [1]} : vector<16xi32> to vector<1xi32>
    %squeeze3A_669 = vector.extract %slice3A_668[0] : i32 from vector<1xi32>
    %mul3A_670 = arith.constant 16 : i32
    %mul3A_671 = arith.muli %rem3A_13, %mul3A_670 : i32
    %add3A_672 = arith.constant 13 : i32
    %add3A_673 = arith.addi %mul3A_671, %add3A_672 : i32
    %dma_start3A_674 = arith.constant 0 : i32
    %dma_start3A_675 = arith.constant 0 : i32
    %dma_start3A_676 = tpu.memref_slice %arg11[%add3A_673, %dma_start3A_674, %dma_start3A_675] : memref<32x8x64xf32, #tpu.memory_space<vmem>> -> memref<1x8x64xf32, #tpu.memory_space<vmem>>
    %dma_start3A_677 = tpu.memref_squeeze %dma_start3A_676 : memref<1x8x64xf32, #tpu.memory_space<vmem>> -> memref<8x64xf32, #tpu.memory_space<vmem>>
    %dma_start3A_678 = tpu.memref_reshape %arg5 : memref<1000000x64xf32, #tpu.memory_space<hbm>> -> memref<125000x8x64xf32, #tpu.memory_space<hbm>>
    %dma_start3A_679 = arith.constant 0 : i32
    %dma_start3A_680 = arith.constant 0 : i32
    %dma_start3A_681 = tpu.memref_slice %dma_start3A_678[%squeeze3A_669, %dma_start3A_679, %dma_start3A_680] : memref<125000x8x64xf32, #tpu.memory_space<hbm>> -> memref<1x8x64xf32, #tpu.memory_space<hbm>>
    %dma_start3A_682 = tpu.memref_squeeze %dma_start3A_681 : memref<1x8x64xf32, #tpu.memory_space<hbm>> -> memref<8x64xf32, #tpu.memory_space<hbm>>
    %dma_start3A_683 = arith.constant 0 : i32
    %dma_start3A_684 = arith.constant 0 : i32
    %dma_start3A_685 = tpu.memref_slice %arg11[%add3A_673, %dma_start3A_683, %dma_start3A_684] : memref<32x8x64xf32, #tpu.memory_space<vmem>> -> memref<1x8x64xf32, #tpu.memory_space<vmem>>
    %dma_start3A_686 = tpu.memref_squeeze %dma_start3A_685 : memref<1x8x64xf32, #tpu.memory_space<vmem>> -> memref<8x64xf32, #tpu.memory_space<vmem>>
    %dma_start3A_687 = tpu.memref_reshape %arg5 : memref<1000000x64xf32, #tpu.memory_space<hbm>> -> memref<125000x8x64xf32, #tpu.memory_space<hbm>>
    %dma_start3A_688 = arith.constant 0 : i32
    %dma_start3A_689 = arith.constant 0 : i32
    %dma_start3A_690 = tpu.memref_slice %dma_start3A_687[%squeeze3A_669, %dma_start3A_688, %dma_start3A_689] : memref<125000x8x64xf32, #tpu.memory_space<hbm>> -> memref<1x8x64xf32, #tpu.memory_space<hbm>>
    %dma_start3A_691 = tpu.memref_squeeze %dma_start3A_690 : memref<1x8x64xf32, #tpu.memory_space<hbm>> -> memref<8x64xf32, #tpu.memory_space<hbm>>
    tpu.enqueue_dma source(%dma_start3A_691 : memref<8x64xf32, #tpu.memory_space<hbm>>) target(%dma_start3A_686 : memref<8x64xf32, #tpu.memory_space<vmem>>) target_semaphore(%arg15 : memref<!tpu.dma_semaphore, #tpu.memory_space<semaphore_mem>>)
    %slice3A_692 = vector.extract_strided_slice %shift_right_arithmetic3A_17 {offsets = [14], sizes = [1], strides = [1]} : vector<16xi32> to vector<1xi32>
    %squeeze3A_693 = vector.extract %slice3A_692[0] : i32 from vector<1xi32>
    %mul3A_694 = arith.constant 16 : i32
    %mul3A_695 = arith.muli %rem3A_13, %mul3A_694 : i32
    %add3A_696 = arith.constant 14 : i32
    %add3A_697 = arith.addi %mul3A_695, %add3A_696 : i32
    %dma_start3A_698 = arith.constant 0 : i32
    %dma_start3A_699 = arith.constant 0 : i32
    %dma_start3A_700 = tpu.memref_slice %arg10[%add3A_697, %dma_start3A_698, %dma_start3A_699] : memref<32x8x64xf32, #tpu.memory_space<vmem>> -> memref<1x8x64xf32, #tpu.memory_space<vmem>>
    %dma_start3A_701 = tpu.memref_squeeze %dma_start3A_700 : memref<1x8x64xf32, #tpu.memory_space<vmem>> -> memref<8x64xf32, #tpu.memory_space<vmem>>
    %dma_start3A_702 = tpu.memref_reshape %arg4 : memref<1000000x64xf32, #tpu.memory_space<hbm>> -> memref<125000x8x64xf32, #tpu.memory_space<hbm>>
    %dma_start3A_703 = arith.constant 0 : i32
    %dma_start3A_704 = arith.constant 0 : i32
    %dma_start3A_705 = tpu.memref_slice %dma_start3A_702[%squeeze3A_693, %dma_start3A_703, %dma_start3A_704] : memref<125000x8x64xf32, #tpu.memory_space<hbm>> -> memref<1x8x64xf32, #tpu.memory_space<hbm>>
    %dma_start3A_706 = tpu.memref_squeeze %dma_start3A_705 : memref<1x8x64xf32, #tpu.memory_space<hbm>> -> memref<8x64xf32, #tpu.memory_space<hbm>>
    %dma_start3A_707 = arith.constant 0 : i32
    %dma_start3A_708 = arith.constant 0 : i32
    %dma_start3A_709 = tpu.memref_slice %arg10[%add3A_697, %dma_start3A_707, %dma_start3A_708] : memref<32x8x64xf32, #tpu.memory_space<vmem>> -> memref<1x8x64xf32, #tpu.memory_space<vmem>>
    %dma_start3A_710 = tpu.memref_squeeze %dma_start3A_709 : memref<1x8x64xf32, #tpu.memory_space<vmem>> -> memref<8x64xf32, #tpu.memory_space<vmem>>
    %dma_start3A_711 = tpu.memref_reshape %arg4 : memref<1000000x64xf32, #tpu.memory_space<hbm>> -> memref<125000x8x64xf32, #tpu.memory_space<hbm>>
    %dma_start3A_712 = arith.constant 0 : i32
    %dma_start3A_713 = arith.constant 0 : i32
    %dma_start3A_714 = tpu.memref_slice %dma_start3A_711[%squeeze3A_693, %dma_start3A_712, %dma_start3A_713] : memref<125000x8x64xf32, #tpu.memory_space<hbm>> -> memref<1x8x64xf32, #tpu.memory_space<hbm>>
    %dma_start3A_715 = tpu.memref_squeeze %dma_start3A_714 : memref<1x8x64xf32, #tpu.memory_space<hbm>> -> memref<8x64xf32, #tpu.memory_space<hbm>>
    tpu.enqueue_dma source(%dma_start3A_715 : memref<8x64xf32, #tpu.memory_space<hbm>>) target(%dma_start3A_710 : memref<8x64xf32, #tpu.memory_space<vmem>>) target_semaphore(%arg15 : memref<!tpu.dma_semaphore, #tpu.memory_space<semaphore_mem>>)
    %slice3A_716 = vector.extract_strided_slice %shift_right_arithmetic3A_22 {offsets = [14], sizes = [1], strides = [1]} : vector<16xi32> to vector<1xi32>
    %squeeze3A_717 = vector.extract %slice3A_716[0] : i32 from vector<1xi32>
    %mul3A_718 = arith.constant 16 : i32
    %mul3A_719 = arith.muli %rem3A_13, %mul3A_718 : i32
    %add3A_720 = arith.constant 14 : i32
    %add3A_721 = arith.addi %mul3A_719, %add3A_720 : i32
    %dma_start3A_722 = arith.constant 0 : i32
    %dma_start3A_723 = arith.constant 0 : i32
    %dma_start3A_724 = tpu.memref_slice %arg11[%add3A_721, %dma_start3A_722, %dma_start3A_723] : memref<32x8x64xf32, #tpu.memory_space<vmem>> -> memref<1x8x64xf32, #tpu.memory_space<vmem>>
    %dma_start3A_725 = tpu.memref_squeeze %dma_start3A_724 : memref<1x8x64xf32, #tpu.memory_space<vmem>> -> memref<8x64xf32, #tpu.memory_space<vmem>>
    %dma_start3A_726 = tpu.memref_reshape %arg5 : memref<1000000x64xf32, #tpu.memory_space<hbm>> -> memref<125000x8x64xf32, #tpu.memory_space<hbm>>
    %dma_start3A_727 = arith.constant 0 : i32
    %dma_start3A_728 = arith.constant 0 : i32
    %dma_start3A_729 = tpu.memref_slice %dma_start3A_726[%squeeze3A_717, %dma_start3A_727, %dma_start3A_728] : memref<125000x8x64xf32, #tpu.memory_space<hbm>> -> memref<1x8x64xf32, #tpu.memory_space<hbm>>
    %dma_start3A_730 = tpu.memref_squeeze %dma_start3A_729 : memref<1x8x64xf32, #tpu.memory_space<hbm>> -> memref<8x64xf32, #tpu.memory_space<hbm>>
    %dma_start3A_731 = arith.constant 0 : i32
    %dma_start3A_732 = arith.constant 0 : i32
    %dma_start3A_733 = tpu.memref_slice %arg11[%add3A_721, %dma_start3A_731, %dma_start3A_732] : memref<32x8x64xf32, #tpu.memory_space<vmem>> -> memref<1x8x64xf32, #tpu.memory_space<vmem>>
    %dma_start3A_734 = tpu.memref_squeeze %dma_start3A_733 : memref<1x8x64xf32, #tpu.memory_space<vmem>> -> memref<8x64xf32, #tpu.memory_space<vmem>>
    %dma_start3A_735 = tpu.memref_reshape %arg5 : memref<1000000x64xf32, #tpu.memory_space<hbm>> -> memref<125000x8x64xf32, #tpu.memory_space<hbm>>
    %dma_start3A_736 = arith.constant 0 : i32
    %dma_start3A_737 = arith.constant 0 : i32
    %dma_start3A_738 = tpu.memref_slice %dma_start3A_735[%squeeze3A_717, %dma_start3A_736, %dma_start3A_737] : memref<125000x8x64xf32, #tpu.memory_space<hbm>> -> memref<1x8x64xf32, #tpu.memory_space<hbm>>
    %dma_start3A_739 = tpu.memref_squeeze %dma_start3A_738 : memref<1x8x64xf32, #tpu.memory_space<hbm>> -> memref<8x64xf32, #tpu.memory_space<hbm>>
    tpu.enqueue_dma source(%dma_start3A_739 : memref<8x64xf32, #tpu.memory_space<hbm>>) target(%dma_start3A_734 : memref<8x64xf32, #tpu.memory_space<vmem>>) target_semaphore(%arg15 : memref<!tpu.dma_semaphore, #tpu.memory_space<semaphore_mem>>)
    %slice3A_740 = vector.extract_strided_slice %shift_right_arithmetic3A_17 {offsets = [15], sizes = [1], strides = [1]} : vector<16xi32> to vector<1xi32>
    %squeeze3A_741 = vector.extract %slice3A_740[0] : i32 from vector<1xi32>
    %mul3A_742 = arith.constant 16 : i32
    %mul3A_743 = arith.muli %rem3A_13, %mul3A_742 : i32
    %add3A_744 = arith.constant 15 : i32
    %add3A_745 = arith.addi %mul3A_743, %add3A_744 : i32
    %dma_start3A_746 = arith.constant 0 : i32
    %dma_start3A_747 = arith.constant 0 : i32
    %dma_start3A_748 = tpu.memref_slice %arg10[%add3A_745, %dma_start3A_746, %dma_start3A_747] : memref<32x8x64xf32, #tpu.memory_space<vmem>> -> memref<1x8x64xf32, #tpu.memory_space<vmem>>
    %dma_start3A_749 = tpu.memref_squeeze %dma_start3A_748 : memref<1x8x64xf32, #tpu.memory_space<vmem>> -> memref<8x64xf32, #tpu.memory_space<vmem>>
    %dma_start3A_750 = tpu.memref_reshape %arg4 : memref<1000000x64xf32, #tpu.memory_space<hbm>> -> memref<125000x8x64xf32, #tpu.memory_space<hbm>>
    %dma_start3A_751 = arith.constant 0 : i32
    %dma_start3A_752 = arith.constant 0 : i32
    %dma_start3A_753 = tpu.memref_slice %dma_start3A_750[%squeeze3A_741, %dma_start3A_751, %dma_start3A_752] : memref<125000x8x64xf32, #tpu.memory_space<hbm>> -> memref<1x8x64xf32, #tpu.memory_space<hbm>>
    %dma_start3A_754 = tpu.memref_squeeze %dma_start3A_753 : memref<1x8x64xf32, #tpu.memory_space<hbm>> -> memref<8x64xf32, #tpu.memory_space<hbm>>
    %dma_start3A_755 = arith.constant 0 : i32
    %dma_start3A_756 = arith.constant 0 : i32
    %dma_start3A_757 = tpu.memref_slice %arg10[%add3A_745, %dma_start3A_755, %dma_start3A_756] : memref<32x8x64xf32, #tpu.memory_space<vmem>> -> memref<1x8x64xf32, #tpu.memory_space<vmem>>
    %dma_start3A_758 = tpu.memref_squeeze %dma_start3A_757 : memref<1x8x64xf32, #tpu.memory_space<vmem>> -> memref<8x64xf32, #tpu.memory_space<vmem>>
    %dma_start3A_759 = tpu.memref_reshape %arg4 : memref<1000000x64xf32, #tpu.memory_space<hbm>> -> memref<125000x8x64xf32, #tpu.memory_space<hbm>>
    %dma_start3A_760 = arith.constant 0 : i32
    %dma_start3A_761 = arith.constant 0 : i32
    %dma_start3A_762 = tpu.memref_slice %dma_start3A_759[%squeeze3A_741, %dma_start3A_760, %dma_start3A_761] : memref<125000x8x64xf32, #tpu.memory_space<hbm>> -> memref<1x8x64xf32, #tpu.memory_space<hbm>>
    %dma_start3A_763 = tpu.memref_squeeze %dma_start3A_762 : memref<1x8x64xf32, #tpu.memory_space<hbm>> -> memref<8x64xf32, #tpu.memory_space<hbm>>
    tpu.enqueue_dma source(%dma_start3A_763 : memref<8x64xf32, #tpu.memory_space<hbm>>) target(%dma_start3A_758 : memref<8x64xf32, #tpu.memory_space<vmem>>) target_semaphore(%arg15 : memref<!tpu.dma_semaphore, #tpu.memory_space<semaphore_mem>>)
    %slice3A_764 = vector.extract_strided_slice %shift_right_arithmetic3A_22 {offsets = [15], sizes = [1], strides = [1]} : vector<16xi32> to vector<1xi32>
    %squeeze3A_765 = vector.extract %slice3A_764[0] : i32 from vector<1xi32>
    %mul3A_766 = arith.constant 16 : i32
    %mul3A_767 = arith.muli %rem3A_13, %mul3A_766 : i32
    %add3A_768 = arith.constant 15 : i32
    %add3A_769 = arith.addi %mul3A_767, %add3A_768 : i32
    %dma_start3A_770 = arith.constant 0 : i32
    %dma_start3A_771 = arith.constant 0 : i32
    %dma_start3A_772 = tpu.memref_slice %arg11[%add3A_769, %dma_start3A_770, %dma_start3A_771] : memref<32x8x64xf32, #tpu.memory_space<vmem>> -> memref<1x8x64xf32, #tpu.memory_space<vmem>>
    %dma_start3A_773 = tpu.memref_squeeze %dma_start3A_772 : memref<1x8x64xf32, #tpu.memory_space<vmem>> -> memref<8x64xf32, #tpu.memory_space<vmem>>
    %dma_start3A_774 = tpu.memref_reshape %arg5 : memref<1000000x64xf32, #tpu.memory_space<hbm>> -> memref<125000x8x64xf32, #tpu.memory_space<hbm>>
    %dma_start3A_775 = arith.constant 0 : i32
    %dma_start3A_776 = arith.constant 0 : i32
    %dma_start3A_777 = tpu.memref_slice %dma_start3A_774[%squeeze3A_765, %dma_start3A_775, %dma_start3A_776] : memref<125000x8x64xf32, #tpu.memory_space<hbm>> -> memref<1x8x64xf32, #tpu.memory_space<hbm>>
    %dma_start3A_778 = tpu.memref_squeeze %dma_start3A_777 : memref<1x8x64xf32, #tpu.memory_space<hbm>> -> memref<8x64xf32, #tpu.memory_space<hbm>>
    %dma_start3A_779 = arith.constant 0 : i32
    %dma_start3A_780 = arith.constant 0 : i32
    %dma_start3A_781 = tpu.memref_slice %arg11[%add3A_769, %dma_start3A_779, %dma_start3A_780] : memref<32x8x64xf32, #tpu.memory_space<vmem>> -> memref<1x8x64xf32, #tpu.memory_space<vmem>>
    %dma_start3A_782 = tpu.memref_squeeze %dma_start3A_781 : memref<1x8x64xf32, #tpu.memory_space<vmem>> -> memref<8x64xf32, #tpu.memory_space<vmem>>
    %dma_start3A_783 = tpu.memref_reshape %arg5 : memref<1000000x64xf32, #tpu.memory_space<hbm>> -> memref<125000x8x64xf32, #tpu.memory_space<hbm>>
    %dma_start3A_784 = arith.constant 0 : i32
    %dma_start3A_785 = arith.constant 0 : i32
    %dma_start3A_786 = tpu.memref_slice %dma_start3A_783[%squeeze3A_765, %dma_start3A_784, %dma_start3A_785] : memref<125000x8x64xf32, #tpu.memory_space<hbm>> -> memref<1x8x64xf32, #tpu.memory_space<hbm>>
    %dma_start3A_787 = tpu.memref_squeeze %dma_start3A_786 : memref<1x8x64xf32, #tpu.memory_space<hbm>> -> memref<8x64xf32, #tpu.memory_space<hbm>>
    tpu.enqueue_dma source(%dma_start3A_787 : memref<8x64xf32, #tpu.memory_space<hbm>>) target(%dma_start3A_782 : memref<8x64xf32, #tpu.memory_space<vmem>>) target_semaphore(%arg15 : memref<!tpu.dma_semaphore, #tpu.memory_space<semaphore_mem>>)
    %scan3A = arith.constant 0 : i32
    %scan3A_788 = arith.constant 0 : i32
    %scan3A_789 = arith.constant 32 : i32
    %scan3A_790 = arith.addi %scan3A_788, %scan3A_789 : i32
    %scan3A_791 = arith.constant 1 : i32
    scf.for %scan3A_793 = %scan3A_788 to %scan3A_790 step %scan3A_791  : i32 {
      %add3A_794 = arith.constant 1 : i32
      %add3A_795 = arith.addi %scan3A_793, %add3A_794 : i32
      %lt3A = arith.constant 32 : i32
      %lt3A_796 = arith.cmpi slt, %add3A_795, %lt3A : i32
      %convert_element_type3A = arith.extui %lt3A_796 : i1 to i32
      %cond3A = arith.constant 0 : i32
      %cond3A_797 = arith.cmpi ne, %convert_element_type3A, %cond3A : i32
      scf.if %cond3A_797 {
        %add3A_2528 = arith.constant 1 : i32
        %add3A_2529 = arith.addi %scan3A_793, %add3A_2528 : i32
        %rem3A_2530 = arith.constant 2 : i32
        %rem3A_2531 = arith.remsi %add3A_2529, %rem3A_2530 : i32
        %mul3A_2532 = arith.constant 16 : i32
        %mul3A_2533 = arith.muli %add3A_2529, %mul3A_2532 : i32
        %get3A_2534 = arith.index_cast %mul3A_2533 : i32 to index
        %get3A_2535 = tpu.vector_load %arg8[%get3A_2534] {strides = array<i32>} : memref<512xi32, #tpu.memory_space<vmem>>, vector<16xi32>,
        %shift_right_arithmetic3A_2536 = arith.constant 3 : i32
        %shift_right_arithmetic3A_2537 = vector.broadcast %shift_right_arithmetic3A_2536 : i32 to vector<16xi32>
        %shift_right_arithmetic3A_2538 = arith.shrsi %get3A_2535, %shift_right_arithmetic3A_2537 : vector<16xi32>
        %mul3A_2539 = arith.constant 16 : i32
        %mul3A_2540 = arith.muli %add3A_2529, %mul3A_2539 : i32
        %get3A_2541 = arith.index_cast %mul3A_2540 : i32 to index
        %get3A_2542 = tpu.vector_load %arg9[%get3A_2541] {strides = array<i32>} : memref<512xi32, #tpu.memory_space<vmem>>, vector<16xi32>,
        %shift_right_arithmetic3A_2543 = arith.constant 3 : i32
        %shift_right_arithmetic3A_2544 = vector.broadcast %shift_right_arithmetic3A_2543 : i32 to vector<16xi32>
        %shift_right_arithmetic3A_2545 = arith.shrsi %get3A_2542, %shift_right_arithmetic3A_2544 : vector<16xi32>
        %slice3A_2546 = vector.extract_strided_slice %shift_right_arithmetic3A_2538 {offsets = [0], sizes = [1], strides = [1]} : vector<16xi32> to vector<1xi32>
        %squeeze3A_2547 = vector.extract %slice3A_2546[0] : i32 from vector<1xi32>
        %mul3A_2548 = arith.constant 16 : i32
        %mul3A_2549 = arith.muli %rem3A_2531, %mul3A_2548 : i32
        %add3A_2550 = arith.constant 0 : i32
        %add3A_2551 = arith.addi %mul3A_2549, %add3A_2550 : i32
        %dma_start3A_2552 = arith.constant 0 : i32
        %dma_start3A_2553 = arith.constant 0 : i32
        %dma_start3A_2554 = tpu.memref_slice %arg10[%add3A_2551, %dma_start3A_2552, %dma_start3A_2553] : memref<32x8x64xf32, #tpu.memory_space<vmem>> -> memref<1x8x64xf32, #tpu.memory_space<vmem>>
        %dma_start3A_2555 = tpu.memref_squeeze %dma_start3A_2554 : memref<1x8x64xf32, #tpu.memory_space<vmem>> -> memref<8x64xf32, #tpu.memory_space<vmem>>
        %dma_start3A_2556 = tpu.memref_reshape %arg4 : memref<1000000x64xf32, #tpu.memory_space<hbm>> -> memref<125000x8x64xf32, #tpu.memory_space<hbm>>
        %dma_start3A_2557 = arith.constant 0 : i32
        %dma_start3A_2558 = arith.constant 0 : i32
        %dma_start3A_2559 = tpu.memref_slice %dma_start3A_2556[%squeeze3A_2547, %dma_start3A_2557, %dma_start3A_2558] : memref<125000x8x64xf32, #tpu.memory_space<hbm>> -> memref<1x8x64xf32, #tpu.memory_space<hbm>>
        %dma_start3A_2560 = tpu.memref_squeeze %dma_start3A_2559 : memref<1x8x64xf32, #tpu.memory_space<hbm>> -> memref<8x64xf32, #tpu.memory_space<hbm>>
        %dma_start3A_2561 = arith.constant 0 : i32
        %dma_start3A_2562 = arith.constant 0 : i32
        %dma_start3A_2563 = tpu.memref_slice %arg10[%add3A_2551, %dma_start3A_2561, %dma_start3A_2562] : memref<32x8x64xf32, #tpu.memory_space<vmem>> -> memref<1x8x64xf32, #tpu.memory_space<vmem>>
        %dma_start3A_2564 = tpu.memref_squeeze %dma_start3A_2563 : memref<1x8x64xf32, #tpu.memory_space<vmem>> -> memref<8x64xf32, #tpu.memory_space<vmem>>
        %dma_start3A_2565 = tpu.memref_reshape %arg4 : memref<1000000x64xf32, #tpu.memory_space<hbm>> -> memref<125000x8x64xf32, #tpu.memory_space<hbm>>
        %dma_start3A_2566 = arith.constant 0 : i32
        %dma_start3A_2567 = arith.constant 0 : i32
        %dma_start3A_2568 = tpu.memref_slice %dma_start3A_2565[%squeeze3A_2547, %dma_start3A_2566, %dma_start3A_2567] : memref<125000x8x64xf32, #tpu.memory_space<hbm>> -> memref<1x8x64xf32, #tpu.memory_space<hbm>>
        %dma_start3A_2569 = tpu.memref_squeeze %dma_start3A_2568 : memref<1x8x64xf32, #tpu.memory_space<hbm>> -> memref<8x64xf32, #tpu.memory_space<hbm>>
        tpu.enqueue_dma source(%dma_start3A_2569 : memref<8x64xf32, #tpu.memory_space<hbm>>) target(%dma_start3A_2564 : memref<8x64xf32, #tpu.memory_space<vmem>>) target_semaphore(%arg15 : memref<!tpu.dma_semaphore, #tpu.memory_space<semaphore_mem>>)
        %slice3A_2570 = vector.extract_strided_slice %shift_right_arithmetic3A_2545 {offsets = [0], sizes = [1], strides = [1]} : vector<16xi32> to vector<1xi32>
        %squeeze3A_2571 = vector.extract %slice3A_2570[0] : i32 from vector<1xi32>
        %mul3A_2572 = arith.constant 16 : i32
        %mul3A_2573 = arith.muli %rem3A_2531, %mul3A_2572 : i32
        %add3A_2574 = arith.constant 0 : i32
        %add3A_2575 = arith.addi %mul3A_2573, %add3A_2574 : i32
        %dma_start3A_2576 = arith.constant 0 : i32
        %dma_start3A_2577 = arith.constant 0 : i32
        %dma_start3A_2578 = tpu.memref_slice %arg11[%add3A_2575, %dma_start3A_2576, %dma_start3A_2577] : memref<32x8x64xf32, #tpu.memory_space<vmem>> -> memref<1x8x64xf32, #tpu.memory_space<vmem>>
        %dma_start3A_2579 = tpu.memref_squeeze %dma_start3A_2578 : memref<1x8x64xf32, #tpu.memory_space<vmem>> -> memref<8x64xf32, #tpu.memory_space<vmem>>
        %dma_start3A_2580 = tpu.memref_reshape %arg5 : memref<1000000x64xf32, #tpu.memory_space<hbm>> -> memref<125000x8x64xf32, #tpu.memory_space<hbm>>
        %dma_start3A_2581 = arith.constant 0 : i32
        %dma_start3A_2582 = arith.constant 0 : i32
        %dma_start3A_2583 = tpu.memref_slice %dma_start3A_2580[%squeeze3A_2571, %dma_start3A_2581, %dma_start3A_2582] : memref<125000x8x64xf32, #tpu.memory_space<hbm>> -> memref<1x8x64xf32, #tpu.memory_space<hbm>>
        %dma_start3A_2584 = tpu.memref_squeeze %dma_start3A_2583 : memref<1x8x64xf32, #tpu.memory_space<hbm>> -> memref<8x64xf32, #tpu.memory_space<hbm>>
        %dma_start3A_2585 = arith.constant 0 : i32
        %dma_start3A_2586 = arith.constant 0 : i32
        %dma_start3A_2587 = tpu.memref_slice %arg11[%add3A_2575, %dma_start3A_2585, %dma_start3A_2586] : memref<32x8x64xf32, #tpu.memory_space<vmem>> -> memref<1x8x64xf32, #tpu.memory_space<vmem>>
        %dma_start3A_2588 = tpu.memref_squeeze %dma_start3A_2587 : memref<1x8x64xf32, #tpu.memory_space<vmem>> -> memref<8x64xf32, #tpu.memory_space<vmem>>
        %dma_start3A_2589 = tpu.memref_reshape %arg5 : memref<1000000x64xf32, #tpu.memory_space<hbm>> -> memref<125000x8x64xf32, #tpu.memory_space<hbm>>
        %dma_start3A_2590 = arith.constant 0 : i32
        %dma_start3A_2591 = arith.constant 0 : i32
        %dma_start3A_2592 = tpu.memref_slice %dma_start3A_2589[%squeeze3A_2571, %dma_start3A_2590, %dma_start3A_2591] : memref<125000x8x64xf32, #tpu.memory_space<hbm>> -> memref<1x8x64xf32, #tpu.memory_space<hbm>>
        %dma_start3A_2593 = tpu.memref_squeeze %dma_start3A_2592 : memref<1x8x64xf32, #tpu.memory_space<hbm>> -> memref<8x64xf32, #tpu.memory_space<hbm>>
        tpu.enqueue_dma source(%dma_start3A_2593 : memref<8x64xf32, #tpu.memory_space<hbm>>) target(%dma_start3A_2588 : memref<8x64xf32, #tpu.memory_space<vmem>>) target_semaphore(%arg15 : memref<!tpu.dma_semaphore, #tpu.memory_space<semaphore_mem>>)
        %slice3A_2594 = vector.extract_strided_slice %shift_right_arithmetic3A_2538 {offsets = [1], sizes = [1], strides = [1]} : vector<16xi32> to vector<1xi32>
        %squeeze3A_2595 = vector.extract %slice3A_2594[0] : i32 from vector<1xi32>
        %mul3A_2596 = arith.constant 16 : i32
        %mul3A_2597 = arith.muli %rem3A_2531, %mul3A_2596 : i32
        %add3A_2598 = arith.constant 1 : i32
        %add3A_2599 = arith.addi %mul3A_2597, %add3A_2598 : i32
        %dma_start3A_2600 = arith.constant 0 : i32
        %dma_start3A_2601 = arith.constant 0 : i32
        %dma_start3A_2602 = tpu.memref_slice %arg10[%add3A_2599, %dma_start3A_2600, %dma_start3A_2601] : memref<32x8x64xf32, #tpu.memory_space<vmem>> -> memref<1x8x64xf32, #tpu.memory_space<vmem>>
        %dma_start3A_2603 = tpu.memref_squeeze %dma_start3A_2602 : memref<1x8x64xf32, #tpu.memory_space<vmem>> -> memref<8x64xf32, #tpu.memory_space<vmem>>
        %dma_start3A_2604 = tpu.memref_reshape %arg4 : memref<1000000x64xf32, #tpu.memory_space<hbm>> -> memref<125000x8x64xf32, #tpu.memory_space<hbm>>
        %dma_start3A_2605 = arith.constant 0 : i32
        %dma_start3A_2606 = arith.constant 0 : i32
        %dma_start3A_2607 = tpu.memref_slice %dma_start3A_2604[%squeeze3A_2595, %dma_start3A_2605, %dma_start3A_2606] : memref<125000x8x64xf32, #tpu.memory_space<hbm>> -> memref<1x8x64xf32, #tpu.memory_space<hbm>>
        %dma_start3A_2608 = tpu.memref_squeeze %dma_start3A_2607 : memref<1x8x64xf32, #tpu.memory_space<hbm>> -> memref<8x64xf32, #tpu.memory_space<hbm>>
        %dma_start3A_2609 = arith.constant 0 : i32
        %dma_start3A_2610 = arith.constant 0 : i32
        %dma_start3A_2611 = tpu.memref_slice %arg10[%add3A_2599, %dma_start3A_2609, %dma_start3A_2610] : memref<32x8x64xf32, #tpu.memory_space<vmem>> -> memref<1x8x64xf32, #tpu.memory_space<vmem>>
        %dma_start3A_2612 = tpu.memref_squeeze %dma_start3A_2611 : memref<1x8x64xf32, #tpu.memory_space<vmem>> -> memref<8x64xf32, #tpu.memory_space<vmem>>
        %dma_start3A_2613 = tpu.memref_reshape %arg4 : memref<1000000x64xf32, #tpu.memory_space<hbm>> -> memref<125000x8x64xf32, #tpu.memory_space<hbm>>
        %dma_start3A_2614 = arith.constant 0 : i32
        %dma_start3A_2615 = arith.constant 0 : i32
        %dma_start3A_2616 = tpu.memref_slice %dma_start3A_2613[%squeeze3A_2595, %dma_start3A_2614, %dma_start3A_2615] : memref<125000x8x64xf32, #tpu.memory_space<hbm>> -> memref<1x8x64xf32, #tpu.memory_space<hbm>>
        %dma_start3A_2617 = tpu.memref_squeeze %dma_start3A_2616 : memref<1x8x64xf32, #tpu.memory_space<hbm>> -> memref<8x64xf32, #tpu.memory_space<hbm>>
        tpu.enqueue_dma source(%dma_start3A_2617 : memref<8x64xf32, #tpu.memory_space<hbm>>) target(%dma_start3A_2612 : memref<8x64xf32, #tpu.memory_space<vmem>>) target_semaphore(%arg15 : memref<!tpu.dma_semaphore, #tpu.memory_space<semaphore_mem>>)
        %slice3A_2618 = vector.extract_strided_slice %shift_right_arithmetic3A_2545 {offsets = [1], sizes = [1], strides = [1]} : vector<16xi32> to vector<1xi32>
        %squeeze3A_2619 = vector.extract %slice3A_2618[0] : i32 from vector<1xi32>
        %mul3A_2620 = arith.constant 16 : i32
        %mul3A_2621 = arith.muli %rem3A_2531, %mul3A_2620 : i32
        %add3A_2622 = arith.constant 1 : i32
        %add3A_2623 = arith.addi %mul3A_2621, %add3A_2622 : i32
        %dma_start3A_2624 = arith.constant 0 : i32
        %dma_start3A_2625 = arith.constant 0 : i32
        %dma_start3A_2626 = tpu.memref_slice %arg11[%add3A_2623, %dma_start3A_2624, %dma_start3A_2625] : memref<32x8x64xf32, #tpu.memory_space<vmem>> -> memref<1x8x64xf32, #tpu.memory_space<vmem>>
        %dma_start3A_2627 = tpu.memref_squeeze %dma_start3A_2626 : memref<1x8x64xf32, #tpu.memory_space<vmem>> -> memref<8x64xf32, #tpu.memory_space<vmem>>
        %dma_start3A_2628 = tpu.memref_reshape %arg5 : memref<1000000x64xf32, #tpu.memory_space<hbm>> -> memref<125000x8x64xf32, #tpu.memory_space<hbm>>
        %dma_start3A_2629 = arith.constant 0 : i32
        %dma_start3A_2630 = arith.constant 0 : i32
        %dma_start3A_2631 = tpu.memref_slice %dma_start3A_2628[%squeeze3A_2619, %dma_start3A_2629, %dma_start3A_2630] : memref<125000x8x64xf32, #tpu.memory_space<hbm>> -> memref<1x8x64xf32, #tpu.memory_space<hbm>>
        %dma_start3A_2632 = tpu.memref_squeeze %dma_start3A_2631 : memref<1x8x64xf32, #tpu.memory_space<hbm>> -> memref<8x64xf32, #tpu.memory_space<hbm>>
        %dma_start3A_2633 = arith.constant 0 : i32
        %dma_start3A_2634 = arith.constant 0 : i32
        %dma_start3A_2635 = tpu.memref_slice %arg11[%add3A_2623, %dma_start3A_2633, %dma_start3A_2634] : memref<32x8x64xf32, #tpu.memory_space<vmem>> -> memref<1x8x64xf32, #tpu.memory_space<vmem>>
        %dma_start3A_2636 = tpu.memref_squeeze %dma_start3A_2635 : memref<1x8x64xf32, #tpu.memory_space<vmem>> -> memref<8x64xf32, #tpu.memory_space<vmem>>
        %dma_start3A_2637 = tpu.memref_reshape %arg5 : memref<1000000x64xf32, #tpu.memory_space<hbm>> -> memref<125000x8x64xf32, #tpu.memory_space<hbm>>
        %dma_start3A_2638 = arith.constant 0 : i32
        %dma_start3A_2639 = arith.constant 0 : i32
        %dma_start3A_2640 = tpu.memref_slice %dma_start3A_2637[%squeeze3A_2619, %dma_start3A_2638, %dma_start3A_2639] : memref<125000x8x64xf32, #tpu.memory_space<hbm>> -> memref<1x8x64xf32, #tpu.memory_space<hbm>>
        %dma_start3A_2641 = tpu.memref_squeeze %dma_start3A_2640 : memref<1x8x64xf32, #tpu.memory_space<hbm>> -> memref<8x64xf32, #tpu.memory_space<hbm>>
        tpu.enqueue_dma source(%dma_start3A_2641 : memref<8x64xf32, #tpu.memory_space<hbm>>) target(%dma_start3A_2636 : memref<8x64xf32, #tpu.memory_space<vmem>>) target_semaphore(%arg15 : memref<!tpu.dma_semaphore, #tpu.memory_space<semaphore_mem>>)
        %slice3A_2642 = vector.extract_strided_slice %shift_right_arithmetic3A_2538 {offsets = [2], sizes = [1], strides = [1]} : vector<16xi32> to vector<1xi32>
        %squeeze3A_2643 = vector.extract %slice3A_2642[0] : i32 from vector<1xi32>
        %mul3A_2644 = arith.constant 16 : i32
        %mul3A_2645 = arith.muli %rem3A_2531, %mul3A_2644 : i32
        %add3A_2646 = arith.constant 2 : i32
        %add3A_2647 = arith.addi %mul3A_2645, %add3A_2646 : i32
        %dma_start3A_2648 = arith.constant 0 : i32
        %dma_start3A_2649 = arith.constant 0 : i32
        %dma_start3A_2650 = tpu.memref_slice %arg10[%add3A_2647, %dma_start3A_2648, %dma_start3A_2649] : memref<32x8x64xf32, #tpu.memory_space<vmem>> -> memref<1x8x64xf32, #tpu.memory_space<vmem>>
        %dma_start3A_2651 = tpu.memref_squeeze %dma_start3A_2650 : memref<1x8x64xf32, #tpu.memory_space<vmem>> -> memref<8x64xf32, #tpu.memory_space<vmem>>
        %dma_start3A_2652 = tpu.memref_reshape %arg4 : memref<1000000x64xf32, #tpu.memory_space<hbm>> -> memref<125000x8x64xf32, #tpu.memory_space<hbm>>
        %dma_start3A_2653 = arith.constant 0 : i32
        %dma_start3A_2654 = arith.constant 0 : i32
        %dma_start3A_2655 = tpu.memref_slice %dma_start3A_2652[%squeeze3A_2643, %dma_start3A_2653, %dma_start3A_2654] : memref<125000x8x64xf32, #tpu.memory_space<hbm>> -> memref<1x8x64xf32, #tpu.memory_space<hbm>>
        %dma_start3A_2656 = tpu.memref_squeeze %dma_start3A_2655 : memref<1x8x64xf32, #tpu.memory_space<hbm>> -> memref<8x64xf32, #tpu.memory_space<hbm>>
        %dma_start3A_2657 = arith.constant 0 : i32
        %dma_start3A_2658 = arith.constant 0 : i32
        %dma_start3A_2659 = tpu.memref_slice %arg10[%add3A_2647, %dma_start3A_2657, %dma_start3A_2658] : memref<32x8x64xf32, #tpu.memory_space<vmem>> -> memref<1x8x64xf32, #tpu.memory_space<vmem>>
        %dma_start3A_2660 = tpu.memref_squeeze %dma_start3A_2659 : memref<1x8x64xf32, #tpu.memory_space<vmem>> -> memref<8x64xf32, #tpu.memory_space<vmem>>
        %dma_start3A_2661 = tpu.memref_reshape %arg4 : memref<1000000x64xf32, #tpu.memory_space<hbm>> -> memref<125000x8x64xf32, #tpu.memory_space<hbm>>
        %dma_start3A_2662 = arith.constant 0 : i32
        %dma_start3A_2663 = arith.constant 0 : i32
        %dma_start3A_2664 = tpu.memref_slice %dma_start3A_2661[%squeeze3A_2643, %dma_start3A_2662, %dma_start3A_2663] : memref<125000x8x64xf32, #tpu.memory_space<hbm>> -> memref<1x8x64xf32, #tpu.memory_space<hbm>>
        %dma_start3A_2665 = tpu.memref_squeeze %dma_start3A_2664 : memref<1x8x64xf32, #tpu.memory_space<hbm>> -> memref<8x64xf32, #tpu.memory_space<hbm>>
        tpu.enqueue_dma source(%dma_start3A_2665 : memref<8x64xf32, #tpu.memory_space<hbm>>) target(%dma_start3A_2660 : memref<8x64xf32, #tpu.memory_space<vmem>>) target_semaphore(%arg15 : memref<!tpu.dma_semaphore, #tpu.memory_space<semaphore_mem>>)
        %slice3A_2666 = vector.extract_strided_slice %shift_right_arithmetic3A_2545 {offsets = [2], sizes = [1], strides = [1]} : vector<16xi32> to vector<1xi32>
        %squeeze3A_2667 = vector.extract %slice3A_2666[0] : i32 from vector<1xi32>
        %mul3A_2668 = arith.constant 16 : i32
        %mul3A_2669 = arith.muli %rem3A_2531, %mul3A_2668 : i32
        %add3A_2670 = arith.constant 2 : i32
        %add3A_2671 = arith.addi %mul3A_2669, %add3A_2670 : i32
        %dma_start3A_2672 = arith.constant 0 : i32
        %dma_start3A_2673 = arith.constant 0 : i32
        %dma_start3A_2674 = tpu.memref_slice %arg11[%add3A_2671, %dma_start3A_2672, %dma_start3A_2673] : memref<32x8x64xf32, #tpu.memory_space<vmem>> -> memref<1x8x64xf32, #tpu.memory_space<vmem>>
        %dma_start3A_2675 = tpu.memref_squeeze %dma_start3A_2674 : memref<1x8x64xf32, #tpu.memory_space<vmem>> -> memref<8x64xf32, #tpu.memory_space<vmem>>
        %dma_start3A_2676 = tpu.memref_reshape %arg5 : memref<1000000x64xf32, #tpu.memory_space<hbm>> -> memref<125000x8x64xf32, #tpu.memory_space<hbm>>
        %dma_start3A_2677 = arith.constant 0 : i32
        %dma_start3A_2678 = arith.constant 0 : i32
        %dma_start3A_2679 = tpu.memref_slice %dma_start3A_2676[%squeeze3A_2667, %dma_start3A_2677, %dma_start3A_2678] : memref<125000x8x64xf32, #tpu.memory_space<hbm>> -> memref<1x8x64xf32, #tpu.memory_space<hbm>>
        %dma_start3A_2680 = tpu.memref_squeeze %dma_start3A_2679 : memref<1x8x64xf32, #tpu.memory_space<hbm>> -> memref<8x64xf32, #tpu.memory_space<hbm>>
        %dma_start3A_2681 = arith.constant 0 : i32
        %dma_start3A_2682 = arith.constant 0 : i32
        %dma_start3A_2683 = tpu.memref_slice %arg11[%add3A_2671, %dma_start3A_2681, %dma_start3A_2682] : memref<32x8x64xf32, #tpu.memory_space<vmem>> -> memref<1x8x64xf32, #tpu.memory_space<vmem>>
        %dma_start3A_2684 = tpu.memref_squeeze %dma_start3A_2683 : memref<1x8x64xf32, #tpu.memory_space<vmem>> -> memref<8x64xf32, #tpu.memory_space<vmem>>
        %dma_start3A_2685 = tpu.memref_reshape %arg5 : memref<1000000x64xf32, #tpu.memory_space<hbm>> -> memref<125000x8x64xf32, #tpu.memory_space<hbm>>
        %dma_start3A_2686 = arith.constant 0 : i32
        %dma_start3A_2687 = arith.constant 0 : i32
        %dma_start3A_2688 = tpu.memref_slice %dma_start3A_2685[%squeeze3A_2667, %dma_start3A_2686, %dma_start3A_2687] : memref<125000x8x64xf32, #tpu.memory_space<hbm>> -> memref<1x8x64xf32, #tpu.memory_space<hbm>>
        %dma_start3A_2689 = tpu.memref_squeeze %dma_start3A_2688 : memref<1x8x64xf32, #tpu.memory_space<hbm>> -> memref<8x64xf32, #tpu.memory_space<hbm>>
        tpu.enqueue_dma source(%dma_start3A_2689 : memref<8x64xf32, #tpu.memory_space<hbm>>) target(%dma_start3A_2684 : memref<8x64xf32, #tpu.memory_space<vmem>>) target_semaphore(%arg15 : memref<!tpu.dma_semaphore, #tpu.memory_space<semaphore_mem>>)
        %slice3A_2690 = vector.extract_strided_slice %shift_right_arithmetic3A_2538 {offsets = [3], sizes = [1], strides = [1]} : vector<16xi32> to vector<1xi32>
        %squeeze3A_2691 = vector.extract %slice3A_2690[0] : i32 from vector<1xi32>
        %mul3A_2692 = arith.constant 16 : i32
        %mul3A_2693 = arith.muli %rem3A_2531, %mul3A_2692 : i32
        %add3A_2694 = arith.constant 3 : i32
        %add3A_2695 = arith.addi %mul3A_2693, %add3A_2694 : i32
        %dma_start3A_2696 = arith.constant 0 : i32
        %dma_start3A_2697 = arith.constant 0 : i32
        %dma_start3A_2698 = tpu.memref_slice %arg10[%add3A_2695, %dma_start3A_2696, %dma_start3A_2697] : memref<32x8x64xf32, #tpu.memory_space<vmem>> -> memref<1x8x64xf32, #tpu.memory_space<vmem>>
        %dma_start3A_2699 = tpu.memref_squeeze %dma_start3A_2698 : memref<1x8x64xf32, #tpu.memory_space<vmem>> -> memref<8x64xf32, #tpu.memory_space<vmem>>
        %dma_start3A_2700 = tpu.memref_reshape %arg4 : memref<1000000x64xf32, #tpu.memory_space<hbm>> -> memref<125000x8x64xf32, #tpu.memory_space<hbm>>
        %dma_start3A_2701 = arith.constant 0 : i32
        %dma_start3A_2702 = arith.constant 0 : i32
        %dma_start3A_2703 = tpu.memref_slice %dma_start3A_2700[%squeeze3A_2691, %dma_start3A_2701, %dma_start3A_2702] : memref<125000x8x64xf32, #tpu.memory_space<hbm>> -> memref<1x8x64xf32, #tpu.memory_space<hbm>>
        %dma_start3A_2704 = tpu.memref_squeeze %dma_start3A_2703 : memref<1x8x64xf32, #tpu.memory_space<hbm>> -> memref<8x64xf32, #tpu.memory_space<hbm>>
        %dma_start3A_2705 = arith.constant 0 : i32
        %dma_start3A_2706 = arith.constant 0 : i32
        %dma_start3A_2707 = tpu.memref_slice %arg10[%add3A_2695, %dma_start3A_2705, %dma_start3A_2706] : memref<32x8x64xf32, #tpu.memory_space<vmem>> -> memref<1x8x64xf32, #tpu.memory_space<vmem>>
        %dma_start3A_2708 = tpu.memref_squeeze %dma_start3A_2707 : memref<1x8x64xf32, #tpu.memory_space<vmem>> -> memref<8x64xf32, #tpu.memory_space<vmem>>
        %dma_start3A_2709 = tpu.memref_reshape %arg4 : memref<1000000x64xf32, #tpu.memory_space<hbm>> -> memref<125000x8x64xf32, #tpu.memory_space<hbm>>
        %dma_start3A_2710 = arith.constant 0 : i32
        %dma_start3A_2711 = arith.constant 0 : i32
        %dma_start3A_2712 = tpu.memref_slice %dma_start3A_2709[%squeeze3A_2691, %dma_start3A_2710, %dma_start3A_2711] : memref<125000x8x64xf32, #tpu.memory_space<hbm>> -> memref<1x8x64xf32, #tpu.memory_space<hbm>>
        %dma_start3A_2713 = tpu.memref_squeeze %dma_start3A_2712 : memref<1x8x64xf32, #tpu.memory_space<hbm>> -> memref<8x64xf32, #tpu.memory_space<hbm>>
        tpu.enqueue_dma source(%dma_start3A_2713 : memref<8x64xf32, #tpu.memory_space<hbm>>) target(%dma_start3A_2708 : memref<8x64xf32, #tpu.memory_space<vmem>>) target_semaphore(%arg15 : memref<!tpu.dma_semaphore, #tpu.memory_space<semaphore_mem>>)
        %slice3A_2714 = vector.extract_strided_slice %shift_right_arithmetic3A_2545 {offsets = [3], sizes = [1], strides = [1]} : vector<16xi32> to vector<1xi32>
        %squeeze3A_2715 = vector.extract %slice3A_2714[0] : i32 from vector<1xi32>
        %mul3A_2716 = arith.constant 16 : i32
        %mul3A_2717 = arith.muli %rem3A_2531, %mul3A_2716 : i32
        %add3A_2718 = arith.constant 3 : i32
        %add3A_2719 = arith.addi %mul3A_2717, %add3A_2718 : i32
        %dma_start3A_2720 = arith.constant 0 : i32
        %dma_start3A_2721 = arith.constant 0 : i32
        %dma_start3A_2722 = tpu.memref_slice %arg11[%add3A_2719, %dma_start3A_2720, %dma_start3A_2721] : memref<32x8x64xf32, #tpu.memory_space<vmem>> -> memref<1x8x64xf32, #tpu.memory_space<vmem>>
        %dma_start3A_2723 = tpu.memref_squeeze %dma_start3A_2722 : memref<1x8x64xf32, #tpu.memory_space<vmem>> -> memref<8x64xf32, #tpu.memory_space<vmem>>
        %dma_start3A_2724 = tpu.memref_reshape %arg5 : memref<1000000x64xf32, #tpu.memory_space<hbm>> -> memref<125000x8x64xf32, #tpu.memory_space<hbm>>
        %dma_start3A_2725 = arith.constant 0 : i32
        %dma_start3A_2726 = arith.constant 0 : i32
        %dma_start3A_2727 = tpu.memref_slice %dma_start3A_2724[%squeeze3A_2715, %dma_start3A_2725, %dma_start3A_2726] : memref<125000x8x64xf32, #tpu.memory_space<hbm>> -> memref<1x8x64xf32, #tpu.memory_space<hbm>>
        %dma_start3A_2728 = tpu.memref_squeeze %dma_start3A_2727 : memref<1x8x64xf32, #tpu.memory_space<hbm>> -> memref<8x64xf32, #tpu.memory_space<hbm>>
        %dma_start3A_2729 = arith.constant 0 : i32
        %dma_start3A_2730 = arith.constant 0 : i32
        %dma_start3A_2731 = tpu.memref_slice %arg11[%add3A_2719, %dma_start3A_2729, %dma_start3A_2730] : memref<32x8x64xf32, #tpu.memory_space<vmem>> -> memref<1x8x64xf32, #tpu.memory_space<vmem>>
        %dma_start3A_2732 = tpu.memref_squeeze %dma_start3A_2731 : memref<1x8x64xf32, #tpu.memory_space<vmem>> -> memref<8x64xf32, #tpu.memory_space<vmem>>
        %dma_start3A_2733 = tpu.memref_reshape %arg5 : memref<1000000x64xf32, #tpu.memory_space<hbm>> -> memref<125000x8x64xf32, #tpu.memory_space<hbm>>
        %dma_start3A_2734 = arith.constant 0 : i32
        %dma_start3A_2735 = arith.constant 0 : i32
        %dma_start3A_2736 = tpu.memref_slice %dma_start3A_2733[%squeeze3A_2715, %dma_start3A_2734, %dma_start3A_2735] : memref<125000x8x64xf32, #tpu.memory_space<hbm>> -> memref<1x8x64xf32, #tpu.memory_space<hbm>>
        %dma_start3A_2737 = tpu.memref_squeeze %dma_start3A_2736 : memref<1x8x64xf32, #tpu.memory_space<hbm>> -> memref<8x64xf32, #tpu.memory_space<hbm>>
        tpu.enqueue_dma source(%dma_start3A_2737 : memref<8x64xf32, #tpu.memory_space<hbm>>) target(%dma_start3A_2732 : memref<8x64xf32, #tpu.memory_space<vmem>>) target_semaphore(%arg15 : memref<!tpu.dma_semaphore, #tpu.memory_space<semaphore_mem>>)
        %slice3A_2738 = vector.extract_strided_slice %shift_right_arithmetic3A_2538 {offsets = [4], sizes = [1], strides = [1]} : vector<16xi32> to vector<1xi32>
        %squeeze3A_2739 = vector.extract %slice3A_2738[0] : i32 from vector<1xi32>
        %mul3A_2740 = arith.constant 16 : i32
        %mul3A_2741 = arith.muli %rem3A_2531, %mul3A_2740 : i32
        %add3A_2742 = arith.constant 4 : i32
        %add3A_2743 = arith.addi %mul3A_2741, %add3A_2742 : i32
        %dma_start3A_2744 = arith.constant 0 : i32
        %dma_start3A_2745 = arith.constant 0 : i32
        %dma_start3A_2746 = tpu.memref_slice %arg10[%add3A_2743, %dma_start3A_2744, %dma_start3A_2745] : memref<32x8x64xf32, #tpu.memory_space<vmem>> -> memref<1x8x64xf32, #tpu.memory_space<vmem>>
        %dma_start3A_2747 = tpu.memref_squeeze %dma_start3A_2746 : memref<1x8x64xf32, #tpu.memory_space<vmem>> -> memref<8x64xf32, #tpu.memory_space<vmem>>
        %dma_start3A_2748 = tpu.memref_reshape %arg4 : memref<1000000x64xf32, #tpu.memory_space<hbm>> -> memref<125000x8x64xf32, #tpu.memory_space<hbm>>
        %dma_start3A_2749 = arith.constant 0 : i32
        %dma_start3A_2750 = arith.constant 0 : i32
        %dma_start3A_2751 = tpu.memref_slice %dma_start3A_2748[%squeeze3A_2739, %dma_start3A_2749, %dma_start3A_2750] : memref<125000x8x64xf32, #tpu.memory_space<hbm>> -> memref<1x8x64xf32, #tpu.memory_space<hbm>>
        %dma_start3A_2752 = tpu.memref_squeeze %dma_start3A_2751 : memref<1x8x64xf32, #tpu.memory_space<hbm>> -> memref<8x64xf32, #tpu.memory_space<hbm>>
        %dma_start3A_2753 = arith.constant 0 : i32
        %dma_start3A_2754 = arith.constant 0 : i32
        %dma_start3A_2755 = tpu.memref_slice %arg10[%add3A_2743, %dma_start3A_2753, %dma_start3A_2754] : memref<32x8x64xf32, #tpu.memory_space<vmem>> -> memref<1x8x64xf32, #tpu.memory_space<vmem>>
        %dma_start3A_2756 = tpu.memref_squeeze %dma_start3A_2755 : memref<1x8x64xf32, #tpu.memory_space<vmem>> -> memref<8x64xf32, #tpu.memory_space<vmem>>
        %dma_start3A_2757 = tpu.memref_reshape %arg4 : memref<1000000x64xf32, #tpu.memory_space<hbm>> -> memref<125000x8x64xf32, #tpu.memory_space<hbm>>
        %dma_start3A_2758 = arith.constant 0 : i32
        %dma_start3A_2759 = arith.constant 0 : i32
        %dma_start3A_2760 = tpu.memref_slice %dma_start3A_2757[%squeeze3A_2739, %dma_start3A_2758, %dma_start3A_2759] : memref<125000x8x64xf32, #tpu.memory_space<hbm>> -> memref<1x8x64xf32, #tpu.memory_space<hbm>>
        %dma_start3A_2761 = tpu.memref_squeeze %dma_start3A_2760 : memref<1x8x64xf32, #tpu.memory_space<hbm>> -> memref<8x64xf32, #tpu.memory_space<hbm>>
        tpu.enqueue_dma source(%dma_start3A_2761 : memref<8x64xf32, #tpu.memory_space<hbm>>) target(%dma_start3A_2756 : memref<8x64xf32, #tpu.memory_space<vmem>>) target_semaphore(%arg15 : memref<!tpu.dma_semaphore, #tpu.memory_space<semaphore_mem>>)
        %slice3A_2762 = vector.extract_strided_slice %shift_right_arithmetic3A_2545 {offsets = [4], sizes = [1], strides = [1]} : vector<16xi32> to vector<1xi32>
        %squeeze3A_2763 = vector.extract %slice3A_2762[0] : i32 from vector<1xi32>
        %mul3A_2764 = arith.constant 16 : i32
        %mul3A_2765 = arith.muli %rem3A_2531, %mul3A_2764 : i32
        %add3A_2766 = arith.constant 4 : i32
        %add3A_2767 = arith.addi %mul3A_2765, %add3A_2766 : i32
        %dma_start3A_2768 = arith.constant 0 : i32
        %dma_start3A_2769 = arith.constant 0 : i32
        %dma_start3A_2770 = tpu.memref_slice %arg11[%add3A_2767, %dma_start3A_2768, %dma_start3A_2769] : memref<32x8x64xf32, #tpu.memory_space<vmem>> -> memref<1x8x64xf32, #tpu.memory_space<vmem>>
        %dma_start3A_2771 = tpu.memref_squeeze %dma_start3A_2770 : memref<1x8x64xf32, #tpu.memory_space<vmem>> -> memref<8x64xf32, #tpu.memory_space<vmem>>
        %dma_start3A_2772 = tpu.memref_reshape %arg5 : memref<1000000x64xf32, #tpu.memory_space<hbm>> -> memref<125000x8x64xf32, #tpu.memory_space<hbm>>
        %dma_start3A_2773 = arith.constant 0 : i32
        %dma_start3A_2774 = arith.constant 0 : i32
        %dma_start3A_2775 = tpu.memref_slice %dma_start3A_2772[%squeeze3A_2763, %dma_start3A_2773, %dma_start3A_2774] : memref<125000x8x64xf32, #tpu.memory_space<hbm>> -> memref<1x8x64xf32, #tpu.memory_space<hbm>>
        %dma_start3A_2776 = tpu.memref_squeeze %dma_start3A_2775 : memref<1x8x64xf32, #tpu.memory_space<hbm>> -> memref<8x64xf32, #tpu.memory_space<hbm>>
        %dma_start3A_2777 = arith.constant 0 : i32
        %dma_start3A_2778 = arith.constant 0 : i32
        %dma_start3A_2779 = tpu.memref_slice %arg11[%add3A_2767, %dma_start3A_2777, %dma_start3A_2778] : memref<32x8x64xf32, #tpu.memory_space<vmem>> -> memref<1x8x64xf32, #tpu.memory_space<vmem>>
        %dma_start3A_2780 = tpu.memref_squeeze %dma_start3A_2779 : memref<1x8x64xf32, #tpu.memory_space<vmem>> -> memref<8x64xf32, #tpu.memory_space<vmem>>
        %dma_start3A_2781 = tpu.memref_reshape %arg5 : memref<1000000x64xf32, #tpu.memory_space<hbm>> -> memref<125000x8x64xf32, #tpu.memory_space<hbm>>
        %dma_start3A_2782 = arith.constant 0 : i32
        %dma_start3A_2783 = arith.constant 0 : i32
        %dma_start3A_2784 = tpu.memref_slice %dma_start3A_2781[%squeeze3A_2763, %dma_start3A_2782, %dma_start3A_2783] : memref<125000x8x64xf32, #tpu.memory_space<hbm>> -> memref<1x8x64xf32, #tpu.memory_space<hbm>>
        %dma_start3A_2785 = tpu.memref_squeeze %dma_start3A_2784 : memref<1x8x64xf32, #tpu.memory_space<hbm>> -> memref<8x64xf32, #tpu.memory_space<hbm>>
        tpu.enqueue_dma source(%dma_start3A_2785 : memref<8x64xf32, #tpu.memory_space<hbm>>) target(%dma_start3A_2780 : memref<8x64xf32, #tpu.memory_space<vmem>>) target_semaphore(%arg15 : memref<!tpu.dma_semaphore, #tpu.memory_space<semaphore_mem>>)
        %slice3A_2786 = vector.extract_strided_slice %shift_right_arithmetic3A_2538 {offsets = [5], sizes = [1], strides = [1]} : vector<16xi32> to vector<1xi32>
        %squeeze3A_2787 = vector.extract %slice3A_2786[0] : i32 from vector<1xi32>
        %mul3A_2788 = arith.constant 16 : i32
        %mul3A_2789 = arith.muli %rem3A_2531, %mul3A_2788 : i32
        %add3A_2790 = arith.constant 5 : i32
        %add3A_2791 = arith.addi %mul3A_2789, %add3A_2790 : i32
        %dma_start3A_2792 = arith.constant 0 : i32
        %dma_start3A_2793 = arith.constant 0 : i32
        %dma_start3A_2794 = tpu.memref_slice %arg10[%add3A_2791, %dma_start3A_2792, %dma_start3A_2793] : memref<32x8x64xf32, #tpu.memory_space<vmem>> -> memref<1x8x64xf32, #tpu.memory_space<vmem>>
        %dma_start3A_2795 = tpu.memref_squeeze %dma_start3A_2794 : memref<1x8x64xf32, #tpu.memory_space<vmem>> -> memref<8x64xf32, #tpu.memory_space<vmem>>
        %dma_start3A_2796 = tpu.memref_reshape %arg4 : memref<1000000x64xf32, #tpu.memory_space<hbm>> -> memref<125000x8x64xf32, #tpu.memory_space<hbm>>
        %dma_start3A_2797 = arith.constant 0 : i32
        %dma_start3A_2798 = arith.constant 0 : i32
        %dma_start3A_2799 = tpu.memref_slice %dma_start3A_2796[%squeeze3A_2787, %dma_start3A_2797, %dma_start3A_2798] : memref<125000x8x64xf32, #tpu.memory_space<hbm>> -> memref<1x8x64xf32, #tpu.memory_space<hbm>>
        %dma_start3A_2800 = tpu.memref_squeeze %dma_start3A_2799 : memref<1x8x64xf32, #tpu.memory_space<hbm>> -> memref<8x64xf32, #tpu.memory_space<hbm>>
        %dma_start3A_2801 = arith.constant 0 : i32
        %dma_start3A_2802 = arith.constant 0 : i32
        %dma_start3A_2803 = tpu.memref_slice %arg10[%add3A_2791, %dma_start3A_2801, %dma_start3A_2802] : memref<32x8x64xf32, #tpu.memory_space<vmem>> -> memref<1x8x64xf32, #tpu.memory_space<vmem>>
        %dma_start3A_2804 = tpu.memref_squeeze %dma_start3A_2803 : memref<1x8x64xf32, #tpu.memory_space<vmem>> -> memref<8x64xf32, #tpu.memory_space<vmem>>
        %dma_start3A_2805 = tpu.memref_reshape %arg4 : memref<1000000x64xf32, #tpu.memory_space<hbm>> -> memref<125000x8x64xf32, #tpu.memory_space<hbm>>
        %dma_start3A_2806 = arith.constant 0 : i32
        %dma_start3A_2807 = arith.constant 0 : i32
        %dma_start3A_2808 = tpu.memref_slice %dma_start3A_2805[%squeeze3A_2787, %dma_start3A_2806, %dma_start3A_2807] : memref<125000x8x64xf32, #tpu.memory_space<hbm>> -> memref<1x8x64xf32, #tpu.memory_space<hbm>>
        %dma_start3A_2809 = tpu.memref_squeeze %dma_start3A_2808 : memref<1x8x64xf32, #tpu.memory_space<hbm>> -> memref<8x64xf32, #tpu.memory_space<hbm>>
        tpu.enqueue_dma source(%dma_start3A_2809 : memref<8x64xf32, #tpu.memory_space<hbm>>) target(%dma_start3A_2804 : memref<8x64xf32, #tpu.memory_space<vmem>>) target_semaphore(%arg15 : memref<!tpu.dma_semaphore, #tpu.memory_space<semaphore_mem>>)
        %slice3A_2810 = vector.extract_strided_slice %shift_right_arithmetic3A_2545 {offsets = [5], sizes = [1], strides = [1]} : vector<16xi32> to vector<1xi32>
        %squeeze3A_2811 = vector.extract %slice3A_2810[0] : i32 from vector<1xi32>
        %mul3A_2812 = arith.constant 16 : i32
        %mul3A_2813 = arith.muli %rem3A_2531, %mul3A_2812 : i32
        %add3A_2814 = arith.constant 5 : i32
        %add3A_2815 = arith.addi %mul3A_2813, %add3A_2814 : i32
        %dma_start3A_2816 = arith.constant 0 : i32
        %dma_start3A_2817 = arith.constant 0 : i32
        %dma_start3A_2818 = tpu.memref_slice %arg11[%add3A_2815, %dma_start3A_2816, %dma_start3A_2817] : memref<32x8x64xf32, #tpu.memory_space<vmem>> -> memref<1x8x64xf32, #tpu.memory_space<vmem>>
        %dma_start3A_2819 = tpu.memref_squeeze %dma_start3A_2818 : memref<1x8x64xf32, #tpu.memory_space<vmem>> -> memref<8x64xf32, #tpu.memory_space<vmem>>
        %dma_start3A_2820 = tpu.memref_reshape %arg5 : memref<1000000x64xf32, #tpu.memory_space<hbm>> -> memref<125000x8x64xf32, #tpu.memory_space<hbm>>
        %dma_start3A_2821 = arith.constant 0 : i32
        %dma_start3A_2822 = arith.constant 0 : i32
        %dma_start3A_2823 = tpu.memref_slice %dma_start3A_2820[%squeeze3A_2811, %dma_start3A_2821, %dma_start3A_2822] : memref<125000x8x64xf32, #tpu.memory_space<hbm>> -> memref<1x8x64xf32, #tpu.memory_space<hbm>>
        %dma_start3A_2824 = tpu.memref_squeeze %dma_start3A_2823 : memref<1x8x64xf32, #tpu.memory_space<hbm>> -> memref<8x64xf32, #tpu.memory_space<hbm>>
        %dma_start3A_2825 = arith.constant 0 : i32
        %dma_start3A_2826 = arith.constant 0 : i32
        %dma_start3A_2827 = tpu.memref_slice %arg11[%add3A_2815, %dma_start3A_2825, %dma_start3A_2826] : memref<32x8x64xf32, #tpu.memory_space<vmem>> -> memref<1x8x64xf32, #tpu.memory_space<vmem>>
        %dma_start3A_2828 = tpu.memref_squeeze %dma_start3A_2827 : memref<1x8x64xf32, #tpu.memory_space<vmem>> -> memref<8x64xf32, #tpu.memory_space<vmem>>
        %dma_start3A_2829 = tpu.memref_reshape %arg5 : memref<1000000x64xf32, #tpu.memory_space<hbm>> -> memref<125000x8x64xf32, #tpu.memory_space<hbm>>
        %dma_start3A_2830 = arith.constant 0 : i32
        %dma_start3A_2831 = arith.constant 0 : i32
        %dma_start3A_2832 = tpu.memref_slice %dma_start3A_2829[%squeeze3A_2811, %dma_start3A_2830, %dma_start3A_2831] : memref<125000x8x64xf32, #tpu.memory_space<hbm>> -> memref<1x8x64xf32, #tpu.memory_space<hbm>>
        %dma_start3A_2833 = tpu.memref_squeeze %dma_start3A_2832 : memref<1x8x64xf32, #tpu.memory_space<hbm>> -> memref<8x64xf32, #tpu.memory_space<hbm>>
        tpu.enqueue_dma source(%dma_start3A_2833 : memref<8x64xf32, #tpu.memory_space<hbm>>) target(%dma_start3A_2828 : memref<8x64xf32, #tpu.memory_space<vmem>>) target_semaphore(%arg15 : memref<!tpu.dma_semaphore, #tpu.memory_space<semaphore_mem>>)
        %slice3A_2834 = vector.extract_strided_slice %shift_right_arithmetic3A_2538 {offsets = [6], sizes = [1], strides = [1]} : vector<16xi32> to vector<1xi32>
        %squeeze3A_2835 = vector.extract %slice3A_2834[0] : i32 from vector<1xi32>
        %mul3A_2836 = arith.constant 16 : i32
        %mul3A_2837 = arith.muli %rem3A_2531, %mul3A_2836 : i32
        %add3A_2838 = arith.constant 6 : i32
        %add3A_2839 = arith.addi %mul3A_2837, %add3A_2838 : i32
        %dma_start3A_2840 = arith.constant 0 : i32
        %dma_start3A_2841 = arith.constant 0 : i32
        %dma_start3A_2842 = tpu.memref_slice %arg10[%add3A_2839, %dma_start3A_2840, %dma_start3A_2841] : memref<32x8x64xf32, #tpu.memory_space<vmem>> -> memref<1x8x64xf32, #tpu.memory_space<vmem>>
        %dma_start3A_2843 = tpu.memref_squeeze %dma_start3A_2842 : memref<1x8x64xf32, #tpu.memory_space<vmem>> -> memref<8x64xf32, #tpu.memory_space<vmem>>
        %dma_start3A_2844 = tpu.memref_reshape %arg4 : memref<1000000x64xf32, #tpu.memory_space<hbm>> -> memref<125000x8x64xf32, #tpu.memory_space<hbm>>
        %dma_start3A_2845 = arith.constant 0 : i32
        %dma_start3A_2846 = arith.constant 0 : i32
        %dma_start3A_2847 = tpu.memref_slice %dma_start3A_2844[%squeeze3A_2835, %dma_start3A_2845, %dma_start3A_2846] : memref<125000x8x64xf32, #tpu.memory_space<hbm>> -> memref<1x8x64xf32, #tpu.memory_space<hbm>>
        %dma_start3A_2848 = tpu.memref_squeeze %dma_start3A_2847 : memref<1x8x64xf32, #tpu.memory_space<hbm>> -> memref<8x64xf32, #tpu.memory_space<hbm>>
        %dma_start3A_2849 = arith.constant 0 : i32
        %dma_start3A_2850 = arith.constant 0 : i32
        %dma_start3A_2851 = tpu.memref_slice %arg10[%add3A_2839, %dma_start3A_2849, %dma_start3A_2850] : memref<32x8x64xf32, #tpu.memory_space<vmem>> -> memref<1x8x64xf32, #tpu.memory_space<vmem>>
        %dma_start3A_2852 = tpu.memref_squeeze %dma_start3A_2851 : memref<1x8x64xf32, #tpu.memory_space<vmem>> -> memref<8x64xf32, #tpu.memory_space<vmem>>
        %dma_start3A_2853 = tpu.memref_reshape %arg4 : memref<1000000x64xf32, #tpu.memory_space<hbm>> -> memref<125000x8x64xf32, #tpu.memory_space<hbm>>
        %dma_start3A_2854 = arith.constant 0 : i32
        %dma_start3A_2855 = arith.constant 0 : i32
        %dma_start3A_2856 = tpu.memref_slice %dma_start3A_2853[%squeeze3A_2835, %dma_start3A_2854, %dma_start3A_2855] : memref<125000x8x64xf32, #tpu.memory_space<hbm>> -> memref<1x8x64xf32, #tpu.memory_space<hbm>>
        %dma_start3A_2857 = tpu.memref_squeeze %dma_start3A_2856 : memref<1x8x64xf32, #tpu.memory_space<hbm>> -> memref<8x64xf32, #tpu.memory_space<hbm>>
        tpu.enqueue_dma source(%dma_start3A_2857 : memref<8x64xf32, #tpu.memory_space<hbm>>) target(%dma_start3A_2852 : memref<8x64xf32, #tpu.memory_space<vmem>>) target_semaphore(%arg15 : memref<!tpu.dma_semaphore, #tpu.memory_space<semaphore_mem>>)
        %slice3A_2858 = vector.extract_strided_slice %shift_right_arithmetic3A_2545 {offsets = [6], sizes = [1], strides = [1]} : vector<16xi32> to vector<1xi32>
        %squeeze3A_2859 = vector.extract %slice3A_2858[0] : i32 from vector<1xi32>
        %mul3A_2860 = arith.constant 16 : i32
        %mul3A_2861 = arith.muli %rem3A_2531, %mul3A_2860 : i32
        %add3A_2862 = arith.constant 6 : i32
        %add3A_2863 = arith.addi %mul3A_2861, %add3A_2862 : i32
        %dma_start3A_2864 = arith.constant 0 : i32
        %dma_start3A_2865 = arith.constant 0 : i32
        %dma_start3A_2866 = tpu.memref_slice %arg11[%add3A_2863, %dma_start3A_2864, %dma_start3A_2865] : memref<32x8x64xf32, #tpu.memory_space<vmem>> -> memref<1x8x64xf32, #tpu.memory_space<vmem>>
        %dma_start3A_2867 = tpu.memref_squeeze %dma_start3A_2866 : memref<1x8x64xf32, #tpu.memory_space<vmem>> -> memref<8x64xf32, #tpu.memory_space<vmem>>
        %dma_start3A_2868 = tpu.memref_reshape %arg5 : memref<1000000x64xf32, #tpu.memory_space<hbm>> -> memref<125000x8x64xf32, #tpu.memory_space<hbm>>
        %dma_start3A_2869 = arith.constant 0 : i32
        %dma_start3A_2870 = arith.constant 0 : i32
        %dma_start3A_2871 = tpu.memref_slice %dma_start3A_2868[%squeeze3A_2859, %dma_start3A_2869, %dma_start3A_2870] : memref<125000x8x64xf32, #tpu.memory_space<hbm>> -> memref<1x8x64xf32, #tpu.memory_space<hbm>>
        %dma_start3A_2872 = tpu.memref_squeeze %dma_start3A_2871 : memref<1x8x64xf32, #tpu.memory_space<hbm>> -> memref<8x64xf32, #tpu.memory_space<hbm>>
        %dma_start3A_2873 = arith.constant 0 : i32
        %dma_start3A_2874 = arith.constant 0 : i32
        %dma_start3A_2875 = tpu.memref_slice %arg11[%add3A_2863, %dma_start3A_2873, %dma_start3A_2874] : memref<32x8x64xf32, #tpu.memory_space<vmem>> -> memref<1x8x64xf32, #tpu.memory_space<vmem>>
        %dma_start3A_2876 = tpu.memref_squeeze %dma_start3A_2875 : memref<1x8x64xf32, #tpu.memory_space<vmem>> -> memref<8x64xf32, #tpu.memory_space<vmem>>
        %dma_start3A_2877 = tpu.memref_reshape %arg5 : memref<1000000x64xf32, #tpu.memory_space<hbm>> -> memref<125000x8x64xf32, #tpu.memory_space<hbm>>
        %dma_start3A_2878 = arith.constant 0 : i32
        %dma_start3A_2879 = arith.constant 0 : i32
        %dma_start3A_2880 = tpu.memref_slice %dma_start3A_2877[%squeeze3A_2859, %dma_start3A_2878, %dma_start3A_2879] : memref<125000x8x64xf32, #tpu.memory_space<hbm>> -> memref<1x8x64xf32, #tpu.memory_space<hbm>>
        %dma_start3A_2881 = tpu.memref_squeeze %dma_start3A_2880 : memref<1x8x64xf32, #tpu.memory_space<hbm>> -> memref<8x64xf32, #tpu.memory_space<hbm>>
        tpu.enqueue_dma source(%dma_start3A_2881 : memref<8x64xf32, #tpu.memory_space<hbm>>) target(%dma_start3A_2876 : memref<8x64xf32, #tpu.memory_space<vmem>>) target_semaphore(%arg15 : memref<!tpu.dma_semaphore, #tpu.memory_space<semaphore_mem>>)
        %slice3A_2882 = vector.extract_strided_slice %shift_right_arithmetic3A_2538 {offsets = [7], sizes = [1], strides = [1]} : vector<16xi32> to vector<1xi32>
        %squeeze3A_2883 = vector.extract %slice3A_2882[0] : i32 from vector<1xi32>
        %mul3A_2884 = arith.constant 16 : i32
        %mul3A_2885 = arith.muli %rem3A_2531, %mul3A_2884 : i32
        %add3A_2886 = arith.constant 7 : i32
        %add3A_2887 = arith.addi %mul3A_2885, %add3A_2886 : i32
        %dma_start3A_2888 = arith.constant 0 : i32
        %dma_start3A_2889 = arith.constant 0 : i32
        %dma_start3A_2890 = tpu.memref_slice %arg10[%add3A_2887, %dma_start3A_2888, %dma_start3A_2889] : memref<32x8x64xf32, #tpu.memory_space<vmem>> -> memref<1x8x64xf32, #tpu.memory_space<vmem>>
        %dma_start3A_2891 = tpu.memref_squeeze %dma_start3A_2890 : memref<1x8x64xf32, #tpu.memory_space<vmem>> -> memref<8x64xf32, #tpu.memory_space<vmem>>
        %dma_start3A_2892 = tpu.memref_reshape %arg4 : memref<1000000x64xf32, #tpu.memory_space<hbm>> -> memref<125000x8x64xf32, #tpu.memory_space<hbm>>
        %dma_start3A_2893 = arith.constant 0 : i32
        %dma_start3A_2894 = arith.constant 0 : i32
        %dma_start3A_2895 = tpu.memref_slice %dma_start3A_2892[%squeeze3A_2883, %dma_start3A_2893, %dma_start3A_2894] : memref<125000x8x64xf32, #tpu.memory_space<hbm>> -> memref<1x8x64xf32, #tpu.memory_space<hbm>>
        %dma_start3A_2896 = tpu.memref_squeeze %dma_start3A_2895 : memref<1x8x64xf32, #tpu.memory_space<hbm>> -> memref<8x64xf32, #tpu.memory_space<hbm>>
        %dma_start3A_2897 = arith.constant 0 : i32
        %dma_start3A_2898 = arith.constant 0 : i32
        %dma_start3A_2899 = tpu.memref_slice %arg10[%add3A_2887, %dma_start3A_2897, %dma_start3A_2898] : memref<32x8x64xf32, #tpu.memory_space<vmem>> -> memref<1x8x64xf32, #tpu.memory_space<vmem>>
        %dma_start3A_2900 = tpu.memref_squeeze %dma_start3A_2899 : memref<1x8x64xf32, #tpu.memory_space<vmem>> -> memref<8x64xf32, #tpu.memory_space<vmem>>
        %dma_start3A_2901 = tpu.memref_reshape %arg4 : memref<1000000x64xf32, #tpu.memory_space<hbm>> -> memref<125000x8x64xf32, #tpu.memory_space<hbm>>
        %dma_start3A_2902 = arith.constant 0 : i32
        %dma_start3A_2903 = arith.constant 0 : i32
        %dma_start3A_2904 = tpu.memref_slice %dma_start3A_2901[%squeeze3A_2883, %dma_start3A_2902, %dma_start3A_2903] : memref<125000x8x64xf32, #tpu.memory_space<hbm>> -> memref<1x8x64xf32, #tpu.memory_space<hbm>>
        %dma_start3A_2905 = tpu.memref_squeeze %dma_start3A_2904 : memref<1x8x64xf32, #tpu.memory_space<hbm>> -> memref<8x64xf32, #tpu.memory_space<hbm>>
        tpu.enqueue_dma source(%dma_start3A_2905 : memref<8x64xf32, #tpu.memory_space<hbm>>) target(%dma_start3A_2900 : memref<8x64xf32, #tpu.memory_space<vmem>>) target_semaphore(%arg15 : memref<!tpu.dma_semaphore, #tpu.memory_space<semaphore_mem>>)
        %slice3A_2906 = vector.extract_strided_slice %shift_right_arithmetic3A_2545 {offsets = [7], sizes = [1], strides = [1]} : vector<16xi32> to vector<1xi32>
        %squeeze3A_2907 = vector.extract %slice3A_2906[0] : i32 from vector<1xi32>
        %mul3A_2908 = arith.constant 16 : i32
        %mul3A_2909 = arith.muli %rem3A_2531, %mul3A_2908 : i32
        %add3A_2910 = arith.constant 7 : i32
        %add3A_2911 = arith.addi %mul3A_2909, %add3A_2910 : i32
        %dma_start3A_2912 = arith.constant 0 : i32
        %dma_start3A_2913 = arith.constant 0 : i32
        %dma_start3A_2914 = tpu.memref_slice %arg11[%add3A_2911, %dma_start3A_2912, %dma_start3A_2913] : memref<32x8x64xf32, #tpu.memory_space<vmem>> -> memref<1x8x64xf32, #tpu.memory_space<vmem>>
        %dma_start3A_2915 = tpu.memref_squeeze %dma_start3A_2914 : memref<1x8x64xf32, #tpu.memory_space<vmem>> -> memref<8x64xf32, #tpu.memory_space<vmem>>
        %dma_start3A_2916 = tpu.memref_reshape %arg5 : memref<1000000x64xf32, #tpu.memory_space<hbm>> -> memref<125000x8x64xf32, #tpu.memory_space<hbm>>
        %dma_start3A_2917 = arith.constant 0 : i32
        %dma_start3A_2918 = arith.constant 0 : i32
        %dma_start3A_2919 = tpu.memref_slice %dma_start3A_2916[%squeeze3A_2907, %dma_start3A_2917, %dma_start3A_2918] : memref<125000x8x64xf32, #tpu.memory_space<hbm>> -> memref<1x8x64xf32, #tpu.memory_space<hbm>>
        %dma_start3A_2920 = tpu.memref_squeeze %dma_start3A_2919 : memref<1x8x64xf32, #tpu.memory_space<hbm>> -> memref<8x64xf32, #tpu.memory_space<hbm>>
        %dma_start3A_2921 = arith.constant 0 : i32
        %dma_start3A_2922 = arith.constant 0 : i32
        %dma_start3A_2923 = tpu.memref_slice %arg11[%add3A_2911, %dma_start3A_2921, %dma_start3A_2922] : memref<32x8x64xf32, #tpu.memory_space<vmem>> -> memref<1x8x64xf32, #tpu.memory_space<vmem>>
        %dma_start3A_2924 = tpu.memref_squeeze %dma_start3A_2923 : memref<1x8x64xf32, #tpu.memory_space<vmem>> -> memref<8x64xf32, #tpu.memory_space<vmem>>
        %dma_start3A_2925 = tpu.memref_reshape %arg5 : memref<1000000x64xf32, #tpu.memory_space<hbm>> -> memref<125000x8x64xf32, #tpu.memory_space<hbm>>
        %dma_start3A_2926 = arith.constant 0 : i32
        %dma_start3A_2927 = arith.constant 0 : i32
        %dma_start3A_2928 = tpu.memref_slice %dma_start3A_2925[%squeeze3A_2907, %dma_start3A_2926, %dma_start3A_2927] : memref<125000x8x64xf32, #tpu.memory_space<hbm>> -> memref<1x8x64xf32, #tpu.memory_space<hbm>>
        %dma_start3A_2929 = tpu.memref_squeeze %dma_start3A_2928 : memref<1x8x64xf32, #tpu.memory_space<hbm>> -> memref<8x64xf32, #tpu.memory_space<hbm>>
        tpu.enqueue_dma source(%dma_start3A_2929 : memref<8x64xf32, #tpu.memory_space<hbm>>) target(%dma_start3A_2924 : memref<8x64xf32, #tpu.memory_space<vmem>>) target_semaphore(%arg15 : memref<!tpu.dma_semaphore, #tpu.memory_space<semaphore_mem>>)
        %slice3A_2930 = vector.extract_strided_slice %shift_right_arithmetic3A_2538 {offsets = [8], sizes = [1], strides = [1]} : vector<16xi32> to vector<1xi32>
        %squeeze3A_2931 = vector.extract %slice3A_2930[0] : i32 from vector<1xi32>
        %mul3A_2932 = arith.constant 16 : i32
        %mul3A_2933 = arith.muli %rem3A_2531, %mul3A_2932 : i32
        %add3A_2934 = arith.constant 8 : i32
        %add3A_2935 = arith.addi %mul3A_2933, %add3A_2934 : i32
        %dma_start3A_2936 = arith.constant 0 : i32
        %dma_start3A_2937 = arith.constant 0 : i32
        %dma_start3A_2938 = tpu.memref_slice %arg10[%add3A_2935, %dma_start3A_2936, %dma_start3A_2937] : memref<32x8x64xf32, #tpu.memory_space<vmem>> -> memref<1x8x64xf32, #tpu.memory_space<vmem>>
        %dma_start3A_2939 = tpu.memref_squeeze %dma_start3A_2938 : memref<1x8x64xf32, #tpu.memory_space<vmem>> -> memref<8x64xf32, #tpu.memory_space<vmem>>
        %dma_start3A_2940 = tpu.memref_reshape %arg4 : memref<1000000x64xf32, #tpu.memory_space<hbm>> -> memref<125000x8x64xf32, #tpu.memory_space<hbm>>
        %dma_start3A_2941 = arith.constant 0 : i32
        %dma_start3A_2942 = arith.constant 0 : i32
        %dma_start3A_2943 = tpu.memref_slice %dma_start3A_2940[%squeeze3A_2931, %dma_start3A_2941, %dma_start3A_2942] : memref<125000x8x64xf32, #tpu.memory_space<hbm>> -> memref<1x8x64xf32, #tpu.memory_space<hbm>>
        %dma_start3A_2944 = tpu.memref_squeeze %dma_start3A_2943 : memref<1x8x64xf32, #tpu.memory_space<hbm>> -> memref<8x64xf32, #tpu.memory_space<hbm>>
        %dma_start3A_2945 = arith.constant 0 : i32
        %dma_start3A_2946 = arith.constant 0 : i32
        %dma_start3A_2947 = tpu.memref_slice %arg10[%add3A_2935, %dma_start3A_2945, %dma_start3A_2946] : memref<32x8x64xf32, #tpu.memory_space<vmem>> -> memref<1x8x64xf32, #tpu.memory_space<vmem>>
        %dma_start3A_2948 = tpu.memref_squeeze %dma_start3A_2947 : memref<1x8x64xf32, #tpu.memory_space<vmem>> -> memref<8x64xf32, #tpu.memory_space<vmem>>
        %dma_start3A_2949 = tpu.memref_reshape %arg4 : memref<1000000x64xf32, #tpu.memory_space<hbm>> -> memref<125000x8x64xf32, #tpu.memory_space<hbm>>
        %dma_start3A_2950 = arith.constant 0 : i32
        %dma_start3A_2951 = arith.constant 0 : i32
        %dma_start3A_2952 = tpu.memref_slice %dma_start3A_2949[%squeeze3A_2931, %dma_start3A_2950, %dma_start3A_2951] : memref<125000x8x64xf32, #tpu.memory_space<hbm>> -> memref<1x8x64xf32, #tpu.memory_space<hbm>>
        %dma_start3A_2953 = tpu.memref_squeeze %dma_start3A_2952 : memref<1x8x64xf32, #tpu.memory_space<hbm>> -> memref<8x64xf32, #tpu.memory_space<hbm>>
        tpu.enqueue_dma source(%dma_start3A_2953 : memref<8x64xf32, #tpu.memory_space<hbm>>) target(%dma_start3A_2948 : memref<8x64xf32, #tpu.memory_space<vmem>>) target_semaphore(%arg15 : memref<!tpu.dma_semaphore, #tpu.memory_space<semaphore_mem>>)
        %slice3A_2954 = vector.extract_strided_slice %shift_right_arithmetic3A_2545 {offsets = [8], sizes = [1], strides = [1]} : vector<16xi32> to vector<1xi32>
        %squeeze3A_2955 = vector.extract %slice3A_2954[0] : i32 from vector<1xi32>
        %mul3A_2956 = arith.constant 16 : i32
        %mul3A_2957 = arith.muli %rem3A_2531, %mul3A_2956 : i32
        %add3A_2958 = arith.constant 8 : i32
        %add3A_2959 = arith.addi %mul3A_2957, %add3A_2958 : i32
        %dma_start3A_2960 = arith.constant 0 : i32
        %dma_start3A_2961 = arith.constant 0 : i32
        %dma_start3A_2962 = tpu.memref_slice %arg11[%add3A_2959, %dma_start3A_2960, %dma_start3A_2961] : memref<32x8x64xf32, #tpu.memory_space<vmem>> -> memref<1x8x64xf32, #tpu.memory_space<vmem>>
        %dma_start3A_2963 = tpu.memref_squeeze %dma_start3A_2962 : memref<1x8x64xf32, #tpu.memory_space<vmem>> -> memref<8x64xf32, #tpu.memory_space<vmem>>
        %dma_start3A_2964 = tpu.memref_reshape %arg5 : memref<1000000x64xf32, #tpu.memory_space<hbm>> -> memref<125000x8x64xf32, #tpu.memory_space<hbm>>
        %dma_start3A_2965 = arith.constant 0 : i32
        %dma_start3A_2966 = arith.constant 0 : i32
        %dma_start3A_2967 = tpu.memref_slice %dma_start3A_2964[%squeeze3A_2955, %dma_start3A_2965, %dma_start3A_2966] : memref<125000x8x64xf32, #tpu.memory_space<hbm>> -> memref<1x8x64xf32, #tpu.memory_space<hbm>>
        %dma_start3A_2968 = tpu.memref_squeeze %dma_start3A_2967 : memref<1x8x64xf32, #tpu.memory_space<hbm>> -> memref<8x64xf32, #tpu.memory_space<hbm>>
        %dma_start3A_2969 = arith.constant 0 : i32
        %dma_start3A_2970 = arith.constant 0 : i32
        %dma_start3A_2971 = tpu.memref_slice %arg11[%add3A_2959, %dma_start3A_2969, %dma_start3A_2970] : memref<32x8x64xf32, #tpu.memory_space<vmem>> -> memref<1x8x64xf32, #tpu.memory_space<vmem>>
        %dma_start3A_2972 = tpu.memref_squeeze %dma_start3A_2971 : memref<1x8x64xf32, #tpu.memory_space<vmem>> -> memref<8x64xf32, #tpu.memory_space<vmem>>
        %dma_start3A_2973 = tpu.memref_reshape %arg5 : memref<1000000x64xf32, #tpu.memory_space<hbm>> -> memref<125000x8x64xf32, #tpu.memory_space<hbm>>
        %dma_start3A_2974 = arith.constant 0 : i32
        %dma_start3A_2975 = arith.constant 0 : i32
        %dma_start3A_2976 = tpu.memref_slice %dma_start3A_2973[%squeeze3A_2955, %dma_start3A_2974, %dma_start3A_2975] : memref<125000x8x64xf32, #tpu.memory_space<hbm>> -> memref<1x8x64xf32, #tpu.memory_space<hbm>>
        %dma_start3A_2977 = tpu.memref_squeeze %dma_start3A_2976 : memref<1x8x64xf32, #tpu.memory_space<hbm>> -> memref<8x64xf32, #tpu.memory_space<hbm>>
        tpu.enqueue_dma source(%dma_start3A_2977 : memref<8x64xf32, #tpu.memory_space<hbm>>) target(%dma_start3A_2972 : memref<8x64xf32, #tpu.memory_space<vmem>>) target_semaphore(%arg15 : memref<!tpu.dma_semaphore, #tpu.memory_space<semaphore_mem>>)
        %slice3A_2978 = vector.extract_strided_slice %shift_right_arithmetic3A_2538 {offsets = [9], sizes = [1], strides = [1]} : vector<16xi32> to vector<1xi32>
        %squeeze3A_2979 = vector.extract %slice3A_2978[0] : i32 from vector<1xi32>
        %mul3A_2980 = arith.constant 16 : i32
        %mul3A_2981 = arith.muli %rem3A_2531, %mul3A_2980 : i32
        %add3A_2982 = arith.constant 9 : i32
        %add3A_2983 = arith.addi %mul3A_2981, %add3A_2982 : i32
        %dma_start3A_2984 = arith.constant 0 : i32
        %dma_start3A_2985 = arith.constant 0 : i32
        %dma_start3A_2986 = tpu.memref_slice %arg10[%add3A_2983, %dma_start3A_2984, %dma_start3A_2985] : memref<32x8x64xf32, #tpu.memory_space<vmem>> -> memref<1x8x64xf32, #tpu.memory_space<vmem>>
        %dma_start3A_2987 = tpu.memref_squeeze %dma_start3A_2986 : memref<1x8x64xf32, #tpu.memory_space<vmem>> -> memref<8x64xf32, #tpu.memory_space<vmem>>
        %dma_start3A_2988 = tpu.memref_reshape %arg4 : memref<1000000x64xf32, #tpu.memory_space<hbm>> -> memref<125000x8x64xf32, #tpu.memory_space<hbm>>
        %dma_start3A_2989 = arith.constant 0 : i32
        %dma_start3A_2990 = arith.constant 0 : i32
        %dma_start3A_2991 = tpu.memref_slice %dma_start3A_2988[%squeeze3A_2979, %dma_start3A_2989, %dma_start3A_2990] : memref<125000x8x64xf32, #tpu.memory_space<hbm>> -> memref<1x8x64xf32, #tpu.memory_space<hbm>>
        %dma_start3A_2992 = tpu.memref_squeeze %dma_start3A_2991 : memref<1x8x64xf32, #tpu.memory_space<hbm>> -> memref<8x64xf32, #tpu.memory_space<hbm>>
        %dma_start3A_2993 = arith.constant 0 : i32
        %dma_start3A_2994 = arith.constant 0 : i32
        %dma_start3A_2995 = tpu.memref_slice %arg10[%add3A_2983, %dma_start3A_2993, %dma_start3A_2994] : memref<32x8x64xf32, #tpu.memory_space<vmem>> -> memref<1x8x64xf32, #tpu.memory_space<vmem>>
        %dma_start3A_2996 = tpu.memref_squeeze %dma_start3A_2995 : memref<1x8x64xf32, #tpu.memory_space<vmem>> -> memref<8x64xf32, #tpu.memory_space<vmem>>
        %dma_start3A_2997 = tpu.memref_reshape %arg4 : memref<1000000x64xf32, #tpu.memory_space<hbm>> -> memref<125000x8x64xf32, #tpu.memory_space<hbm>>
        %dma_start3A_2998 = arith.constant 0 : i32
        %dma_start3A_2999 = arith.constant 0 : i32
        %dma_start3A_3000 = tpu.memref_slice %dma_start3A_2997[%squeeze3A_2979, %dma_start3A_2998, %dma_start3A_2999] : memref<125000x8x64xf32, #tpu.memory_space<hbm>> -> memref<1x8x64xf32, #tpu.memory_space<hbm>>
        %dma_start3A_3001 = tpu.memref_squeeze %dma_start3A_3000 : memref<1x8x64xf32, #tpu.memory_space<hbm>> -> memref<8x64xf32, #tpu.memory_space<hbm>>
        tpu.enqueue_dma source(%dma_start3A_3001 : memref<8x64xf32, #tpu.memory_space<hbm>>) target(%dma_start3A_2996 : memref<8x64xf32, #tpu.memory_space<vmem>>) target_semaphore(%arg15 : memref<!tpu.dma_semaphore, #tpu.memory_space<semaphore_mem>>)
        %slice3A_3002 = vector.extract_strided_slice %shift_right_arithmetic3A_2545 {offsets = [9], sizes = [1], strides = [1]} : vector<16xi32> to vector<1xi32>
        %squeeze3A_3003 = vector.extract %slice3A_3002[0] : i32 from vector<1xi32>
        %mul3A_3004 = arith.constant 16 : i32
        %mul3A_3005 = arith.muli %rem3A_2531, %mul3A_3004 : i32
        %add3A_3006 = arith.constant 9 : i32
        %add3A_3007 = arith.addi %mul3A_3005, %add3A_3006 : i32
        %dma_start3A_3008 = arith.constant 0 : i32
        %dma_start3A_3009 = arith.constant 0 : i32
        %dma_start3A_3010 = tpu.memref_slice %arg11[%add3A_3007, %dma_start3A_3008, %dma_start3A_3009] : memref<32x8x64xf32, #tpu.memory_space<vmem>> -> memref<1x8x64xf32, #tpu.memory_space<vmem>>
        %dma_start3A_3011 = tpu.memref_squeeze %dma_start3A_3010 : memref<1x8x64xf32, #tpu.memory_space<vmem>> -> memref<8x64xf32, #tpu.memory_space<vmem>>
        %dma_start3A_3012 = tpu.memref_reshape %arg5 : memref<1000000x64xf32, #tpu.memory_space<hbm>> -> memref<125000x8x64xf32, #tpu.memory_space<hbm>>
        %dma_start3A_3013 = arith.constant 0 : i32
        %dma_start3A_3014 = arith.constant 0 : i32
        %dma_start3A_3015 = tpu.memref_slice %dma_start3A_3012[%squeeze3A_3003, %dma_start3A_3013, %dma_start3A_3014] : memref<125000x8x64xf32, #tpu.memory_space<hbm>> -> memref<1x8x64xf32, #tpu.memory_space<hbm>>
        %dma_start3A_3016 = tpu.memref_squeeze %dma_start3A_3015 : memref<1x8x64xf32, #tpu.memory_space<hbm>> -> memref<8x64xf32, #tpu.memory_space<hbm>>
        %dma_start3A_3017 = arith.constant 0 : i32
        %dma_start3A_3018 = arith.constant 0 : i32
        %dma_start3A_3019 = tpu.memref_slice %arg11[%add3A_3007, %dma_start3A_3017, %dma_start3A_3018] : memref<32x8x64xf32, #tpu.memory_space<vmem>> -> memref<1x8x64xf32, #tpu.memory_space<vmem>>
        %dma_start3A_3020 = tpu.memref_squeeze %dma_start3A_3019 : memref<1x8x64xf32, #tpu.memory_space<vmem>> -> memref<8x64xf32, #tpu.memory_space<vmem>>
        %dma_start3A_3021 = tpu.memref_reshape %arg5 : memref<1000000x64xf32, #tpu.memory_space<hbm>> -> memref<125000x8x64xf32, #tpu.memory_space<hbm>>
        %dma_start3A_3022 = arith.constant 0 : i32
        %dma_start3A_3023 = arith.constant 0 : i32
        %dma_start3A_3024 = tpu.memref_slice %dma_start3A_3021[%squeeze3A_3003, %dma_start3A_3022, %dma_start3A_3023] : memref<125000x8x64xf32, #tpu.memory_space<hbm>> -> memref<1x8x64xf32, #tpu.memory_space<hbm>>
        %dma_start3A_3025 = tpu.memref_squeeze %dma_start3A_3024 : memref<1x8x64xf32, #tpu.memory_space<hbm>> -> memref<8x64xf32, #tpu.memory_space<hbm>>
        tpu.enqueue_dma source(%dma_start3A_3025 : memref<8x64xf32, #tpu.memory_space<hbm>>) target(%dma_start3A_3020 : memref<8x64xf32, #tpu.memory_space<vmem>>) target_semaphore(%arg15 : memref<!tpu.dma_semaphore, #tpu.memory_space<semaphore_mem>>)
        %slice3A_3026 = vector.extract_strided_slice %shift_right_arithmetic3A_2538 {offsets = [10], sizes = [1], strides = [1]} : vector<16xi32> to vector<1xi32>
        %squeeze3A_3027 = vector.extract %slice3A_3026[0] : i32 from vector<1xi32>
        %mul3A_3028 = arith.constant 16 : i32
        %mul3A_3029 = arith.muli %rem3A_2531, %mul3A_3028 : i32
        %add3A_3030 = arith.constant 10 : i32
        %add3A_3031 = arith.addi %mul3A_3029, %add3A_3030 : i32
        %dma_start3A_3032 = arith.constant 0 : i32
        %dma_start3A_3033 = arith.constant 0 : i32
        %dma_start3A_3034 = tpu.memref_slice %arg10[%add3A_3031, %dma_start3A_3032, %dma_start3A_3033] : memref<32x8x64xf32, #tpu.memory_space<vmem>> -> memref<1x8x64xf32, #tpu.memory_space<vmem>>
        %dma_start3A_3035 = tpu.memref_squeeze %dma_start3A_3034 : memref<1x8x64xf32, #tpu.memory_space<vmem>> -> memref<8x64xf32, #tpu.memory_space<vmem>>
        %dma_start3A_3036 = tpu.memref_reshape %arg4 : memref<1000000x64xf32, #tpu.memory_space<hbm>> -> memref<125000x8x64xf32, #tpu.memory_space<hbm>>
        %dma_start3A_3037 = arith.constant 0 : i32
        %dma_start3A_3038 = arith.constant 0 : i32
        %dma_start3A_3039 = tpu.memref_slice %dma_start3A_3036[%squeeze3A_3027, %dma_start3A_3037, %dma_start3A_3038] : memref<125000x8x64xf32, #tpu.memory_space<hbm>> -> memref<1x8x64xf32, #tpu.memory_space<hbm>>
        %dma_start3A_3040 = tpu.memref_squeeze %dma_start3A_3039 : memref<1x8x64xf32, #tpu.memory_space<hbm>> -> memref<8x64xf32, #tpu.memory_space<hbm>>
        %dma_start3A_3041 = arith.constant 0 : i32
        %dma_start3A_3042 = arith.constant 0 : i32
        %dma_start3A_3043 = tpu.memref_slice %arg10[%add3A_3031, %dma_start3A_3041, %dma_start3A_3042] : memref<32x8x64xf32, #tpu.memory_space<vmem>> -> memref<1x8x64xf32, #tpu.memory_space<vmem>>
        %dma_start3A_3044 = tpu.memref_squeeze %dma_start3A_3043 : memref<1x8x64xf32, #tpu.memory_space<vmem>> -> memref<8x64xf32, #tpu.memory_space<vmem>>
        %dma_start3A_3045 = tpu.memref_reshape %arg4 : memref<1000000x64xf32, #tpu.memory_space<hbm>> -> memref<125000x8x64xf32, #tpu.memory_space<hbm>>
        %dma_start3A_3046 = arith.constant 0 : i32
        %dma_start3A_3047 = arith.constant 0 : i32
        %dma_start3A_3048 = tpu.memref_slice %dma_start3A_3045[%squeeze3A_3027, %dma_start3A_3046, %dma_start3A_3047] : memref<125000x8x64xf32, #tpu.memory_space<hbm>> -> memref<1x8x64xf32, #tpu.memory_space<hbm>>
        %dma_start3A_3049 = tpu.memref_squeeze %dma_start3A_3048 : memref<1x8x64xf32, #tpu.memory_space<hbm>> -> memref<8x64xf32, #tpu.memory_space<hbm>>
        tpu.enqueue_dma source(%dma_start3A_3049 : memref<8x64xf32, #tpu.memory_space<hbm>>) target(%dma_start3A_3044 : memref<8x64xf32, #tpu.memory_space<vmem>>) target_semaphore(%arg15 : memref<!tpu.dma_semaphore, #tpu.memory_space<semaphore_mem>>)
        %slice3A_3050 = vector.extract_strided_slice %shift_right_arithmetic3A_2545 {offsets = [10], sizes = [1], strides = [1]} : vector<16xi32> to vector<1xi32>
        %squeeze3A_3051 = vector.extract %slice3A_3050[0] : i32 from vector<1xi32>
        %mul3A_3052 = arith.constant 16 : i32
        %mul3A_3053 = arith.muli %rem3A_2531, %mul3A_3052 : i32
        %add3A_3054 = arith.constant 10 : i32
        %add3A_3055 = arith.addi %mul3A_3053, %add3A_3054 : i32
        %dma_start3A_3056 = arith.constant 0 : i32
        %dma_start3A_3057 = arith.constant 0 : i32
        %dma_start3A_3058 = tpu.memref_slice %arg11[%add3A_3055, %dma_start3A_3056, %dma_start3A_3057] : memref<32x8x64xf32, #tpu.memory_space<vmem>> -> memref<1x8x64xf32, #tpu.memory_space<vmem>>
        %dma_start3A_3059 = tpu.memref_squeeze %dma_start3A_3058 : memref<1x8x64xf32, #tpu.memory_space<vmem>> -> memref<8x64xf32, #tpu.memory_space<vmem>>
        %dma_start3A_3060 = tpu.memref_reshape %arg5 : memref<1000000x64xf32, #tpu.memory_space<hbm>> -> memref<125000x8x64xf32, #tpu.memory_space<hbm>>
        %dma_start3A_3061 = arith.constant 0 : i32
        %dma_start3A_3062 = arith.constant 0 : i32
        %dma_start3A_3063 = tpu.memref_slice %dma_start3A_3060[%squeeze3A_3051, %dma_start3A_3061, %dma_start3A_3062] : memref<125000x8x64xf32, #tpu.memory_space<hbm>> -> memref<1x8x64xf32, #tpu.memory_space<hbm>>
        %dma_start3A_3064 = tpu.memref_squeeze %dma_start3A_3063 : memref<1x8x64xf32, #tpu.memory_space<hbm>> -> memref<8x64xf32, #tpu.memory_space<hbm>>
        %dma_start3A_3065 = arith.constant 0 : i32
        %dma_start3A_3066 = arith.constant 0 : i32
        %dma_start3A_3067 = tpu.memref_slice %arg11[%add3A_3055, %dma_start3A_3065, %dma_start3A_3066] : memref<32x8x64xf32, #tpu.memory_space<vmem>> -> memref<1x8x64xf32, #tpu.memory_space<vmem>>
        %dma_start3A_3068 = tpu.memref_squeeze %dma_start3A_3067 : memref<1x8x64xf32, #tpu.memory_space<vmem>> -> memref<8x64xf32, #tpu.memory_space<vmem>>
        %dma_start3A_3069 = tpu.memref_reshape %arg5 : memref<1000000x64xf32, #tpu.memory_space<hbm>> -> memref<125000x8x64xf32, #tpu.memory_space<hbm>>
        %dma_start3A_3070 = arith.constant 0 : i32
        %dma_start3A_3071 = arith.constant 0 : i32
        %dma_start3A_3072 = tpu.memref_slice %dma_start3A_3069[%squeeze3A_3051, %dma_start3A_3070, %dma_start3A_3071] : memref<125000x8x64xf32, #tpu.memory_space<hbm>> -> memref<1x8x64xf32, #tpu.memory_space<hbm>>
        %dma_start3A_3073 = tpu.memref_squeeze %dma_start3A_3072 : memref<1x8x64xf32, #tpu.memory_space<hbm>> -> memref<8x64xf32, #tpu.memory_space<hbm>>
        tpu.enqueue_dma source(%dma_start3A_3073 : memref<8x64xf32, #tpu.memory_space<hbm>>) target(%dma_start3A_3068 : memref<8x64xf32, #tpu.memory_space<vmem>>) target_semaphore(%arg15 : memref<!tpu.dma_semaphore, #tpu.memory_space<semaphore_mem>>)
        %slice3A_3074 = vector.extract_strided_slice %shift_right_arithmetic3A_2538 {offsets = [11], sizes = [1], strides = [1]} : vector<16xi32> to vector<1xi32>
        %squeeze3A_3075 = vector.extract %slice3A_3074[0] : i32 from vector<1xi32>
        %mul3A_3076 = arith.constant 16 : i32
        %mul3A_3077 = arith.muli %rem3A_2531, %mul3A_3076 : i32
        %add3A_3078 = arith.constant 11 : i32
        %add3A_3079 = arith.addi %mul3A_3077, %add3A_3078 : i32
        %dma_start3A_3080 = arith.constant 0 : i32
        %dma_start3A_3081 = arith.constant 0 : i32
        %dma_start3A_3082 = tpu.memref_slice %arg10[%add3A_3079, %dma_start3A_3080, %dma_start3A_3081] : memref<32x8x64xf32, #tpu.memory_space<vmem>> -> memref<1x8x64xf32, #tpu.memory_space<vmem>>
        %dma_start3A_3083 = tpu.memref_squeeze %dma_start3A_3082 : memref<1x8x64xf32, #tpu.memory_space<vmem>> -> memref<8x64xf32, #tpu.memory_space<vmem>>
        %dma_start3A_3084 = tpu.memref_reshape %arg4 : memref<1000000x64xf32, #tpu.memory_space<hbm>> -> memref<125000x8x64xf32, #tpu.memory_space<hbm>>
        %dma_start3A_3085 = arith.constant 0 : i32
        %dma_start3A_3086 = arith.constant 0 : i32
        %dma_start3A_3087 = tpu.memref_slice %dma_start3A_3084[%squeeze3A_3075, %dma_start3A_3085, %dma_start3A_3086] : memref<125000x8x64xf32, #tpu.memory_space<hbm>> -> memref<1x8x64xf32, #tpu.memory_space<hbm>>
        %dma_start3A_3088 = tpu.memref_squeeze %dma_start3A_3087 : memref<1x8x64xf32, #tpu.memory_space<hbm>> -> memref<8x64xf32, #tpu.memory_space<hbm>>
        %dma_start3A_3089 = arith.constant 0 : i32
        %dma_start3A_3090 = arith.constant 0 : i32
        %dma_start3A_3091 = tpu.memref_slice %arg10[%add3A_3079, %dma_start3A_3089, %dma_start3A_3090] : memref<32x8x64xf32, #tpu.memory_space<vmem>> -> memref<1x8x64xf32, #tpu.memory_space<vmem>>
        %dma_start3A_3092 = tpu.memref_squeeze %dma_start3A_3091 : memref<1x8x64xf32, #tpu.memory_space<vmem>> -> memref<8x64xf32, #tpu.memory_space<vmem>>
        %dma_start3A_3093 = tpu.memref_reshape %arg4 : memref<1000000x64xf32, #tpu.memory_space<hbm>> -> memref<125000x8x64xf32, #tpu.memory_space<hbm>>
        %dma_start3A_3094 = arith.constant 0 : i32
        %dma_start3A_3095 = arith.constant 0 : i32
        %dma_start3A_3096 = tpu.memref_slice %dma_start3A_3093[%squeeze3A_3075, %dma_start3A_3094, %dma_start3A_3095] : memref<125000x8x64xf32, #tpu.memory_space<hbm>> -> memref<1x8x64xf32, #tpu.memory_space<hbm>>
        %dma_start3A_3097 = tpu.memref_squeeze %dma_start3A_3096 : memref<1x8x64xf32, #tpu.memory_space<hbm>> -> memref<8x64xf32, #tpu.memory_space<hbm>>
        tpu.enqueue_dma source(%dma_start3A_3097 : memref<8x64xf32, #tpu.memory_space<hbm>>) target(%dma_start3A_3092 : memref<8x64xf32, #tpu.memory_space<vmem>>) target_semaphore(%arg15 : memref<!tpu.dma_semaphore, #tpu.memory_space<semaphore_mem>>)
        %slice3A_3098 = vector.extract_strided_slice %shift_right_arithmetic3A_2545 {offsets = [11], sizes = [1], strides = [1]} : vector<16xi32> to vector<1xi32>
        %squeeze3A_3099 = vector.extract %slice3A_3098[0] : i32 from vector<1xi32>
        %mul3A_3100 = arith.constant 16 : i32
        %mul3A_3101 = arith.muli %rem3A_2531, %mul3A_3100 : i32
        %add3A_3102 = arith.constant 11 : i32
        %add3A_3103 = arith.addi %mul3A_3101, %add3A_3102 : i32
        %dma_start3A_3104 = arith.constant 0 : i32
        %dma_start3A_3105 = arith.constant 0 : i32
        %dma_start3A_3106 = tpu.memref_slice %arg11[%add3A_3103, %dma_start3A_3104, %dma_start3A_3105] : memref<32x8x64xf32, #tpu.memory_space<vmem>> -> memref<1x8x64xf32, #tpu.memory_space<vmem>>
        %dma_start3A_3107 = tpu.memref_squeeze %dma_start3A_3106 : memref<1x8x64xf32, #tpu.memory_space<vmem>> -> memref<8x64xf32, #tpu.memory_space<vmem>>
        %dma_start3A_3108 = tpu.memref_reshape %arg5 : memref<1000000x64xf32, #tpu.memory_space<hbm>> -> memref<125000x8x64xf32, #tpu.memory_space<hbm>>
        %dma_start3A_3109 = arith.constant 0 : i32
        %dma_start3A_3110 = arith.constant 0 : i32
        %dma_start3A_3111 = tpu.memref_slice %dma_start3A_3108[%squeeze3A_3099, %dma_start3A_3109, %dma_start3A_3110] : memref<125000x8x64xf32, #tpu.memory_space<hbm>> -> memref<1x8x64xf32, #tpu.memory_space<hbm>>
        %dma_start3A_3112 = tpu.memref_squeeze %dma_start3A_3111 : memref<1x8x64xf32, #tpu.memory_space<hbm>> -> memref<8x64xf32, #tpu.memory_space<hbm>>
        %dma_start3A_3113 = arith.constant 0 : i32
        %dma_start3A_3114 = arith.constant 0 : i32
        %dma_start3A_3115 = tpu.memref_slice %arg11[%add3A_3103, %dma_start3A_3113, %dma_start3A_3114] : memref<32x8x64xf32, #tpu.memory_space<vmem>> -> memref<1x8x64xf32, #tpu.memory_space<vmem>>
        %dma_start3A_3116 = tpu.memref_squeeze %dma_start3A_3115 : memref<1x8x64xf32, #tpu.memory_space<vmem>> -> memref<8x64xf32, #tpu.memory_space<vmem>>
        %dma_start3A_3117 = tpu.memref_reshape %arg5 : memref<1000000x64xf32, #tpu.memory_space<hbm>> -> memref<125000x8x64xf32, #tpu.memory_space<hbm>>
        %dma_start3A_3118 = arith.constant 0 : i32
        %dma_start3A_3119 = arith.constant 0 : i32
        %dma_start3A_3120 = tpu.memref_slice %dma_start3A_3117[%squeeze3A_3099, %dma_start3A_3118, %dma_start3A_3119] : memref<125000x8x64xf32, #tpu.memory_space<hbm>> -> memref<1x8x64xf32, #tpu.memory_space<hbm>>
        %dma_start3A_3121 = tpu.memref_squeeze %dma_start3A_3120 : memref<1x8x64xf32, #tpu.memory_space<hbm>> -> memref<8x64xf32, #tpu.memory_space<hbm>>
        tpu.enqueue_dma source(%dma_start3A_3121 : memref<8x64xf32, #tpu.memory_space<hbm>>) target(%dma_start3A_3116 : memref<8x64xf32, #tpu.memory_space<vmem>>) target_semaphore(%arg15 : memref<!tpu.dma_semaphore, #tpu.memory_space<semaphore_mem>>)
        %slice3A_3122 = vector.extract_strided_slice %shift_right_arithmetic3A_2538 {offsets = [12], sizes = [1], strides = [1]} : vector<16xi32> to vector<1xi32>
        %squeeze3A_3123 = vector.extract %slice3A_3122[0] : i32 from vector<1xi32>
        %mul3A_3124 = arith.constant 16 : i32
        %mul3A_3125 = arith.muli %rem3A_2531, %mul3A_3124 : i32
        %add3A_3126 = arith.constant 12 : i32
        %add3A_3127 = arith.addi %mul3A_3125, %add3A_3126 : i32
        %dma_start3A_3128 = arith.constant 0 : i32
        %dma_start3A_3129 = arith.constant 0 : i32
        %dma_start3A_3130 = tpu.memref_slice %arg10[%add3A_3127, %dma_start3A_3128, %dma_start3A_3129] : memref<32x8x64xf32, #tpu.memory_space<vmem>> -> memref<1x8x64xf32, #tpu.memory_space<vmem>>
        %dma_start3A_3131 = tpu.memref_squeeze %dma_start3A_3130 : memref<1x8x64xf32, #tpu.memory_space<vmem>> -> memref<8x64xf32, #tpu.memory_space<vmem>>
        %dma_start3A_3132 = tpu.memref_reshape %arg4 : memref<1000000x64xf32, #tpu.memory_space<hbm>> -> memref<125000x8x64xf32, #tpu.memory_space<hbm>>
        %dma_start3A_3133 = arith.constant 0 : i32
        %dma_start3A_3134 = arith.constant 0 : i32
        %dma_start3A_3135 = tpu.memref_slice %dma_start3A_3132[%squeeze3A_3123, %dma_start3A_3133, %dma_start3A_3134] : memref<125000x8x64xf32, #tpu.memory_space<hbm>> -> memref<1x8x64xf32, #tpu.memory_space<hbm>>
        %dma_start3A_3136 = tpu.memref_squeeze %dma_start3A_3135 : memref<1x8x64xf32, #tpu.memory_space<hbm>> -> memref<8x64xf32, #tpu.memory_space<hbm>>
        %dma_start3A_3137 = arith.constant 0 : i32
        %dma_start3A_3138 = arith.constant 0 : i32
        %dma_start3A_3139 = tpu.memref_slice %arg10[%add3A_3127, %dma_start3A_3137, %dma_start3A_3138] : memref<32x8x64xf32, #tpu.memory_space<vmem>> -> memref<1x8x64xf32, #tpu.memory_space<vmem>>
        %dma_start3A_3140 = tpu.memref_squeeze %dma_start3A_3139 : memref<1x8x64xf32, #tpu.memory_space<vmem>> -> memref<8x64xf32, #tpu.memory_space<vmem>>
        %dma_start3A_3141 = tpu.memref_reshape %arg4 : memref<1000000x64xf32, #tpu.memory_space<hbm>> -> memref<125000x8x64xf32, #tpu.memory_space<hbm>>
        %dma_start3A_3142 = arith.constant 0 : i32
        %dma_start3A_3143 = arith.constant 0 : i32
        %dma_start3A_3144 = tpu.memref_slice %dma_start3A_3141[%squeeze3A_3123, %dma_start3A_3142, %dma_start3A_3143] : memref<125000x8x64xf32, #tpu.memory_space<hbm>> -> memref<1x8x64xf32, #tpu.memory_space<hbm>>
        %dma_start3A_3145 = tpu.memref_squeeze %dma_start3A_3144 : memref<1x8x64xf32, #tpu.memory_space<hbm>> -> memref<8x64xf32, #tpu.memory_space<hbm>>
        tpu.enqueue_dma source(%dma_start3A_3145 : memref<8x64xf32, #tpu.memory_space<hbm>>) target(%dma_start3A_3140 : memref<8x64xf32, #tpu.memory_space<vmem>>) target_semaphore(%arg15 : memref<!tpu.dma_semaphore, #tpu.memory_space<semaphore_mem>>)
        %slice3A_3146 = vector.extract_strided_slice %shift_right_arithmetic3A_2545 {offsets = [12], sizes = [1], strides = [1]} : vector<16xi32> to vector<1xi32>
        %squeeze3A_3147 = vector.extract %slice3A_3146[0] : i32 from vector<1xi32>
        %mul3A_3148 = arith.constant 16 : i32
        %mul3A_3149 = arith.muli %rem3A_2531, %mul3A_3148 : i32
        %add3A_3150 = arith.constant 12 : i32
        %add3A_3151 = arith.addi %mul3A_3149, %add3A_3150 : i32
        %dma_start3A_3152 = arith.constant 0 : i32
        %dma_start3A_3153 = arith.constant 0 : i32
        %dma_start3A_3154 = tpu.memref_slice %arg11[%add3A_3151, %dma_start3A_3152, %dma_start3A_3153] : memref<32x8x64xf32, #tpu.memory_space<vmem>> -> memref<1x8x64xf32, #tpu.memory_space<vmem>>
        %dma_start3A_3155 = tpu.memref_squeeze %dma_start3A_3154 : memref<1x8x64xf32, #tpu.memory_space<vmem>> -> memref<8x64xf32, #tpu.memory_space<vmem>>
        %dma_start3A_3156 = tpu.memref_reshape %arg5 : memref<1000000x64xf32, #tpu.memory_space<hbm>> -> memref<125000x8x64xf32, #tpu.memory_space<hbm>>
        %dma_start3A_3157 = arith.constant 0 : i32
        %dma_start3A_3158 = arith.constant 0 : i32
        %dma_start3A_3159 = tpu.memref_slice %dma_start3A_3156[%squeeze3A_3147, %dma_start3A_3157, %dma_start3A_3158] : memref<125000x8x64xf32, #tpu.memory_space<hbm>> -> memref<1x8x64xf32, #tpu.memory_space<hbm>>
        %dma_start3A_3160 = tpu.memref_squeeze %dma_start3A_3159 : memref<1x8x64xf32, #tpu.memory_space<hbm>> -> memref<8x64xf32, #tpu.memory_space<hbm>>
        %dma_start3A_3161 = arith.constant 0 : i32
        %dma_start3A_3162 = arith.constant 0 : i32
        %dma_start3A_3163 = tpu.memref_slice %arg11[%add3A_3151, %dma_start3A_3161, %dma_start3A_3162] : memref<32x8x64xf32, #tpu.memory_space<vmem>> -> memref<1x8x64xf32, #tpu.memory_space<vmem>>
        %dma_start3A_3164 = tpu.memref_squeeze %dma_start3A_3163 : memref<1x8x64xf32, #tpu.memory_space<vmem>> -> memref<8x64xf32, #tpu.memory_space<vmem>>
        %dma_start3A_3165 = tpu.memref_reshape %arg5 : memref<1000000x64xf32, #tpu.memory_space<hbm>> -> memref<125000x8x64xf32, #tpu.memory_space<hbm>>
        %dma_start3A_3166 = arith.constant 0 : i32
        %dma_start3A_3167 = arith.constant 0 : i32
        %dma_start3A_3168 = tpu.memref_slice %dma_start3A_3165[%squeeze3A_3147, %dma_start3A_3166, %dma_start3A_3167] : memref<125000x8x64xf32, #tpu.memory_space<hbm>> -> memref<1x8x64xf32, #tpu.memory_space<hbm>>
        %dma_start3A_3169 = tpu.memref_squeeze %dma_start3A_3168 : memref<1x8x64xf32, #tpu.memory_space<hbm>> -> memref<8x64xf32, #tpu.memory_space<hbm>>
        tpu.enqueue_dma source(%dma_start3A_3169 : memref<8x64xf32, #tpu.memory_space<hbm>>) target(%dma_start3A_3164 : memref<8x64xf32, #tpu.memory_space<vmem>>) target_semaphore(%arg15 : memref<!tpu.dma_semaphore, #tpu.memory_space<semaphore_mem>>)
        %slice3A_3170 = vector.extract_strided_slice %shift_right_arithmetic3A_2538 {offsets = [13], sizes = [1], strides = [1]} : vector<16xi32> to vector<1xi32>
        %squeeze3A_3171 = vector.extract %slice3A_3170[0] : i32 from vector<1xi32>
        %mul3A_3172 = arith.constant 16 : i32
        %mul3A_3173 = arith.muli %rem3A_2531, %mul3A_3172 : i32
        %add3A_3174 = arith.constant 13 : i32
        %add3A_3175 = arith.addi %mul3A_3173, %add3A_3174 : i32
        %dma_start3A_3176 = arith.constant 0 : i32
        %dma_start3A_3177 = arith.constant 0 : i32
        %dma_start3A_3178 = tpu.memref_slice %arg10[%add3A_3175, %dma_start3A_3176, %dma_start3A_3177] : memref<32x8x64xf32, #tpu.memory_space<vmem>> -> memref<1x8x64xf32, #tpu.memory_space<vmem>>
        %dma_start3A_3179 = tpu.memref_squeeze %dma_start3A_3178 : memref<1x8x64xf32, #tpu.memory_space<vmem>> -> memref<8x64xf32, #tpu.memory_space<vmem>>
        %dma_start3A_3180 = tpu.memref_reshape %arg4 : memref<1000000x64xf32, #tpu.memory_space<hbm>> -> memref<125000x8x64xf32, #tpu.memory_space<hbm>>
        %dma_start3A_3181 = arith.constant 0 : i32
        %dma_start3A_3182 = arith.constant 0 : i32
        %dma_start3A_3183 = tpu.memref_slice %dma_start3A_3180[%squeeze3A_3171, %dma_start3A_3181, %dma_start3A_3182] : memref<125000x8x64xf32, #tpu.memory_space<hbm>> -> memref<1x8x64xf32, #tpu.memory_space<hbm>>
        %dma_start3A_3184 = tpu.memref_squeeze %dma_start3A_3183 : memref<1x8x64xf32, #tpu.memory_space<hbm>> -> memref<8x64xf32, #tpu.memory_space<hbm>>
        %dma_start3A_3185 = arith.constant 0 : i32
        %dma_start3A_3186 = arith.constant 0 : i32
        %dma_start3A_3187 = tpu.memref_slice %arg10[%add3A_3175, %dma_start3A_3185, %dma_start3A_3186] : memref<32x8x64xf32, #tpu.memory_space<vmem>> -> memref<1x8x64xf32, #tpu.memory_space<vmem>>
        %dma_start3A_3188 = tpu.memref_squeeze %dma_start3A_3187 : memref<1x8x64xf32, #tpu.memory_space<vmem>> -> memref<8x64xf32, #tpu.memory_space<vmem>>
        %dma_start3A_3189 = tpu.memref_reshape %arg4 : memref<1000000x64xf32, #tpu.memory_space<hbm>> -> memref<125000x8x64xf32, #tpu.memory_space<hbm>>
        %dma_start3A_3190 = arith.constant 0 : i32
        %dma_start3A_3191 = arith.constant 0 : i32
        %dma_start3A_3192 = tpu.memref_slice %dma_start3A_3189[%squeeze3A_3171, %dma_start3A_3190, %dma_start3A_3191] : memref<125000x8x64xf32, #tpu.memory_space<hbm>> -> memref<1x8x64xf32, #tpu.memory_space<hbm>>
        %dma_start3A_3193 = tpu.memref_squeeze %dma_start3A_3192 : memref<1x8x64xf32, #tpu.memory_space<hbm>> -> memref<8x64xf32, #tpu.memory_space<hbm>>
        tpu.enqueue_dma source(%dma_start3A_3193 : memref<8x64xf32, #tpu.memory_space<hbm>>) target(%dma_start3A_3188 : memref<8x64xf32, #tpu.memory_space<vmem>>) target_semaphore(%arg15 : memref<!tpu.dma_semaphore, #tpu.memory_space<semaphore_mem>>)
        %slice3A_3194 = vector.extract_strided_slice %shift_right_arithmetic3A_2545 {offsets = [13], sizes = [1], strides = [1]} : vector<16xi32> to vector<1xi32>
        %squeeze3A_3195 = vector.extract %slice3A_3194[0] : i32 from vector<1xi32>
        %mul3A_3196 = arith.constant 16 : i32
        %mul3A_3197 = arith.muli %rem3A_2531, %mul3A_3196 : i32
        %add3A_3198 = arith.constant 13 : i32
        %add3A_3199 = arith.addi %mul3A_3197, %add3A_3198 : i32
        %dma_start3A_3200 = arith.constant 0 : i32
        %dma_start3A_3201 = arith.constant 0 : i32
        %dma_start3A_3202 = tpu.memref_slice %arg11[%add3A_3199, %dma_start3A_3200, %dma_start3A_3201] : memref<32x8x64xf32, #tpu.memory_space<vmem>> -> memref<1x8x64xf32, #tpu.memory_space<vmem>>
        %dma_start3A_3203 = tpu.memref_squeeze %dma_start3A_3202 : memref<1x8x64xf32, #tpu.memory_space<vmem>> -> memref<8x64xf32, #tpu.memory_space<vmem>>
        %dma_start3A_3204 = tpu.memref_reshape %arg5 : memref<1000000x64xf32, #tpu.memory_space<hbm>> -> memref<125000x8x64xf32, #tpu.memory_space<hbm>>
        %dma_start3A_3205 = arith.constant 0 : i32
        %dma_start3A_3206 = arith.constant 0 : i32
        %dma_start3A_3207 = tpu.memref_slice %dma_start3A_3204[%squeeze3A_3195, %dma_start3A_3205, %dma_start3A_3206] : memref<125000x8x64xf32, #tpu.memory_space<hbm>> -> memref<1x8x64xf32, #tpu.memory_space<hbm>>
        %dma_start3A_3208 = tpu.memref_squeeze %dma_start3A_3207 : memref<1x8x64xf32, #tpu.memory_space<hbm>> -> memref<8x64xf32, #tpu.memory_space<hbm>>
        %dma_start3A_3209 = arith.constant 0 : i32
        %dma_start3A_3210 = arith.constant 0 : i32
        %dma_start3A_3211 = tpu.memref_slice %arg11[%add3A_3199, %dma_start3A_3209, %dma_start3A_3210] : memref<32x8x64xf32, #tpu.memory_space<vmem>> -> memref<1x8x64xf32, #tpu.memory_space<vmem>>
        %dma_start3A_3212 = tpu.memref_squeeze %dma_start3A_3211 : memref<1x8x64xf32, #tpu.memory_space<vmem>> -> memref<8x64xf32, #tpu.memory_space<vmem>>
        %dma_start3A_3213 = tpu.memref_reshape %arg5 : memref<1000000x64xf32, #tpu.memory_space<hbm>> -> memref<125000x8x64xf32, #tpu.memory_space<hbm>>
        %dma_start3A_3214 = arith.constant 0 : i32
        %dma_start3A_3215 = arith.constant 0 : i32
        %dma_start3A_3216 = tpu.memref_slice %dma_start3A_3213[%squeeze3A_3195, %dma_start3A_3214, %dma_start3A_3215] : memref<125000x8x64xf32, #tpu.memory_space<hbm>> -> memref<1x8x64xf32, #tpu.memory_space<hbm>>
        %dma_start3A_3217 = tpu.memref_squeeze %dma_start3A_3216 : memref<1x8x64xf32, #tpu.memory_space<hbm>> -> memref<8x64xf32, #tpu.memory_space<hbm>>
        tpu.enqueue_dma source(%dma_start3A_3217 : memref<8x64xf32, #tpu.memory_space<hbm>>) target(%dma_start3A_3212 : memref<8x64xf32, #tpu.memory_space<vmem>>) target_semaphore(%arg15 : memref<!tpu.dma_semaphore, #tpu.memory_space<semaphore_mem>>)
        %slice3A_3218 = vector.extract_strided_slice %shift_right_arithmetic3A_2538 {offsets = [14], sizes = [1], strides = [1]} : vector<16xi32> to vector<1xi32>
        %squeeze3A_3219 = vector.extract %slice3A_3218[0] : i32 from vector<1xi32>
        %mul3A_3220 = arith.constant 16 : i32
        %mul3A_3221 = arith.muli %rem3A_2531, %mul3A_3220 : i32
        %add3A_3222 = arith.constant 14 : i32
        %add3A_3223 = arith.addi %mul3A_3221, %add3A_3222 : i32
        %dma_start3A_3224 = arith.constant 0 : i32
        %dma_start3A_3225 = arith.constant 0 : i32
        %dma_start3A_3226 = tpu.memref_slice %arg10[%add3A_3223, %dma_start3A_3224, %dma_start3A_3225] : memref<32x8x64xf32, #tpu.memory_space<vmem>> -> memref<1x8x64xf32, #tpu.memory_space<vmem>>
        %dma_start3A_3227 = tpu.memref_squeeze %dma_start3A_3226 : memref<1x8x64xf32, #tpu.memory_space<vmem>> -> memref<8x64xf32, #tpu.memory_space<vmem>>
        %dma_start3A_3228 = tpu.memref_reshape %arg4 : memref<1000000x64xf32, #tpu.memory_space<hbm>> -> memref<125000x8x64xf32, #tpu.memory_space<hbm>>
        %dma_start3A_3229 = arith.constant 0 : i32
        %dma_start3A_3230 = arith.constant 0 : i32
        %dma_start3A_3231 = tpu.memref_slice %dma_start3A_3228[%squeeze3A_3219, %dma_start3A_3229, %dma_start3A_3230] : memref<125000x8x64xf32, #tpu.memory_space<hbm>> -> memref<1x8x64xf32, #tpu.memory_space<hbm>>
        %dma_start3A_3232 = tpu.memref_squeeze %dma_start3A_3231 : memref<1x8x64xf32, #tpu.memory_space<hbm>> -> memref<8x64xf32, #tpu.memory_space<hbm>>
        %dma_start3A_3233 = arith.constant 0 : i32
        %dma_start3A_3234 = arith.constant 0 : i32
        %dma_start3A_3235 = tpu.memref_slice %arg10[%add3A_3223, %dma_start3A_3233, %dma_start3A_3234] : memref<32x8x64xf32, #tpu.memory_space<vmem>> -> memref<1x8x64xf32, #tpu.memory_space<vmem>>
        %dma_start3A_3236 = tpu.memref_squeeze %dma_start3A_3235 : memref<1x8x64xf32, #tpu.memory_space<vmem>> -> memref<8x64xf32, #tpu.memory_space<vmem>>
        %dma_start3A_3237 = tpu.memref_reshape %arg4 : memref<1000000x64xf32, #tpu.memory_space<hbm>> -> memref<125000x8x64xf32, #tpu.memory_space<hbm>>
        %dma_start3A_3238 = arith.constant 0 : i32
        %dma_start3A_3239 = arith.constant 0 : i32
        %dma_start3A_3240 = tpu.memref_slice %dma_start3A_3237[%squeeze3A_3219, %dma_start3A_3238, %dma_start3A_3239] : memref<125000x8x64xf32, #tpu.memory_space<hbm>> -> memref<1x8x64xf32, #tpu.memory_space<hbm>>
        %dma_start3A_3241 = tpu.memref_squeeze %dma_start3A_3240 : memref<1x8x64xf32, #tpu.memory_space<hbm>> -> memref<8x64xf32, #tpu.memory_space<hbm>>
        tpu.enqueue_dma source(%dma_start3A_3241 : memref<8x64xf32, #tpu.memory_space<hbm>>) target(%dma_start3A_3236 : memref<8x64xf32, #tpu.memory_space<vmem>>) target_semaphore(%arg15 : memref<!tpu.dma_semaphore, #tpu.memory_space<semaphore_mem>>)
        %slice3A_3242 = vector.extract_strided_slice %shift_right_arithmetic3A_2545 {offsets = [14], sizes = [1], strides = [1]} : vector<16xi32> to vector<1xi32>
        %squeeze3A_3243 = vector.extract %slice3A_3242[0] : i32 from vector<1xi32>
        %mul3A_3244 = arith.constant 16 : i32
        %mul3A_3245 = arith.muli %rem3A_2531, %mul3A_3244 : i32
        %add3A_3246 = arith.constant 14 : i32
        %add3A_3247 = arith.addi %mul3A_3245, %add3A_3246 : i32
        %dma_start3A_3248 = arith.constant 0 : i32
        %dma_start3A_3249 = arith.constant 0 : i32
        %dma_start3A_3250 = tpu.memref_slice %arg11[%add3A_3247, %dma_start3A_3248, %dma_start3A_3249] : memref<32x8x64xf32, #tpu.memory_space<vmem>> -> memref<1x8x64xf32, #tpu.memory_space<vmem>>
        %dma_start3A_3251 = tpu.memref_squeeze %dma_start3A_3250 : memref<1x8x64xf32, #tpu.memory_space<vmem>> -> memref<8x64xf32, #tpu.memory_space<vmem>>
        %dma_start3A_3252 = tpu.memref_reshape %arg5 : memref<1000000x64xf32, #tpu.memory_space<hbm>> -> memref<125000x8x64xf32, #tpu.memory_space<hbm>>
        %dma_start3A_3253 = arith.constant 0 : i32
        %dma_start3A_3254 = arith.constant 0 : i32
        %dma_start3A_3255 = tpu.memref_slice %dma_start3A_3252[%squeeze3A_3243, %dma_start3A_3253, %dma_start3A_3254] : memref<125000x8x64xf32, #tpu.memory_space<hbm>> -> memref<1x8x64xf32, #tpu.memory_space<hbm>>
        %dma_start3A_3256 = tpu.memref_squeeze %dma_start3A_3255 : memref<1x8x64xf32, #tpu.memory_space<hbm>> -> memref<8x64xf32, #tpu.memory_space<hbm>>
        %dma_start3A_3257 = arith.constant 0 : i32
        %dma_start3A_3258 = arith.constant 0 : i32
        %dma_start3A_3259 = tpu.memref_slice %arg11[%add3A_3247, %dma_start3A_3257, %dma_start3A_3258] : memref<32x8x64xf32, #tpu.memory_space<vmem>> -> memref<1x8x64xf32, #tpu.memory_space<vmem>>
        %dma_start3A_3260 = tpu.memref_squeeze %dma_start3A_3259 : memref<1x8x64xf32, #tpu.memory_space<vmem>> -> memref<8x64xf32, #tpu.memory_space<vmem>>
        %dma_start3A_3261 = tpu.memref_reshape %arg5 : memref<1000000x64xf32, #tpu.memory_space<hbm>> -> memref<125000x8x64xf32, #tpu.memory_space<hbm>>
        %dma_start3A_3262 = arith.constant 0 : i32
        %dma_start3A_3263 = arith.constant 0 : i32
        %dma_start3A_3264 = tpu.memref_slice %dma_start3A_3261[%squeeze3A_3243, %dma_start3A_3262, %dma_start3A_3263] : memref<125000x8x64xf32, #tpu.memory_space<hbm>> -> memref<1x8x64xf32, #tpu.memory_space<hbm>>
        %dma_start3A_3265 = tpu.memref_squeeze %dma_start3A_3264 : memref<1x8x64xf32, #tpu.memory_space<hbm>> -> memref<8x64xf32, #tpu.memory_space<hbm>>
        tpu.enqueue_dma source(%dma_start3A_3265 : memref<8x64xf32, #tpu.memory_space<hbm>>) target(%dma_start3A_3260 : memref<8x64xf32, #tpu.memory_space<vmem>>) target_semaphore(%arg15 : memref<!tpu.dma_semaphore, #tpu.memory_space<semaphore_mem>>)
        %slice3A_3266 = vector.extract_strided_slice %shift_right_arithmetic3A_2538 {offsets = [15], sizes = [1], strides = [1]} : vector<16xi32> to vector<1xi32>
        %squeeze3A_3267 = vector.extract %slice3A_3266[0] : i32 from vector<1xi32>
        %mul3A_3268 = arith.constant 16 : i32
        %mul3A_3269 = arith.muli %rem3A_2531, %mul3A_3268 : i32
        %add3A_3270 = arith.constant 15 : i32
        %add3A_3271 = arith.addi %mul3A_3269, %add3A_3270 : i32
        %dma_start3A_3272 = arith.constant 0 : i32
        %dma_start3A_3273 = arith.constant 0 : i32
        %dma_start3A_3274 = tpu.memref_slice %arg10[%add3A_3271, %dma_start3A_3272, %dma_start3A_3273] : memref<32x8x64xf32, #tpu.memory_space<vmem>> -> memref<1x8x64xf32, #tpu.memory_space<vmem>>
        %dma_start3A_3275 = tpu.memref_squeeze %dma_start3A_3274 : memref<1x8x64xf32, #tpu.memory_space<vmem>> -> memref<8x64xf32, #tpu.memory_space<vmem>>
        %dma_start3A_3276 = tpu.memref_reshape %arg4 : memref<1000000x64xf32, #tpu.memory_space<hbm>> -> memref<125000x8x64xf32, #tpu.memory_space<hbm>>
        %dma_start3A_3277 = arith.constant 0 : i32
        %dma_start3A_3278 = arith.constant 0 : i32
        %dma_start3A_3279 = tpu.memref_slice %dma_start3A_3276[%squeeze3A_3267, %dma_start3A_3277, %dma_start3A_3278] : memref<125000x8x64xf32, #tpu.memory_space<hbm>> -> memref<1x8x64xf32, #tpu.memory_space<hbm>>
        %dma_start3A_3280 = tpu.memref_squeeze %dma_start3A_3279 : memref<1x8x64xf32, #tpu.memory_space<hbm>> -> memref<8x64xf32, #tpu.memory_space<hbm>>
        %dma_start3A_3281 = arith.constant 0 : i32
        %dma_start3A_3282 = arith.constant 0 : i32
        %dma_start3A_3283 = tpu.memref_slice %arg10[%add3A_3271, %dma_start3A_3281, %dma_start3A_3282] : memref<32x8x64xf32, #tpu.memory_space<vmem>> -> memref<1x8x64xf32, #tpu.memory_space<vmem>>
        %dma_start3A_3284 = tpu.memref_squeeze %dma_start3A_3283 : memref<1x8x64xf32, #tpu.memory_space<vmem>> -> memref<8x64xf32, #tpu.memory_space<vmem>>
        %dma_start3A_3285 = tpu.memref_reshape %arg4 : memref<1000000x64xf32, #tpu.memory_space<hbm>> -> memref<125000x8x64xf32, #tpu.memory_space<hbm>>
        %dma_start3A_3286 = arith.constant 0 : i32
        %dma_start3A_3287 = arith.constant 0 : i32
        %dma_start3A_3288 = tpu.memref_slice %dma_start3A_3285[%squeeze3A_3267, %dma_start3A_3286, %dma_start3A_3287] : memref<125000x8x64xf32, #tpu.memory_space<hbm>> -> memref<1x8x64xf32, #tpu.memory_space<hbm>>
        %dma_start3A_3289 = tpu.memref_squeeze %dma_start3A_3288 : memref<1x8x64xf32, #tpu.memory_space<hbm>> -> memref<8x64xf32, #tpu.memory_space<hbm>>
        tpu.enqueue_dma source(%dma_start3A_3289 : memref<8x64xf32, #tpu.memory_space<hbm>>) target(%dma_start3A_3284 : memref<8x64xf32, #tpu.memory_space<vmem>>) target_semaphore(%arg15 : memref<!tpu.dma_semaphore, #tpu.memory_space<semaphore_mem>>)
        %slice3A_3290 = vector.extract_strided_slice %shift_right_arithmetic3A_2545 {offsets = [15], sizes = [1], strides = [1]} : vector<16xi32> to vector<1xi32>
        %squeeze3A_3291 = vector.extract %slice3A_3290[0] : i32 from vector<1xi32>
        %mul3A_3292 = arith.constant 16 : i32
        %mul3A_3293 = arith.muli %rem3A_2531, %mul3A_3292 : i32
        %add3A_3294 = arith.constant 15 : i32
        %add3A_3295 = arith.addi %mul3A_3293, %add3A_3294 : i32
        %dma_start3A_3296 = arith.constant 0 : i32
        %dma_start3A_3297 = arith.constant 0 : i32
        %dma_start3A_3298 = tpu.memref_slice %arg11[%add3A_3295, %dma_start3A_3296, %dma_start3A_3297] : memref<32x8x64xf32, #tpu.memory_space<vmem>> -> memref<1x8x64xf32, #tpu.memory_space<vmem>>
        %dma_start3A_3299 = tpu.memref_squeeze %dma_start3A_3298 : memref<1x8x64xf32, #tpu.memory_space<vmem>> -> memref<8x64xf32, #tpu.memory_space<vmem>>
        %dma_start3A_3300 = tpu.memref_reshape %arg5 : memref<1000000x64xf32, #tpu.memory_space<hbm>> -> memref<125000x8x64xf32, #tpu.memory_space<hbm>>
        %dma_start3A_3301 = arith.constant 0 : i32
        %dma_start3A_3302 = arith.constant 0 : i32
        %dma_start3A_3303 = tpu.memref_slice %dma_start3A_3300[%squeeze3A_3291, %dma_start3A_3301, %dma_start3A_3302] : memref<125000x8x64xf32, #tpu.memory_space<hbm>> -> memref<1x8x64xf32, #tpu.memory_space<hbm>>
        %dma_start3A_3304 = tpu.memref_squeeze %dma_start3A_3303 : memref<1x8x64xf32, #tpu.memory_space<hbm>> -> memref<8x64xf32, #tpu.memory_space<hbm>>
        %dma_start3A_3305 = arith.constant 0 : i32
        %dma_start3A_3306 = arith.constant 0 : i32
        %dma_start3A_3307 = tpu.memref_slice %arg11[%add3A_3295, %dma_start3A_3305, %dma_start3A_3306] : memref<32x8x64xf32, #tpu.memory_space<vmem>> -> memref<1x8x64xf32, #tpu.memory_space<vmem>>
        %dma_start3A_3308 = tpu.memref_squeeze %dma_start3A_3307 : memref<1x8x64xf32, #tpu.memory_space<vmem>> -> memref<8x64xf32, #tpu.memory_space<vmem>>
        %dma_start3A_3309 = tpu.memref_reshape %arg5 : memref<1000000x64xf32, #tpu.memory_space<hbm>> -> memref<125000x8x64xf32, #tpu.memory_space<hbm>>
        %dma_start3A_3310 = arith.constant 0 : i32
        %dma_start3A_3311 = arith.constant 0 : i32
        %dma_start3A_3312 = tpu.memref_slice %dma_start3A_3309[%squeeze3A_3291, %dma_start3A_3310, %dma_start3A_3311] : memref<125000x8x64xf32, #tpu.memory_space<hbm>> -> memref<1x8x64xf32, #tpu.memory_space<hbm>>
        %dma_start3A_3313 = tpu.memref_squeeze %dma_start3A_3312 : memref<1x8x64xf32, #tpu.memory_space<hbm>> -> memref<8x64xf32, #tpu.memory_space<hbm>>
        tpu.enqueue_dma source(%dma_start3A_3313 : memref<8x64xf32, #tpu.memory_space<hbm>>) target(%dma_start3A_3308 : memref<8x64xf32, #tpu.memory_space<vmem>>) target_semaphore(%arg15 : memref<!tpu.dma_semaphore, #tpu.memory_space<semaphore_mem>>)
      } else {
      }
      %rem3A_798 = arith.constant 2 : i32
      %rem3A_799 = arith.remsi %scan3A_793, %rem3A_798 : i32
      %mul3A_800 = arith.constant 16 : i32
      %mul3A_801 = arith.muli %rem3A_799, %mul3A_800 : i32
      %add3A_802 = arith.constant 0 : i32
      %add3A_803 = arith.addi %mul3A_801, %add3A_802 : i32
      %dma_wait3A = arith.constant 0 : i32
      %dma_wait3A_804 = arith.constant 0 : i32
      %dma_wait3A_805 = arith.constant 0 : i32
      %dma_wait3A_806 = tpu.memref_slice %arg10[%add3A_803, %dma_wait3A_804, %dma_wait3A_805] : memref<32x8x64xf32, #tpu.memory_space<vmem>> -> memref<1x8x64xf32, #tpu.memory_space<vmem>>
      %dma_wait3A_807 = tpu.memref_squeeze %dma_wait3A_806 : memref<1x8x64xf32, #tpu.memory_space<vmem>> -> memref<8x64xf32, #tpu.memory_space<vmem>>
      %dma_wait3A_808 = tpu.memref_reshape %arg4 : memref<1000000x64xf32, #tpu.memory_space<hbm>> -> memref<125000x8x64xf32, #tpu.memory_space<hbm>>
      %dma_wait3A_809 = arith.constant 0 : i32
      %dma_wait3A_810 = arith.constant 0 : i32
      %dma_wait3A_811 = tpu.memref_slice %dma_wait3A_808[%dma_wait3A, %dma_wait3A_809, %dma_wait3A_810] : memref<125000x8x64xf32, #tpu.memory_space<hbm>> -> memref<1x8x64xf32, #tpu.memory_space<hbm>>
      %dma_wait3A_812 = tpu.memref_squeeze %dma_wait3A_811 : memref<1x8x64xf32, #tpu.memory_space<hbm>> -> memref<8x64xf32, #tpu.memory_space<hbm>>
      %dma_wait3A_813 = arith.constant 0 : i32
      %dma_wait3A_814 = arith.constant 0 : i32
      %dma_wait3A_815 = tpu.memref_slice %arg10[%add3A_803, %dma_wait3A_813, %dma_wait3A_814] : memref<32x8x64xf32, #tpu.memory_space<vmem>> -> memref<1x8x64xf32, #tpu.memory_space<vmem>>
      %dma_wait3A_816 = tpu.memref_squeeze %dma_wait3A_815 : memref<1x8x64xf32, #tpu.memory_space<vmem>> -> memref<8x64xf32, #tpu.memory_space<vmem>>
      %dma_wait3A_817 = tpu.memref_reshape %arg4 : memref<1000000x64xf32, #tpu.memory_space<hbm>> -> memref<125000x8x64xf32, #tpu.memory_space<hbm>>
      %dma_wait3A_818 = arith.constant 0 : i32
      %dma_wait3A_819 = arith.constant 0 : i32
      %dma_wait3A_820 = tpu.memref_slice %dma_wait3A_817[%dma_wait3A, %dma_wait3A_818, %dma_wait3A_819] : memref<125000x8x64xf32, #tpu.memory_space<hbm>> -> memref<1x8x64xf32, #tpu.memory_space<hbm>>
      %dma_wait3A_821 = tpu.memref_squeeze %dma_wait3A_820 : memref<1x8x64xf32, #tpu.memory_space<hbm>> -> memref<8x64xf32, #tpu.memory_space<hbm>>
      tpu.wait_dma2 semaphore(%arg15 : memref<!tpu.dma_semaphore, #tpu.memory_space<semaphore_mem>>) src(%dma_wait3A_821 : memref<8x64xf32, #tpu.memory_space<hbm>>) dst(%dma_wait3A_816 : memref<8x64xf32, #tpu.memory_space<vmem>>)
      %mul3A_822 = arith.constant 16 : i32
      %mul3A_823 = arith.muli %rem3A_799, %mul3A_822 : i32
      %add3A_824 = arith.constant 0 : i32
      %add3A_825 = arith.addi %mul3A_823, %add3A_824 : i32
      %dma_wait3A_826 = arith.constant 0 : i32
      %dma_wait3A_827 = arith.constant 0 : i32
      %dma_wait3A_828 = arith.constant 0 : i32
      %dma_wait3A_829 = tpu.memref_slice %arg11[%add3A_825, %dma_wait3A_827, %dma_wait3A_828] : memref<32x8x64xf32, #tpu.memory_space<vmem>> -> memref<1x8x64xf32, #tpu.memory_space<vmem>>
      %dma_wait3A_830 = tpu.memref_squeeze %dma_wait3A_829 : memref<1x8x64xf32, #tpu.memory_space<vmem>> -> memref<8x64xf32, #tpu.memory_space<vmem>>
      %dma_wait3A_831 = tpu.memref_reshape %arg5 : memref<1000000x64xf32, #tpu.memory_space<hbm>> -> memref<125000x8x64xf32, #tpu.memory_space<hbm>>
      %dma_wait3A_832 = arith.constant 0 : i32
      %dma_wait3A_833 = arith.constant 0 : i32
      %dma_wait3A_834 = tpu.memref_slice %dma_wait3A_831[%dma_wait3A_826, %dma_wait3A_832, %dma_wait3A_833] : memref<125000x8x64xf32, #tpu.memory_space<hbm>> -> memref<1x8x64xf32, #tpu.memory_space<hbm>>
      %dma_wait3A_835 = tpu.memref_squeeze %dma_wait3A_834 : memref<1x8x64xf32, #tpu.memory_space<hbm>> -> memref<8x64xf32, #tpu.memory_space<hbm>>
      %dma_wait3A_836 = arith.constant 0 : i32
      %dma_wait3A_837 = arith.constant 0 : i32
      %dma_wait3A_838 = tpu.memref_slice %arg11[%add3A_825, %dma_wait3A_836, %dma_wait3A_837] : memref<32x8x64xf32, #tpu.memory_space<vmem>> -> memref<1x8x64xf32, #tpu.memory_space<vmem>>
      %dma_wait3A_839 = tpu.memref_squeeze %dma_wait3A_838 : memref<1x8x64xf32, #tpu.memory_space<vmem>> -> memref<8x64xf32, #tpu.memory_space<vmem>>
      %dma_wait3A_840 = tpu.memref_reshape %arg5 : memref<1000000x64xf32, #tpu.memory_space<hbm>> -> memref<125000x8x64xf32, #tpu.memory_space<hbm>>
      %dma_wait3A_841 = arith.constant 0 : i32
      %dma_wait3A_842 = arith.constant 0 : i32
      %dma_wait3A_843 = tpu.memref_slice %dma_wait3A_840[%dma_wait3A_826, %dma_wait3A_841, %dma_wait3A_842] : memref<125000x8x64xf32, #tpu.memory_space<hbm>> -> memref<1x8x64xf32, #tpu.memory_space<hbm>>
      %dma_wait3A_844 = tpu.memref_squeeze %dma_wait3A_843 : memref<1x8x64xf32, #tpu.memory_space<hbm>> -> memref<8x64xf32, #tpu.memory_space<hbm>>
      tpu.wait_dma2 semaphore(%arg15 : memref<!tpu.dma_semaphore, #tpu.memory_space<semaphore_mem>>) src(%dma_wait3A_844 : memref<8x64xf32, #tpu.memory_space<hbm>>) dst(%dma_wait3A_839 : memref<8x64xf32, #tpu.memory_space<vmem>>)
      %mul3A_845 = arith.constant 16 : i32
      %mul3A_846 = arith.muli %rem3A_799, %mul3A_845 : i32
      %add3A_847 = arith.constant 1 : i32
      %add3A_848 = arith.addi %mul3A_846, %add3A_847 : i32
      %dma_wait3A_849 = arith.constant 0 : i32
      %dma_wait3A_850 = arith.constant 0 : i32
      %dma_wait3A_851 = arith.constant 0 : i32
      %dma_wait3A_852 = tpu.memref_slice %arg10[%add3A_848, %dma_wait3A_850, %dma_wait3A_851] : memref<32x8x64xf32, #tpu.memory_space<vmem>> -> memref<1x8x64xf32, #tpu.memory_space<vmem>>
      %dma_wait3A_853 = tpu.memref_squeeze %dma_wait3A_852 : memref<1x8x64xf32, #tpu.memory_space<vmem>> -> memref<8x64xf32, #tpu.memory_space<vmem>>
      %dma_wait3A_854 = tpu.memref_reshape %arg4 : memref<1000000x64xf32, #tpu.memory_space<hbm>> -> memref<125000x8x64xf32, #tpu.memory_space<hbm>>
      %dma_wait3A_855 = arith.constant 0 : i32
      %dma_wait3A_856 = arith.constant 0 : i32
      %dma_wait3A_857 = tpu.memref_slice %dma_wait3A_854[%dma_wait3A_849, %dma_wait3A_855, %dma_wait3A_856] : memref<125000x8x64xf32, #tpu.memory_space<hbm>> -> memref<1x8x64xf32, #tpu.memory_space<hbm>>
      %dma_wait3A_858 = tpu.memref_squeeze %dma_wait3A_857 : memref<1x8x64xf32, #tpu.memory_space<hbm>> -> memref<8x64xf32, #tpu.memory_space<hbm>>
      %dma_wait3A_859 = arith.constant 0 : i32
      %dma_wait3A_860 = arith.constant 0 : i32
      %dma_wait3A_861 = tpu.memref_slice %arg10[%add3A_848, %dma_wait3A_859, %dma_wait3A_860] : memref<32x8x64xf32, #tpu.memory_space<vmem>> -> memref<1x8x64xf32, #tpu.memory_space<vmem>>
      %dma_wait3A_862 = tpu.memref_squeeze %dma_wait3A_861 : memref<1x8x64xf32, #tpu.memory_space<vmem>> -> memref<8x64xf32, #tpu.memory_space<vmem>>
      %dma_wait3A_863 = tpu.memref_reshape %arg4 : memref<1000000x64xf32, #tpu.memory_space<hbm>> -> memref<125000x8x64xf32, #tpu.memory_space<hbm>>
      %dma_wait3A_864 = arith.constant 0 : i32
      %dma_wait3A_865 = arith.constant 0 : i32
      %dma_wait3A_866 = tpu.memref_slice %dma_wait3A_863[%dma_wait3A_849, %dma_wait3A_864, %dma_wait3A_865] : memref<125000x8x64xf32, #tpu.memory_space<hbm>> -> memref<1x8x64xf32, #tpu.memory_space<hbm>>
      %dma_wait3A_867 = tpu.memref_squeeze %dma_wait3A_866 : memref<1x8x64xf32, #tpu.memory_space<hbm>> -> memref<8x64xf32, #tpu.memory_space<hbm>>
      tpu.wait_dma2 semaphore(%arg15 : memref<!tpu.dma_semaphore, #tpu.memory_space<semaphore_mem>>) src(%dma_wait3A_867 : memref<8x64xf32, #tpu.memory_space<hbm>>) dst(%dma_wait3A_862 : memref<8x64xf32, #tpu.memory_space<vmem>>)
      %mul3A_868 = arith.constant 16 : i32
      %mul3A_869 = arith.muli %rem3A_799, %mul3A_868 : i32
      %add3A_870 = arith.constant 1 : i32
      %add3A_871 = arith.addi %mul3A_869, %add3A_870 : i32
      %dma_wait3A_872 = arith.constant 0 : i32
      %dma_wait3A_873 = arith.constant 0 : i32
      %dma_wait3A_874 = arith.constant 0 : i32
      %dma_wait3A_875 = tpu.memref_slice %arg11[%add3A_871, %dma_wait3A_873, %dma_wait3A_874] : memref<32x8x64xf32, #tpu.memory_space<vmem>> -> memref<1x8x64xf32, #tpu.memory_space<vmem>>
      %dma_wait3A_876 = tpu.memref_squeeze %dma_wait3A_875 : memref<1x8x64xf32, #tpu.memory_space<vmem>> -> memref<8x64xf32, #tpu.memory_space<vmem>>
      %dma_wait3A_877 = tpu.memref_reshape %arg5 : memref<1000000x64xf32, #tpu.memory_space<hbm>> -> memref<125000x8x64xf32, #tpu.memory_space<hbm>>
      %dma_wait3A_878 = arith.constant 0 : i32
      %dma_wait3A_879 = arith.constant 0 : i32
      %dma_wait3A_880 = tpu.memref_slice %dma_wait3A_877[%dma_wait3A_872, %dma_wait3A_878, %dma_wait3A_879] : memref<125000x8x64xf32, #tpu.memory_space<hbm>> -> memref<1x8x64xf32, #tpu.memory_space<hbm>>
      %dma_wait3A_881 = tpu.memref_squeeze %dma_wait3A_880 : memref<1x8x64xf32, #tpu.memory_space<hbm>> -> memref<8x64xf32, #tpu.memory_space<hbm>>
      %dma_wait3A_882 = arith.constant 0 : i32
      %dma_wait3A_883 = arith.constant 0 : i32
      %dma_wait3A_884 = tpu.memref_slice %arg11[%add3A_871, %dma_wait3A_882, %dma_wait3A_883] : memref<32x8x64xf32, #tpu.memory_space<vmem>> -> memref<1x8x64xf32, #tpu.memory_space<vmem>>
      %dma_wait3A_885 = tpu.memref_squeeze %dma_wait3A_884 : memref<1x8x64xf32, #tpu.memory_space<vmem>> -> memref<8x64xf32, #tpu.memory_space<vmem>>
      %dma_wait3A_886 = tpu.memref_reshape %arg5 : memref<1000000x64xf32, #tpu.memory_space<hbm>> -> memref<125000x8x64xf32, #tpu.memory_space<hbm>>
      %dma_wait3A_887 = arith.constant 0 : i32
      %dma_wait3A_888 = arith.constant 0 : i32
      %dma_wait3A_889 = tpu.memref_slice %dma_wait3A_886[%dma_wait3A_872, %dma_wait3A_887, %dma_wait3A_888] : memref<125000x8x64xf32, #tpu.memory_space<hbm>> -> memref<1x8x64xf32, #tpu.memory_space<hbm>>
      %dma_wait3A_890 = tpu.memref_squeeze %dma_wait3A_889 : memref<1x8x64xf32, #tpu.memory_space<hbm>> -> memref<8x64xf32, #tpu.memory_space<hbm>>
      tpu.wait_dma2 semaphore(%arg15 : memref<!tpu.dma_semaphore, #tpu.memory_space<semaphore_mem>>) src(%dma_wait3A_890 : memref<8x64xf32, #tpu.memory_space<hbm>>) dst(%dma_wait3A_885 : memref<8x64xf32, #tpu.memory_space<vmem>>)
      %mul3A_891 = arith.constant 16 : i32
      %mul3A_892 = arith.muli %rem3A_799, %mul3A_891 : i32
      %add3A_893 = arith.constant 2 : i32
      %add3A_894 = arith.addi %mul3A_892, %add3A_893 : i32
      %dma_wait3A_895 = arith.constant 0 : i32
      %dma_wait3A_896 = arith.constant 0 : i32
      %dma_wait3A_897 = arith.constant 0 : i32
      %dma_wait3A_898 = tpu.memref_slice %arg10[%add3A_894, %dma_wait3A_896, %dma_wait3A_897] : memref<32x8x64xf32, #tpu.memory_space<vmem>> -> memref<1x8x64xf32, #tpu.memory_space<vmem>>
      %dma_wait3A_899 = tpu.memref_squeeze %dma_wait3A_898 : memref<1x8x64xf32, #tpu.memory_space<vmem>> -> memref<8x64xf32, #tpu.memory_space<vmem>>
      %dma_wait3A_900 = tpu.memref_reshape %arg4 : memref<1000000x64xf32, #tpu.memory_space<hbm>> -> memref<125000x8x64xf32, #tpu.memory_space<hbm>>
      %dma_wait3A_901 = arith.constant 0 : i32
      %dma_wait3A_902 = arith.constant 0 : i32
      %dma_wait3A_903 = tpu.memref_slice %dma_wait3A_900[%dma_wait3A_895, %dma_wait3A_901, %dma_wait3A_902] : memref<125000x8x64xf32, #tpu.memory_space<hbm>> -> memref<1x8x64xf32, #tpu.memory_space<hbm>>
      %dma_wait3A_904 = tpu.memref_squeeze %dma_wait3A_903 : memref<1x8x64xf32, #tpu.memory_space<hbm>> -> memref<8x64xf32, #tpu.memory_space<hbm>>
      %dma_wait3A_905 = arith.constant 0 : i32
      %dma_wait3A_906 = arith.constant 0 : i32
      %dma_wait3A_907 = tpu.memref_slice %arg10[%add3A_894, %dma_wait3A_905, %dma_wait3A_906] : memref<32x8x64xf32, #tpu.memory_space<vmem>> -> memref<1x8x64xf32, #tpu.memory_space<vmem>>
      %dma_wait3A_908 = tpu.memref_squeeze %dma_wait3A_907 : memref<1x8x64xf32, #tpu.memory_space<vmem>> -> memref<8x64xf32, #tpu.memory_space<vmem>>
      %dma_wait3A_909 = tpu.memref_reshape %arg4 : memref<1000000x64xf32, #tpu.memory_space<hbm>> -> memref<125000x8x64xf32, #tpu.memory_space<hbm>>
      %dma_wait3A_910 = arith.constant 0 : i32
      %dma_wait3A_911 = arith.constant 0 : i32
      %dma_wait3A_912 = tpu.memref_slice %dma_wait3A_909[%dma_wait3A_895, %dma_wait3A_910, %dma_wait3A_911] : memref<125000x8x64xf32, #tpu.memory_space<hbm>> -> memref<1x8x64xf32, #tpu.memory_space<hbm>>
      %dma_wait3A_913 = tpu.memref_squeeze %dma_wait3A_912 : memref<1x8x64xf32, #tpu.memory_space<hbm>> -> memref<8x64xf32, #tpu.memory_space<hbm>>
      tpu.wait_dma2 semaphore(%arg15 : memref<!tpu.dma_semaphore, #tpu.memory_space<semaphore_mem>>) src(%dma_wait3A_913 : memref<8x64xf32, #tpu.memory_space<hbm>>) dst(%dma_wait3A_908 : memref<8x64xf32, #tpu.memory_space<vmem>>)
      %mul3A_914 = arith.constant 16 : i32
      %mul3A_915 = arith.muli %rem3A_799, %mul3A_914 : i32
      %add3A_916 = arith.constant 2 : i32
      %add3A_917 = arith.addi %mul3A_915, %add3A_916 : i32
      %dma_wait3A_918 = arith.constant 0 : i32
      %dma_wait3A_919 = arith.constant 0 : i32
      %dma_wait3A_920 = arith.constant 0 : i32
      %dma_wait3A_921 = tpu.memref_slice %arg11[%add3A_917, %dma_wait3A_919, %dma_wait3A_920] : memref<32x8x64xf32, #tpu.memory_space<vmem>> -> memref<1x8x64xf32, #tpu.memory_space<vmem>>
      %dma_wait3A_922 = tpu.memref_squeeze %dma_wait3A_921 : memref<1x8x64xf32, #tpu.memory_space<vmem>> -> memref<8x64xf32, #tpu.memory_space<vmem>>
      %dma_wait3A_923 = tpu.memref_reshape %arg5 : memref<1000000x64xf32, #tpu.memory_space<hbm>> -> memref<125000x8x64xf32, #tpu.memory_space<hbm>>
      %dma_wait3A_924 = arith.constant 0 : i32
      %dma_wait3A_925 = arith.constant 0 : i32
      %dma_wait3A_926 = tpu.memref_slice %dma_wait3A_923[%dma_wait3A_918, %dma_wait3A_924, %dma_wait3A_925] : memref<125000x8x64xf32, #tpu.memory_space<hbm>> -> memref<1x8x64xf32, #tpu.memory_space<hbm>>
      %dma_wait3A_927 = tpu.memref_squeeze %dma_wait3A_926 : memref<1x8x64xf32, #tpu.memory_space<hbm>> -> memref<8x64xf32, #tpu.memory_space<hbm>>
      %dma_wait3A_928 = arith.constant 0 : i32
      %dma_wait3A_929 = arith.constant 0 : i32
      %dma_wait3A_930 = tpu.memref_slice %arg11[%add3A_917, %dma_wait3A_928, %dma_wait3A_929] : memref<32x8x64xf32, #tpu.memory_space<vmem>> -> memref<1x8x64xf32, #tpu.memory_space<vmem>>
      %dma_wait3A_931 = tpu.memref_squeeze %dma_wait3A_930 : memref<1x8x64xf32, #tpu.memory_space<vmem>> -> memref<8x64xf32, #tpu.memory_space<vmem>>
      %dma_wait3A_932 = tpu.memref_reshape %arg5 : memref<1000000x64xf32, #tpu.memory_space<hbm>> -> memref<125000x8x64xf32, #tpu.memory_space<hbm>>
      %dma_wait3A_933 = arith.constant 0 : i32
      %dma_wait3A_934 = arith.constant 0 : i32
      %dma_wait3A_935 = tpu.memref_slice %dma_wait3A_932[%dma_wait3A_918, %dma_wait3A_933, %dma_wait3A_934] : memref<125000x8x64xf32, #tpu.memory_space<hbm>> -> memref<1x8x64xf32, #tpu.memory_space<hbm>>
      %dma_wait3A_936 = tpu.memref_squeeze %dma_wait3A_935 : memref<1x8x64xf32, #tpu.memory_space<hbm>> -> memref<8x64xf32, #tpu.memory_space<hbm>>
      tpu.wait_dma2 semaphore(%arg15 : memref<!tpu.dma_semaphore, #tpu.memory_space<semaphore_mem>>) src(%dma_wait3A_936 : memref<8x64xf32, #tpu.memory_space<hbm>>) dst(%dma_wait3A_931 : memref<8x64xf32, #tpu.memory_space<vmem>>)
      %mul3A_937 = arith.constant 16 : i32
      %mul3A_938 = arith.muli %rem3A_799, %mul3A_937 : i32
      %add3A_939 = arith.constant 3 : i32
      %add3A_940 = arith.addi %mul3A_938, %add3A_939 : i32
      %dma_wait3A_941 = arith.constant 0 : i32
      %dma_wait3A_942 = arith.constant 0 : i32
      %dma_wait3A_943 = arith.constant 0 : i32
      %dma_wait3A_944 = tpu.memref_slice %arg10[%add3A_940, %dma_wait3A_942, %dma_wait3A_943] : memref<32x8x64xf32, #tpu.memory_space<vmem>> -> memref<1x8x64xf32, #tpu.memory_space<vmem>>
      %dma_wait3A_945 = tpu.memref_squeeze %dma_wait3A_944 : memref<1x8x64xf32, #tpu.memory_space<vmem>> -> memref<8x64xf32, #tpu.memory_space<vmem>>
      %dma_wait3A_946 = tpu.memref_reshape %arg4 : memref<1000000x64xf32, #tpu.memory_space<hbm>> -> memref<125000x8x64xf32, #tpu.memory_space<hbm>>
      %dma_wait3A_947 = arith.constant 0 : i32
      %dma_wait3A_948 = arith.constant 0 : i32
      %dma_wait3A_949 = tpu.memref_slice %dma_wait3A_946[%dma_wait3A_941, %dma_wait3A_947, %dma_wait3A_948] : memref<125000x8x64xf32, #tpu.memory_space<hbm>> -> memref<1x8x64xf32, #tpu.memory_space<hbm>>
      %dma_wait3A_950 = tpu.memref_squeeze %dma_wait3A_949 : memref<1x8x64xf32, #tpu.memory_space<hbm>> -> memref<8x64xf32, #tpu.memory_space<hbm>>
      %dma_wait3A_951 = arith.constant 0 : i32
      %dma_wait3A_952 = arith.constant 0 : i32
      %dma_wait3A_953 = tpu.memref_slice %arg10[%add3A_940, %dma_wait3A_951, %dma_wait3A_952] : memref<32x8x64xf32, #tpu.memory_space<vmem>> -> memref<1x8x64xf32, #tpu.memory_space<vmem>>
      %dma_wait3A_954 = tpu.memref_squeeze %dma_wait3A_953 : memref<1x8x64xf32, #tpu.memory_space<vmem>> -> memref<8x64xf32, #tpu.memory_space<vmem>>
      %dma_wait3A_955 = tpu.memref_reshape %arg4 : memref<1000000x64xf32, #tpu.memory_space<hbm>> -> memref<125000x8x64xf32, #tpu.memory_space<hbm>>
      %dma_wait3A_956 = arith.constant 0 : i32
      %dma_wait3A_957 = arith.constant 0 : i32
      %dma_wait3A_958 = tpu.memref_slice %dma_wait3A_955[%dma_wait3A_941, %dma_wait3A_956, %dma_wait3A_957] : memref<125000x8x64xf32, #tpu.memory_space<hbm>> -> memref<1x8x64xf32, #tpu.memory_space<hbm>>
      %dma_wait3A_959 = tpu.memref_squeeze %dma_wait3A_958 : memref<1x8x64xf32, #tpu.memory_space<hbm>> -> memref<8x64xf32, #tpu.memory_space<hbm>>
      tpu.wait_dma2 semaphore(%arg15 : memref<!tpu.dma_semaphore, #tpu.memory_space<semaphore_mem>>) src(%dma_wait3A_959 : memref<8x64xf32, #tpu.memory_space<hbm>>) dst(%dma_wait3A_954 : memref<8x64xf32, #tpu.memory_space<vmem>>)
      %mul3A_960 = arith.constant 16 : i32
      %mul3A_961 = arith.muli %rem3A_799, %mul3A_960 : i32
      %add3A_962 = arith.constant 3 : i32
      %add3A_963 = arith.addi %mul3A_961, %add3A_962 : i32
      %dma_wait3A_964 = arith.constant 0 : i32
      %dma_wait3A_965 = arith.constant 0 : i32
      %dma_wait3A_966 = arith.constant 0 : i32
      %dma_wait3A_967 = tpu.memref_slice %arg11[%add3A_963, %dma_wait3A_965, %dma_wait3A_966] : memref<32x8x64xf32, #tpu.memory_space<vmem>> -> memref<1x8x64xf32, #tpu.memory_space<vmem>>
      %dma_wait3A_968 = tpu.memref_squeeze %dma_wait3A_967 : memref<1x8x64xf32, #tpu.memory_space<vmem>> -> memref<8x64xf32, #tpu.memory_space<vmem>>
      %dma_wait3A_969 = tpu.memref_reshape %arg5 : memref<1000000x64xf32, #tpu.memory_space<hbm>> -> memref<125000x8x64xf32, #tpu.memory_space<hbm>>
      %dma_wait3A_970 = arith.constant 0 : i32
      %dma_wait3A_971 = arith.constant 0 : i32
      %dma_wait3A_972 = tpu.memref_slice %dma_wait3A_969[%dma_wait3A_964, %dma_wait3A_970, %dma_wait3A_971] : memref<125000x8x64xf32, #tpu.memory_space<hbm>> -> memref<1x8x64xf32, #tpu.memory_space<hbm>>
      %dma_wait3A_973 = tpu.memref_squeeze %dma_wait3A_972 : memref<1x8x64xf32, #tpu.memory_space<hbm>> -> memref<8x64xf32, #tpu.memory_space<hbm>>
      %dma_wait3A_974 = arith.constant 0 : i32
      %dma_wait3A_975 = arith.constant 0 : i32
      %dma_wait3A_976 = tpu.memref_slice %arg11[%add3A_963, %dma_wait3A_974, %dma_wait3A_975] : memref<32x8x64xf32, #tpu.memory_space<vmem>> -> memref<1x8x64xf32, #tpu.memory_space<vmem>>
      %dma_wait3A_977 = tpu.memref_squeeze %dma_wait3A_976 : memref<1x8x64xf32, #tpu.memory_space<vmem>> -> memref<8x64xf32, #tpu.memory_space<vmem>>
      %dma_wait3A_978 = tpu.memref_reshape %arg5 : memref<1000000x64xf32, #tpu.memory_space<hbm>> -> memref<125000x8x64xf32, #tpu.memory_space<hbm>>
      %dma_wait3A_979 = arith.constant 0 : i32
      %dma_wait3A_980 = arith.constant 0 : i32
      %dma_wait3A_981 = tpu.memref_slice %dma_wait3A_978[%dma_wait3A_964, %dma_wait3A_979, %dma_wait3A_980] : memref<125000x8x64xf32, #tpu.memory_space<hbm>> -> memref<1x8x64xf32, #tpu.memory_space<hbm>>
      %dma_wait3A_982 = tpu.memref_squeeze %dma_wait3A_981 : memref<1x8x64xf32, #tpu.memory_space<hbm>> -> memref<8x64xf32, #tpu.memory_space<hbm>>
      tpu.wait_dma2 semaphore(%arg15 : memref<!tpu.dma_semaphore, #tpu.memory_space<semaphore_mem>>) src(%dma_wait3A_982 : memref<8x64xf32, #tpu.memory_space<hbm>>) dst(%dma_wait3A_977 : memref<8x64xf32, #tpu.memory_space<vmem>>)
      %mul3A_983 = arith.constant 16 : i32
      %mul3A_984 = arith.muli %rem3A_799, %mul3A_983 : i32
      %add3A_985 = arith.constant 4 : i32
      %add3A_986 = arith.addi %mul3A_984, %add3A_985 : i32
      %dma_wait3A_987 = arith.constant 0 : i32
      %dma_wait3A_988 = arith.constant 0 : i32
      %dma_wait3A_989 = arith.constant 0 : i32
      %dma_wait3A_990 = tpu.memref_slice %arg10[%add3A_986, %dma_wait3A_988, %dma_wait3A_989] : memref<32x8x64xf32, #tpu.memory_space<vmem>> -> memref<1x8x64xf32, #tpu.memory_space<vmem>>
      %dma_wait3A_991 = tpu.memref_squeeze %dma_wait3A_990 : memref<1x8x64xf32, #tpu.memory_space<vmem>> -> memref<8x64xf32, #tpu.memory_space<vmem>>
      %dma_wait3A_992 = tpu.memref_reshape %arg4 : memref<1000000x64xf32, #tpu.memory_space<hbm>> -> memref<125000x8x64xf32, #tpu.memory_space<hbm>>
      %dma_wait3A_993 = arith.constant 0 : i32
      %dma_wait3A_994 = arith.constant 0 : i32
      %dma_wait3A_995 = tpu.memref_slice %dma_wait3A_992[%dma_wait3A_987, %dma_wait3A_993, %dma_wait3A_994] : memref<125000x8x64xf32, #tpu.memory_space<hbm>> -> memref<1x8x64xf32, #tpu.memory_space<hbm>>
      %dma_wait3A_996 = tpu.memref_squeeze %dma_wait3A_995 : memref<1x8x64xf32, #tpu.memory_space<hbm>> -> memref<8x64xf32, #tpu.memory_space<hbm>>
      %dma_wait3A_997 = arith.constant 0 : i32
      %dma_wait3A_998 = arith.constant 0 : i32
      %dma_wait3A_999 = tpu.memref_slice %arg10[%add3A_986, %dma_wait3A_997, %dma_wait3A_998] : memref<32x8x64xf32, #tpu.memory_space<vmem>> -> memref<1x8x64xf32, #tpu.memory_space<vmem>>
      %dma_wait3A_1000 = tpu.memref_squeeze %dma_wait3A_999 : memref<1x8x64xf32, #tpu.memory_space<vmem>> -> memref<8x64xf32, #tpu.memory_space<vmem>>
      %dma_wait3A_1001 = tpu.memref_reshape %arg4 : memref<1000000x64xf32, #tpu.memory_space<hbm>> -> memref<125000x8x64xf32, #tpu.memory_space<hbm>>
      %dma_wait3A_1002 = arith.constant 0 : i32
      %dma_wait3A_1003 = arith.constant 0 : i32
      %dma_wait3A_1004 = tpu.memref_slice %dma_wait3A_1001[%dma_wait3A_987, %dma_wait3A_1002, %dma_wait3A_1003] : memref<125000x8x64xf32, #tpu.memory_space<hbm>> -> memref<1x8x64xf32, #tpu.memory_space<hbm>>
      %dma_wait3A_1005 = tpu.memref_squeeze %dma_wait3A_1004 : memref<1x8x64xf32, #tpu.memory_space<hbm>> -> memref<8x64xf32, #tpu.memory_space<hbm>>
      tpu.wait_dma2 semaphore(%arg15 : memref<!tpu.dma_semaphore, #tpu.memory_space<semaphore_mem>>) src(%dma_wait3A_1005 : memref<8x64xf32, #tpu.memory_space<hbm>>) dst(%dma_wait3A_1000 : memref<8x64xf32, #tpu.memory_space<vmem>>)
      %mul3A_1006 = arith.constant 16 : i32
      %mul3A_1007 = arith.muli %rem3A_799, %mul3A_1006 : i32
      %add3A_1008 = arith.constant 4 : i32
      %add3A_1009 = arith.addi %mul3A_1007, %add3A_1008 : i32
      %dma_wait3A_1010 = arith.constant 0 : i32
      %dma_wait3A_1011 = arith.constant 0 : i32
      %dma_wait3A_1012 = arith.constant 0 : i32
      %dma_wait3A_1013 = tpu.memref_slice %arg11[%add3A_1009, %dma_wait3A_1011, %dma_wait3A_1012] : memref<32x8x64xf32, #tpu.memory_space<vmem>> -> memref<1x8x64xf32, #tpu.memory_space<vmem>>
      %dma_wait3A_1014 = tpu.memref_squeeze %dma_wait3A_1013 : memref<1x8x64xf32, #tpu.memory_space<vmem>> -> memref<8x64xf32, #tpu.memory_space<vmem>>
      %dma_wait3A_1015 = tpu.memref_reshape %arg5 : memref<1000000x64xf32, #tpu.memory_space<hbm>> -> memref<125000x8x64xf32, #tpu.memory_space<hbm>>
      %dma_wait3A_1016 = arith.constant 0 : i32
      %dma_wait3A_1017 = arith.constant 0 : i32
      %dma_wait3A_1018 = tpu.memref_slice %dma_wait3A_1015[%dma_wait3A_1010, %dma_wait3A_1016, %dma_wait3A_1017] : memref<125000x8x64xf32, #tpu.memory_space<hbm>> -> memref<1x8x64xf32, #tpu.memory_space<hbm>>
      %dma_wait3A_1019 = tpu.memref_squeeze %dma_wait3A_1018 : memref<1x8x64xf32, #tpu.memory_space<hbm>> -> memref<8x64xf32, #tpu.memory_space<hbm>>
      %dma_wait3A_1020 = arith.constant 0 : i32
      %dma_wait3A_1021 = arith.constant 0 : i32
      %dma_wait3A_1022 = tpu.memref_slice %arg11[%add3A_1009, %dma_wait3A_1020, %dma_wait3A_1021] : memref<32x8x64xf32, #tpu.memory_space<vmem>> -> memref<1x8x64xf32, #tpu.memory_space<vmem>>
      %dma_wait3A_1023 = tpu.memref_squeeze %dma_wait3A_1022 : memref<1x8x64xf32, #tpu.memory_space<vmem>> -> memref<8x64xf32, #tpu.memory_space<vmem>>
      %dma_wait3A_1024 = tpu.memref_reshape %arg5 : memref<1000000x64xf32, #tpu.memory_space<hbm>> -> memref<125000x8x64xf32, #tpu.memory_space<hbm>>
      %dma_wait3A_1025 = arith.constant 0 : i32
      %dma_wait3A_1026 = arith.constant 0 : i32
      %dma_wait3A_1027 = tpu.memref_slice %dma_wait3A_1024[%dma_wait3A_1010, %dma_wait3A_1025, %dma_wait3A_1026] : memref<125000x8x64xf32, #tpu.memory_space<hbm>> -> memref<1x8x64xf32, #tpu.memory_space<hbm>>
      %dma_wait3A_1028 = tpu.memref_squeeze %dma_wait3A_1027 : memref<1x8x64xf32, #tpu.memory_space<hbm>> -> memref<8x64xf32, #tpu.memory_space<hbm>>
      tpu.wait_dma2 semaphore(%arg15 : memref<!tpu.dma_semaphore, #tpu.memory_space<semaphore_mem>>) src(%dma_wait3A_1028 : memref<8x64xf32, #tpu.memory_space<hbm>>) dst(%dma_wait3A_1023 : memref<8x64xf32, #tpu.memory_space<vmem>>)
      %mul3A_1029 = arith.constant 16 : i32
      %mul3A_1030 = arith.muli %rem3A_799, %mul3A_1029 : i32
      %add3A_1031 = arith.constant 5 : i32
      %add3A_1032 = arith.addi %mul3A_1030, %add3A_1031 : i32
      %dma_wait3A_1033 = arith.constant 0 : i32
      %dma_wait3A_1034 = arith.constant 0 : i32
      %dma_wait3A_1035 = arith.constant 0 : i32
      %dma_wait3A_1036 = tpu.memref_slice %arg10[%add3A_1032, %dma_wait3A_1034, %dma_wait3A_1035] : memref<32x8x64xf32, #tpu.memory_space<vmem>> -> memref<1x8x64xf32, #tpu.memory_space<vmem>>
      %dma_wait3A_1037 = tpu.memref_squeeze %dma_wait3A_1036 : memref<1x8x64xf32, #tpu.memory_space<vmem>> -> memref<8x64xf32, #tpu.memory_space<vmem>>
      %dma_wait3A_1038 = tpu.memref_reshape %arg4 : memref<1000000x64xf32, #tpu.memory_space<hbm>> -> memref<125000x8x64xf32, #tpu.memory_space<hbm>>
      %dma_wait3A_1039 = arith.constant 0 : i32
      %dma_wait3A_1040 = arith.constant 0 : i32
      %dma_wait3A_1041 = tpu.memref_slice %dma_wait3A_1038[%dma_wait3A_1033, %dma_wait3A_1039, %dma_wait3A_1040] : memref<125000x8x64xf32, #tpu.memory_space<hbm>> -> memref<1x8x64xf32, #tpu.memory_space<hbm>>
      %dma_wait3A_1042 = tpu.memref_squeeze %dma_wait3A_1041 : memref<1x8x64xf32, #tpu.memory_space<hbm>> -> memref<8x64xf32, #tpu.memory_space<hbm>>
      %dma_wait3A_1043 = arith.constant 0 : i32
      %dma_wait3A_1044 = arith.constant 0 : i32
      %dma_wait3A_1045 = tpu.memref_slice %arg10[%add3A_1032, %dma_wait3A_1043, %dma_wait3A_1044] : memref<32x8x64xf32, #tpu.memory_space<vmem>> -> memref<1x8x64xf32, #tpu.memory_space<vmem>>
      %dma_wait3A_1046 = tpu.memref_squeeze %dma_wait3A_1045 : memref<1x8x64xf32, #tpu.memory_space<vmem>> -> memref<8x64xf32, #tpu.memory_space<vmem>>
      %dma_wait3A_1047 = tpu.memref_reshape %arg4 : memref<1000000x64xf32, #tpu.memory_space<hbm>> -> memref<125000x8x64xf32, #tpu.memory_space<hbm>>
      %dma_wait3A_1048 = arith.constant 0 : i32
      %dma_wait3A_1049 = arith.constant 0 : i32
      %dma_wait3A_1050 = tpu.memref_slice %dma_wait3A_1047[%dma_wait3A_1033, %dma_wait3A_1048, %dma_wait3A_1049] : memref<125000x8x64xf32, #tpu.memory_space<hbm>> -> memref<1x8x64xf32, #tpu.memory_space<hbm>>
      %dma_wait3A_1051 = tpu.memref_squeeze %dma_wait3A_1050 : memref<1x8x64xf32, #tpu.memory_space<hbm>> -> memref<8x64xf32, #tpu.memory_space<hbm>>
      tpu.wait_dma2 semaphore(%arg15 : memref<!tpu.dma_semaphore, #tpu.memory_space<semaphore_mem>>) src(%dma_wait3A_1051 : memref<8x64xf32, #tpu.memory_space<hbm>>) dst(%dma_wait3A_1046 : memref<8x64xf32, #tpu.memory_space<vmem>>)
      %mul3A_1052 = arith.constant 16 : i32
      %mul3A_1053 = arith.muli %rem3A_799, %mul3A_1052 : i32
      %add3A_1054 = arith.constant 5 : i32
      %add3A_1055 = arith.addi %mul3A_1053, %add3A_1054 : i32
      %dma_wait3A_1056 = arith.constant 0 : i32
      %dma_wait3A_1057 = arith.constant 0 : i32
      %dma_wait3A_1058 = arith.constant 0 : i32
      %dma_wait3A_1059 = tpu.memref_slice %arg11[%add3A_1055, %dma_wait3A_1057, %dma_wait3A_1058] : memref<32x8x64xf32, #tpu.memory_space<vmem>> -> memref<1x8x64xf32, #tpu.memory_space<vmem>>
      %dma_wait3A_1060 = tpu.memref_squeeze %dma_wait3A_1059 : memref<1x8x64xf32, #tpu.memory_space<vmem>> -> memref<8x64xf32, #tpu.memory_space<vmem>>
      %dma_wait3A_1061 = tpu.memref_reshape %arg5 : memref<1000000x64xf32, #tpu.memory_space<hbm>> -> memref<125000x8x64xf32, #tpu.memory_space<hbm>>
      %dma_wait3A_1062 = arith.constant 0 : i32
      %dma_wait3A_1063 = arith.constant 0 : i32
      %dma_wait3A_1064 = tpu.memref_slice %dma_wait3A_1061[%dma_wait3A_1056, %dma_wait3A_1062, %dma_wait3A_1063] : memref<125000x8x64xf32, #tpu.memory_space<hbm>> -> memref<1x8x64xf32, #tpu.memory_space<hbm>>
      %dma_wait3A_1065 = tpu.memref_squeeze %dma_wait3A_1064 : memref<1x8x64xf32, #tpu.memory_space<hbm>> -> memref<8x64xf32, #tpu.memory_space<hbm>>
      %dma_wait3A_1066 = arith.constant 0 : i32
      %dma_wait3A_1067 = arith.constant 0 : i32
      %dma_wait3A_1068 = tpu.memref_slice %arg11[%add3A_1055, %dma_wait3A_1066, %dma_wait3A_1067] : memref<32x8x64xf32, #tpu.memory_space<vmem>> -> memref<1x8x64xf32, #tpu.memory_space<vmem>>
      %dma_wait3A_1069 = tpu.memref_squeeze %dma_wait3A_1068 : memref<1x8x64xf32, #tpu.memory_space<vmem>> -> memref<8x64xf32, #tpu.memory_space<vmem>>
      %dma_wait3A_1070 = tpu.memref_reshape %arg5 : memref<1000000x64xf32, #tpu.memory_space<hbm>> -> memref<125000x8x64xf32, #tpu.memory_space<hbm>>
      %dma_wait3A_1071 = arith.constant 0 : i32
      %dma_wait3A_1072 = arith.constant 0 : i32
      %dma_wait3A_1073 = tpu.memref_slice %dma_wait3A_1070[%dma_wait3A_1056, %dma_wait3A_1071, %dma_wait3A_1072] : memref<125000x8x64xf32, #tpu.memory_space<hbm>> -> memref<1x8x64xf32, #tpu.memory_space<hbm>>
      %dma_wait3A_1074 = tpu.memref_squeeze %dma_wait3A_1073 : memref<1x8x64xf32, #tpu.memory_space<hbm>> -> memref<8x64xf32, #tpu.memory_space<hbm>>
      tpu.wait_dma2 semaphore(%arg15 : memref<!tpu.dma_semaphore, #tpu.memory_space<semaphore_mem>>) src(%dma_wait3A_1074 : memref<8x64xf32, #tpu.memory_space<hbm>>) dst(%dma_wait3A_1069 : memref<8x64xf32, #tpu.memory_space<vmem>>)
      %mul3A_1075 = arith.constant 16 : i32
      %mul3A_1076 = arith.muli %rem3A_799, %mul3A_1075 : i32
      %add3A_1077 = arith.constant 6 : i32
      %add3A_1078 = arith.addi %mul3A_1076, %add3A_1077 : i32
      %dma_wait3A_1079 = arith.constant 0 : i32
      %dma_wait3A_1080 = arith.constant 0 : i32
      %dma_wait3A_1081 = arith.constant 0 : i32
      %dma_wait3A_1082 = tpu.memref_slice %arg10[%add3A_1078, %dma_wait3A_1080, %dma_wait3A_1081] : memref<32x8x64xf32, #tpu.memory_space<vmem>> -> memref<1x8x64xf32, #tpu.memory_space<vmem>>
      %dma_wait3A_1083 = tpu.memref_squeeze %dma_wait3A_1082 : memref<1x8x64xf32, #tpu.memory_space<vmem>> -> memref<8x64xf32, #tpu.memory_space<vmem>>
      %dma_wait3A_1084 = tpu.memref_reshape %arg4 : memref<1000000x64xf32, #tpu.memory_space<hbm>> -> memref<125000x8x64xf32, #tpu.memory_space<hbm>>
      %dma_wait3A_1085 = arith.constant 0 : i32
      %dma_wait3A_1086 = arith.constant 0 : i32
      %dma_wait3A_1087 = tpu.memref_slice %dma_wait3A_1084[%dma_wait3A_1079, %dma_wait3A_1085, %dma_wait3A_1086] : memref<125000x8x64xf32, #tpu.memory_space<hbm>> -> memref<1x8x64xf32, #tpu.memory_space<hbm>>
      %dma_wait3A_1088 = tpu.memref_squeeze %dma_wait3A_1087 : memref<1x8x64xf32, #tpu.memory_space<hbm>> -> memref<8x64xf32, #tpu.memory_space<hbm>>
      %dma_wait3A_1089 = arith.constant 0 : i32
      %dma_wait3A_1090 = arith.constant 0 : i32
      %dma_wait3A_1091 = tpu.memref_slice %arg10[%add3A_1078, %dma_wait3A_1089, %dma_wait3A_1090] : memref<32x8x64xf32, #tpu.memory_space<vmem>> -> memref<1x8x64xf32, #tpu.memory_space<vmem>>
      %dma_wait3A_1092 = tpu.memref_squeeze %dma_wait3A_1091 : memref<1x8x64xf32, #tpu.memory_space<vmem>> -> memref<8x64xf32, #tpu.memory_space<vmem>>
      %dma_wait3A_1093 = tpu.memref_reshape %arg4 : memref<1000000x64xf32, #tpu.memory_space<hbm>> -> memref<125000x8x64xf32, #tpu.memory_space<hbm>>
      %dma_wait3A_1094 = arith.constant 0 : i32
      %dma_wait3A_1095 = arith.constant 0 : i32
      %dma_wait3A_1096 = tpu.memref_slice %dma_wait3A_1093[%dma_wait3A_1079, %dma_wait3A_1094, %dma_wait3A_1095] : memref<125000x8x64xf32, #tpu.memory_space<hbm>> -> memref<1x8x64xf32, #tpu.memory_space<hbm>>
      %dma_wait3A_1097 = tpu.memref_squeeze %dma_wait3A_1096 : memref<1x8x64xf32, #tpu.memory_space<hbm>> -> memref<8x64xf32, #tpu.memory_space<hbm>>
      tpu.wait_dma2 semaphore(%arg15 : memref<!tpu.dma_semaphore, #tpu.memory_space<semaphore_mem>>) src(%dma_wait3A_1097 : memref<8x64xf32, #tpu.memory_space<hbm>>) dst(%dma_wait3A_1092 : memref<8x64xf32, #tpu.memory_space<vmem>>)
      %mul3A_1098 = arith.constant 16 : i32
      %mul3A_1099 = arith.muli %rem3A_799, %mul3A_1098 : i32
      %add3A_1100 = arith.constant 6 : i32
      %add3A_1101 = arith.addi %mul3A_1099, %add3A_1100 : i32
      %dma_wait3A_1102 = arith.constant 0 : i32
      %dma_wait3A_1103 = arith.constant 0 : i32
      %dma_wait3A_1104 = arith.constant 0 : i32
      %dma_wait3A_1105 = tpu.memref_slice %arg11[%add3A_1101, %dma_wait3A_1103, %dma_wait3A_1104] : memref<32x8x64xf32, #tpu.memory_space<vmem>> -> memref<1x8x64xf32, #tpu.memory_space<vmem>>
      %dma_wait3A_1106 = tpu.memref_squeeze %dma_wait3A_1105 : memref<1x8x64xf32, #tpu.memory_space<vmem>> -> memref<8x64xf32, #tpu.memory_space<vmem>>
      %dma_wait3A_1107 = tpu.memref_reshape %arg5 : memref<1000000x64xf32, #tpu.memory_space<hbm>> -> memref<125000x8x64xf32, #tpu.memory_space<hbm>>
      %dma_wait3A_1108 = arith.constant 0 : i32
      %dma_wait3A_1109 = arith.constant 0 : i32
      %dma_wait3A_1110 = tpu.memref_slice %dma_wait3A_1107[%dma_wait3A_1102, %dma_wait3A_1108, %dma_wait3A_1109] : memref<125000x8x64xf32, #tpu.memory_space<hbm>> -> memref<1x8x64xf32, #tpu.memory_space<hbm>>
      %dma_wait3A_1111 = tpu.memref_squeeze %dma_wait3A_1110 : memref<1x8x64xf32, #tpu.memory_space<hbm>> -> memref<8x64xf32, #tpu.memory_space<hbm>>
      %dma_wait3A_1112 = arith.constant 0 : i32
      %dma_wait3A_1113 = arith.constant 0 : i32
      %dma_wait3A_1114 = tpu.memref_slice %arg11[%add3A_1101, %dma_wait3A_1112, %dma_wait3A_1113] : memref<32x8x64xf32, #tpu.memory_space<vmem>> -> memref<1x8x64xf32, #tpu.memory_space<vmem>>
      %dma_wait3A_1115 = tpu.memref_squeeze %dma_wait3A_1114 : memref<1x8x64xf32, #tpu.memory_space<vmem>> -> memref<8x64xf32, #tpu.memory_space<vmem>>
      %dma_wait3A_1116 = tpu.memref_reshape %arg5 : memref<1000000x64xf32, #tpu.memory_space<hbm>> -> memref<125000x8x64xf32, #tpu.memory_space<hbm>>
      %dma_wait3A_1117 = arith.constant 0 : i32
      %dma_wait3A_1118 = arith.constant 0 : i32
      %dma_wait3A_1119 = tpu.memref_slice %dma_wait3A_1116[%dma_wait3A_1102, %dma_wait3A_1117, %dma_wait3A_1118] : memref<125000x8x64xf32, #tpu.memory_space<hbm>> -> memref<1x8x64xf32, #tpu.memory_space<hbm>>
      %dma_wait3A_1120 = tpu.memref_squeeze %dma_wait3A_1119 : memref<1x8x64xf32, #tpu.memory_space<hbm>> -> memref<8x64xf32, #tpu.memory_space<hbm>>
      tpu.wait_dma2 semaphore(%arg15 : memref<!tpu.dma_semaphore, #tpu.memory_space<semaphore_mem>>) src(%dma_wait3A_1120 : memref<8x64xf32, #tpu.memory_space<hbm>>) dst(%dma_wait3A_1115 : memref<8x64xf32, #tpu.memory_space<vmem>>)
      %mul3A_1121 = arith.constant 16 : i32
      %mul3A_1122 = arith.muli %rem3A_799, %mul3A_1121 : i32
      %add3A_1123 = arith.constant 7 : i32
      %add3A_1124 = arith.addi %mul3A_1122, %add3A_1123 : i32
      %dma_wait3A_1125 = arith.constant 0 : i32
      %dma_wait3A_1126 = arith.constant 0 : i32
      %dma_wait3A_1127 = arith.constant 0 : i32
      %dma_wait3A_1128 = tpu.memref_slice %arg10[%add3A_1124, %dma_wait3A_1126, %dma_wait3A_1127] : memref<32x8x64xf32, #tpu.memory_space<vmem>> -> memref<1x8x64xf32, #tpu.memory_space<vmem>>
      %dma_wait3A_1129 = tpu.memref_squeeze %dma_wait3A_1128 : memref<1x8x64xf32, #tpu.memory_space<vmem>> -> memref<8x64xf32, #tpu.memory_space<vmem>>
      %dma_wait3A_1130 = tpu.memref_reshape %arg4 : memref<1000000x64xf32, #tpu.memory_space<hbm>> -> memref<125000x8x64xf32, #tpu.memory_space<hbm>>
      %dma_wait3A_1131 = arith.constant 0 : i32
      %dma_wait3A_1132 = arith.constant 0 : i32
      %dma_wait3A_1133 = tpu.memref_slice %dma_wait3A_1130[%dma_wait3A_1125, %dma_wait3A_1131, %dma_wait3A_1132] : memref<125000x8x64xf32, #tpu.memory_space<hbm>> -> memref<1x8x64xf32, #tpu.memory_space<hbm>>
      %dma_wait3A_1134 = tpu.memref_squeeze %dma_wait3A_1133 : memref<1x8x64xf32, #tpu.memory_space<hbm>> -> memref<8x64xf32, #tpu.memory_space<hbm>>
      %dma_wait3A_1135 = arith.constant 0 : i32
      %dma_wait3A_1136 = arith.constant 0 : i32
      %dma_wait3A_1137 = tpu.memref_slice %arg10[%add3A_1124, %dma_wait3A_1135, %dma_wait3A_1136] : memref<32x8x64xf32, #tpu.memory_space<vmem>> -> memref<1x8x64xf32, #tpu.memory_space<vmem>>
      %dma_wait3A_1138 = tpu.memref_squeeze %dma_wait3A_1137 : memref<1x8x64xf32, #tpu.memory_space<vmem>> -> memref<8x64xf32, #tpu.memory_space<vmem>>
      %dma_wait3A_1139 = tpu.memref_reshape %arg4 : memref<1000000x64xf32, #tpu.memory_space<hbm>> -> memref<125000x8x64xf32, #tpu.memory_space<hbm>>
      %dma_wait3A_1140 = arith.constant 0 : i32
      %dma_wait3A_1141 = arith.constant 0 : i32
      %dma_wait3A_1142 = tpu.memref_slice %dma_wait3A_1139[%dma_wait3A_1125, %dma_wait3A_1140, %dma_wait3A_1141] : memref<125000x8x64xf32, #tpu.memory_space<hbm>> -> memref<1x8x64xf32, #tpu.memory_space<hbm>>
      %dma_wait3A_1143 = tpu.memref_squeeze %dma_wait3A_1142 : memref<1x8x64xf32, #tpu.memory_space<hbm>> -> memref<8x64xf32, #tpu.memory_space<hbm>>
      tpu.wait_dma2 semaphore(%arg15 : memref<!tpu.dma_semaphore, #tpu.memory_space<semaphore_mem>>) src(%dma_wait3A_1143 : memref<8x64xf32, #tpu.memory_space<hbm>>) dst(%dma_wait3A_1138 : memref<8x64xf32, #tpu.memory_space<vmem>>)
      %mul3A_1144 = arith.constant 16 : i32
      %mul3A_1145 = arith.muli %rem3A_799, %mul3A_1144 : i32
      %add3A_1146 = arith.constant 7 : i32
      %add3A_1147 = arith.addi %mul3A_1145, %add3A_1146 : i32
      %dma_wait3A_1148 = arith.constant 0 : i32
      %dma_wait3A_1149 = arith.constant 0 : i32
      %dma_wait3A_1150 = arith.constant 0 : i32
      %dma_wait3A_1151 = tpu.memref_slice %arg11[%add3A_1147, %dma_wait3A_1149, %dma_wait3A_1150] : memref<32x8x64xf32, #tpu.memory_space<vmem>> -> memref<1x8x64xf32, #tpu.memory_space<vmem>>
      %dma_wait3A_1152 = tpu.memref_squeeze %dma_wait3A_1151 : memref<1x8x64xf32, #tpu.memory_space<vmem>> -> memref<8x64xf32, #tpu.memory_space<vmem>>
      %dma_wait3A_1153 = tpu.memref_reshape %arg5 : memref<1000000x64xf32, #tpu.memory_space<hbm>> -> memref<125000x8x64xf32, #tpu.memory_space<hbm>>
      %dma_wait3A_1154 = arith.constant 0 : i32
      %dma_wait3A_1155 = arith.constant 0 : i32
      %dma_wait3A_1156 = tpu.memref_slice %dma_wait3A_1153[%dma_wait3A_1148, %dma_wait3A_1154, %dma_wait3A_1155] : memref<125000x8x64xf32, #tpu.memory_space<hbm>> -> memref<1x8x64xf32, #tpu.memory_space<hbm>>
      %dma_wait3A_1157 = tpu.memref_squeeze %dma_wait3A_1156 : memref<1x8x64xf32, #tpu.memory_space<hbm>> -> memref<8x64xf32, #tpu.memory_space<hbm>>
      %dma_wait3A_1158 = arith.constant 0 : i32
      %dma_wait3A_1159 = arith.constant 0 : i32
      %dma_wait3A_1160 = tpu.memref_slice %arg11[%add3A_1147, %dma_wait3A_1158, %dma_wait3A_1159] : memref<32x8x64xf32, #tpu.memory_space<vmem>> -> memref<1x8x64xf32, #tpu.memory_space<vmem>>
      %dma_wait3A_1161 = tpu.memref_squeeze %dma_wait3A_1160 : memref<1x8x64xf32, #tpu.memory_space<vmem>> -> memref<8x64xf32, #tpu.memory_space<vmem>>
      %dma_wait3A_1162 = tpu.memref_reshape %arg5 : memref<1000000x64xf32, #tpu.memory_space<hbm>> -> memref<125000x8x64xf32, #tpu.memory_space<hbm>>
      %dma_wait3A_1163 = arith.constant 0 : i32
      %dma_wait3A_1164 = arith.constant 0 : i32
      %dma_wait3A_1165 = tpu.memref_slice %dma_wait3A_1162[%dma_wait3A_1148, %dma_wait3A_1163, %dma_wait3A_1164] : memref<125000x8x64xf32, #tpu.memory_space<hbm>> -> memref<1x8x64xf32, #tpu.memory_space<hbm>>
      %dma_wait3A_1166 = tpu.memref_squeeze %dma_wait3A_1165 : memref<1x8x64xf32, #tpu.memory_space<hbm>> -> memref<8x64xf32, #tpu.memory_space<hbm>>
      tpu.wait_dma2 semaphore(%arg15 : memref<!tpu.dma_semaphore, #tpu.memory_space<semaphore_mem>>) src(%dma_wait3A_1166 : memref<8x64xf32, #tpu.memory_space<hbm>>) dst(%dma_wait3A_1161 : memref<8x64xf32, #tpu.memory_space<vmem>>)
      %mul3A_1167 = arith.constant 16 : i32
      %mul3A_1168 = arith.muli %rem3A_799, %mul3A_1167 : i32
      %add3A_1169 = arith.constant 8 : i32
      %add3A_1170 = arith.addi %mul3A_1168, %add3A_1169 : i32
      %dma_wait3A_1171 = arith.constant 0 : i32
      %dma_wait3A_1172 = arith.constant 0 : i32
      %dma_wait3A_1173 = arith.constant 0 : i32
      %dma_wait3A_1174 = tpu.memref_slice %arg10[%add3A_1170, %dma_wait3A_1172, %dma_wait3A_1173] : memref<32x8x64xf32, #tpu.memory_space<vmem>> -> memref<1x8x64xf32, #tpu.memory_space<vmem>>
      %dma_wait3A_1175 = tpu.memref_squeeze %dma_wait3A_1174 : memref<1x8x64xf32, #tpu.memory_space<vmem>> -> memref<8x64xf32, #tpu.memory_space<vmem>>
      %dma_wait3A_1176 = tpu.memref_reshape %arg4 : memref<1000000x64xf32, #tpu.memory_space<hbm>> -> memref<125000x8x64xf32, #tpu.memory_space<hbm>>
      %dma_wait3A_1177 = arith.constant 0 : i32
      %dma_wait3A_1178 = arith.constant 0 : i32
      %dma_wait3A_1179 = tpu.memref_slice %dma_wait3A_1176[%dma_wait3A_1171, %dma_wait3A_1177, %dma_wait3A_1178] : memref<125000x8x64xf32, #tpu.memory_space<hbm>> -> memref<1x8x64xf32, #tpu.memory_space<hbm>>
      %dma_wait3A_1180 = tpu.memref_squeeze %dma_wait3A_1179 : memref<1x8x64xf32, #tpu.memory_space<hbm>> -> memref<8x64xf32, #tpu.memory_space<hbm>>
      %dma_wait3A_1181 = arith.constant 0 : i32
      %dma_wait3A_1182 = arith.constant 0 : i32
      %dma_wait3A_1183 = tpu.memref_slice %arg10[%add3A_1170, %dma_wait3A_1181, %dma_wait3A_1182] : memref<32x8x64xf32, #tpu.memory_space<vmem>> -> memref<1x8x64xf32, #tpu.memory_space<vmem>>
      %dma_wait3A_1184 = tpu.memref_squeeze %dma_wait3A_1183 : memref<1x8x64xf32, #tpu.memory_space<vmem>> -> memref<8x64xf32, #tpu.memory_space<vmem>>
      %dma_wait3A_1185 = tpu.memref_reshape %arg4 : memref<1000000x64xf32, #tpu.memory_space<hbm>> -> memref<125000x8x64xf32, #tpu.memory_space<hbm>>
      %dma_wait3A_1186 = arith.constant 0 : i32
      %dma_wait3A_1187 = arith.constant 0 : i32
      %dma_wait3A_1188 = tpu.memref_slice %dma_wait3A_1185[%dma_wait3A_1171, %dma_wait3A_1186, %dma_wait3A_1187] : memref<125000x8x64xf32, #tpu.memory_space<hbm>> -> memref<1x8x64xf32, #tpu.memory_space<hbm>>
      %dma_wait3A_1189 = tpu.memref_squeeze %dma_wait3A_1188 : memref<1x8x64xf32, #tpu.memory_space<hbm>> -> memref<8x64xf32, #tpu.memory_space<hbm>>
      tpu.wait_dma2 semaphore(%arg15 : memref<!tpu.dma_semaphore, #tpu.memory_space<semaphore_mem>>) src(%dma_wait3A_1189 : memref<8x64xf32, #tpu.memory_space<hbm>>) dst(%dma_wait3A_1184 : memref<8x64xf32, #tpu.memory_space<vmem>>)
      %mul3A_1190 = arith.constant 16 : i32
      %mul3A_1191 = arith.muli %rem3A_799, %mul3A_1190 : i32
      %add3A_1192 = arith.constant 8 : i32
      %add3A_1193 = arith.addi %mul3A_1191, %add3A_1192 : i32
      %dma_wait3A_1194 = arith.constant 0 : i32
      %dma_wait3A_1195 = arith.constant 0 : i32
      %dma_wait3A_1196 = arith.constant 0 : i32
      %dma_wait3A_1197 = tpu.memref_slice %arg11[%add3A_1193, %dma_wait3A_1195, %dma_wait3A_1196] : memref<32x8x64xf32, #tpu.memory_space<vmem>> -> memref<1x8x64xf32, #tpu.memory_space<vmem>>
      %dma_wait3A_1198 = tpu.memref_squeeze %dma_wait3A_1197 : memref<1x8x64xf32, #tpu.memory_space<vmem>> -> memref<8x64xf32, #tpu.memory_space<vmem>>
      %dma_wait3A_1199 = tpu.memref_reshape %arg5 : memref<1000000x64xf32, #tpu.memory_space<hbm>> -> memref<125000x8x64xf32, #tpu.memory_space<hbm>>
      %dma_wait3A_1200 = arith.constant 0 : i32
      %dma_wait3A_1201 = arith.constant 0 : i32
      %dma_wait3A_1202 = tpu.memref_slice %dma_wait3A_1199[%dma_wait3A_1194, %dma_wait3A_1200, %dma_wait3A_1201] : memref<125000x8x64xf32, #tpu.memory_space<hbm>> -> memref<1x8x64xf32, #tpu.memory_space<hbm>>
      %dma_wait3A_1203 = tpu.memref_squeeze %dma_wait3A_1202 : memref<1x8x64xf32, #tpu.memory_space<hbm>> -> memref<8x64xf32, #tpu.memory_space<hbm>>
      %dma_wait3A_1204 = arith.constant 0 : i32
      %dma_wait3A_1205 = arith.constant 0 : i32
      %dma_wait3A_1206 = tpu.memref_slice %arg11[%add3A_1193, %dma_wait3A_1204, %dma_wait3A_1205] : memref<32x8x64xf32, #tpu.memory_space<vmem>> -> memref<1x8x64xf32, #tpu.memory_space<vmem>>
      %dma_wait3A_1207 = tpu.memref_squeeze %dma_wait3A_1206 : memref<1x8x64xf32, #tpu.memory_space<vmem>> -> memref<8x64xf32, #tpu.memory_space<vmem>>
      %dma_wait3A_1208 = tpu.memref_reshape %arg5 : memref<1000000x64xf32, #tpu.memory_space<hbm>> -> memref<125000x8x64xf32, #tpu.memory_space<hbm>>
      %dma_wait3A_1209 = arith.constant 0 : i32
      %dma_wait3A_1210 = arith.constant 0 : i32
      %dma_wait3A_1211 = tpu.memref_slice %dma_wait3A_1208[%dma_wait3A_1194, %dma_wait3A_1209, %dma_wait3A_1210] : memref<125000x8x64xf32, #tpu.memory_space<hbm>> -> memref<1x8x64xf32, #tpu.memory_space<hbm>>
      %dma_wait3A_1212 = tpu.memref_squeeze %dma_wait3A_1211 : memref<1x8x64xf32, #tpu.memory_space<hbm>> -> memref<8x64xf32, #tpu.memory_space<hbm>>
      tpu.wait_dma2 semaphore(%arg15 : memref<!tpu.dma_semaphore, #tpu.memory_space<semaphore_mem>>) src(%dma_wait3A_1212 : memref<8x64xf32, #tpu.memory_space<hbm>>) dst(%dma_wait3A_1207 : memref<8x64xf32, #tpu.memory_space<vmem>>)
      %mul3A_1213 = arith.constant 16 : i32
      %mul3A_1214 = arith.muli %rem3A_799, %mul3A_1213 : i32
      %add3A_1215 = arith.constant 9 : i32
      %add3A_1216 = arith.addi %mul3A_1214, %add3A_1215 : i32
      %dma_wait3A_1217 = arith.constant 0 : i32
      %dma_wait3A_1218 = arith.constant 0 : i32
      %dma_wait3A_1219 = arith.constant 0 : i32
      %dma_wait3A_1220 = tpu.memref_slice %arg10[%add3A_1216, %dma_wait3A_1218, %dma_wait3A_1219] : memref<32x8x64xf32, #tpu.memory_space<vmem>> -> memref<1x8x64xf32, #tpu.memory_space<vmem>>
      %dma_wait3A_1221 = tpu.memref_squeeze %dma_wait3A_1220 : memref<1x8x64xf32, #tpu.memory_space<vmem>> -> memref<8x64xf32, #tpu.memory_space<vmem>>
      %dma_wait3A_1222 = tpu.memref_reshape %arg4 : memref<1000000x64xf32, #tpu.memory_space<hbm>> -> memref<125000x8x64xf32, #tpu.memory_space<hbm>>
      %dma_wait3A_1223 = arith.constant 0 : i32
      %dma_wait3A_1224 = arith.constant 0 : i32
      %dma_wait3A_1225 = tpu.memref_slice %dma_wait3A_1222[%dma_wait3A_1217, %dma_wait3A_1223, %dma_wait3A_1224] : memref<125000x8x64xf32, #tpu.memory_space<hbm>> -> memref<1x8x64xf32, #tpu.memory_space<hbm>>
      %dma_wait3A_1226 = tpu.memref_squeeze %dma_wait3A_1225 : memref<1x8x64xf32, #tpu.memory_space<hbm>> -> memref<8x64xf32, #tpu.memory_space<hbm>>
      %dma_wait3A_1227 = arith.constant 0 : i32
      %dma_wait3A_1228 = arith.constant 0 : i32
      %dma_wait3A_1229 = tpu.memref_slice %arg10[%add3A_1216, %dma_wait3A_1227, %dma_wait3A_1228] : memref<32x8x64xf32, #tpu.memory_space<vmem>> -> memref<1x8x64xf32, #tpu.memory_space<vmem>>
      %dma_wait3A_1230 = tpu.memref_squeeze %dma_wait3A_1229 : memref<1x8x64xf32, #tpu.memory_space<vmem>> -> memref<8x64xf32, #tpu.memory_space<vmem>>
      %dma_wait3A_1231 = tpu.memref_reshape %arg4 : memref<1000000x64xf32, #tpu.memory_space<hbm>> -> memref<125000x8x64xf32, #tpu.memory_space<hbm>>
      %dma_wait3A_1232 = arith.constant 0 : i32
      %dma_wait3A_1233 = arith.constant 0 : i32
      %dma_wait3A_1234 = tpu.memref_slice %dma_wait3A_1231[%dma_wait3A_1217, %dma_wait3A_1232, %dma_wait3A_1233] : memref<125000x8x64xf32, #tpu.memory_space<hbm>> -> memref<1x8x64xf32, #tpu.memory_space<hbm>>
      %dma_wait3A_1235 = tpu.memref_squeeze %dma_wait3A_1234 : memref<1x8x64xf32, #tpu.memory_space<hbm>> -> memref<8x64xf32, #tpu.memory_space<hbm>>
      tpu.wait_dma2 semaphore(%arg15 : memref<!tpu.dma_semaphore, #tpu.memory_space<semaphore_mem>>) src(%dma_wait3A_1235 : memref<8x64xf32, #tpu.memory_space<hbm>>) dst(%dma_wait3A_1230 : memref<8x64xf32, #tpu.memory_space<vmem>>)
      %mul3A_1236 = arith.constant 16 : i32
      %mul3A_1237 = arith.muli %rem3A_799, %mul3A_1236 : i32
      %add3A_1238 = arith.constant 9 : i32
      %add3A_1239 = arith.addi %mul3A_1237, %add3A_1238 : i32
      %dma_wait3A_1240 = arith.constant 0 : i32
      %dma_wait3A_1241 = arith.constant 0 : i32
      %dma_wait3A_1242 = arith.constant 0 : i32
      %dma_wait3A_1243 = tpu.memref_slice %arg11[%add3A_1239, %dma_wait3A_1241, %dma_wait3A_1242] : memref<32x8x64xf32, #tpu.memory_space<vmem>> -> memref<1x8x64xf32, #tpu.memory_space<vmem>>
      %dma_wait3A_1244 = tpu.memref_squeeze %dma_wait3A_1243 : memref<1x8x64xf32, #tpu.memory_space<vmem>> -> memref<8x64xf32, #tpu.memory_space<vmem>>
      %dma_wait3A_1245 = tpu.memref_reshape %arg5 : memref<1000000x64xf32, #tpu.memory_space<hbm>> -> memref<125000x8x64xf32, #tpu.memory_space<hbm>>
      %dma_wait3A_1246 = arith.constant 0 : i32
      %dma_wait3A_1247 = arith.constant 0 : i32
      %dma_wait3A_1248 = tpu.memref_slice %dma_wait3A_1245[%dma_wait3A_1240, %dma_wait3A_1246, %dma_wait3A_1247] : memref<125000x8x64xf32, #tpu.memory_space<hbm>> -> memref<1x8x64xf32, #tpu.memory_space<hbm>>
      %dma_wait3A_1249 = tpu.memref_squeeze %dma_wait3A_1248 : memref<1x8x64xf32, #tpu.memory_space<hbm>> -> memref<8x64xf32, #tpu.memory_space<hbm>>
      %dma_wait3A_1250 = arith.constant 0 : i32
      %dma_wait3A_1251 = arith.constant 0 : i32
      %dma_wait3A_1252 = tpu.memref_slice %arg11[%add3A_1239, %dma_wait3A_1250, %dma_wait3A_1251] : memref<32x8x64xf32, #tpu.memory_space<vmem>> -> memref<1x8x64xf32, #tpu.memory_space<vmem>>
      %dma_wait3A_1253 = tpu.memref_squeeze %dma_wait3A_1252 : memref<1x8x64xf32, #tpu.memory_space<vmem>> -> memref<8x64xf32, #tpu.memory_space<vmem>>
      %dma_wait3A_1254 = tpu.memref_reshape %arg5 : memref<1000000x64xf32, #tpu.memory_space<hbm>> -> memref<125000x8x64xf32, #tpu.memory_space<hbm>>
      %dma_wait3A_1255 = arith.constant 0 : i32
      %dma_wait3A_1256 = arith.constant 0 : i32
      %dma_wait3A_1257 = tpu.memref_slice %dma_wait3A_1254[%dma_wait3A_1240, %dma_wait3A_1255, %dma_wait3A_1256] : memref<125000x8x64xf32, #tpu.memory_space<hbm>> -> memref<1x8x64xf32, #tpu.memory_space<hbm>>
      %dma_wait3A_1258 = tpu.memref_squeeze %dma_wait3A_1257 : memref<1x8x64xf32, #tpu.memory_space<hbm>> -> memref<8x64xf32, #tpu.memory_space<hbm>>
      tpu.wait_dma2 semaphore(%arg15 : memref<!tpu.dma_semaphore, #tpu.memory_space<semaphore_mem>>) src(%dma_wait3A_1258 : memref<8x64xf32, #tpu.memory_space<hbm>>) dst(%dma_wait3A_1253 : memref<8x64xf32, #tpu.memory_space<vmem>>)
      %mul3A_1259 = arith.constant 16 : i32
      %mul3A_1260 = arith.muli %rem3A_799, %mul3A_1259 : i32
      %add3A_1261 = arith.constant 10 : i32
      %add3A_1262 = arith.addi %mul3A_1260, %add3A_1261 : i32
      %dma_wait3A_1263 = arith.constant 0 : i32
      %dma_wait3A_1264 = arith.constant 0 : i32
      %dma_wait3A_1265 = arith.constant 0 : i32
      %dma_wait3A_1266 = tpu.memref_slice %arg10[%add3A_1262, %dma_wait3A_1264, %dma_wait3A_1265] : memref<32x8x64xf32, #tpu.memory_space<vmem>> -> memref<1x8x64xf32, #tpu.memory_space<vmem>>
      %dma_wait3A_1267 = tpu.memref_squeeze %dma_wait3A_1266 : memref<1x8x64xf32, #tpu.memory_space<vmem>> -> memref<8x64xf32, #tpu.memory_space<vmem>>
      %dma_wait3A_1268 = tpu.memref_reshape %arg4 : memref<1000000x64xf32, #tpu.memory_space<hbm>> -> memref<125000x8x64xf32, #tpu.memory_space<hbm>>
      %dma_wait3A_1269 = arith.constant 0 : i32
      %dma_wait3A_1270 = arith.constant 0 : i32
      %dma_wait3A_1271 = tpu.memref_slice %dma_wait3A_1268[%dma_wait3A_1263, %dma_wait3A_1269, %dma_wait3A_1270] : memref<125000x8x64xf32, #tpu.memory_space<hbm>> -> memref<1x8x64xf32, #tpu.memory_space<hbm>>
      %dma_wait3A_1272 = tpu.memref_squeeze %dma_wait3A_1271 : memref<1x8x64xf32, #tpu.memory_space<hbm>> -> memref<8x64xf32, #tpu.memory_space<hbm>>
      %dma_wait3A_1273 = arith.constant 0 : i32
      %dma_wait3A_1274 = arith.constant 0 : i32
      %dma_wait3A_1275 = tpu.memref_slice %arg10[%add3A_1262, %dma_wait3A_1273, %dma_wait3A_1274] : memref<32x8x64xf32, #tpu.memory_space<vmem>> -> memref<1x8x64xf32, #tpu.memory_space<vmem>>
      %dma_wait3A_1276 = tpu.memref_squeeze %dma_wait3A_1275 : memref<1x8x64xf32, #tpu.memory_space<vmem>> -> memref<8x64xf32, #tpu.memory_space<vmem>>
      %dma_wait3A_1277 = tpu.memref_reshape %arg4 : memref<1000000x64xf32, #tpu.memory_space<hbm>> -> memref<125000x8x64xf32, #tpu.memory_space<hbm>>
      %dma_wait3A_1278 = arith.constant 0 : i32
      %dma_wait3A_1279 = arith.constant 0 : i32
      %dma_wait3A_1280 = tpu.memref_slice %dma_wait3A_1277[%dma_wait3A_1263, %dma_wait3A_1278, %dma_wait3A_1279] : memref<125000x8x64xf32, #tpu.memory_space<hbm>> -> memref<1x8x64xf32, #tpu.memory_space<hbm>>
      %dma_wait3A_1281 = tpu.memref_squeeze %dma_wait3A_1280 : memref<1x8x64xf32, #tpu.memory_space<hbm>> -> memref<8x64xf32, #tpu.memory_space<hbm>>
      tpu.wait_dma2 semaphore(%arg15 : memref<!tpu.dma_semaphore, #tpu.memory_space<semaphore_mem>>) src(%dma_wait3A_1281 : memref<8x64xf32, #tpu.memory_space<hbm>>) dst(%dma_wait3A_1276 : memref<8x64xf32, #tpu.memory_space<vmem>>)
      %mul3A_1282 = arith.constant 16 : i32
      %mul3A_1283 = arith.muli %rem3A_799, %mul3A_1282 : i32
      %add3A_1284 = arith.constant 10 : i32
      %add3A_1285 = arith.addi %mul3A_1283, %add3A_1284 : i32
      %dma_wait3A_1286 = arith.constant 0 : i32
      %dma_wait3A_1287 = arith.constant 0 : i32
      %dma_wait3A_1288 = arith.constant 0 : i32
      %dma_wait3A_1289 = tpu.memref_slice %arg11[%add3A_1285, %dma_wait3A_1287, %dma_wait3A_1288] : memref<32x8x64xf32, #tpu.memory_space<vmem>> -> memref<1x8x64xf32, #tpu.memory_space<vmem>>
      %dma_wait3A_1290 = tpu.memref_squeeze %dma_wait3A_1289 : memref<1x8x64xf32, #tpu.memory_space<vmem>> -> memref<8x64xf32, #tpu.memory_space<vmem>>
      %dma_wait3A_1291 = tpu.memref_reshape %arg5 : memref<1000000x64xf32, #tpu.memory_space<hbm>> -> memref<125000x8x64xf32, #tpu.memory_space<hbm>>
      %dma_wait3A_1292 = arith.constant 0 : i32
      %dma_wait3A_1293 = arith.constant 0 : i32
      %dma_wait3A_1294 = tpu.memref_slice %dma_wait3A_1291[%dma_wait3A_1286, %dma_wait3A_1292, %dma_wait3A_1293] : memref<125000x8x64xf32, #tpu.memory_space<hbm>> -> memref<1x8x64xf32, #tpu.memory_space<hbm>>
      %dma_wait3A_1295 = tpu.memref_squeeze %dma_wait3A_1294 : memref<1x8x64xf32, #tpu.memory_space<hbm>> -> memref<8x64xf32, #tpu.memory_space<hbm>>
      %dma_wait3A_1296 = arith.constant 0 : i32
      %dma_wait3A_1297 = arith.constant 0 : i32
      %dma_wait3A_1298 = tpu.memref_slice %arg11[%add3A_1285, %dma_wait3A_1296, %dma_wait3A_1297] : memref<32x8x64xf32, #tpu.memory_space<vmem>> -> memref<1x8x64xf32, #tpu.memory_space<vmem>>
      %dma_wait3A_1299 = tpu.memref_squeeze %dma_wait3A_1298 : memref<1x8x64xf32, #tpu.memory_space<vmem>> -> memref<8x64xf32, #tpu.memory_space<vmem>>
      %dma_wait3A_1300 = tpu.memref_reshape %arg5 : memref<1000000x64xf32, #tpu.memory_space<hbm>> -> memref<125000x8x64xf32, #tpu.memory_space<hbm>>
      %dma_wait3A_1301 = arith.constant 0 : i32
      %dma_wait3A_1302 = arith.constant 0 : i32
      %dma_wait3A_1303 = tpu.memref_slice %dma_wait3A_1300[%dma_wait3A_1286, %dma_wait3A_1301, %dma_wait3A_1302] : memref<125000x8x64xf32, #tpu.memory_space<hbm>> -> memref<1x8x64xf32, #tpu.memory_space<hbm>>
      %dma_wait3A_1304 = tpu.memref_squeeze %dma_wait3A_1303 : memref<1x8x64xf32, #tpu.memory_space<hbm>> -> memref<8x64xf32, #tpu.memory_space<hbm>>
      tpu.wait_dma2 semaphore(%arg15 : memref<!tpu.dma_semaphore, #tpu.memory_space<semaphore_mem>>) src(%dma_wait3A_1304 : memref<8x64xf32, #tpu.memory_space<hbm>>) dst(%dma_wait3A_1299 : memref<8x64xf32, #tpu.memory_space<vmem>>)
      %mul3A_1305 = arith.constant 16 : i32
      %mul3A_1306 = arith.muli %rem3A_799, %mul3A_1305 : i32
      %add3A_1307 = arith.constant 11 : i32
      %add3A_1308 = arith.addi %mul3A_1306, %add3A_1307 : i32
      %dma_wait3A_1309 = arith.constant 0 : i32
      %dma_wait3A_1310 = arith.constant 0 : i32
      %dma_wait3A_1311 = arith.constant 0 : i32
      %dma_wait3A_1312 = tpu.memref_slice %arg10[%add3A_1308, %dma_wait3A_1310, %dma_wait3A_1311] : memref<32x8x64xf32, #tpu.memory_space<vmem>> -> memref<1x8x64xf32, #tpu.memory_space<vmem>>
      %dma_wait3A_1313 = tpu.memref_squeeze %dma_wait3A_1312 : memref<1x8x64xf32, #tpu.memory_space<vmem>> -> memref<8x64xf32, #tpu.memory_space<vmem>>
      %dma_wait3A_1314 = tpu.memref_reshape %arg4 : memref<1000000x64xf32, #tpu.memory_space<hbm>> -> memref<125000x8x64xf32, #tpu.memory_space<hbm>>
      %dma_wait3A_1315 = arith.constant 0 : i32
      %dma_wait3A_1316 = arith.constant 0 : i32
      %dma_wait3A_1317 = tpu.memref_slice %dma_wait3A_1314[%dma_wait3A_1309, %dma_wait3A_1315, %dma_wait3A_1316] : memref<125000x8x64xf32, #tpu.memory_space<hbm>> -> memref<1x8x64xf32, #tpu.memory_space<hbm>>
      %dma_wait3A_1318 = tpu.memref_squeeze %dma_wait3A_1317 : memref<1x8x64xf32, #tpu.memory_space<hbm>> -> memref<8x64xf32, #tpu.memory_space<hbm>>
      %dma_wait3A_1319 = arith.constant 0 : i32
      %dma_wait3A_1320 = arith.constant 0 : i32
      %dma_wait3A_1321 = tpu.memref_slice %arg10[%add3A_1308, %dma_wait3A_1319, %dma_wait3A_1320] : memref<32x8x64xf32, #tpu.memory_space<vmem>> -> memref<1x8x64xf32, #tpu.memory_space<vmem>>
      %dma_wait3A_1322 = tpu.memref_squeeze %dma_wait3A_1321 : memref<1x8x64xf32, #tpu.memory_space<vmem>> -> memref<8x64xf32, #tpu.memory_space<vmem>>
      %dma_wait3A_1323 = tpu.memref_reshape %arg4 : memref<1000000x64xf32, #tpu.memory_space<hbm>> -> memref<125000x8x64xf32, #tpu.memory_space<hbm>>
      %dma_wait3A_1324 = arith.constant 0 : i32
      %dma_wait3A_1325 = arith.constant 0 : i32
      %dma_wait3A_1326 = tpu.memref_slice %dma_wait3A_1323[%dma_wait3A_1309, %dma_wait3A_1324, %dma_wait3A_1325] : memref<125000x8x64xf32, #tpu.memory_space<hbm>> -> memref<1x8x64xf32, #tpu.memory_space<hbm>>
      %dma_wait3A_1327 = tpu.memref_squeeze %dma_wait3A_1326 : memref<1x8x64xf32, #tpu.memory_space<hbm>> -> memref<8x64xf32, #tpu.memory_space<hbm>>
      tpu.wait_dma2 semaphore(%arg15 : memref<!tpu.dma_semaphore, #tpu.memory_space<semaphore_mem>>) src(%dma_wait3A_1327 : memref<8x64xf32, #tpu.memory_space<hbm>>) dst(%dma_wait3A_1322 : memref<8x64xf32, #tpu.memory_space<vmem>>)
      %mul3A_1328 = arith.constant 16 : i32
      %mul3A_1329 = arith.muli %rem3A_799, %mul3A_1328 : i32
      %add3A_1330 = arith.constant 11 : i32
      %add3A_1331 = arith.addi %mul3A_1329, %add3A_1330 : i32
      %dma_wait3A_1332 = arith.constant 0 : i32
      %dma_wait3A_1333 = arith.constant 0 : i32
      %dma_wait3A_1334 = arith.constant 0 : i32
      %dma_wait3A_1335 = tpu.memref_slice %arg11[%add3A_1331, %dma_wait3A_1333, %dma_wait3A_1334] : memref<32x8x64xf32, #tpu.memory_space<vmem>> -> memref<1x8x64xf32, #tpu.memory_space<vmem>>
      %dma_wait3A_1336 = tpu.memref_squeeze %dma_wait3A_1335 : memref<1x8x64xf32, #tpu.memory_space<vmem>> -> memref<8x64xf32, #tpu.memory_space<vmem>>
      %dma_wait3A_1337 = tpu.memref_reshape %arg5 : memref<1000000x64xf32, #tpu.memory_space<hbm>> -> memref<125000x8x64xf32, #tpu.memory_space<hbm>>
      %dma_wait3A_1338 = arith.constant 0 : i32
      %dma_wait3A_1339 = arith.constant 0 : i32
      %dma_wait3A_1340 = tpu.memref_slice %dma_wait3A_1337[%dma_wait3A_1332, %dma_wait3A_1338, %dma_wait3A_1339] : memref<125000x8x64xf32, #tpu.memory_space<hbm>> -> memref<1x8x64xf32, #tpu.memory_space<hbm>>
      %dma_wait3A_1341 = tpu.memref_squeeze %dma_wait3A_1340 : memref<1x8x64xf32, #tpu.memory_space<hbm>> -> memref<8x64xf32, #tpu.memory_space<hbm>>
      %dma_wait3A_1342 = arith.constant 0 : i32
      %dma_wait3A_1343 = arith.constant 0 : i32
      %dma_wait3A_1344 = tpu.memref_slice %arg11[%add3A_1331, %dma_wait3A_1342, %dma_wait3A_1343] : memref<32x8x64xf32, #tpu.memory_space<vmem>> -> memref<1x8x64xf32, #tpu.memory_space<vmem>>
      %dma_wait3A_1345 = tpu.memref_squeeze %dma_wait3A_1344 : memref<1x8x64xf32, #tpu.memory_space<vmem>> -> memref<8x64xf32, #tpu.memory_space<vmem>>
      %dma_wait3A_1346 = tpu.memref_reshape %arg5 : memref<1000000x64xf32, #tpu.memory_space<hbm>> -> memref<125000x8x64xf32, #tpu.memory_space<hbm>>
      %dma_wait3A_1347 = arith.constant 0 : i32
      %dma_wait3A_1348 = arith.constant 0 : i32
      %dma_wait3A_1349 = tpu.memref_slice %dma_wait3A_1346[%dma_wait3A_1332, %dma_wait3A_1347, %dma_wait3A_1348] : memref<125000x8x64xf32, #tpu.memory_space<hbm>> -> memref<1x8x64xf32, #tpu.memory_space<hbm>>
      %dma_wait3A_1350 = tpu.memref_squeeze %dma_wait3A_1349 : memref<1x8x64xf32, #tpu.memory_space<hbm>> -> memref<8x64xf32, #tpu.memory_space<hbm>>
      tpu.wait_dma2 semaphore(%arg15 : memref<!tpu.dma_semaphore, #tpu.memory_space<semaphore_mem>>) src(%dma_wait3A_1350 : memref<8x64xf32, #tpu.memory_space<hbm>>) dst(%dma_wait3A_1345 : memref<8x64xf32, #tpu.memory_space<vmem>>)
      %mul3A_1351 = arith.constant 16 : i32
      %mul3A_1352 = arith.muli %rem3A_799, %mul3A_1351 : i32
      %add3A_1353 = arith.constant 12 : i32
      %add3A_1354 = arith.addi %mul3A_1352, %add3A_1353 : i32
      %dma_wait3A_1355 = arith.constant 0 : i32
      %dma_wait3A_1356 = arith.constant 0 : i32
      %dma_wait3A_1357 = arith.constant 0 : i32
      %dma_wait3A_1358 = tpu.memref_slice %arg10[%add3A_1354, %dma_wait3A_1356, %dma_wait3A_1357] : memref<32x8x64xf32, #tpu.memory_space<vmem>> -> memref<1x8x64xf32, #tpu.memory_space<vmem>>
      %dma_wait3A_1359 = tpu.memref_squeeze %dma_wait3A_1358 : memref<1x8x64xf32, #tpu.memory_space<vmem>> -> memref<8x64xf32, #tpu.memory_space<vmem>>
      %dma_wait3A_1360 = tpu.memref_reshape %arg4 : memref<1000000x64xf32, #tpu.memory_space<hbm>> -> memref<125000x8x64xf32, #tpu.memory_space<hbm>>
      %dma_wait3A_1361 = arith.constant 0 : i32
      %dma_wait3A_1362 = arith.constant 0 : i32
      %dma_wait3A_1363 = tpu.memref_slice %dma_wait3A_1360[%dma_wait3A_1355, %dma_wait3A_1361, %dma_wait3A_1362] : memref<125000x8x64xf32, #tpu.memory_space<hbm>> -> memref<1x8x64xf32, #tpu.memory_space<hbm>>
      %dma_wait3A_1364 = tpu.memref_squeeze %dma_wait3A_1363 : memref<1x8x64xf32, #tpu.memory_space<hbm>> -> memref<8x64xf32, #tpu.memory_space<hbm>>
      %dma_wait3A_1365 = arith.constant 0 : i32
      %dma_wait3A_1366 = arith.constant 0 : i32
      %dma_wait3A_1367 = tpu.memref_slice %arg10[%add3A_1354, %dma_wait3A_1365, %dma_wait3A_1366] : memref<32x8x64xf32, #tpu.memory_space<vmem>> -> memref<1x8x64xf32, #tpu.memory_space<vmem>>
      %dma_wait3A_1368 = tpu.memref_squeeze %dma_wait3A_1367 : memref<1x8x64xf32, #tpu.memory_space<vmem>> -> memref<8x64xf32, #tpu.memory_space<vmem>>
      %dma_wait3A_1369 = tpu.memref_reshape %arg4 : memref<1000000x64xf32, #tpu.memory_space<hbm>> -> memref<125000x8x64xf32, #tpu.memory_space<hbm>>
      %dma_wait3A_1370 = arith.constant 0 : i32
      %dma_wait3A_1371 = arith.constant 0 : i32
      %dma_wait3A_1372 = tpu.memref_slice %dma_wait3A_1369[%dma_wait3A_1355, %dma_wait3A_1370, %dma_wait3A_1371] : memref<125000x8x64xf32, #tpu.memory_space<hbm>> -> memref<1x8x64xf32, #tpu.memory_space<hbm>>
      %dma_wait3A_1373 = tpu.memref_squeeze %dma_wait3A_1372 : memref<1x8x64xf32, #tpu.memory_space<hbm>> -> memref<8x64xf32, #tpu.memory_space<hbm>>
      tpu.wait_dma2 semaphore(%arg15 : memref<!tpu.dma_semaphore, #tpu.memory_space<semaphore_mem>>) src(%dma_wait3A_1373 : memref<8x64xf32, #tpu.memory_space<hbm>>) dst(%dma_wait3A_1368 : memref<8x64xf32, #tpu.memory_space<vmem>>)
      %mul3A_1374 = arith.constant 16 : i32
      %mul3A_1375 = arith.muli %rem3A_799, %mul3A_1374 : i32
      %add3A_1376 = arith.constant 12 : i32
      %add3A_1377 = arith.addi %mul3A_1375, %add3A_1376 : i32
      %dma_wait3A_1378 = arith.constant 0 : i32
      %dma_wait3A_1379 = arith.constant 0 : i32
      %dma_wait3A_1380 = arith.constant 0 : i32
      %dma_wait3A_1381 = tpu.memref_slice %arg11[%add3A_1377, %dma_wait3A_1379, %dma_wait3A_1380] : memref<32x8x64xf32, #tpu.memory_space<vmem>> -> memref<1x8x64xf32, #tpu.memory_space<vmem>>
      %dma_wait3A_1382 = tpu.memref_squeeze %dma_wait3A_1381 : memref<1x8x64xf32, #tpu.memory_space<vmem>> -> memref<8x64xf32, #tpu.memory_space<vmem>>
      %dma_wait3A_1383 = tpu.memref_reshape %arg5 : memref<1000000x64xf32, #tpu.memory_space<hbm>> -> memref<125000x8x64xf32, #tpu.memory_space<hbm>>
      %dma_wait3A_1384 = arith.constant 0 : i32
      %dma_wait3A_1385 = arith.constant 0 : i32
      %dma_wait3A_1386 = tpu.memref_slice %dma_wait3A_1383[%dma_wait3A_1378, %dma_wait3A_1384, %dma_wait3A_1385] : memref<125000x8x64xf32, #tpu.memory_space<hbm>> -> memref<1x8x64xf32, #tpu.memory_space<hbm>>
      %dma_wait3A_1387 = tpu.memref_squeeze %dma_wait3A_1386 : memref<1x8x64xf32, #tpu.memory_space<hbm>> -> memref<8x64xf32, #tpu.memory_space<hbm>>
      %dma_wait3A_1388 = arith.constant 0 : i32
      %dma_wait3A_1389 = arith.constant 0 : i32
      %dma_wait3A_1390 = tpu.memref_slice %arg11[%add3A_1377, %dma_wait3A_1388, %dma_wait3A_1389] : memref<32x8x64xf32, #tpu.memory_space<vmem>> -> memref<1x8x64xf32, #tpu.memory_space<vmem>>
      %dma_wait3A_1391 = tpu.memref_squeeze %dma_wait3A_1390 : memref<1x8x64xf32, #tpu.memory_space<vmem>> -> memref<8x64xf32, #tpu.memory_space<vmem>>
      %dma_wait3A_1392 = tpu.memref_reshape %arg5 : memref<1000000x64xf32, #tpu.memory_space<hbm>> -> memref<125000x8x64xf32, #tpu.memory_space<hbm>>
      %dma_wait3A_1393 = arith.constant 0 : i32
      %dma_wait3A_1394 = arith.constant 0 : i32
      %dma_wait3A_1395 = tpu.memref_slice %dma_wait3A_1392[%dma_wait3A_1378, %dma_wait3A_1393, %dma_wait3A_1394] : memref<125000x8x64xf32, #tpu.memory_space<hbm>> -> memref<1x8x64xf32, #tpu.memory_space<hbm>>
      %dma_wait3A_1396 = tpu.memref_squeeze %dma_wait3A_1395 : memref<1x8x64xf32, #tpu.memory_space<hbm>> -> memref<8x64xf32, #tpu.memory_space<hbm>>
      tpu.wait_dma2 semaphore(%arg15 : memref<!tpu.dma_semaphore, #tpu.memory_space<semaphore_mem>>) src(%dma_wait3A_1396 : memref<8x64xf32, #tpu.memory_space<hbm>>) dst(%dma_wait3A_1391 : memref<8x64xf32, #tpu.memory_space<vmem>>)
      %mul3A_1397 = arith.constant 16 : i32
      %mul3A_1398 = arith.muli %rem3A_799, %mul3A_1397 : i32
      %add3A_1399 = arith.constant 13 : i32
      %add3A_1400 = arith.addi %mul3A_1398, %add3A_1399 : i32
      %dma_wait3A_1401 = arith.constant 0 : i32
      %dma_wait3A_1402 = arith.constant 0 : i32
      %dma_wait3A_1403 = arith.constant 0 : i32
      %dma_wait3A_1404 = tpu.memref_slice %arg10[%add3A_1400, %dma_wait3A_1402, %dma_wait3A_1403] : memref<32x8x64xf32, #tpu.memory_space<vmem>> -> memref<1x8x64xf32, #tpu.memory_space<vmem>>
      %dma_wait3A_1405 = tpu.memref_squeeze %dma_wait3A_1404 : memref<1x8x64xf32, #tpu.memory_space<vmem>> -> memref<8x64xf32, #tpu.memory_space<vmem>>
      %dma_wait3A_1406 = tpu.memref_reshape %arg4 : memref<1000000x64xf32, #tpu.memory_space<hbm>> -> memref<125000x8x64xf32, #tpu.memory_space<hbm>>
      %dma_wait3A_1407 = arith.constant 0 : i32
      %dma_wait3A_1408 = arith.constant 0 : i32
      %dma_wait3A_1409 = tpu.memref_slice %dma_wait3A_1406[%dma_wait3A_1401, %dma_wait3A_1407, %dma_wait3A_1408] : memref<125000x8x64xf32, #tpu.memory_space<hbm>> -> memref<1x8x64xf32, #tpu.memory_space<hbm>>
      %dma_wait3A_1410 = tpu.memref_squeeze %dma_wait3A_1409 : memref<1x8x64xf32, #tpu.memory_space<hbm>> -> memref<8x64xf32, #tpu.memory_space<hbm>>
      %dma_wait3A_1411 = arith.constant 0 : i32
      %dma_wait3A_1412 = arith.constant 0 : i32
      %dma_wait3A_1413 = tpu.memref_slice %arg10[%add3A_1400, %dma_wait3A_1411, %dma_wait3A_1412] : memref<32x8x64xf32, #tpu.memory_space<vmem>> -> memref<1x8x64xf32, #tpu.memory_space<vmem>>
      %dma_wait3A_1414 = tpu.memref_squeeze %dma_wait3A_1413 : memref<1x8x64xf32, #tpu.memory_space<vmem>> -> memref<8x64xf32, #tpu.memory_space<vmem>>
      %dma_wait3A_1415 = tpu.memref_reshape %arg4 : memref<1000000x64xf32, #tpu.memory_space<hbm>> -> memref<125000x8x64xf32, #tpu.memory_space<hbm>>
      %dma_wait3A_1416 = arith.constant 0 : i32
      %dma_wait3A_1417 = arith.constant 0 : i32
      %dma_wait3A_1418 = tpu.memref_slice %dma_wait3A_1415[%dma_wait3A_1401, %dma_wait3A_1416, %dma_wait3A_1417] : memref<125000x8x64xf32, #tpu.memory_space<hbm>> -> memref<1x8x64xf32, #tpu.memory_space<hbm>>
      %dma_wait3A_1419 = tpu.memref_squeeze %dma_wait3A_1418 : memref<1x8x64xf32, #tpu.memory_space<hbm>> -> memref<8x64xf32, #tpu.memory_space<hbm>>
      tpu.wait_dma2 semaphore(%arg15 : memref<!tpu.dma_semaphore, #tpu.memory_space<semaphore_mem>>) src(%dma_wait3A_1419 : memref<8x64xf32, #tpu.memory_space<hbm>>) dst(%dma_wait3A_1414 : memref<8x64xf32, #tpu.memory_space<vmem>>)
      %mul3A_1420 = arith.constant 16 : i32
      %mul3A_1421 = arith.muli %rem3A_799, %mul3A_1420 : i32
      %add3A_1422 = arith.constant 13 : i32
      %add3A_1423 = arith.addi %mul3A_1421, %add3A_1422 : i32
      %dma_wait3A_1424 = arith.constant 0 : i32
      %dma_wait3A_1425 = arith.constant 0 : i32
      %dma_wait3A_1426 = arith.constant 0 : i32
      %dma_wait3A_1427 = tpu.memref_slice %arg11[%add3A_1423, %dma_wait3A_1425, %dma_wait3A_1426] : memref<32x8x64xf32, #tpu.memory_space<vmem>> -> memref<1x8x64xf32, #tpu.memory_space<vmem>>
      %dma_wait3A_1428 = tpu.memref_squeeze %dma_wait3A_1427 : memref<1x8x64xf32, #tpu.memory_space<vmem>> -> memref<8x64xf32, #tpu.memory_space<vmem>>
      %dma_wait3A_1429 = tpu.memref_reshape %arg5 : memref<1000000x64xf32, #tpu.memory_space<hbm>> -> memref<125000x8x64xf32, #tpu.memory_space<hbm>>
      %dma_wait3A_1430 = arith.constant 0 : i32
      %dma_wait3A_1431 = arith.constant 0 : i32
      %dma_wait3A_1432 = tpu.memref_slice %dma_wait3A_1429[%dma_wait3A_1424, %dma_wait3A_1430, %dma_wait3A_1431] : memref<125000x8x64xf32, #tpu.memory_space<hbm>> -> memref<1x8x64xf32, #tpu.memory_space<hbm>>
      %dma_wait3A_1433 = tpu.memref_squeeze %dma_wait3A_1432 : memref<1x8x64xf32, #tpu.memory_space<hbm>> -> memref<8x64xf32, #tpu.memory_space<hbm>>
      %dma_wait3A_1434 = arith.constant 0 : i32
      %dma_wait3A_1435 = arith.constant 0 : i32
      %dma_wait3A_1436 = tpu.memref_slice %arg11[%add3A_1423, %dma_wait3A_1434, %dma_wait3A_1435] : memref<32x8x64xf32, #tpu.memory_space<vmem>> -> memref<1x8x64xf32, #tpu.memory_space<vmem>>
      %dma_wait3A_1437 = tpu.memref_squeeze %dma_wait3A_1436 : memref<1x8x64xf32, #tpu.memory_space<vmem>> -> memref<8x64xf32, #tpu.memory_space<vmem>>
      %dma_wait3A_1438 = tpu.memref_reshape %arg5 : memref<1000000x64xf32, #tpu.memory_space<hbm>> -> memref<125000x8x64xf32, #tpu.memory_space<hbm>>
      %dma_wait3A_1439 = arith.constant 0 : i32
      %dma_wait3A_1440 = arith.constant 0 : i32
      %dma_wait3A_1441 = tpu.memref_slice %dma_wait3A_1438[%dma_wait3A_1424, %dma_wait3A_1439, %dma_wait3A_1440] : memref<125000x8x64xf32, #tpu.memory_space<hbm>> -> memref<1x8x64xf32, #tpu.memory_space<hbm>>
      %dma_wait3A_1442 = tpu.memref_squeeze %dma_wait3A_1441 : memref<1x8x64xf32, #tpu.memory_space<hbm>> -> memref<8x64xf32, #tpu.memory_space<hbm>>
      tpu.wait_dma2 semaphore(%arg15 : memref<!tpu.dma_semaphore, #tpu.memory_space<semaphore_mem>>) src(%dma_wait3A_1442 : memref<8x64xf32, #tpu.memory_space<hbm>>) dst(%dma_wait3A_1437 : memref<8x64xf32, #tpu.memory_space<vmem>>)
      %mul3A_1443 = arith.constant 16 : i32
      %mul3A_1444 = arith.muli %rem3A_799, %mul3A_1443 : i32
      %add3A_1445 = arith.constant 14 : i32
      %add3A_1446 = arith.addi %mul3A_1444, %add3A_1445 : i32
      %dma_wait3A_1447 = arith.constant 0 : i32
      %dma_wait3A_1448 = arith.constant 0 : i32
      %dma_wait3A_1449 = arith.constant 0 : i32
      %dma_wait3A_1450 = tpu.memref_slice %arg10[%add3A_1446, %dma_wait3A_1448, %dma_wait3A_1449] : memref<32x8x64xf32, #tpu.memory_space<vmem>> -> memref<1x8x64xf32, #tpu.memory_space<vmem>>
      %dma_wait3A_1451 = tpu.memref_squeeze %dma_wait3A_1450 : memref<1x8x64xf32, #tpu.memory_space<vmem>> -> memref<8x64xf32, #tpu.memory_space<vmem>>
      %dma_wait3A_1452 = tpu.memref_reshape %arg4 : memref<1000000x64xf32, #tpu.memory_space<hbm>> -> memref<125000x8x64xf32, #tpu.memory_space<hbm>>
      %dma_wait3A_1453 = arith.constant 0 : i32
      %dma_wait3A_1454 = arith.constant 0 : i32
      %dma_wait3A_1455 = tpu.memref_slice %dma_wait3A_1452[%dma_wait3A_1447, %dma_wait3A_1453, %dma_wait3A_1454] : memref<125000x8x64xf32, #tpu.memory_space<hbm>> -> memref<1x8x64xf32, #tpu.memory_space<hbm>>
      %dma_wait3A_1456 = tpu.memref_squeeze %dma_wait3A_1455 : memref<1x8x64xf32, #tpu.memory_space<hbm>> -> memref<8x64xf32, #tpu.memory_space<hbm>>
      %dma_wait3A_1457 = arith.constant 0 : i32
      %dma_wait3A_1458 = arith.constant 0 : i32
      %dma_wait3A_1459 = tpu.memref_slice %arg10[%add3A_1446, %dma_wait3A_1457, %dma_wait3A_1458] : memref<32x8x64xf32, #tpu.memory_space<vmem>> -> memref<1x8x64xf32, #tpu.memory_space<vmem>>
      %dma_wait3A_1460 = tpu.memref_squeeze %dma_wait3A_1459 : memref<1x8x64xf32, #tpu.memory_space<vmem>> -> memref<8x64xf32, #tpu.memory_space<vmem>>
      %dma_wait3A_1461 = tpu.memref_reshape %arg4 : memref<1000000x64xf32, #tpu.memory_space<hbm>> -> memref<125000x8x64xf32, #tpu.memory_space<hbm>>
      %dma_wait3A_1462 = arith.constant 0 : i32
      %dma_wait3A_1463 = arith.constant 0 : i32
      %dma_wait3A_1464 = tpu.memref_slice %dma_wait3A_1461[%dma_wait3A_1447, %dma_wait3A_1462, %dma_wait3A_1463] : memref<125000x8x64xf32, #tpu.memory_space<hbm>> -> memref<1x8x64xf32, #tpu.memory_space<hbm>>
      %dma_wait3A_1465 = tpu.memref_squeeze %dma_wait3A_1464 : memref<1x8x64xf32, #tpu.memory_space<hbm>> -> memref<8x64xf32, #tpu.memory_space<hbm>>
      tpu.wait_dma2 semaphore(%arg15 : memref<!tpu.dma_semaphore, #tpu.memory_space<semaphore_mem>>) src(%dma_wait3A_1465 : memref<8x64xf32, #tpu.memory_space<hbm>>) dst(%dma_wait3A_1460 : memref<8x64xf32, #tpu.memory_space<vmem>>)
      %mul3A_1466 = arith.constant 16 : i32
      %mul3A_1467 = arith.muli %rem3A_799, %mul3A_1466 : i32
      %add3A_1468 = arith.constant 14 : i32
      %add3A_1469 = arith.addi %mul3A_1467, %add3A_1468 : i32
      %dma_wait3A_1470 = arith.constant 0 : i32
      %dma_wait3A_1471 = arith.constant 0 : i32
      %dma_wait3A_1472 = arith.constant 0 : i32
      %dma_wait3A_1473 = tpu.memref_slice %arg11[%add3A_1469, %dma_wait3A_1471, %dma_wait3A_1472] : memref<32x8x64xf32, #tpu.memory_space<vmem>> -> memref<1x8x64xf32, #tpu.memory_space<vmem>>
      %dma_wait3A_1474 = tpu.memref_squeeze %dma_wait3A_1473 : memref<1x8x64xf32, #tpu.memory_space<vmem>> -> memref<8x64xf32, #tpu.memory_space<vmem>>
      %dma_wait3A_1475 = tpu.memref_reshape %arg5 : memref<1000000x64xf32, #tpu.memory_space<hbm>> -> memref<125000x8x64xf32, #tpu.memory_space<hbm>>
      %dma_wait3A_1476 = arith.constant 0 : i32
      %dma_wait3A_1477 = arith.constant 0 : i32
      %dma_wait3A_1478 = tpu.memref_slice %dma_wait3A_1475[%dma_wait3A_1470, %dma_wait3A_1476, %dma_wait3A_1477] : memref<125000x8x64xf32, #tpu.memory_space<hbm>> -> memref<1x8x64xf32, #tpu.memory_space<hbm>>
      %dma_wait3A_1479 = tpu.memref_squeeze %dma_wait3A_1478 : memref<1x8x64xf32, #tpu.memory_space<hbm>> -> memref<8x64xf32, #tpu.memory_space<hbm>>
      %dma_wait3A_1480 = arith.constant 0 : i32
      %dma_wait3A_1481 = arith.constant 0 : i32
      %dma_wait3A_1482 = tpu.memref_slice %arg11[%add3A_1469, %dma_wait3A_1480, %dma_wait3A_1481] : memref<32x8x64xf32, #tpu.memory_space<vmem>> -> memref<1x8x64xf32, #tpu.memory_space<vmem>>
      %dma_wait3A_1483 = tpu.memref_squeeze %dma_wait3A_1482 : memref<1x8x64xf32, #tpu.memory_space<vmem>> -> memref<8x64xf32, #tpu.memory_space<vmem>>
      %dma_wait3A_1484 = tpu.memref_reshape %arg5 : memref<1000000x64xf32, #tpu.memory_space<hbm>> -> memref<125000x8x64xf32, #tpu.memory_space<hbm>>
      %dma_wait3A_1485 = arith.constant 0 : i32
      %dma_wait3A_1486 = arith.constant 0 : i32
      %dma_wait3A_1487 = tpu.memref_slice %dma_wait3A_1484[%dma_wait3A_1470, %dma_wait3A_1485, %dma_wait3A_1486] : memref<125000x8x64xf32, #tpu.memory_space<hbm>> -> memref<1x8x64xf32, #tpu.memory_space<hbm>>
      %dma_wait3A_1488 = tpu.memref_squeeze %dma_wait3A_1487 : memref<1x8x64xf32, #tpu.memory_space<hbm>> -> memref<8x64xf32, #tpu.memory_space<hbm>>
      tpu.wait_dma2 semaphore(%arg15 : memref<!tpu.dma_semaphore, #tpu.memory_space<semaphore_mem>>) src(%dma_wait3A_1488 : memref<8x64xf32, #tpu.memory_space<hbm>>) dst(%dma_wait3A_1483 : memref<8x64xf32, #tpu.memory_space<vmem>>)
      %mul3A_1489 = arith.constant 16 : i32
      %mul3A_1490 = arith.muli %rem3A_799, %mul3A_1489 : i32
      %add3A_1491 = arith.constant 15 : i32
      %add3A_1492 = arith.addi %mul3A_1490, %add3A_1491 : i32
      %dma_wait3A_1493 = arith.constant 0 : i32
      %dma_wait3A_1494 = arith.constant 0 : i32
      %dma_wait3A_1495 = arith.constant 0 : i32
      %dma_wait3A_1496 = tpu.memref_slice %arg10[%add3A_1492, %dma_wait3A_1494, %dma_wait3A_1495] : memref<32x8x64xf32, #tpu.memory_space<vmem>> -> memref<1x8x64xf32, #tpu.memory_space<vmem>>
      %dma_wait3A_1497 = tpu.memref_squeeze %dma_wait3A_1496 : memref<1x8x64xf32, #tpu.memory_space<vmem>> -> memref<8x64xf32, #tpu.memory_space<vmem>>
      %dma_wait3A_1498 = tpu.memref_reshape %arg4 : memref<1000000x64xf32, #tpu.memory_space<hbm>> -> memref<125000x8x64xf32, #tpu.memory_space<hbm>>
      %dma_wait3A_1499 = arith.constant 0 : i32
      %dma_wait3A_1500 = arith.constant 0 : i32
      %dma_wait3A_1501 = tpu.memref_slice %dma_wait3A_1498[%dma_wait3A_1493, %dma_wait3A_1499, %dma_wait3A_1500] : memref<125000x8x64xf32, #tpu.memory_space<hbm>> -> memref<1x8x64xf32, #tpu.memory_space<hbm>>
      %dma_wait3A_1502 = tpu.memref_squeeze %dma_wait3A_1501 : memref<1x8x64xf32, #tpu.memory_space<hbm>> -> memref<8x64xf32, #tpu.memory_space<hbm>>
      %dma_wait3A_1503 = arith.constant 0 : i32
      %dma_wait3A_1504 = arith.constant 0 : i32
      %dma_wait3A_1505 = tpu.memref_slice %arg10[%add3A_1492, %dma_wait3A_1503, %dma_wait3A_1504] : memref<32x8x64xf32, #tpu.memory_space<vmem>> -> memref<1x8x64xf32, #tpu.memory_space<vmem>>
      %dma_wait3A_1506 = tpu.memref_squeeze %dma_wait3A_1505 : memref<1x8x64xf32, #tpu.memory_space<vmem>> -> memref<8x64xf32, #tpu.memory_space<vmem>>
      %dma_wait3A_1507 = tpu.memref_reshape %arg4 : memref<1000000x64xf32, #tpu.memory_space<hbm>> -> memref<125000x8x64xf32, #tpu.memory_space<hbm>>
      %dma_wait3A_1508 = arith.constant 0 : i32
      %dma_wait3A_1509 = arith.constant 0 : i32
      %dma_wait3A_1510 = tpu.memref_slice %dma_wait3A_1507[%dma_wait3A_1493, %dma_wait3A_1508, %dma_wait3A_1509] : memref<125000x8x64xf32, #tpu.memory_space<hbm>> -> memref<1x8x64xf32, #tpu.memory_space<hbm>>
      %dma_wait3A_1511 = tpu.memref_squeeze %dma_wait3A_1510 : memref<1x8x64xf32, #tpu.memory_space<hbm>> -> memref<8x64xf32, #tpu.memory_space<hbm>>
      tpu.wait_dma2 semaphore(%arg15 : memref<!tpu.dma_semaphore, #tpu.memory_space<semaphore_mem>>) src(%dma_wait3A_1511 : memref<8x64xf32, #tpu.memory_space<hbm>>) dst(%dma_wait3A_1506 : memref<8x64xf32, #tpu.memory_space<vmem>>)
      %mul3A_1512 = arith.constant 16 : i32
      %mul3A_1513 = arith.muli %rem3A_799, %mul3A_1512 : i32
      %add3A_1514 = arith.constant 15 : i32
      %add3A_1515 = arith.addi %mul3A_1513, %add3A_1514 : i32
      %dma_wait3A_1516 = arith.constant 0 : i32
      %dma_wait3A_1517 = arith.constant 0 : i32
      %dma_wait3A_1518 = arith.constant 0 : i32
      %dma_wait3A_1519 = tpu.memref_slice %arg11[%add3A_1515, %dma_wait3A_1517, %dma_wait3A_1518] : memref<32x8x64xf32, #tpu.memory_space<vmem>> -> memref<1x8x64xf32, #tpu.memory_space<vmem>>
      %dma_wait3A_1520 = tpu.memref_squeeze %dma_wait3A_1519 : memref<1x8x64xf32, #tpu.memory_space<vmem>> -> memref<8x64xf32, #tpu.memory_space<vmem>>
      %dma_wait3A_1521 = tpu.memref_reshape %arg5 : memref<1000000x64xf32, #tpu.memory_space<hbm>> -> memref<125000x8x64xf32, #tpu.memory_space<hbm>>
      %dma_wait3A_1522 = arith.constant 0 : i32
      %dma_wait3A_1523 = arith.constant 0 : i32
      %dma_wait3A_1524 = tpu.memref_slice %dma_wait3A_1521[%dma_wait3A_1516, %dma_wait3A_1522, %dma_wait3A_1523] : memref<125000x8x64xf32, #tpu.memory_space<hbm>> -> memref<1x8x64xf32, #tpu.memory_space<hbm>>
      %dma_wait3A_1525 = tpu.memref_squeeze %dma_wait3A_1524 : memref<1x8x64xf32, #tpu.memory_space<hbm>> -> memref<8x64xf32, #tpu.memory_space<hbm>>
      %dma_wait3A_1526 = arith.constant 0 : i32
      %dma_wait3A_1527 = arith.constant 0 : i32
      %dma_wait3A_1528 = tpu.memref_slice %arg11[%add3A_1515, %dma_wait3A_1526, %dma_wait3A_1527] : memref<32x8x64xf32, #tpu.memory_space<vmem>> -> memref<1x8x64xf32, #tpu.memory_space<vmem>>
      %dma_wait3A_1529 = tpu.memref_squeeze %dma_wait3A_1528 : memref<1x8x64xf32, #tpu.memory_space<vmem>> -> memref<8x64xf32, #tpu.memory_space<vmem>>
      %dma_wait3A_1530 = tpu.memref_reshape %arg5 : memref<1000000x64xf32, #tpu.memory_space<hbm>> -> memref<125000x8x64xf32, #tpu.memory_space<hbm>>
      %dma_wait3A_1531 = arith.constant 0 : i32
      %dma_wait3A_1532 = arith.constant 0 : i32
      %dma_wait3A_1533 = tpu.memref_slice %dma_wait3A_1530[%dma_wait3A_1516, %dma_wait3A_1531, %dma_wait3A_1532] : memref<125000x8x64xf32, #tpu.memory_space<hbm>> -> memref<1x8x64xf32, #tpu.memory_space<hbm>>
      %dma_wait3A_1534 = tpu.memref_squeeze %dma_wait3A_1533 : memref<1x8x64xf32, #tpu.memory_space<hbm>> -> memref<8x64xf32, #tpu.memory_space<hbm>>
      tpu.wait_dma2 semaphore(%arg15 : memref<!tpu.dma_semaphore, #tpu.memory_space<semaphore_mem>>) src(%dma_wait3A_1534 : memref<8x64xf32, #tpu.memory_space<hbm>>) dst(%dma_wait3A_1529 : memref<8x64xf32, #tpu.memory_space<vmem>>)
      %rem3A_1535 = arith.constant 2 : i32
      %rem3A_1536 = arith.remsi %scan3A_793, %rem3A_1535 : i32
      %mul3A_1537 = arith.constant 16 : i32
      %mul3A_1538 = arith.muli %scan3A_793, %mul3A_1537 : i32
      %get3A_1539 = arith.index_cast %mul3A_1538 : i32 to index
      %get3A_1540 = tpu.vector_load %arg8[%get3A_1539] {strides = array<i32>} : memref<512xi32, #tpu.memory_space<vmem>>, vector<16xi32>,
      %and3A = arith.constant 7 : i32
      %and3A_1541 = vector.broadcast %and3A : i32 to vector<16xi32>
      %and3A_1542 = arith.andi %get3A_1540, %and3A_1541 : vector<16xi32>
      %mul3A_1543 = arith.constant 16 : i32
      %mul3A_1544 = arith.muli %scan3A_793, %mul3A_1543 : i32
      %get3A_1545 = arith.index_cast %mul3A_1544 : i32 to index
      %get3A_1546 = tpu.vector_load %arg9[%get3A_1545] {strides = array<i32>} : memref<512xi32, #tpu.memory_space<vmem>>, vector<16xi32>,
      %and3A_1547 = arith.constant 7 : i32
      %and3A_1548 = vector.broadcast %and3A_1547 : i32 to vector<16xi32>
      %and3A_1549 = arith.andi %get3A_1546, %and3A_1548 : vector<16xi32>
      %slice3A_1550 = vector.extract_strided_slice %and3A_1542 {offsets = [0], sizes = [1], strides = [1]} : vector<16xi32> to vector<1xi32>
      %squeeze3A_1551 = vector.extract %slice3A_1550[0] : i32 from vector<1xi32>
      %slice3A_1552 = vector.extract_strided_slice %and3A_1549 {offsets = [0], sizes = [1], strides = [1]} : vector<16xi32> to vector<1xi32>
      %squeeze3A_1553 = vector.extract %slice3A_1552[0] : i32 from vector<1xi32>
      %mul3A_1554 = arith.constant 16 : i32
      %mul3A_1555 = arith.muli %rem3A_1536, %mul3A_1554 : i32
      %add3A_1556 = arith.constant 0 : i32
      %add3A_1557 = arith.addi %mul3A_1555, %add3A_1556 : i32
      %get3A_1558 = arith.index_cast %add3A_1557 : i32 to index
      %get3A_1559 = arith.index_cast %squeeze3A_1551 : i32 to index
      %get3A_1560 = arith.constant 0 : index
      %get3A_1561 = tpu.vector_load %arg10[%get3A_1558, %get3A_1559, %get3A_1560] {strides = array<i32>} : memref<32x8x64xf32, #tpu.memory_space<vmem>>, vector<16xf32>,
      %get3A_1562 = arith.index_cast %add3A_1557 : i32 to index
      %get3A_1563 = arith.index_cast %squeeze3A_1553 : i32 to index
      %get3A_1564 = arith.constant 0 : index
      %get3A_1565 = tpu.vector_load %arg11[%get3A_1562, %get3A_1563, %get3A_1564] {strides = array<i32>} : memref<32x8x64xf32, #tpu.memory_space<vmem>>, vector<16xf32>,
      %mul3A_1566 = arith.mulf %get3A_1561, %get3A_1565 : vector<16xf32>
      %mul3A_1567 = arith.mulf %mul3A_1566, %get3A_3 : vector<16xf32>
      %get3A_1568 = arith.index_cast %add3A_1557 : i32 to index
      %get3A_1569 = arith.index_cast %squeeze3A_1551 : i32 to index
      %get3A_1570 = arith.constant 16 : index
      %get3A_1571 = tpu.vector_load %arg10[%get3A_1568, %get3A_1569, %get3A_1570] {strides = array<i32>} : memref<32x8x64xf32, #tpu.memory_space<vmem>>, vector<16xf32>,
      %get3A_1572 = arith.index_cast %add3A_1557 : i32 to index
      %get3A_1573 = arith.index_cast %squeeze3A_1553 : i32 to index
      %get3A_1574 = arith.constant 16 : index
      %get3A_1575 = tpu.vector_load %arg11[%get3A_1572, %get3A_1573, %get3A_1574] {strides = array<i32>} : memref<32x8x64xf32, #tpu.memory_space<vmem>>, vector<16xf32>,
      %mul3A_1576 = arith.mulf %get3A_1571, %get3A_1575 : vector<16xf32>
      %mul3A_1577 = arith.mulf %mul3A_1576, %get3A_5 : vector<16xf32>
      %add3A_1578 = arith.addf %mul3A_1567, %mul3A_1577 : vector<16xf32>
      %get3A_1579 = arith.index_cast %add3A_1557 : i32 to index
      %get3A_1580 = arith.index_cast %squeeze3A_1551 : i32 to index
      %get3A_1581 = arith.constant 32 : index
      %get3A_1582 = tpu.vector_load %arg10[%get3A_1579, %get3A_1580, %get3A_1581] {strides = array<i32>} : memref<32x8x64xf32, #tpu.memory_space<vmem>>, vector<16xf32>,
      %get3A_1583 = arith.index_cast %add3A_1557 : i32 to index
      %get3A_1584 = arith.index_cast %squeeze3A_1553 : i32 to index
      %get3A_1585 = arith.constant 32 : index
      %get3A_1586 = tpu.vector_load %arg11[%get3A_1583, %get3A_1584, %get3A_1585] {strides = array<i32>} : memref<32x8x64xf32, #tpu.memory_space<vmem>>, vector<16xf32>,
      %mul3A_1587 = arith.mulf %get3A_1582, %get3A_1586 : vector<16xf32>
      %mul3A_1588 = arith.mulf %mul3A_1587, %get3A_7 : vector<16xf32>
      %add3A_1589 = arith.addf %add3A_1578, %mul3A_1588 : vector<16xf32>
      %get3A_1590 = arith.index_cast %add3A_1557 : i32 to index
      %get3A_1591 = arith.index_cast %squeeze3A_1551 : i32 to index
      %get3A_1592 = arith.constant 48 : index
      %get3A_1593 = tpu.vector_load %arg10[%get3A_1590, %get3A_1591, %get3A_1592] {strides = array<i32>} : memref<32x8x64xf32, #tpu.memory_space<vmem>>, vector<16xf32>,
      %get3A_1594 = arith.index_cast %add3A_1557 : i32 to index
      %get3A_1595 = arith.index_cast %squeeze3A_1553 : i32 to index
      %get3A_1596 = arith.constant 48 : index
      %get3A_1597 = tpu.vector_load %arg11[%get3A_1594, %get3A_1595, %get3A_1596] {strides = array<i32>} : memref<32x8x64xf32, #tpu.memory_space<vmem>>, vector<16xf32>,
      %mul3A_1598 = arith.mulf %get3A_1593, %get3A_1597 : vector<16xf32>
      %mul3A_1599 = arith.mulf %mul3A_1598, %get3A_9 : vector<16xf32>
      %add3A_1600 = arith.addf %add3A_1589, %mul3A_1599 : vector<16xf32>
      %swap3A = arith.constant 0 : index
      %swap3A_1601 = tpu.vector_load %arg13[%swap3A] {strides = array<i32>} : memref<256xf32, #tpu.memory_space<vmem>>, vector<16xf32>,
      tpu.vector_store %arg13[%swap3A], %add3A_1600 {strides = array<i32>} : memref<256xf32, #tpu.memory_space<vmem>>, vector<16xf32>,
      %slice3A_1602 = vector.extract_strided_slice %and3A_1542 {offsets = [1], sizes = [1], strides = [1]} : vector<16xi32> to vector<1xi32>
      %squeeze3A_1603 = vector.extract %slice3A_1602[0] : i32 from vector<1xi32>
      %slice3A_1604 = vector.extract_strided_slice %and3A_1549 {offsets = [1], sizes = [1], strides = [1]} : vector<16xi32> to vector<1xi32>
      %squeeze3A_1605 = vector.extract %slice3A_1604[0] : i32 from vector<1xi32>
      %mul3A_1606 = arith.constant 16 : i32
      %mul3A_1607 = arith.muli %rem3A_1536, %mul3A_1606 : i32
      %add3A_1608 = arith.constant 1 : i32
      %add3A_1609 = arith.addi %mul3A_1607, %add3A_1608 : i32
      %get3A_1610 = arith.index_cast %add3A_1609 : i32 to index
      %get3A_1611 = arith.index_cast %squeeze3A_1603 : i32 to index
      %get3A_1612 = arith.constant 0 : index
      %get3A_1613 = tpu.vector_load %arg10[%get3A_1610, %get3A_1611, %get3A_1612] {strides = array<i32>} : memref<32x8x64xf32, #tpu.memory_space<vmem>>, vector<16xf32>,
      %get3A_1614 = arith.index_cast %add3A_1609 : i32 to index
      %get3A_1615 = arith.index_cast %squeeze3A_1605 : i32 to index
      %get3A_1616 = arith.constant 0 : index
      %get3A_1617 = tpu.vector_load %arg11[%get3A_1614, %get3A_1615, %get3A_1616] {strides = array<i32>} : memref<32x8x64xf32, #tpu.memory_space<vmem>>, vector<16xf32>,
      %mul3A_1618 = arith.mulf %get3A_1613, %get3A_1617 : vector<16xf32>
      %mul3A_1619 = arith.mulf %mul3A_1618, %get3A_3 : vector<16xf32>
      %get3A_1620 = arith.index_cast %add3A_1609 : i32 to index
      %get3A_1621 = arith.index_cast %squeeze3A_1603 : i32 to index
      %get3A_1622 = arith.constant 16 : index
      %get3A_1623 = tpu.vector_load %arg10[%get3A_1620, %get3A_1621, %get3A_1622] {strides = array<i32>} : memref<32x8x64xf32, #tpu.memory_space<vmem>>, vector<16xf32>,
      %get3A_1624 = arith.index_cast %add3A_1609 : i32 to index
      %get3A_1625 = arith.index_cast %squeeze3A_1605 : i32 to index
      %get3A_1626 = arith.constant 16 : index
      %get3A_1627 = tpu.vector_load %arg11[%get3A_1624, %get3A_1625, %get3A_1626] {strides = array<i32>} : memref<32x8x64xf32, #tpu.memory_space<vmem>>, vector<16xf32>,
      %mul3A_1628 = arith.mulf %get3A_1623, %get3A_1627 : vector<16xf32>
      %mul3A_1629 = arith.mulf %mul3A_1628, %get3A_5 : vector<16xf32>
      %add3A_1630 = arith.addf %mul3A_1619, %mul3A_1629 : vector<16xf32>
      %get3A_1631 = arith.index_cast %add3A_1609 : i32 to index
      %get3A_1632 = arith.index_cast %squeeze3A_1603 : i32 to index
      %get3A_1633 = arith.constant 32 : index
      %get3A_1634 = tpu.vector_load %arg10[%get3A_1631, %get3A_1632, %get3A_1633] {strides = array<i32>} : memref<32x8x64xf32, #tpu.memory_space<vmem>>, vector<16xf32>,
      %get3A_1635 = arith.index_cast %add3A_1609 : i32 to index
      %get3A_1636 = arith.index_cast %squeeze3A_1605 : i32 to index
      %get3A_1637 = arith.constant 32 : index
      %get3A_1638 = tpu.vector_load %arg11[%get3A_1635, %get3A_1636, %get3A_1637] {strides = array<i32>} : memref<32x8x64xf32, #tpu.memory_space<vmem>>, vector<16xf32>,
      %mul3A_1639 = arith.mulf %get3A_1634, %get3A_1638 : vector<16xf32>
      %mul3A_1640 = arith.mulf %mul3A_1639, %get3A_7 : vector<16xf32>
      %add3A_1641 = arith.addf %add3A_1630, %mul3A_1640 : vector<16xf32>
      %get3A_1642 = arith.index_cast %add3A_1609 : i32 to index
      %get3A_1643 = arith.index_cast %squeeze3A_1603 : i32 to index
      %get3A_1644 = arith.constant 48 : index
      %get3A_1645 = tpu.vector_load %arg10[%get3A_1642, %get3A_1643, %get3A_1644] {strides = array<i32>} : memref<32x8x64xf32, #tpu.memory_space<vmem>>, vector<16xf32>,
      %get3A_1646 = arith.index_cast %add3A_1609 : i32 to index
      %get3A_1647 = arith.index_cast %squeeze3A_1605 : i32 to index
      %get3A_1648 = arith.constant 48 : index
      %get3A_1649 = tpu.vector_load %arg11[%get3A_1646, %get3A_1647, %get3A_1648] {strides = array<i32>} : memref<32x8x64xf32, #tpu.memory_space<vmem>>, vector<16xf32>,
      %mul3A_1650 = arith.mulf %get3A_1645, %get3A_1649 : vector<16xf32>
      %mul3A_1651 = arith.mulf %mul3A_1650, %get3A_9 : vector<16xf32>
      %add3A_1652 = arith.addf %add3A_1641, %mul3A_1651 : vector<16xf32>
      %swap3A_1653 = arith.constant 16 : index
      %swap3A_1654 = tpu.vector_load %arg13[%swap3A_1653] {strides = array<i32>} : memref<256xf32, #tpu.memory_space<vmem>>, vector<16xf32>,
      tpu.vector_store %arg13[%swap3A_1653], %add3A_1652 {strides = array<i32>} : memref<256xf32, #tpu.memory_space<vmem>>, vector<16xf32>,
      %slice3A_1655 = vector.extract_strided_slice %and3A_1542 {offsets = [2], sizes = [1], strides = [1]} : vector<16xi32> to vector<1xi32>
      %squeeze3A_1656 = vector.extract %slice3A_1655[0] : i32 from vector<1xi32>
      %slice3A_1657 = vector.extract_strided_slice %and3A_1549 {offsets = [2], sizes = [1], strides = [1]} : vector<16xi32> to vector<1xi32>
      %squeeze3A_1658 = vector.extract %slice3A_1657[0] : i32 from vector<1xi32>
      %mul3A_1659 = arith.constant 16 : i32
      %mul3A_1660 = arith.muli %rem3A_1536, %mul3A_1659 : i32
      %add3A_1661 = arith.constant 2 : i32
      %add3A_1662 = arith.addi %mul3A_1660, %add3A_1661 : i32
      %get3A_1663 = arith.index_cast %add3A_1662 : i32 to index
      %get3A_1664 = arith.index_cast %squeeze3A_1656 : i32 to index
      %get3A_1665 = arith.constant 0 : index
      %get3A_1666 = tpu.vector_load %arg10[%get3A_1663, %get3A_1664, %get3A_1665] {strides = array<i32>} : memref<32x8x64xf32, #tpu.memory_space<vmem>>, vector<16xf32>,
      %get3A_1667 = arith.index_cast %add3A_1662 : i32 to index
      %get3A_1668 = arith.index_cast %squeeze3A_1658 : i32 to index
      %get3A_1669 = arith.constant 0 : index
      %get3A_1670 = tpu.vector_load %arg11[%get3A_1667, %get3A_1668, %get3A_1669] {strides = array<i32>} : memref<32x8x64xf32, #tpu.memory_space<vmem>>, vector<16xf32>,
      %mul3A_1671 = arith.mulf %get3A_1666, %get3A_1670 : vector<16xf32>
      %mul3A_1672 = arith.mulf %mul3A_1671, %get3A_3 : vector<16xf32>
      %get3A_1673 = arith.index_cast %add3A_1662 : i32 to index
      %get3A_1674 = arith.index_cast %squeeze3A_1656 : i32 to index
      %get3A_1675 = arith.constant 16 : index
      %get3A_1676 = tpu.vector_load %arg10[%get3A_1673, %get3A_1674, %get3A_1675] {strides = array<i32>} : memref<32x8x64xf32, #tpu.memory_space<vmem>>, vector<16xf32>,
      %get3A_1677 = arith.index_cast %add3A_1662 : i32 to index
      %get3A_1678 = arith.index_cast %squeeze3A_1658 : i32 to index
      %get3A_1679 = arith.constant 16 : index
      %get3A_1680 = tpu.vector_load %arg11[%get3A_1677, %get3A_1678, %get3A_1679] {strides = array<i32>} : memref<32x8x64xf32, #tpu.memory_space<vmem>>, vector<16xf32>,
      %mul3A_1681 = arith.mulf %get3A_1676, %get3A_1680 : vector<16xf32>
      %mul3A_1682 = arith.mulf %mul3A_1681, %get3A_5 : vector<16xf32>
      %add3A_1683 = arith.addf %mul3A_1672, %mul3A_1682 : vector<16xf32>
      %get3A_1684 = arith.index_cast %add3A_1662 : i32 to index
      %get3A_1685 = arith.index_cast %squeeze3A_1656 : i32 to index
      %get3A_1686 = arith.constant 32 : index
      %get3A_1687 = tpu.vector_load %arg10[%get3A_1684, %get3A_1685, %get3A_1686] {strides = array<i32>} : memref<32x8x64xf32, #tpu.memory_space<vmem>>, vector<16xf32>,
      %get3A_1688 = arith.index_cast %add3A_1662 : i32 to index
      %get3A_1689 = arith.index_cast %squeeze3A_1658 : i32 to index
      %get3A_1690 = arith.constant 32 : index
      %get3A_1691 = tpu.vector_load %arg11[%get3A_1688, %get3A_1689, %get3A_1690] {strides = array<i32>} : memref<32x8x64xf32, #tpu.memory_space<vmem>>, vector<16xf32>,
      %mul3A_1692 = arith.mulf %get3A_1687, %get3A_1691 : vector<16xf32>
      %mul3A_1693 = arith.mulf %mul3A_1692, %get3A_7 : vector<16xf32>
      %add3A_1694 = arith.addf %add3A_1683, %mul3A_1693 : vector<16xf32>
      %get3A_1695 = arith.index_cast %add3A_1662 : i32 to index
      %get3A_1696 = arith.index_cast %squeeze3A_1656 : i32 to index
      %get3A_1697 = arith.constant 48 : index
      %get3A_1698 = tpu.vector_load %arg10[%get3A_1695, %get3A_1696, %get3A_1697] {strides = array<i32>} : memref<32x8x64xf32, #tpu.memory_space<vmem>>, vector<16xf32>,
      %get3A_1699 = arith.index_cast %add3A_1662 : i32 to index
      %get3A_1700 = arith.index_cast %squeeze3A_1658 : i32 to index
      %get3A_1701 = arith.constant 48 : index
      %get3A_1702 = tpu.vector_load %arg11[%get3A_1699, %get3A_1700, %get3A_1701] {strides = array<i32>} : memref<32x8x64xf32, #tpu.memory_space<vmem>>, vector<16xf32>,
      %mul3A_1703 = arith.mulf %get3A_1698, %get3A_1702 : vector<16xf32>
      %mul3A_1704 = arith.mulf %mul3A_1703, %get3A_9 : vector<16xf32>
      %add3A_1705 = arith.addf %add3A_1694, %mul3A_1704 : vector<16xf32>
      %swap3A_1706 = arith.constant 32 : index
      %swap3A_1707 = tpu.vector_load %arg13[%swap3A_1706] {strides = array<i32>} : memref<256xf32, #tpu.memory_space<vmem>>, vector<16xf32>,
      tpu.vector_store %arg13[%swap3A_1706], %add3A_1705 {strides = array<i32>} : memref<256xf32, #tpu.memory_space<vmem>>, vector<16xf32>,
      %slice3A_1708 = vector.extract_strided_slice %and3A_1542 {offsets = [3], sizes = [1], strides = [1]} : vector<16xi32> to vector<1xi32>
      %squeeze3A_1709 = vector.extract %slice3A_1708[0] : i32 from vector<1xi32>
      %slice3A_1710 = vector.extract_strided_slice %and3A_1549 {offsets = [3], sizes = [1], strides = [1]} : vector<16xi32> to vector<1xi32>
      %squeeze3A_1711 = vector.extract %slice3A_1710[0] : i32 from vector<1xi32>
      %mul3A_1712 = arith.constant 16 : i32
      %mul3A_1713 = arith.muli %rem3A_1536, %mul3A_1712 : i32
      %add3A_1714 = arith.constant 3 : i32
      %add3A_1715 = arith.addi %mul3A_1713, %add3A_1714 : i32
      %get3A_1716 = arith.index_cast %add3A_1715 : i32 to index
      %get3A_1717 = arith.index_cast %squeeze3A_1709 : i32 to index
      %get3A_1718 = arith.constant 0 : index
      %get3A_1719 = tpu.vector_load %arg10[%get3A_1716, %get3A_1717, %get3A_1718] {strides = array<i32>} : memref<32x8x64xf32, #tpu.memory_space<vmem>>, vector<16xf32>,
      %get3A_1720 = arith.index_cast %add3A_1715 : i32 to index
      %get3A_1721 = arith.index_cast %squeeze3A_1711 : i32 to index
      %get3A_1722 = arith.constant 0 : index
      %get3A_1723 = tpu.vector_load %arg11[%get3A_1720, %get3A_1721, %get3A_1722] {strides = array<i32>} : memref<32x8x64xf32, #tpu.memory_space<vmem>>, vector<16xf32>,
      %mul3A_1724 = arith.mulf %get3A_1719, %get3A_1723 : vector<16xf32>
      %mul3A_1725 = arith.mulf %mul3A_1724, %get3A_3 : vector<16xf32>
      %get3A_1726 = arith.index_cast %add3A_1715 : i32 to index
      %get3A_1727 = arith.index_cast %squeeze3A_1709 : i32 to index
      %get3A_1728 = arith.constant 16 : index
      %get3A_1729 = tpu.vector_load %arg10[%get3A_1726, %get3A_1727, %get3A_1728] {strides = array<i32>} : memref<32x8x64xf32, #tpu.memory_space<vmem>>, vector<16xf32>,
      %get3A_1730 = arith.index_cast %add3A_1715 : i32 to index
      %get3A_1731 = arith.index_cast %squeeze3A_1711 : i32 to index
      %get3A_1732 = arith.constant 16 : index
      %get3A_1733 = tpu.vector_load %arg11[%get3A_1730, %get3A_1731, %get3A_1732] {strides = array<i32>} : memref<32x8x64xf32, #tpu.memory_space<vmem>>, vector<16xf32>,
      %mul3A_1734 = arith.mulf %get3A_1729, %get3A_1733 : vector<16xf32>
      %mul3A_1735 = arith.mulf %mul3A_1734, %get3A_5 : vector<16xf32>
      %add3A_1736 = arith.addf %mul3A_1725, %mul3A_1735 : vector<16xf32>
      %get3A_1737 = arith.index_cast %add3A_1715 : i32 to index
      %get3A_1738 = arith.index_cast %squeeze3A_1709 : i32 to index
      %get3A_1739 = arith.constant 32 : index
      %get3A_1740 = tpu.vector_load %arg10[%get3A_1737, %get3A_1738, %get3A_1739] {strides = array<i32>} : memref<32x8x64xf32, #tpu.memory_space<vmem>>, vector<16xf32>,
      %get3A_1741 = arith.index_cast %add3A_1715 : i32 to index
      %get3A_1742 = arith.index_cast %squeeze3A_1711 : i32 to index
      %get3A_1743 = arith.constant 32 : index
      %get3A_1744 = tpu.vector_load %arg11[%get3A_1741, %get3A_1742, %get3A_1743] {strides = array<i32>} : memref<32x8x64xf32, #tpu.memory_space<vmem>>, vector<16xf32>,
      %mul3A_1745 = arith.mulf %get3A_1740, %get3A_1744 : vector<16xf32>
      %mul3A_1746 = arith.mulf %mul3A_1745, %get3A_7 : vector<16xf32>
      %add3A_1747 = arith.addf %add3A_1736, %mul3A_1746 : vector<16xf32>
      %get3A_1748 = arith.index_cast %add3A_1715 : i32 to index
      %get3A_1749 = arith.index_cast %squeeze3A_1709 : i32 to index
      %get3A_1750 = arith.constant 48 : index
      %get3A_1751 = tpu.vector_load %arg10[%get3A_1748, %get3A_1749, %get3A_1750] {strides = array<i32>} : memref<32x8x64xf32, #tpu.memory_space<vmem>>, vector<16xf32>,
      %get3A_1752 = arith.index_cast %add3A_1715 : i32 to index
      %get3A_1753 = arith.index_cast %squeeze3A_1711 : i32 to index
      %get3A_1754 = arith.constant 48 : index
      %get3A_1755 = tpu.vector_load %arg11[%get3A_1752, %get3A_1753, %get3A_1754] {strides = array<i32>} : memref<32x8x64xf32, #tpu.memory_space<vmem>>, vector<16xf32>,
      %mul3A_1756 = arith.mulf %get3A_1751, %get3A_1755 : vector<16xf32>
      %mul3A_1757 = arith.mulf %mul3A_1756, %get3A_9 : vector<16xf32>
      %add3A_1758 = arith.addf %add3A_1747, %mul3A_1757 : vector<16xf32>
      %swap3A_1759 = arith.constant 48 : index
      %swap3A_1760 = tpu.vector_load %arg13[%swap3A_1759] {strides = array<i32>} : memref<256xf32, #tpu.memory_space<vmem>>, vector<16xf32>,
      tpu.vector_store %arg13[%swap3A_1759], %add3A_1758 {strides = array<i32>} : memref<256xf32, #tpu.memory_space<vmem>>, vector<16xf32>,
      %slice3A_1761 = vector.extract_strided_slice %and3A_1542 {offsets = [4], sizes = [1], strides = [1]} : vector<16xi32> to vector<1xi32>
      %squeeze3A_1762 = vector.extract %slice3A_1761[0] : i32 from vector<1xi32>
      %slice3A_1763 = vector.extract_strided_slice %and3A_1549 {offsets = [4], sizes = [1], strides = [1]} : vector<16xi32> to vector<1xi32>
      %squeeze3A_1764 = vector.extract %slice3A_1763[0] : i32 from vector<1xi32>
      %mul3A_1765 = arith.constant 16 : i32
      %mul3A_1766 = arith.muli %rem3A_1536, %mul3A_1765 : i32
      %add3A_1767 = arith.constant 4 : i32
      %add3A_1768 = arith.addi %mul3A_1766, %add3A_1767 : i32
      %get3A_1769 = arith.index_cast %add3A_1768 : i32 to index
      %get3A_1770 = arith.index_cast %squeeze3A_1762 : i32 to index
      %get3A_1771 = arith.constant 0 : index
      %get3A_1772 = tpu.vector_load %arg10[%get3A_1769, %get3A_1770, %get3A_1771] {strides = array<i32>} : memref<32x8x64xf32, #tpu.memory_space<vmem>>, vector<16xf32>,
      %get3A_1773 = arith.index_cast %add3A_1768 : i32 to index
      %get3A_1774 = arith.index_cast %squeeze3A_1764 : i32 to index
      %get3A_1775 = arith.constant 0 : index
      %get3A_1776 = tpu.vector_load %arg11[%get3A_1773, %get3A_1774, %get3A_1775] {strides = array<i32>} : memref<32x8x64xf32, #tpu.memory_space<vmem>>, vector<16xf32>,
      %mul3A_1777 = arith.mulf %get3A_1772, %get3A_1776 : vector<16xf32>
      %mul3A_1778 = arith.mulf %mul3A_1777, %get3A_3 : vector<16xf32>
      %get3A_1779 = arith.index_cast %add3A_1768 : i32 to index
      %get3A_1780 = arith.index_cast %squeeze3A_1762 : i32 to index
      %get3A_1781 = arith.constant 16 : index
      %get3A_1782 = tpu.vector_load %arg10[%get3A_1779, %get3A_1780, %get3A_1781] {strides = array<i32>} : memref<32x8x64xf32, #tpu.memory_space<vmem>>, vector<16xf32>,
      %get3A_1783 = arith.index_cast %add3A_1768 : i32 to index
      %get3A_1784 = arith.index_cast %squeeze3A_1764 : i32 to index
      %get3A_1785 = arith.constant 16 : index
      %get3A_1786 = tpu.vector_load %arg11[%get3A_1783, %get3A_1784, %get3A_1785] {strides = array<i32>} : memref<32x8x64xf32, #tpu.memory_space<vmem>>, vector<16xf32>,
      %mul3A_1787 = arith.mulf %get3A_1782, %get3A_1786 : vector<16xf32>
      %mul3A_1788 = arith.mulf %mul3A_1787, %get3A_5 : vector<16xf32>
      %add3A_1789 = arith.addf %mul3A_1778, %mul3A_1788 : vector<16xf32>
      %get3A_1790 = arith.index_cast %add3A_1768 : i32 to index
      %get3A_1791 = arith.index_cast %squeeze3A_1762 : i32 to index
      %get3A_1792 = arith.constant 32 : index
      %get3A_1793 = tpu.vector_load %arg10[%get3A_1790, %get3A_1791, %get3A_1792] {strides = array<i32>} : memref<32x8x64xf32, #tpu.memory_space<vmem>>, vector<16xf32>,
      %get3A_1794 = arith.index_cast %add3A_1768 : i32 to index
      %get3A_1795 = arith.index_cast %squeeze3A_1764 : i32 to index
      %get3A_1796 = arith.constant 32 : index
      %get3A_1797 = tpu.vector_load %arg11[%get3A_1794, %get3A_1795, %get3A_1796] {strides = array<i32>} : memref<32x8x64xf32, #tpu.memory_space<vmem>>, vector<16xf32>,
      %mul3A_1798 = arith.mulf %get3A_1793, %get3A_1797 : vector<16xf32>
      %mul3A_1799 = arith.mulf %mul3A_1798, %get3A_7 : vector<16xf32>
      %add3A_1800 = arith.addf %add3A_1789, %mul3A_1799 : vector<16xf32>
      %get3A_1801 = arith.index_cast %add3A_1768 : i32 to index
      %get3A_1802 = arith.index_cast %squeeze3A_1762 : i32 to index
      %get3A_1803 = arith.constant 48 : index
      %get3A_1804 = tpu.vector_load %arg10[%get3A_1801, %get3A_1802, %get3A_1803] {strides = array<i32>} : memref<32x8x64xf32, #tpu.memory_space<vmem>>, vector<16xf32>,
      %get3A_1805 = arith.index_cast %add3A_1768 : i32 to index
      %get3A_1806 = arith.index_cast %squeeze3A_1764 : i32 to index
      %get3A_1807 = arith.constant 48 : index
      %get3A_1808 = tpu.vector_load %arg11[%get3A_1805, %get3A_1806, %get3A_1807] {strides = array<i32>} : memref<32x8x64xf32, #tpu.memory_space<vmem>>, vector<16xf32>,
      %mul3A_1809 = arith.mulf %get3A_1804, %get3A_1808 : vector<16xf32>
      %mul3A_1810 = arith.mulf %mul3A_1809, %get3A_9 : vector<16xf32>
      %add3A_1811 = arith.addf %add3A_1800, %mul3A_1810 : vector<16xf32>
      %swap3A_1812 = arith.constant 64 : index
      %swap3A_1813 = tpu.vector_load %arg13[%swap3A_1812] {strides = array<i32>} : memref<256xf32, #tpu.memory_space<vmem>>, vector<16xf32>,
      tpu.vector_store %arg13[%swap3A_1812], %add3A_1811 {strides = array<i32>} : memref<256xf32, #tpu.memory_space<vmem>>, vector<16xf32>,
      %slice3A_1814 = vector.extract_strided_slice %and3A_1542 {offsets = [5], sizes = [1], strides = [1]} : vector<16xi32> to vector<1xi32>
      %squeeze3A_1815 = vector.extract %slice3A_1814[0] : i32 from vector<1xi32>
      %slice3A_1816 = vector.extract_strided_slice %and3A_1549 {offsets = [5], sizes = [1], strides = [1]} : vector<16xi32> to vector<1xi32>
      %squeeze3A_1817 = vector.extract %slice3A_1816[0] : i32 from vector<1xi32>
      %mul3A_1818 = arith.constant 16 : i32
      %mul3A_1819 = arith.muli %rem3A_1536, %mul3A_1818 : i32
      %add3A_1820 = arith.constant 5 : i32
      %add3A_1821 = arith.addi %mul3A_1819, %add3A_1820 : i32
      %get3A_1822 = arith.index_cast %add3A_1821 : i32 to index
      %get3A_1823 = arith.index_cast %squeeze3A_1815 : i32 to index
      %get3A_1824 = arith.constant 0 : index
      %get3A_1825 = tpu.vector_load %arg10[%get3A_1822, %get3A_1823, %get3A_1824] {strides = array<i32>} : memref<32x8x64xf32, #tpu.memory_space<vmem>>, vector<16xf32>,
      %get3A_1826 = arith.index_cast %add3A_1821 : i32 to index
      %get3A_1827 = arith.index_cast %squeeze3A_1817 : i32 to index
      %get3A_1828 = arith.constant 0 : index
      %get3A_1829 = tpu.vector_load %arg11[%get3A_1826, %get3A_1827, %get3A_1828] {strides = array<i32>} : memref<32x8x64xf32, #tpu.memory_space<vmem>>, vector<16xf32>,
      %mul3A_1830 = arith.mulf %get3A_1825, %get3A_1829 : vector<16xf32>
      %mul3A_1831 = arith.mulf %mul3A_1830, %get3A_3 : vector<16xf32>
      %get3A_1832 = arith.index_cast %add3A_1821 : i32 to index
      %get3A_1833 = arith.index_cast %squeeze3A_1815 : i32 to index
      %get3A_1834 = arith.constant 16 : index
      %get3A_1835 = tpu.vector_load %arg10[%get3A_1832, %get3A_1833, %get3A_1834] {strides = array<i32>} : memref<32x8x64xf32, #tpu.memory_space<vmem>>, vector<16xf32>,
      %get3A_1836 = arith.index_cast %add3A_1821 : i32 to index
      %get3A_1837 = arith.index_cast %squeeze3A_1817 : i32 to index
      %get3A_1838 = arith.constant 16 : index
      %get3A_1839 = tpu.vector_load %arg11[%get3A_1836, %get3A_1837, %get3A_1838] {strides = array<i32>} : memref<32x8x64xf32, #tpu.memory_space<vmem>>, vector<16xf32>,
      %mul3A_1840 = arith.mulf %get3A_1835, %get3A_1839 : vector<16xf32>
      %mul3A_1841 = arith.mulf %mul3A_1840, %get3A_5 : vector<16xf32>
      %add3A_1842 = arith.addf %mul3A_1831, %mul3A_1841 : vector<16xf32>
      %get3A_1843 = arith.index_cast %add3A_1821 : i32 to index
      %get3A_1844 = arith.index_cast %squeeze3A_1815 : i32 to index
      %get3A_1845 = arith.constant 32 : index
      %get3A_1846 = tpu.vector_load %arg10[%get3A_1843, %get3A_1844, %get3A_1845] {strides = array<i32>} : memref<32x8x64xf32, #tpu.memory_space<vmem>>, vector<16xf32>,
      %get3A_1847 = arith.index_cast %add3A_1821 : i32 to index
      %get3A_1848 = arith.index_cast %squeeze3A_1817 : i32 to index
      %get3A_1849 = arith.constant 32 : index
      %get3A_1850 = tpu.vector_load %arg11[%get3A_1847, %get3A_1848, %get3A_1849] {strides = array<i32>} : memref<32x8x64xf32, #tpu.memory_space<vmem>>, vector<16xf32>,
      %mul3A_1851 = arith.mulf %get3A_1846, %get3A_1850 : vector<16xf32>
      %mul3A_1852 = arith.mulf %mul3A_1851, %get3A_7 : vector<16xf32>
      %add3A_1853 = arith.addf %add3A_1842, %mul3A_1852 : vector<16xf32>
      %get3A_1854 = arith.index_cast %add3A_1821 : i32 to index
      %get3A_1855 = arith.index_cast %squeeze3A_1815 : i32 to index
      %get3A_1856 = arith.constant 48 : index
      %get3A_1857 = tpu.vector_load %arg10[%get3A_1854, %get3A_1855, %get3A_1856] {strides = array<i32>} : memref<32x8x64xf32, #tpu.memory_space<vmem>>, vector<16xf32>,
      %get3A_1858 = arith.index_cast %add3A_1821 : i32 to index
      %get3A_1859 = arith.index_cast %squeeze3A_1817 : i32 to index
      %get3A_1860 = arith.constant 48 : index
      %get3A_1861 = tpu.vector_load %arg11[%get3A_1858, %get3A_1859, %get3A_1860] {strides = array<i32>} : memref<32x8x64xf32, #tpu.memory_space<vmem>>, vector<16xf32>,
      %mul3A_1862 = arith.mulf %get3A_1857, %get3A_1861 : vector<16xf32>
      %mul3A_1863 = arith.mulf %mul3A_1862, %get3A_9 : vector<16xf32>
      %add3A_1864 = arith.addf %add3A_1853, %mul3A_1863 : vector<16xf32>
      %swap3A_1865 = arith.constant 80 : index
      %swap3A_1866 = tpu.vector_load %arg13[%swap3A_1865] {strides = array<i32>} : memref<256xf32, #tpu.memory_space<vmem>>, vector<16xf32>,
      tpu.vector_store %arg13[%swap3A_1865], %add3A_1864 {strides = array<i32>} : memref<256xf32, #tpu.memory_space<vmem>>, vector<16xf32>,
      %slice3A_1867 = vector.extract_strided_slice %and3A_1542 {offsets = [6], sizes = [1], strides = [1]} : vector<16xi32> to vector<1xi32>
      %squeeze3A_1868 = vector.extract %slice3A_1867[0] : i32 from vector<1xi32>
      %slice3A_1869 = vector.extract_strided_slice %and3A_1549 {offsets = [6], sizes = [1], strides = [1]} : vector<16xi32> to vector<1xi32>
      %squeeze3A_1870 = vector.extract %slice3A_1869[0] : i32 from vector<1xi32>
      %mul3A_1871 = arith.constant 16 : i32
      %mul3A_1872 = arith.muli %rem3A_1536, %mul3A_1871 : i32
      %add3A_1873 = arith.constant 6 : i32
      %add3A_1874 = arith.addi %mul3A_1872, %add3A_1873 : i32
      %get3A_1875 = arith.index_cast %add3A_1874 : i32 to index
      %get3A_1876 = arith.index_cast %squeeze3A_1868 : i32 to index
      %get3A_1877 = arith.constant 0 : index
      %get3A_1878 = tpu.vector_load %arg10[%get3A_1875, %get3A_1876, %get3A_1877] {strides = array<i32>} : memref<32x8x64xf32, #tpu.memory_space<vmem>>, vector<16xf32>,
      %get3A_1879 = arith.index_cast %add3A_1874 : i32 to index
      %get3A_1880 = arith.index_cast %squeeze3A_1870 : i32 to index
      %get3A_1881 = arith.constant 0 : index
      %get3A_1882 = tpu.vector_load %arg11[%get3A_1879, %get3A_1880, %get3A_1881] {strides = array<i32>} : memref<32x8x64xf32, #tpu.memory_space<vmem>>, vector<16xf32>,
      %mul3A_1883 = arith.mulf %get3A_1878, %get3A_1882 : vector<16xf32>
      %mul3A_1884 = arith.mulf %mul3A_1883, %get3A_3 : vector<16xf32>
      %get3A_1885 = arith.index_cast %add3A_1874 : i32 to index
      %get3A_1886 = arith.index_cast %squeeze3A_1868 : i32 to index
      %get3A_1887 = arith.constant 16 : index
      %get3A_1888 = tpu.vector_load %arg10[%get3A_1885, %get3A_1886, %get3A_1887] {strides = array<i32>} : memref<32x8x64xf32, #tpu.memory_space<vmem>>, vector<16xf32>,
      %get3A_1889 = arith.index_cast %add3A_1874 : i32 to index
      %get3A_1890 = arith.index_cast %squeeze3A_1870 : i32 to index
      %get3A_1891 = arith.constant 16 : index
      %get3A_1892 = tpu.vector_load %arg11[%get3A_1889, %get3A_1890, %get3A_1891] {strides = array<i32>} : memref<32x8x64xf32, #tpu.memory_space<vmem>>, vector<16xf32>,
      %mul3A_1893 = arith.mulf %get3A_1888, %get3A_1892 : vector<16xf32>
      %mul3A_1894 = arith.mulf %mul3A_1893, %get3A_5 : vector<16xf32>
      %add3A_1895 = arith.addf %mul3A_1884, %mul3A_1894 : vector<16xf32>
      %get3A_1896 = arith.index_cast %add3A_1874 : i32 to index
      %get3A_1897 = arith.index_cast %squeeze3A_1868 : i32 to index
      %get3A_1898 = arith.constant 32 : index
      %get3A_1899 = tpu.vector_load %arg10[%get3A_1896, %get3A_1897, %get3A_1898] {strides = array<i32>} : memref<32x8x64xf32, #tpu.memory_space<vmem>>, vector<16xf32>,
      %get3A_1900 = arith.index_cast %add3A_1874 : i32 to index
      %get3A_1901 = arith.index_cast %squeeze3A_1870 : i32 to index
      %get3A_1902 = arith.constant 32 : index
      %get3A_1903 = tpu.vector_load %arg11[%get3A_1900, %get3A_1901, %get3A_1902] {strides = array<i32>} : memref<32x8x64xf32, #tpu.memory_space<vmem>>, vector<16xf32>,
      %mul3A_1904 = arith.mulf %get3A_1899, %get3A_1903 : vector<16xf32>
      %mul3A_1905 = arith.mulf %mul3A_1904, %get3A_7 : vector<16xf32>
      %add3A_1906 = arith.addf %add3A_1895, %mul3A_1905 : vector<16xf32>
      %get3A_1907 = arith.index_cast %add3A_1874 : i32 to index
      %get3A_1908 = arith.index_cast %squeeze3A_1868 : i32 to index
      %get3A_1909 = arith.constant 48 : index
      %get3A_1910 = tpu.vector_load %arg10[%get3A_1907, %get3A_1908, %get3A_1909] {strides = array<i32>} : memref<32x8x64xf32, #tpu.memory_space<vmem>>, vector<16xf32>,
      %get3A_1911 = arith.index_cast %add3A_1874 : i32 to index
      %get3A_1912 = arith.index_cast %squeeze3A_1870 : i32 to index
      %get3A_1913 = arith.constant 48 : index
      %get3A_1914 = tpu.vector_load %arg11[%get3A_1911, %get3A_1912, %get3A_1913] {strides = array<i32>} : memref<32x8x64xf32, #tpu.memory_space<vmem>>, vector<16xf32>,
      %mul3A_1915 = arith.mulf %get3A_1910, %get3A_1914 : vector<16xf32>
      %mul3A_1916 = arith.mulf %mul3A_1915, %get3A_9 : vector<16xf32>
      %add3A_1917 = arith.addf %add3A_1906, %mul3A_1916 : vector<16xf32>
      %swap3A_1918 = arith.constant 96 : index
      %swap3A_1919 = tpu.vector_load %arg13[%swap3A_1918] {strides = array<i32>} : memref<256xf32, #tpu.memory_space<vmem>>, vector<16xf32>,
      tpu.vector_store %arg13[%swap3A_1918], %add3A_1917 {strides = array<i32>} : memref<256xf32, #tpu.memory_space<vmem>>, vector<16xf32>,
      %slice3A_1920 = vector.extract_strided_slice %and3A_1542 {offsets = [7], sizes = [1], strides = [1]} : vector<16xi32> to vector<1xi32>
      %squeeze3A_1921 = vector.extract %slice3A_1920[0] : i32 from vector<1xi32>
      %slice3A_1922 = vector.extract_strided_slice %and3A_1549 {offsets = [7], sizes = [1], strides = [1]} : vector<16xi32> to vector<1xi32>
      %squeeze3A_1923 = vector.extract %slice3A_1922[0] : i32 from vector<1xi32>
      %mul3A_1924 = arith.constant 16 : i32
      %mul3A_1925 = arith.muli %rem3A_1536, %mul3A_1924 : i32
      %add3A_1926 = arith.constant 7 : i32
      %add3A_1927 = arith.addi %mul3A_1925, %add3A_1926 : i32
      %get3A_1928 = arith.index_cast %add3A_1927 : i32 to index
      %get3A_1929 = arith.index_cast %squeeze3A_1921 : i32 to index
      %get3A_1930 = arith.constant 0 : index
      %get3A_1931 = tpu.vector_load %arg10[%get3A_1928, %get3A_1929, %get3A_1930] {strides = array<i32>} : memref<32x8x64xf32, #tpu.memory_space<vmem>>, vector<16xf32>,
      %get3A_1932 = arith.index_cast %add3A_1927 : i32 to index
      %get3A_1933 = arith.index_cast %squeeze3A_1923 : i32 to index
      %get3A_1934 = arith.constant 0 : index
      %get3A_1935 = tpu.vector_load %arg11[%get3A_1932, %get3A_1933, %get3A_1934] {strides = array<i32>} : memref<32x8x64xf32, #tpu.memory_space<vmem>>, vector<16xf32>,
      %mul3A_1936 = arith.mulf %get3A_1931, %get3A_1935 : vector<16xf32>
      %mul3A_1937 = arith.mulf %mul3A_1936, %get3A_3 : vector<16xf32>
      %get3A_1938 = arith.index_cast %add3A_1927 : i32 to index
      %get3A_1939 = arith.index_cast %squeeze3A_1921 : i32 to index
      %get3A_1940 = arith.constant 16 : index
      %get3A_1941 = tpu.vector_load %arg10[%get3A_1938, %get3A_1939, %get3A_1940] {strides = array<i32>} : memref<32x8x64xf32, #tpu.memory_space<vmem>>, vector<16xf32>,
      %get3A_1942 = arith.index_cast %add3A_1927 : i32 to index
      %get3A_1943 = arith.index_cast %squeeze3A_1923 : i32 to index
      %get3A_1944 = arith.constant 16 : index
      %get3A_1945 = tpu.vector_load %arg11[%get3A_1942, %get3A_1943, %get3A_1944] {strides = array<i32>} : memref<32x8x64xf32, #tpu.memory_space<vmem>>, vector<16xf32>,
      %mul3A_1946 = arith.mulf %get3A_1941, %get3A_1945 : vector<16xf32>
      %mul3A_1947 = arith.mulf %mul3A_1946, %get3A_5 : vector<16xf32>
      %add3A_1948 = arith.addf %mul3A_1937, %mul3A_1947 : vector<16xf32>
      %get3A_1949 = arith.index_cast %add3A_1927 : i32 to index
      %get3A_1950 = arith.index_cast %squeeze3A_1921 : i32 to index
      %get3A_1951 = arith.constant 32 : index
      %get3A_1952 = tpu.vector_load %arg10[%get3A_1949, %get3A_1950, %get3A_1951] {strides = array<i32>} : memref<32x8x64xf32, #tpu.memory_space<vmem>>, vector<16xf32>,
      %get3A_1953 = arith.index_cast %add3A_1927 : i32 to index
      %get3A_1954 = arith.index_cast %squeeze3A_1923 : i32 to index
      %get3A_1955 = arith.constant 32 : index
      %get3A_1956 = tpu.vector_load %arg11[%get3A_1953, %get3A_1954, %get3A_1955] {strides = array<i32>} : memref<32x8x64xf32, #tpu.memory_space<vmem>>, vector<16xf32>,
      %mul3A_1957 = arith.mulf %get3A_1952, %get3A_1956 : vector<16xf32>
      %mul3A_1958 = arith.mulf %mul3A_1957, %get3A_7 : vector<16xf32>
      %add3A_1959 = arith.addf %add3A_1948, %mul3A_1958 : vector<16xf32>
      %get3A_1960 = arith.index_cast %add3A_1927 : i32 to index
      %get3A_1961 = arith.index_cast %squeeze3A_1921 : i32 to index
      %get3A_1962 = arith.constant 48 : index
      %get3A_1963 = tpu.vector_load %arg10[%get3A_1960, %get3A_1961, %get3A_1962] {strides = array<i32>} : memref<32x8x64xf32, #tpu.memory_space<vmem>>, vector<16xf32>,
      %get3A_1964 = arith.index_cast %add3A_1927 : i32 to index
      %get3A_1965 = arith.index_cast %squeeze3A_1923 : i32 to index
      %get3A_1966 = arith.constant 48 : index
      %get3A_1967 = tpu.vector_load %arg11[%get3A_1964, %get3A_1965, %get3A_1966] {strides = array<i32>} : memref<32x8x64xf32, #tpu.memory_space<vmem>>, vector<16xf32>,
      %mul3A_1968 = arith.mulf %get3A_1963, %get3A_1967 : vector<16xf32>
      %mul3A_1969 = arith.mulf %mul3A_1968, %get3A_9 : vector<16xf32>
      %add3A_1970 = arith.addf %add3A_1959, %mul3A_1969 : vector<16xf32>
      %swap3A_1971 = arith.constant 112 : index
      %swap3A_1972 = tpu.vector_load %arg13[%swap3A_1971] {strides = array<i32>} : memref<256xf32, #tpu.memory_space<vmem>>, vector<16xf32>,
      tpu.vector_store %arg13[%swap3A_1971], %add3A_1970 {strides = array<i32>} : memref<256xf32, #tpu.memory_space<vmem>>, vector<16xf32>,
      %slice3A_1973 = vector.extract_strided_slice %and3A_1542 {offsets = [8], sizes = [1], strides = [1]} : vector<16xi32> to vector<1xi32>
      %squeeze3A_1974 = vector.extract %slice3A_1973[0] : i32 from vector<1xi32>
      %slice3A_1975 = vector.extract_strided_slice %and3A_1549 {offsets = [8], sizes = [1], strides = [1]} : vector<16xi32> to vector<1xi32>
      %squeeze3A_1976 = vector.extract %slice3A_1975[0] : i32 from vector<1xi32>
      %mul3A_1977 = arith.constant 16 : i32
      %mul3A_1978 = arith.muli %rem3A_1536, %mul3A_1977 : i32
      %add3A_1979 = arith.constant 8 : i32
      %add3A_1980 = arith.addi %mul3A_1978, %add3A_1979 : i32
      %get3A_1981 = arith.index_cast %add3A_1980 : i32 to index
      %get3A_1982 = arith.index_cast %squeeze3A_1974 : i32 to index
      %get3A_1983 = arith.constant 0 : index
      %get3A_1984 = tpu.vector_load %arg10[%get3A_1981, %get3A_1982, %get3A_1983] {strides = array<i32>} : memref<32x8x64xf32, #tpu.memory_space<vmem>>, vector<16xf32>,
      %get3A_1985 = arith.index_cast %add3A_1980 : i32 to index
      %get3A_1986 = arith.index_cast %squeeze3A_1976 : i32 to index
      %get3A_1987 = arith.constant 0 : index
      %get3A_1988 = tpu.vector_load %arg11[%get3A_1985, %get3A_1986, %get3A_1987] {strides = array<i32>} : memref<32x8x64xf32, #tpu.memory_space<vmem>>, vector<16xf32>,
      %mul3A_1989 = arith.mulf %get3A_1984, %get3A_1988 : vector<16xf32>
      %mul3A_1990 = arith.mulf %mul3A_1989, %get3A_3 : vector<16xf32>
      %get3A_1991 = arith.index_cast %add3A_1980 : i32 to index
      %get3A_1992 = arith.index_cast %squeeze3A_1974 : i32 to index
      %get3A_1993 = arith.constant 16 : index
      %get3A_1994 = tpu.vector_load %arg10[%get3A_1991, %get3A_1992, %get3A_1993] {strides = array<i32>} : memref<32x8x64xf32, #tpu.memory_space<vmem>>, vector<16xf32>,
      %get3A_1995 = arith.index_cast %add3A_1980 : i32 to index
      %get3A_1996 = arith.index_cast %squeeze3A_1976 : i32 to index
      %get3A_1997 = arith.constant 16 : index
      %get3A_1998 = tpu.vector_load %arg11[%get3A_1995, %get3A_1996, %get3A_1997] {strides = array<i32>} : memref<32x8x64xf32, #tpu.memory_space<vmem>>, vector<16xf32>,
      %mul3A_1999 = arith.mulf %get3A_1994, %get3A_1998 : vector<16xf32>
      %mul3A_2000 = arith.mulf %mul3A_1999, %get3A_5 : vector<16xf32>
      %add3A_2001 = arith.addf %mul3A_1990, %mul3A_2000 : vector<16xf32>
      %get3A_2002 = arith.index_cast %add3A_1980 : i32 to index
      %get3A_2003 = arith.index_cast %squeeze3A_1974 : i32 to index
      %get3A_2004 = arith.constant 32 : index
      %get3A_2005 = tpu.vector_load %arg10[%get3A_2002, %get3A_2003, %get3A_2004] {strides = array<i32>} : memref<32x8x64xf32, #tpu.memory_space<vmem>>, vector<16xf32>,
      %get3A_2006 = arith.index_cast %add3A_1980 : i32 to index
      %get3A_2007 = arith.index_cast %squeeze3A_1976 : i32 to index
      %get3A_2008 = arith.constant 32 : index
      %get3A_2009 = tpu.vector_load %arg11[%get3A_2006, %get3A_2007, %get3A_2008] {strides = array<i32>} : memref<32x8x64xf32, #tpu.memory_space<vmem>>, vector<16xf32>,
      %mul3A_2010 = arith.mulf %get3A_2005, %get3A_2009 : vector<16xf32>
      %mul3A_2011 = arith.mulf %mul3A_2010, %get3A_7 : vector<16xf32>
      %add3A_2012 = arith.addf %add3A_2001, %mul3A_2011 : vector<16xf32>
      %get3A_2013 = arith.index_cast %add3A_1980 : i32 to index
      %get3A_2014 = arith.index_cast %squeeze3A_1974 : i32 to index
      %get3A_2015 = arith.constant 48 : index
      %get3A_2016 = tpu.vector_load %arg10[%get3A_2013, %get3A_2014, %get3A_2015] {strides = array<i32>} : memref<32x8x64xf32, #tpu.memory_space<vmem>>, vector<16xf32>,
      %get3A_2017 = arith.index_cast %add3A_1980 : i32 to index
      %get3A_2018 = arith.index_cast %squeeze3A_1976 : i32 to index
      %get3A_2019 = arith.constant 48 : index
      %get3A_2020 = tpu.vector_load %arg11[%get3A_2017, %get3A_2018, %get3A_2019] {strides = array<i32>} : memref<32x8x64xf32, #tpu.memory_space<vmem>>, vector<16xf32>,
      %mul3A_2021 = arith.mulf %get3A_2016, %get3A_2020 : vector<16xf32>
      %mul3A_2022 = arith.mulf %mul3A_2021, %get3A_9 : vector<16xf32>
      %add3A_2023 = arith.addf %add3A_2012, %mul3A_2022 : vector<16xf32>
      %swap3A_2024 = arith.constant 128 : index
      %swap3A_2025 = tpu.vector_load %arg13[%swap3A_2024] {strides = array<i32>} : memref<256xf32, #tpu.memory_space<vmem>>, vector<16xf32>,
      tpu.vector_store %arg13[%swap3A_2024], %add3A_2023 {strides = array<i32>} : memref<256xf32, #tpu.memory_space<vmem>>, vector<16xf32>,
      %slice3A_2026 = vector.extract_strided_slice %and3A_1542 {offsets = [9], sizes = [1], strides = [1]} : vector<16xi32> to vector<1xi32>
      %squeeze3A_2027 = vector.extract %slice3A_2026[0] : i32 from vector<1xi32>
      %slice3A_2028 = vector.extract_strided_slice %and3A_1549 {offsets = [9], sizes = [1], strides = [1]} : vector<16xi32> to vector<1xi32>
      %squeeze3A_2029 = vector.extract %slice3A_2028[0] : i32 from vector<1xi32>
      %mul3A_2030 = arith.constant 16 : i32
      %mul3A_2031 = arith.muli %rem3A_1536, %mul3A_2030 : i32
      %add3A_2032 = arith.constant 9 : i32
      %add3A_2033 = arith.addi %mul3A_2031, %add3A_2032 : i32
      %get3A_2034 = arith.index_cast %add3A_2033 : i32 to index
      %get3A_2035 = arith.index_cast %squeeze3A_2027 : i32 to index
      %get3A_2036 = arith.constant 0 : index
      %get3A_2037 = tpu.vector_load %arg10[%get3A_2034, %get3A_2035, %get3A_2036] {strides = array<i32>} : memref<32x8x64xf32, #tpu.memory_space<vmem>>, vector<16xf32>,
      %get3A_2038 = arith.index_cast %add3A_2033 : i32 to index
      %get3A_2039 = arith.index_cast %squeeze3A_2029 : i32 to index
      %get3A_2040 = arith.constant 0 : index
      %get3A_2041 = tpu.vector_load %arg11[%get3A_2038, %get3A_2039, %get3A_2040] {strides = array<i32>} : memref<32x8x64xf32, #tpu.memory_space<vmem>>, vector<16xf32>,
      %mul3A_2042 = arith.mulf %get3A_2037, %get3A_2041 : vector<16xf32>
      %mul3A_2043 = arith.mulf %mul3A_2042, %get3A_3 : vector<16xf32>
      %get3A_2044 = arith.index_cast %add3A_2033 : i32 to index
      %get3A_2045 = arith.index_cast %squeeze3A_2027 : i32 to index
      %get3A_2046 = arith.constant 16 : index
      %get3A_2047 = tpu.vector_load %arg10[%get3A_2044, %get3A_2045, %get3A_2046] {strides = array<i32>} : memref<32x8x64xf32, #tpu.memory_space<vmem>>, vector<16xf32>,
      %get3A_2048 = arith.index_cast %add3A_2033 : i32 to index
      %get3A_2049 = arith.index_cast %squeeze3A_2029 : i32 to index
      %get3A_2050 = arith.constant 16 : index
      %get3A_2051 = tpu.vector_load %arg11[%get3A_2048, %get3A_2049, %get3A_2050] {strides = array<i32>} : memref<32x8x64xf32, #tpu.memory_space<vmem>>, vector<16xf32>,
      %mul3A_2052 = arith.mulf %get3A_2047, %get3A_2051 : vector<16xf32>
      %mul3A_2053 = arith.mulf %mul3A_2052, %get3A_5 : vector<16xf32>
      %add3A_2054 = arith.addf %mul3A_2043, %mul3A_2053 : vector<16xf32>
      %get3A_2055 = arith.index_cast %add3A_2033 : i32 to index
      %get3A_2056 = arith.index_cast %squeeze3A_2027 : i32 to index
      %get3A_2057 = arith.constant 32 : index
      %get3A_2058 = tpu.vector_load %arg10[%get3A_2055, %get3A_2056, %get3A_2057] {strides = array<i32>} : memref<32x8x64xf32, #tpu.memory_space<vmem>>, vector<16xf32>,
      %get3A_2059 = arith.index_cast %add3A_2033 : i32 to index
      %get3A_2060 = arith.index_cast %squeeze3A_2029 : i32 to index
      %get3A_2061 = arith.constant 32 : index
      %get3A_2062 = tpu.vector_load %arg11[%get3A_2059, %get3A_2060, %get3A_2061] {strides = array<i32>} : memref<32x8x64xf32, #tpu.memory_space<vmem>>, vector<16xf32>,
      %mul3A_2063 = arith.mulf %get3A_2058, %get3A_2062 : vector<16xf32>
      %mul3A_2064 = arith.mulf %mul3A_2063, %get3A_7 : vector<16xf32>
      %add3A_2065 = arith.addf %add3A_2054, %mul3A_2064 : vector<16xf32>
      %get3A_2066 = arith.index_cast %add3A_2033 : i32 to index
      %get3A_2067 = arith.index_cast %squeeze3A_2027 : i32 to index
      %get3A_2068 = arith.constant 48 : index
      %get3A_2069 = tpu.vector_load %arg10[%get3A_2066, %get3A_2067, %get3A_2068] {strides = array<i32>} : memref<32x8x64xf32, #tpu.memory_space<vmem>>, vector<16xf32>,
      %get3A_2070 = arith.index_cast %add3A_2033 : i32 to index
      %get3A_2071 = arith.index_cast %squeeze3A_2029 : i32 to index
      %get3A_2072 = arith.constant 48 : index
      %get3A_2073 = tpu.vector_load %arg11[%get3A_2070, %get3A_2071, %get3A_2072] {strides = array<i32>} : memref<32x8x64xf32, #tpu.memory_space<vmem>>, vector<16xf32>,
      %mul3A_2074 = arith.mulf %get3A_2069, %get3A_2073 : vector<16xf32>
      %mul3A_2075 = arith.mulf %mul3A_2074, %get3A_9 : vector<16xf32>
      %add3A_2076 = arith.addf %add3A_2065, %mul3A_2075 : vector<16xf32>
      %swap3A_2077 = arith.constant 144 : index
      %swap3A_2078 = tpu.vector_load %arg13[%swap3A_2077] {strides = array<i32>} : memref<256xf32, #tpu.memory_space<vmem>>, vector<16xf32>,
      tpu.vector_store %arg13[%swap3A_2077], %add3A_2076 {strides = array<i32>} : memref<256xf32, #tpu.memory_space<vmem>>, vector<16xf32>,
      %slice3A_2079 = vector.extract_strided_slice %and3A_1542 {offsets = [10], sizes = [1], strides = [1]} : vector<16xi32> to vector<1xi32>
      %squeeze3A_2080 = vector.extract %slice3A_2079[0] : i32 from vector<1xi32>
      %slice3A_2081 = vector.extract_strided_slice %and3A_1549 {offsets = [10], sizes = [1], strides = [1]} : vector<16xi32> to vector<1xi32>
      %squeeze3A_2082 = vector.extract %slice3A_2081[0] : i32 from vector<1xi32>
      %mul3A_2083 = arith.constant 16 : i32
      %mul3A_2084 = arith.muli %rem3A_1536, %mul3A_2083 : i32
      %add3A_2085 = arith.constant 10 : i32
      %add3A_2086 = arith.addi %mul3A_2084, %add3A_2085 : i32
      %get3A_2087 = arith.index_cast %add3A_2086 : i32 to index
      %get3A_2088 = arith.index_cast %squeeze3A_2080 : i32 to index
      %get3A_2089 = arith.constant 0 : index
      %get3A_2090 = tpu.vector_load %arg10[%get3A_2087, %get3A_2088, %get3A_2089] {strides = array<i32>} : memref<32x8x64xf32, #tpu.memory_space<vmem>>, vector<16xf32>,
      %get3A_2091 = arith.index_cast %add3A_2086 : i32 to index
      %get3A_2092 = arith.index_cast %squeeze3A_2082 : i32 to index
      %get3A_2093 = arith.constant 0 : index
      %get3A_2094 = tpu.vector_load %arg11[%get3A_2091, %get3A_2092, %get3A_2093] {strides = array<i32>} : memref<32x8x64xf32, #tpu.memory_space<vmem>>, vector<16xf32>,
      %mul3A_2095 = arith.mulf %get3A_2090, %get3A_2094 : vector<16xf32>
      %mul3A_2096 = arith.mulf %mul3A_2095, %get3A_3 : vector<16xf32>
      %get3A_2097 = arith.index_cast %add3A_2086 : i32 to index
      %get3A_2098 = arith.index_cast %squeeze3A_2080 : i32 to index
      %get3A_2099 = arith.constant 16 : index
      %get3A_2100 = tpu.vector_load %arg10[%get3A_2097, %get3A_2098, %get3A_2099] {strides = array<i32>} : memref<32x8x64xf32, #tpu.memory_space<vmem>>, vector<16xf32>,
      %get3A_2101 = arith.index_cast %add3A_2086 : i32 to index
      %get3A_2102 = arith.index_cast %squeeze3A_2082 : i32 to index
      %get3A_2103 = arith.constant 16 : index
      %get3A_2104 = tpu.vector_load %arg11[%get3A_2101, %get3A_2102, %get3A_2103] {strides = array<i32>} : memref<32x8x64xf32, #tpu.memory_space<vmem>>, vector<16xf32>,
      %mul3A_2105 = arith.mulf %get3A_2100, %get3A_2104 : vector<16xf32>
      %mul3A_2106 = arith.mulf %mul3A_2105, %get3A_5 : vector<16xf32>
      %add3A_2107 = arith.addf %mul3A_2096, %mul3A_2106 : vector<16xf32>
      %get3A_2108 = arith.index_cast %add3A_2086 : i32 to index
      %get3A_2109 = arith.index_cast %squeeze3A_2080 : i32 to index
      %get3A_2110 = arith.constant 32 : index
      %get3A_2111 = tpu.vector_load %arg10[%get3A_2108, %get3A_2109, %get3A_2110] {strides = array<i32>} : memref<32x8x64xf32, #tpu.memory_space<vmem>>, vector<16xf32>,
      %get3A_2112 = arith.index_cast %add3A_2086 : i32 to index
      %get3A_2113 = arith.index_cast %squeeze3A_2082 : i32 to index
      %get3A_2114 = arith.constant 32 : index
      %get3A_2115 = tpu.vector_load %arg11[%get3A_2112, %get3A_2113, %get3A_2114] {strides = array<i32>} : memref<32x8x64xf32, #tpu.memory_space<vmem>>, vector<16xf32>,
      %mul3A_2116 = arith.mulf %get3A_2111, %get3A_2115 : vector<16xf32>
      %mul3A_2117 = arith.mulf %mul3A_2116, %get3A_7 : vector<16xf32>
      %add3A_2118 = arith.addf %add3A_2107, %mul3A_2117 : vector<16xf32>
      %get3A_2119 = arith.index_cast %add3A_2086 : i32 to index
      %get3A_2120 = arith.index_cast %squeeze3A_2080 : i32 to index
      %get3A_2121 = arith.constant 48 : index
      %get3A_2122 = tpu.vector_load %arg10[%get3A_2119, %get3A_2120, %get3A_2121] {strides = array<i32>} : memref<32x8x64xf32, #tpu.memory_space<vmem>>, vector<16xf32>,
      %get3A_2123 = arith.index_cast %add3A_2086 : i32 to index
      %get3A_2124 = arith.index_cast %squeeze3A_2082 : i32 to index
      %get3A_2125 = arith.constant 48 : index
      %get3A_2126 = tpu.vector_load %arg11[%get3A_2123, %get3A_2124, %get3A_2125] {strides = array<i32>} : memref<32x8x64xf32, #tpu.memory_space<vmem>>, vector<16xf32>,
      %mul3A_2127 = arith.mulf %get3A_2122, %get3A_2126 : vector<16xf32>
      %mul3A_2128 = arith.mulf %mul3A_2127, %get3A_9 : vector<16xf32>
      %add3A_2129 = arith.addf %add3A_2118, %mul3A_2128 : vector<16xf32>
      %swap3A_2130 = arith.constant 160 : index
      %swap3A_2131 = tpu.vector_load %arg13[%swap3A_2130] {strides = array<i32>} : memref<256xf32, #tpu.memory_space<vmem>>, vector<16xf32>,
      tpu.vector_store %arg13[%swap3A_2130], %add3A_2129 {strides = array<i32>} : memref<256xf32, #tpu.memory_space<vmem>>, vector<16xf32>,
      %slice3A_2132 = vector.extract_strided_slice %and3A_1542 {offsets = [11], sizes = [1], strides = [1]} : vector<16xi32> to vector<1xi32>
      %squeeze3A_2133 = vector.extract %slice3A_2132[0] : i32 from vector<1xi32>
      %slice3A_2134 = vector.extract_strided_slice %and3A_1549 {offsets = [11], sizes = [1], strides = [1]} : vector<16xi32> to vector<1xi32>
      %squeeze3A_2135 = vector.extract %slice3A_2134[0] : i32 from vector<1xi32>
      %mul3A_2136 = arith.constant 16 : i32
      %mul3A_2137 = arith.muli %rem3A_1536, %mul3A_2136 : i32
      %add3A_2138 = arith.constant 11 : i32
      %add3A_2139 = arith.addi %mul3A_2137, %add3A_2138 : i32
      %get3A_2140 = arith.index_cast %add3A_2139 : i32 to index
      %get3A_2141 = arith.index_cast %squeeze3A_2133 : i32 to index
      %get3A_2142 = arith.constant 0 : index
      %get3A_2143 = tpu.vector_load %arg10[%get3A_2140, %get3A_2141, %get3A_2142] {strides = array<i32>} : memref<32x8x64xf32, #tpu.memory_space<vmem>>, vector<16xf32>,
      %get3A_2144 = arith.index_cast %add3A_2139 : i32 to index
      %get3A_2145 = arith.index_cast %squeeze3A_2135 : i32 to index
      %get3A_2146 = arith.constant 0 : index
      %get3A_2147 = tpu.vector_load %arg11[%get3A_2144, %get3A_2145, %get3A_2146] {strides = array<i32>} : memref<32x8x64xf32, #tpu.memory_space<vmem>>, vector<16xf32>,
      %mul3A_2148 = arith.mulf %get3A_2143, %get3A_2147 : vector<16xf32>
      %mul3A_2149 = arith.mulf %mul3A_2148, %get3A_3 : vector<16xf32>
      %get3A_2150 = arith.index_cast %add3A_2139 : i32 to index
      %get3A_2151 = arith.index_cast %squeeze3A_2133 : i32 to index
      %get3A_2152 = arith.constant 16 : index
      %get3A_2153 = tpu.vector_load %arg10[%get3A_2150, %get3A_2151, %get3A_2152] {strides = array<i32>} : memref<32x8x64xf32, #tpu.memory_space<vmem>>, vector<16xf32>,
      %get3A_2154 = arith.index_cast %add3A_2139 : i32 to index
      %get3A_2155 = arith.index_cast %squeeze3A_2135 : i32 to index
      %get3A_2156 = arith.constant 16 : index
      %get3A_2157 = tpu.vector_load %arg11[%get3A_2154, %get3A_2155, %get3A_2156] {strides = array<i32>} : memref<32x8x64xf32, #tpu.memory_space<vmem>>, vector<16xf32>,
      %mul3A_2158 = arith.mulf %get3A_2153, %get3A_2157 : vector<16xf32>
      %mul3A_2159 = arith.mulf %mul3A_2158, %get3A_5 : vector<16xf32>
      %add3A_2160 = arith.addf %mul3A_2149, %mul3A_2159 : vector<16xf32>
      %get3A_2161 = arith.index_cast %add3A_2139 : i32 to index
      %get3A_2162 = arith.index_cast %squeeze3A_2133 : i32 to index
      %get3A_2163 = arith.constant 32 : index
      %get3A_2164 = tpu.vector_load %arg10[%get3A_2161, %get3A_2162, %get3A_2163] {strides = array<i32>} : memref<32x8x64xf32, #tpu.memory_space<vmem>>, vector<16xf32>,
      %get3A_2165 = arith.index_cast %add3A_2139 : i32 to index
      %get3A_2166 = arith.index_cast %squeeze3A_2135 : i32 to index
      %get3A_2167 = arith.constant 32 : index
      %get3A_2168 = tpu.vector_load %arg11[%get3A_2165, %get3A_2166, %get3A_2167] {strides = array<i32>} : memref<32x8x64xf32, #tpu.memory_space<vmem>>, vector<16xf32>,
      %mul3A_2169 = arith.mulf %get3A_2164, %get3A_2168 : vector<16xf32>
      %mul3A_2170 = arith.mulf %mul3A_2169, %get3A_7 : vector<16xf32>
      %add3A_2171 = arith.addf %add3A_2160, %mul3A_2170 : vector<16xf32>
      %get3A_2172 = arith.index_cast %add3A_2139 : i32 to index
      %get3A_2173 = arith.index_cast %squeeze3A_2133 : i32 to index
      %get3A_2174 = arith.constant 48 : index
      %get3A_2175 = tpu.vector_load %arg10[%get3A_2172, %get3A_2173, %get3A_2174] {strides = array<i32>} : memref<32x8x64xf32, #tpu.memory_space<vmem>>, vector<16xf32>,
      %get3A_2176 = arith.index_cast %add3A_2139 : i32 to index
      %get3A_2177 = arith.index_cast %squeeze3A_2135 : i32 to index
      %get3A_2178 = arith.constant 48 : index
      %get3A_2179 = tpu.vector_load %arg11[%get3A_2176, %get3A_2177, %get3A_2178] {strides = array<i32>} : memref<32x8x64xf32, #tpu.memory_space<vmem>>, vector<16xf32>,
      %mul3A_2180 = arith.mulf %get3A_2175, %get3A_2179 : vector<16xf32>
      %mul3A_2181 = arith.mulf %mul3A_2180, %get3A_9 : vector<16xf32>
      %add3A_2182 = arith.addf %add3A_2171, %mul3A_2181 : vector<16xf32>
      %swap3A_2183 = arith.constant 176 : index
      %swap3A_2184 = tpu.vector_load %arg13[%swap3A_2183] {strides = array<i32>} : memref<256xf32, #tpu.memory_space<vmem>>, vector<16xf32>,
      tpu.vector_store %arg13[%swap3A_2183], %add3A_2182 {strides = array<i32>} : memref<256xf32, #tpu.memory_space<vmem>>, vector<16xf32>,
      %slice3A_2185 = vector.extract_strided_slice %and3A_1542 {offsets = [12], sizes = [1], strides = [1]} : vector<16xi32> to vector<1xi32>
      %squeeze3A_2186 = vector.extract %slice3A_2185[0] : i32 from vector<1xi32>
      %slice3A_2187 = vector.extract_strided_slice %and3A_1549 {offsets = [12], sizes = [1], strides = [1]} : vector<16xi32> to vector<1xi32>
      %squeeze3A_2188 = vector.extract %slice3A_2187[0] : i32 from vector<1xi32>
      %mul3A_2189 = arith.constant 16 : i32
      %mul3A_2190 = arith.muli %rem3A_1536, %mul3A_2189 : i32
      %add3A_2191 = arith.constant 12 : i32
      %add3A_2192 = arith.addi %mul3A_2190, %add3A_2191 : i32
      %get3A_2193 = arith.index_cast %add3A_2192 : i32 to index
      %get3A_2194 = arith.index_cast %squeeze3A_2186 : i32 to index
      %get3A_2195 = arith.constant 0 : index
      %get3A_2196 = tpu.vector_load %arg10[%get3A_2193, %get3A_2194, %get3A_2195] {strides = array<i32>} : memref<32x8x64xf32, #tpu.memory_space<vmem>>, vector<16xf32>,
      %get3A_2197 = arith.index_cast %add3A_2192 : i32 to index
      %get3A_2198 = arith.index_cast %squeeze3A_2188 : i32 to index
      %get3A_2199 = arith.constant 0 : index
      %get3A_2200 = tpu.vector_load %arg11[%get3A_2197, %get3A_2198, %get3A_2199] {strides = array<i32>} : memref<32x8x64xf32, #tpu.memory_space<vmem>>, vector<16xf32>,
      %mul3A_2201 = arith.mulf %get3A_2196, %get3A_2200 : vector<16xf32>
      %mul3A_2202 = arith.mulf %mul3A_2201, %get3A_3 : vector<16xf32>
      %get3A_2203 = arith.index_cast %add3A_2192 : i32 to index
      %get3A_2204 = arith.index_cast %squeeze3A_2186 : i32 to index
      %get3A_2205 = arith.constant 16 : index
      %get3A_2206 = tpu.vector_load %arg10[%get3A_2203, %get3A_2204, %get3A_2205] {strides = array<i32>} : memref<32x8x64xf32, #tpu.memory_space<vmem>>, vector<16xf32>,
      %get3A_2207 = arith.index_cast %add3A_2192 : i32 to index
      %get3A_2208 = arith.index_cast %squeeze3A_2188 : i32 to index
      %get3A_2209 = arith.constant 16 : index
      %get3A_2210 = tpu.vector_load %arg11[%get3A_2207, %get3A_2208, %get3A_2209] {strides = array<i32>} : memref<32x8x64xf32, #tpu.memory_space<vmem>>, vector<16xf32>,
      %mul3A_2211 = arith.mulf %get3A_2206, %get3A_2210 : vector<16xf32>
      %mul3A_2212 = arith.mulf %mul3A_2211, %get3A_5 : vector<16xf32>
      %add3A_2213 = arith.addf %mul3A_2202, %mul3A_2212 : vector<16xf32>
      %get3A_2214 = arith.index_cast %add3A_2192 : i32 to index
      %get3A_2215 = arith.index_cast %squeeze3A_2186 : i32 to index
      %get3A_2216 = arith.constant 32 : index
      %get3A_2217 = tpu.vector_load %arg10[%get3A_2214, %get3A_2215, %get3A_2216] {strides = array<i32>} : memref<32x8x64xf32, #tpu.memory_space<vmem>>, vector<16xf32>,
      %get3A_2218 = arith.index_cast %add3A_2192 : i32 to index
      %get3A_2219 = arith.index_cast %squeeze3A_2188 : i32 to index
      %get3A_2220 = arith.constant 32 : index
      %get3A_2221 = tpu.vector_load %arg11[%get3A_2218, %get3A_2219, %get3A_2220] {strides = array<i32>} : memref<32x8x64xf32, #tpu.memory_space<vmem>>, vector<16xf32>,
      %mul3A_2222 = arith.mulf %get3A_2217, %get3A_2221 : vector<16xf32>
      %mul3A_2223 = arith.mulf %mul3A_2222, %get3A_7 : vector<16xf32>
      %add3A_2224 = arith.addf %add3A_2213, %mul3A_2223 : vector<16xf32>
      %get3A_2225 = arith.index_cast %add3A_2192 : i32 to index
      %get3A_2226 = arith.index_cast %squeeze3A_2186 : i32 to index
      %get3A_2227 = arith.constant 48 : index
      %get3A_2228 = tpu.vector_load %arg10[%get3A_2225, %get3A_2226, %get3A_2227] {strides = array<i32>} : memref<32x8x64xf32, #tpu.memory_space<vmem>>, vector<16xf32>,
      %get3A_2229 = arith.index_cast %add3A_2192 : i32 to index
      %get3A_2230 = arith.index_cast %squeeze3A_2188 : i32 to index
      %get3A_2231 = arith.constant 48 : index
      %get3A_2232 = tpu.vector_load %arg11[%get3A_2229, %get3A_2230, %get3A_2231] {strides = array<i32>} : memref<32x8x64xf32, #tpu.memory_space<vmem>>, vector<16xf32>,
      %mul3A_2233 = arith.mulf %get3A_2228, %get3A_2232 : vector<16xf32>
      %mul3A_2234 = arith.mulf %mul3A_2233, %get3A_9 : vector<16xf32>
      %add3A_2235 = arith.addf %add3A_2224, %mul3A_2234 : vector<16xf32>
      %swap3A_2236 = arith.constant 192 : index
      %swap3A_2237 = tpu.vector_load %arg13[%swap3A_2236] {strides = array<i32>} : memref<256xf32, #tpu.memory_space<vmem>>, vector<16xf32>,
      tpu.vector_store %arg13[%swap3A_2236], %add3A_2235 {strides = array<i32>} : memref<256xf32, #tpu.memory_space<vmem>>, vector<16xf32>,
      %slice3A_2238 = vector.extract_strided_slice %and3A_1542 {offsets = [13], sizes = [1], strides = [1]} : vector<16xi32> to vector<1xi32>
      %squeeze3A_2239 = vector.extract %slice3A_2238[0] : i32 from vector<1xi32>
      %slice3A_2240 = vector.extract_strided_slice %and3A_1549 {offsets = [13], sizes = [1], strides = [1]} : vector<16xi32> to vector<1xi32>
      %squeeze3A_2241 = vector.extract %slice3A_2240[0] : i32 from vector<1xi32>
      %mul3A_2242 = arith.constant 16 : i32
      %mul3A_2243 = arith.muli %rem3A_1536, %mul3A_2242 : i32
      %add3A_2244 = arith.constant 13 : i32
      %add3A_2245 = arith.addi %mul3A_2243, %add3A_2244 : i32
      %get3A_2246 = arith.index_cast %add3A_2245 : i32 to index
      %get3A_2247 = arith.index_cast %squeeze3A_2239 : i32 to index
      %get3A_2248 = arith.constant 0 : index
      %get3A_2249 = tpu.vector_load %arg10[%get3A_2246, %get3A_2247, %get3A_2248] {strides = array<i32>} : memref<32x8x64xf32, #tpu.memory_space<vmem>>, vector<16xf32>,
      %get3A_2250 = arith.index_cast %add3A_2245 : i32 to index
      %get3A_2251 = arith.index_cast %squeeze3A_2241 : i32 to index
      %get3A_2252 = arith.constant 0 : index
      %get3A_2253 = tpu.vector_load %arg11[%get3A_2250, %get3A_2251, %get3A_2252] {strides = array<i32>} : memref<32x8x64xf32, #tpu.memory_space<vmem>>, vector<16xf32>,
      %mul3A_2254 = arith.mulf %get3A_2249, %get3A_2253 : vector<16xf32>
      %mul3A_2255 = arith.mulf %mul3A_2254, %get3A_3 : vector<16xf32>
      %get3A_2256 = arith.index_cast %add3A_2245 : i32 to index
      %get3A_2257 = arith.index_cast %squeeze3A_2239 : i32 to index
      %get3A_2258 = arith.constant 16 : index
      %get3A_2259 = tpu.vector_load %arg10[%get3A_2256, %get3A_2257, %get3A_2258] {strides = array<i32>} : memref<32x8x64xf32, #tpu.memory_space<vmem>>, vector<16xf32>,
      %get3A_2260 = arith.index_cast %add3A_2245 : i32 to index
      %get3A_2261 = arith.index_cast %squeeze3A_2241 : i32 to index
      %get3A_2262 = arith.constant 16 : index
      %get3A_2263 = tpu.vector_load %arg11[%get3A_2260, %get3A_2261, %get3A_2262] {strides = array<i32>} : memref<32x8x64xf32, #tpu.memory_space<vmem>>, vector<16xf32>,
      %mul3A_2264 = arith.mulf %get3A_2259, %get3A_2263 : vector<16xf32>
      %mul3A_2265 = arith.mulf %mul3A_2264, %get3A_5 : vector<16xf32>
      %add3A_2266 = arith.addf %mul3A_2255, %mul3A_2265 : vector<16xf32>
      %get3A_2267 = arith.index_cast %add3A_2245 : i32 to index
      %get3A_2268 = arith.index_cast %squeeze3A_2239 : i32 to index
      %get3A_2269 = arith.constant 32 : index
      %get3A_2270 = tpu.vector_load %arg10[%get3A_2267, %get3A_2268, %get3A_2269] {strides = array<i32>} : memref<32x8x64xf32, #tpu.memory_space<vmem>>, vector<16xf32>,
      %get3A_2271 = arith.index_cast %add3A_2245 : i32 to index
      %get3A_2272 = arith.index_cast %squeeze3A_2241 : i32 to index
      %get3A_2273 = arith.constant 32 : index
      %get3A_2274 = tpu.vector_load %arg11[%get3A_2271, %get3A_2272, %get3A_2273] {strides = array<i32>} : memref<32x8x64xf32, #tpu.memory_space<vmem>>, vector<16xf32>,
      %mul3A_2275 = arith.mulf %get3A_2270, %get3A_2274 : vector<16xf32>
      %mul3A_2276 = arith.mulf %mul3A_2275, %get3A_7 : vector<16xf32>
      %add3A_2277 = arith.addf %add3A_2266, %mul3A_2276 : vector<16xf32>
      %get3A_2278 = arith.index_cast %add3A_2245 : i32 to index
      %get3A_2279 = arith.index_cast %squeeze3A_2239 : i32 to index
      %get3A_2280 = arith.constant 48 : index
      %get3A_2281 = tpu.vector_load %arg10[%get3A_2278, %get3A_2279, %get3A_2280] {strides = array<i32>} : memref<32x8x64xf32, #tpu.memory_space<vmem>>, vector<16xf32>,
      %get3A_2282 = arith.index_cast %add3A_2245 : i32 to index
      %get3A_2283 = arith.index_cast %squeeze3A_2241 : i32 to index
      %get3A_2284 = arith.constant 48 : index
      %get3A_2285 = tpu.vector_load %arg11[%get3A_2282, %get3A_2283, %get3A_2284] {strides = array<i32>} : memref<32x8x64xf32, #tpu.memory_space<vmem>>, vector<16xf32>,
      %mul3A_2286 = arith.mulf %get3A_2281, %get3A_2285 : vector<16xf32>
      %mul3A_2287 = arith.mulf %mul3A_2286, %get3A_9 : vector<16xf32>
      %add3A_2288 = arith.addf %add3A_2277, %mul3A_2287 : vector<16xf32>
      %swap3A_2289 = arith.constant 208 : index
      %swap3A_2290 = tpu.vector_load %arg13[%swap3A_2289] {strides = array<i32>} : memref<256xf32, #tpu.memory_space<vmem>>, vector<16xf32>,
      tpu.vector_store %arg13[%swap3A_2289], %add3A_2288 {strides = array<i32>} : memref<256xf32, #tpu.memory_space<vmem>>, vector<16xf32>,
      %slice3A_2291 = vector.extract_strided_slice %and3A_1542 {offsets = [14], sizes = [1], strides = [1]} : vector<16xi32> to vector<1xi32>
      %squeeze3A_2292 = vector.extract %slice3A_2291[0] : i32 from vector<1xi32>
      %slice3A_2293 = vector.extract_strided_slice %and3A_1549 {offsets = [14], sizes = [1], strides = [1]} : vector<16xi32> to vector<1xi32>
      %squeeze3A_2294 = vector.extract %slice3A_2293[0] : i32 from vector<1xi32>
      %mul3A_2295 = arith.constant 16 : i32
      %mul3A_2296 = arith.muli %rem3A_1536, %mul3A_2295 : i32
      %add3A_2297 = arith.constant 14 : i32
      %add3A_2298 = arith.addi %mul3A_2296, %add3A_2297 : i32
      %get3A_2299 = arith.index_cast %add3A_2298 : i32 to index
      %get3A_2300 = arith.index_cast %squeeze3A_2292 : i32 to index
      %get3A_2301 = arith.constant 0 : index
      %get3A_2302 = tpu.vector_load %arg10[%get3A_2299, %get3A_2300, %get3A_2301] {strides = array<i32>} : memref<32x8x64xf32, #tpu.memory_space<vmem>>, vector<16xf32>,
      %get3A_2303 = arith.index_cast %add3A_2298 : i32 to index
      %get3A_2304 = arith.index_cast %squeeze3A_2294 : i32 to index
      %get3A_2305 = arith.constant 0 : index
      %get3A_2306 = tpu.vector_load %arg11[%get3A_2303, %get3A_2304, %get3A_2305] {strides = array<i32>} : memref<32x8x64xf32, #tpu.memory_space<vmem>>, vector<16xf32>,
      %mul3A_2307 = arith.mulf %get3A_2302, %get3A_2306 : vector<16xf32>
      %mul3A_2308 = arith.mulf %mul3A_2307, %get3A_3 : vector<16xf32>
      %get3A_2309 = arith.index_cast %add3A_2298 : i32 to index
      %get3A_2310 = arith.index_cast %squeeze3A_2292 : i32 to index
      %get3A_2311 = arith.constant 16 : index
      %get3A_2312 = tpu.vector_load %arg10[%get3A_2309, %get3A_2310, %get3A_2311] {strides = array<i32>} : memref<32x8x64xf32, #tpu.memory_space<vmem>>, vector<16xf32>,
      %get3A_2313 = arith.index_cast %add3A_2298 : i32 to index
      %get3A_2314 = arith.index_cast %squeeze3A_2294 : i32 to index
      %get3A_2315 = arith.constant 16 : index
      %get3A_2316 = tpu.vector_load %arg11[%get3A_2313, %get3A_2314, %get3A_2315] {strides = array<i32>} : memref<32x8x64xf32, #tpu.memory_space<vmem>>, vector<16xf32>,
      %mul3A_2317 = arith.mulf %get3A_2312, %get3A_2316 : vector<16xf32>
      %mul3A_2318 = arith.mulf %mul3A_2317, %get3A_5 : vector<16xf32>
      %add3A_2319 = arith.addf %mul3A_2308, %mul3A_2318 : vector<16xf32>
      %get3A_2320 = arith.index_cast %add3A_2298 : i32 to index
      %get3A_2321 = arith.index_cast %squeeze3A_2292 : i32 to index
      %get3A_2322 = arith.constant 32 : index
      %get3A_2323 = tpu.vector_load %arg10[%get3A_2320, %get3A_2321, %get3A_2322] {strides = array<i32>} : memref<32x8x64xf32, #tpu.memory_space<vmem>>, vector<16xf32>,
      %get3A_2324 = arith.index_cast %add3A_2298 : i32 to index
      %get3A_2325 = arith.index_cast %squeeze3A_2294 : i32 to index
      %get3A_2326 = arith.constant 32 : index
      %get3A_2327 = tpu.vector_load %arg11[%get3A_2324, %get3A_2325, %get3A_2326] {strides = array<i32>} : memref<32x8x64xf32, #tpu.memory_space<vmem>>, vector<16xf32>,
      %mul3A_2328 = arith.mulf %get3A_2323, %get3A_2327 : vector<16xf32>
      %mul3A_2329 = arith.mulf %mul3A_2328, %get3A_7 : vector<16xf32>
      %add3A_2330 = arith.addf %add3A_2319, %mul3A_2329 : vector<16xf32>
      %get3A_2331 = arith.index_cast %add3A_2298 : i32 to index
      %get3A_2332 = arith.index_cast %squeeze3A_2292 : i32 to index
      %get3A_2333 = arith.constant 48 : index
      %get3A_2334 = tpu.vector_load %arg10[%get3A_2331, %get3A_2332, %get3A_2333] {strides = array<i32>} : memref<32x8x64xf32, #tpu.memory_space<vmem>>, vector<16xf32>,
      %get3A_2335 = arith.index_cast %add3A_2298 : i32 to index
      %get3A_2336 = arith.index_cast %squeeze3A_2294 : i32 to index
      %get3A_2337 = arith.constant 48 : index
      %get3A_2338 = tpu.vector_load %arg11[%get3A_2335, %get3A_2336, %get3A_2337] {strides = array<i32>} : memref<32x8x64xf32, #tpu.memory_space<vmem>>, vector<16xf32>,
      %mul3A_2339 = arith.mulf %get3A_2334, %get3A_2338 : vector<16xf32>
      %mul3A_2340 = arith.mulf %mul3A_2339, %get3A_9 : vector<16xf32>
      %add3A_2341 = arith.addf %add3A_2330, %mul3A_2340 : vector<16xf32>
      %swap3A_2342 = arith.constant 224 : index
      %swap3A_2343 = tpu.vector_load %arg13[%swap3A_2342] {strides = array<i32>} : memref<256xf32, #tpu.memory_space<vmem>>, vector<16xf32>,
      tpu.vector_store %arg13[%swap3A_2342], %add3A_2341 {strides = array<i32>} : memref<256xf32, #tpu.memory_space<vmem>>, vector<16xf32>,
      %slice3A_2344 = vector.extract_strided_slice %and3A_1542 {offsets = [15], sizes = [1], strides = [1]} : vector<16xi32> to vector<1xi32>
      %squeeze3A_2345 = vector.extract %slice3A_2344[0] : i32 from vector<1xi32>
      %slice3A_2346 = vector.extract_strided_slice %and3A_1549 {offsets = [15], sizes = [1], strides = [1]} : vector<16xi32> to vector<1xi32>
      %squeeze3A_2347 = vector.extract %slice3A_2346[0] : i32 from vector<1xi32>
      %mul3A_2348 = arith.constant 16 : i32
      %mul3A_2349 = arith.muli %rem3A_1536, %mul3A_2348 : i32
      %add3A_2350 = arith.constant 15 : i32
      %add3A_2351 = arith.addi %mul3A_2349, %add3A_2350 : i32
      %get3A_2352 = arith.index_cast %add3A_2351 : i32 to index
      %get3A_2353 = arith.index_cast %squeeze3A_2345 : i32 to index
      %get3A_2354 = arith.constant 0 : index
      %get3A_2355 = tpu.vector_load %arg10[%get3A_2352, %get3A_2353, %get3A_2354] {strides = array<i32>} : memref<32x8x64xf32, #tpu.memory_space<vmem>>, vector<16xf32>,
      %get3A_2356 = arith.index_cast %add3A_2351 : i32 to index
      %get3A_2357 = arith.index_cast %squeeze3A_2347 : i32 to index
      %get3A_2358 = arith.constant 0 : index
      %get3A_2359 = tpu.vector_load %arg11[%get3A_2356, %get3A_2357, %get3A_2358] {strides = array<i32>} : memref<32x8x64xf32, #tpu.memory_space<vmem>>, vector<16xf32>,
      %mul3A_2360 = arith.mulf %get3A_2355, %get3A_2359 : vector<16xf32>
      %mul3A_2361 = arith.mulf %mul3A_2360, %get3A_3 : vector<16xf32>
      %get3A_2362 = arith.index_cast %add3A_2351 : i32 to index
      %get3A_2363 = arith.index_cast %squeeze3A_2345 : i32 to index
      %get3A_2364 = arith.constant 16 : index
      %get3A_2365 = tpu.vector_load %arg10[%get3A_2362, %get3A_2363, %get3A_2364] {strides = array<i32>} : memref<32x8x64xf32, #tpu.memory_space<vmem>>, vector<16xf32>,
      %get3A_2366 = arith.index_cast %add3A_2351 : i32 to index
      %get3A_2367 = arith.index_cast %squeeze3A_2347 : i32 to index
      %get3A_2368 = arith.constant 16 : index
      %get3A_2369 = tpu.vector_load %arg11[%get3A_2366, %get3A_2367, %get3A_2368] {strides = array<i32>} : memref<32x8x64xf32, #tpu.memory_space<vmem>>, vector<16xf32>,
      %mul3A_2370 = arith.mulf %get3A_2365, %get3A_2369 : vector<16xf32>
      %mul3A_2371 = arith.mulf %mul3A_2370, %get3A_5 : vector<16xf32>
      %add3A_2372 = arith.addf %mul3A_2361, %mul3A_2371 : vector<16xf32>
      %get3A_2373 = arith.index_cast %add3A_2351 : i32 to index
      %get3A_2374 = arith.index_cast %squeeze3A_2345 : i32 to index
      %get3A_2375 = arith.constant 32 : index
      %get3A_2376 = tpu.vector_load %arg10[%get3A_2373, %get3A_2374, %get3A_2375] {strides = array<i32>} : memref<32x8x64xf32, #tpu.memory_space<vmem>>, vector<16xf32>,
      %get3A_2377 = arith.index_cast %add3A_2351 : i32 to index
      %get3A_2378 = arith.index_cast %squeeze3A_2347 : i32 to index
      %get3A_2379 = arith.constant 32 : index
      %get3A_2380 = tpu.vector_load %arg11[%get3A_2377, %get3A_2378, %get3A_2379] {strides = array<i32>} : memref<32x8x64xf32, #tpu.memory_space<vmem>>, vector<16xf32>,
      %mul3A_2381 = arith.mulf %get3A_2376, %get3A_2380 : vector<16xf32>
      %mul3A_2382 = arith.mulf %mul3A_2381, %get3A_7 : vector<16xf32>
      %add3A_2383 = arith.addf %add3A_2372, %mul3A_2382 : vector<16xf32>
      %get3A_2384 = arith.index_cast %add3A_2351 : i32 to index
      %get3A_2385 = arith.index_cast %squeeze3A_2345 : i32 to index
      %get3A_2386 = arith.constant 48 : index
      %get3A_2387 = tpu.vector_load %arg10[%get3A_2384, %get3A_2385, %get3A_2386] {strides = array<i32>} : memref<32x8x64xf32, #tpu.memory_space<vmem>>, vector<16xf32>,
      %get3A_2388 = arith.index_cast %add3A_2351 : i32 to index
      %get3A_2389 = arith.index_cast %squeeze3A_2347 : i32 to index
      %get3A_2390 = arith.constant 48 : index
      %get3A_2391 = tpu.vector_load %arg11[%get3A_2388, %get3A_2389, %get3A_2390] {strides = array<i32>} : memref<32x8x64xf32, #tpu.memory_space<vmem>>, vector<16xf32>,
      %mul3A_2392 = arith.mulf %get3A_2387, %get3A_2391 : vector<16xf32>
      %mul3A_2393 = arith.mulf %mul3A_2392, %get3A_9 : vector<16xf32>
      %add3A_2394 = arith.addf %add3A_2383, %mul3A_2393 : vector<16xf32>
      %swap3A_2395 = arith.constant 240 : index
      %swap3A_2396 = tpu.vector_load %arg13[%swap3A_2395] {strides = array<i32>} : memref<256xf32, #tpu.memory_space<vmem>>, vector<16xf32>,
      tpu.vector_store %arg13[%swap3A_2395], %add3A_2394 {strides = array<i32>} : memref<256xf32, #tpu.memory_space<vmem>>, vector<16xf32>,
      %mul3A_2397 = arith.constant 16 : i32
      %mul3A_2398 = vector.broadcast %mul3A_2397 : i32 to vector<16xi32>
      %mul3A_2399 = arith.muli %iota3A, %mul3A_2398 : vector<16xi32>
      %add3A_2400 = arith.constant 0 : i32
      %add3A_2401 = vector.broadcast %add3A_2400 : i32 to vector<16xi32>
      %add3A_2402 = arith.addi %mul3A_2399, %add3A_2401 : vector<16xi32>
      %gather3A = tpu.vector_load_idx %arg13[%add3A_2402] : memref<256xf32, #tpu.memory_space<vmem>>[vector<16xi32>], vector<16xf32>,
      %add3A_2403 = arith.addf %get3A_11, %gather3A : vector<16xf32>
      %mul3A_2404 = arith.constant 16 : i32
      %mul3A_2405 = vector.broadcast %mul3A_2404 : i32 to vector<16xi32>
      %mul3A_2406 = arith.muli %iota3A, %mul3A_2405 : vector<16xi32>
      %add3A_2407 = arith.constant 1 : i32
      %add3A_2408 = vector.broadcast %add3A_2407 : i32 to vector<16xi32>
      %add3A_2409 = arith.addi %mul3A_2406, %add3A_2408 : vector<16xi32>
      %gather3A_2410 = tpu.vector_load_idx %arg13[%add3A_2409] : memref<256xf32, #tpu.memory_space<vmem>>[vector<16xi32>], vector<16xf32>,
      %add3A_2411 = arith.addf %add3A_2403, %gather3A_2410 : vector<16xf32>
      %mul3A_2412 = arith.constant 16 : i32
      %mul3A_2413 = vector.broadcast %mul3A_2412 : i32 to vector<16xi32>
      %mul3A_2414 = arith.muli %iota3A, %mul3A_2413 : vector<16xi32>
      %add3A_2415 = arith.constant 2 : i32
      %add3A_2416 = vector.broadcast %add3A_2415 : i32 to vector<16xi32>
      %add3A_2417 = arith.addi %mul3A_2414, %add3A_2416 : vector<16xi32>
      %gather3A_2418 = tpu.vector_load_idx %arg13[%add3A_2417] : memref<256xf32, #tpu.memory_space<vmem>>[vector<16xi32>], vector<16xf32>,
      %add3A_2419 = arith.addf %add3A_2411, %gather3A_2418 : vector<16xf32>
      %mul3A_2420 = arith.constant 16 : i32
      %mul3A_2421 = vector.broadcast %mul3A_2420 : i32 to vector<16xi32>
      %mul3A_2422 = arith.muli %iota3A, %mul3A_2421 : vector<16xi32>
      %add3A_2423 = arith.constant 3 : i32
      %add3A_2424 = vector.broadcast %add3A_2423 : i32 to vector<16xi32>
      %add3A_2425 = arith.addi %mul3A_2422, %add3A_2424 : vector<16xi32>
      %gather3A_2426 = tpu.vector_load_idx %arg13[%add3A_2425] : memref<256xf32, #tpu.memory_space<vmem>>[vector<16xi32>], vector<16xf32>,
      %add3A_2427 = arith.addf %add3A_2419, %gather3A_2426 : vector<16xf32>
      %mul3A_2428 = arith.constant 16 : i32
      %mul3A_2429 = vector.broadcast %mul3A_2428 : i32 to vector<16xi32>
      %mul3A_2430 = arith.muli %iota3A, %mul3A_2429 : vector<16xi32>
      %add3A_2431 = arith.constant 4 : i32
      %add3A_2432 = vector.broadcast %add3A_2431 : i32 to vector<16xi32>
      %add3A_2433 = arith.addi %mul3A_2430, %add3A_2432 : vector<16xi32>
      %gather3A_2434 = tpu.vector_load_idx %arg13[%add3A_2433] : memref<256xf32, #tpu.memory_space<vmem>>[vector<16xi32>], vector<16xf32>,
      %add3A_2435 = arith.addf %add3A_2427, %gather3A_2434 : vector<16xf32>
      %mul3A_2436 = arith.constant 16 : i32
      %mul3A_2437 = vector.broadcast %mul3A_2436 : i32 to vector<16xi32>
      %mul3A_2438 = arith.muli %iota3A, %mul3A_2437 : vector<16xi32>
      %add3A_2439 = arith.constant 5 : i32
      %add3A_2440 = vector.broadcast %add3A_2439 : i32 to vector<16xi32>
      %add3A_2441 = arith.addi %mul3A_2438, %add3A_2440 : vector<16xi32>
      %gather3A_2442 = tpu.vector_load_idx %arg13[%add3A_2441] : memref<256xf32, #tpu.memory_space<vmem>>[vector<16xi32>], vector<16xf32>,
      %add3A_2443 = arith.addf %add3A_2435, %gather3A_2442 : vector<16xf32>
      %mul3A_2444 = arith.constant 16 : i32
      %mul3A_2445 = vector.broadcast %mul3A_2444 : i32 to vector<16xi32>
      %mul3A_2446 = arith.muli %iota3A, %mul3A_2445 : vector<16xi32>
      %add3A_2447 = arith.constant 6 : i32
      %add3A_2448 = vector.broadcast %add3A_2447 : i32 to vector<16xi32>
      %add3A_2449 = arith.addi %mul3A_2446, %add3A_2448 : vector<16xi32>
      %gather3A_2450 = tpu.vector_load_idx %arg13[%add3A_2449] : memref<256xf32, #tpu.memory_space<vmem>>[vector<16xi32>], vector<16xf32>,
      %add3A_2451 = arith.addf %add3A_2443, %gather3A_2450 : vector<16xf32>
      %mul3A_2452 = arith.constant 16 : i32
      %mul3A_2453 = vector.broadcast %mul3A_2452 : i32 to vector<16xi32>
      %mul3A_2454 = arith.muli %iota3A, %mul3A_2453 : vector<16xi32>
      %add3A_2455 = arith.constant 7 : i32
      %add3A_2456 = vector.broadcast %add3A_2455 : i32 to vector<16xi32>
      %add3A_2457 = arith.addi %mul3A_2454, %add3A_2456 : vector<16xi32>
      %gather3A_2458 = tpu.vector_load_idx %arg13[%add3A_2457] : memref<256xf32, #tpu.memory_space<vmem>>[vector<16xi32>], vector<16xf32>,
      %add3A_2459 = arith.addf %add3A_2451, %gather3A_2458 : vector<16xf32>
      %mul3A_2460 = arith.constant 16 : i32
      %mul3A_2461 = vector.broadcast %mul3A_2460 : i32 to vector<16xi32>
      %mul3A_2462 = arith.muli %iota3A, %mul3A_2461 : vector<16xi32>
      %add3A_2463 = arith.constant 8 : i32
      %add3A_2464 = vector.broadcast %add3A_2463 : i32 to vector<16xi32>
      %add3A_2465 = arith.addi %mul3A_2462, %add3A_2464 : vector<16xi32>
      %gather3A_2466 = tpu.vector_load_idx %arg13[%add3A_2465] : memref<256xf32, #tpu.memory_space<vmem>>[vector<16xi32>], vector<16xf32>,
      %add3A_2467 = arith.addf %add3A_2459, %gather3A_2466 : vector<16xf32>
      %mul3A_2468 = arith.constant 16 : i32
      %mul3A_2469 = vector.broadcast %mul3A_2468 : i32 to vector<16xi32>
      %mul3A_2470 = arith.muli %iota3A, %mul3A_2469 : vector<16xi32>
      %add3A_2471 = arith.constant 9 : i32
      %add3A_2472 = vector.broadcast %add3A_2471 : i32 to vector<16xi32>
      %add3A_2473 = arith.addi %mul3A_2470, %add3A_2472 : vector<16xi32>
      %gather3A_2474 = tpu.vector_load_idx %arg13[%add3A_2473] : memref<256xf32, #tpu.memory_space<vmem>>[vector<16xi32>], vector<16xf32>,
      %add3A_2475 = arith.addf %add3A_2467, %gather3A_2474 : vector<16xf32>
      %mul3A_2476 = arith.constant 16 : i32
      %mul3A_2477 = vector.broadcast %mul3A_2476 : i32 to vector<16xi32>
      %mul3A_2478 = arith.muli %iota3A, %mul3A_2477 : vector<16xi32>
      %add3A_2479 = arith.constant 10 : i32
      %add3A_2480 = vector.broadcast %add3A_2479 : i32 to vector<16xi32>
      %add3A_2481 = arith.addi %mul3A_2478, %add3A_2480 : vector<16xi32>
      %gather3A_2482 = tpu.vector_load_idx %arg13[%add3A_2481] : memref<256xf32, #tpu.memory_space<vmem>>[vector<16xi32>], vector<16xf32>,
      %add3A_2483 = arith.addf %add3A_2475, %gather3A_2482 : vector<16xf32>
      %mul3A_2484 = arith.constant 16 : i32
      %mul3A_2485 = vector.broadcast %mul3A_2484 : i32 to vector<16xi32>
      %mul3A_2486 = arith.muli %iota3A, %mul3A_2485 : vector<16xi32>
      %add3A_2487 = arith.constant 11 : i32
      %add3A_2488 = vector.broadcast %add3A_2487 : i32 to vector<16xi32>
      %add3A_2489 = arith.addi %mul3A_2486, %add3A_2488 : vector<16xi32>
      %gather3A_2490 = tpu.vector_load_idx %arg13[%add3A_2489] : memref<256xf32, #tpu.memory_space<vmem>>[vector<16xi32>], vector<16xf32>,
      %add3A_2491 = arith.addf %add3A_2483, %gather3A_2490 : vector<16xf32>
      %mul3A_2492 = arith.constant 16 : i32
      %mul3A_2493 = vector.broadcast %mul3A_2492 : i32 to vector<16xi32>
      %mul3A_2494 = arith.muli %iota3A, %mul3A_2493 : vector<16xi32>
      %add3A_2495 = arith.constant 12 : i32
      %add3A_2496 = vector.broadcast %add3A_2495 : i32 to vector<16xi32>
      %add3A_2497 = arith.addi %mul3A_2494, %add3A_2496 : vector<16xi32>
      %gather3A_2498 = tpu.vector_load_idx %arg13[%add3A_2497] : memref<256xf32, #tpu.memory_space<vmem>>[vector<16xi32>], vector<16xf32>,
      %add3A_2499 = arith.addf %add3A_2491, %gather3A_2498 : vector<16xf32>
      %mul3A_2500 = arith.constant 16 : i32
      %mul3A_2501 = vector.broadcast %mul3A_2500 : i32 to vector<16xi32>
      %mul3A_2502 = arith.muli %iota3A, %mul3A_2501 : vector<16xi32>
      %add3A_2503 = arith.constant 13 : i32
      %add3A_2504 = vector.broadcast %add3A_2503 : i32 to vector<16xi32>
      %add3A_2505 = arith.addi %mul3A_2502, %add3A_2504 : vector<16xi32>
      %gather3A_2506 = tpu.vector_load_idx %arg13[%add3A_2505] : memref<256xf32, #tpu.memory_space<vmem>>[vector<16xi32>], vector<16xf32>,
      %add3A_2507 = arith.addf %add3A_2499, %gather3A_2506 : vector<16xf32>
      %mul3A_2508 = arith.constant 16 : i32
      %mul3A_2509 = vector.broadcast %mul3A_2508 : i32 to vector<16xi32>
      %mul3A_2510 = arith.muli %iota3A, %mul3A_2509 : vector<16xi32>
      %add3A_2511 = arith.constant 14 : i32
      %add3A_2512 = vector.broadcast %add3A_2511 : i32 to vector<16xi32>
      %add3A_2513 = arith.addi %mul3A_2510, %add3A_2512 : vector<16xi32>
      %gather3A_2514 = tpu.vector_load_idx %arg13[%add3A_2513] : memref<256xf32, #tpu.memory_space<vmem>>[vector<16xi32>], vector<16xf32>,
      %add3A_2515 = arith.addf %add3A_2507, %gather3A_2514 : vector<16xf32>
      %mul3A_2516 = arith.constant 16 : i32
      %mul3A_2517 = vector.broadcast %mul3A_2516 : i32 to vector<16xi32>
      %mul3A_2518 = arith.muli %iota3A, %mul3A_2517 : vector<16xi32>
      %add3A_2519 = arith.constant 15 : i32
      %add3A_2520 = vector.broadcast %add3A_2519 : i32 to vector<16xi32>
      %add3A_2521 = arith.addi %mul3A_2518, %add3A_2520 : vector<16xi32>
      %gather3A_2522 = tpu.vector_load_idx %arg13[%add3A_2521] : memref<256xf32, #tpu.memory_space<vmem>>[vector<16xi32>], vector<16xf32>,
      %add3A_2523 = arith.addf %add3A_2515, %gather3A_2522 : vector<16xf32>
      %mul3A_2524 = arith.constant 16 : i32
      %mul3A_2525 = arith.muli %scan3A_793, %mul3A_2524 : i32
      %swap3A_2526 = arith.index_cast %mul3A_2525 : i32 to index
      %swap3A_2527 = tpu.vector_load %arg12[%swap3A_2526] {strides = array<i32>} : memref<512xf32, #tpu.memory_space<vmem>>, vector<16xf32>,
      tpu.vector_store %arg12[%swap3A_2526], %add3A_2523 {strides = array<i32>} : memref<512xf32, #tpu.memory_space<vmem>>, vector<16xf32>,
    }
    %scan3A_792 = arith.constant 32 : i32
    "tpu.region"() ({
      %run_scoped3A = tpu.sem_alloc : memref<!tpu.dma_semaphore, #tpu.memory_space<semaphore_mem>>
      %dma_start3A_793 = tpu.memref_slice %arg7[%mul3A_2] : memref<16384xf32, #tpu.memory_space<hbm>> -> memref<512xf32, #tpu.memory_space<hbm>>
      %dma_start3A_794 = tpu.memref_slice %arg7[%mul3A_2] : memref<16384xf32, #tpu.memory_space<hbm>> -> memref<512xf32, #tpu.memory_space<hbm>>
      tpu.enqueue_dma source(%arg12 : memref<512xf32, #tpu.memory_space<vmem>>) target(%dma_start3A_794 : memref<512xf32, #tpu.memory_space<hbm>>) target_semaphore(%run_scoped3A : memref<!tpu.dma_semaphore, #tpu.memory_space<semaphore_mem>>)
      %dma_wait3A = tpu.memref_slice %arg7[%mul3A_2] : memref<16384xf32, #tpu.memory_space<hbm>> -> memref<512xf32, #tpu.memory_space<hbm>>
      %dma_wait3A_795 = tpu.memref_slice %arg7[%mul3A_2] : memref<16384xf32, #tpu.memory_space<hbm>> -> memref<512xf32, #tpu.memory_space<hbm>>
      tpu.wait_dma2 semaphore(%run_scoped3A : memref<!tpu.dma_semaphore, #tpu.memory_space<semaphore_mem>>) src(%arg12 : memref<512xf32, #tpu.memory_space<vmem>>) dst(%dma_wait3A_795 : memref<512xf32, #tpu.memory_space<hbm>>)
      tpu.yield
    }) : () -> ()
    return
  }
}

</mosaic_0001>

<sc_bundles>
// kernel: _neural_cf.3.cloned.1.call-start
scs
__scs_entry_jumppad:
0x0: {  	(pc) =	sbr.rel $0x88, $3  }
0x1: {  	(tag) =	ssettag $0x0;
	lr =	simm.s32 $0x1  }
0x2: {  	[smem:$0x3F9C] =	sst lr;
	_ =	strace $0xD0000000  }
0x3: {  	_ = 	snop  }
0x4: {  	_ = 	snop  }
0x5: {  	_ = 	snop  }
0x6: {  	_ = 	snop  }
0x7: {  	_ = 	snop  }
__scs_overlays_trampoline_lowered:
0x8: {  	[smem:$0x3FAB] =	sst s0  }
0x9: {  	[smem:$0x3FAC] =	sst s1  }
0xa: {  	[smem:$0x3FAD] =	sst s2  }
0xb: {  	[smem:$0x3FAE] =	sst s3  }
0xc: {  	[smem:$0x3FAF] =	sst s4  }
0xd: {  	[smem:$0x3FB0] =	sst s5  }
0xe: {  	[smem:$0x3FB1] =	sst s6  }
0xf: {  	[smem:$0x3FB2] =	sst s7  }
0x10: {  	[smem:$0x3FB3] =	sst s8  }
0x11: {  	[smem:$0x3FB4] =	sst s9;
	s0 =	simm.s32 @!p0 $0x0  }
0x12: {  	s1 =	sld [smem:$0x3F9A];
	s0 =	simm.s32 @p0 $0x1  }
0x13: {  	[smem:$0x3FB5] =	sst s0;
	s0 =	simm.s32 @!p1 $0x0  }
0x14: {  	s2 =	sld [smem:$0x3F99];
	s0 =	simm.s32 @p1 $0x1  }
0x15: {  	[smem:$0x3FB6] =	sst s0;
	s0 =	simm.s32 @!p2 $0x0  }
0x16: {  	s3 =	sld [smem:$0x3FDB];
	s0 =	simm.s32 @p2 $0x1  }
0x17: {  	s4 =	simm.s32 $0x1BF5;
	[smem:$0x3FB8] =	sst s0  }
0x18: {  	s0 =	sld [smem:$0x3F9B];
	_ =	swait.ge [sflag:s4], $0x0  }
0x19: {  	s7 =	sld [smem:$0x3F9C]  }
0x1a: {  	s8 =	sadd.s32 $0xFFFFE003, lr  }
0x1b: {  	s9 =	sadd.s32 $0xFFFFFEF7, lr;
	s5 =	simm.s32 $0xFFFFFFFF;
	p2 =	slt.u32 s8, $0xFFFFF086  }
0x1c: {  	p1 =	slt.u32 s9, $0xF7A;
	s5 =	simm.s32 @!p2 $0x0  }
0x1d: {  	s5 =	simm.s32 @p1 $0x1;
	p0 =	seq.s32 s7, s2  }
0x1e: {  	s7 =	smul.u32 @!p0 $0xF7A, s2;
	p2 =	seq.s32 @!p0 s5, $0x0  }
0x1f: {  	s9 =	smul.u32 $0xF7A, s1;
	s8 =	simm.s32 @!p0 $0x1BF5;
	p2 =	por !p2, p0  }
0x20: {  	[sflag:s8] =	ssyncset.s32 @!p0 $0xFFFFF086;
	s6 =	sadd.s32 @!p0 s3, s7;
	s7 =	simm.s32 @!p0 $0x108  }
0x21: {  	s3 =	sadd.s32 s3, s9;
	s6 =	sadd.s32 @!p0 $0x88, s6;
	s7 =	simm.s32 @p2 $0x1082  }
0x22: {  	[simem:s7], [sflag:s8] =	dma.local @!p0 [hbm:s6], $0xF7A  }
0x23: {  	s9 =	sor.u32 $0xD0000000, s2;
	s6 =	simm.s32 $0x108;
	_ =	swait.ge @!p0 [sflag:s8], $0x0  }
0x24: {  	s3 =	sadd.s32 $0x88, s3;
	s6 =	simm.s32 @!p1 $0x1082;
	[sflag:s4] =	ssyncset.s32 $0xFFFFF086  }
0x25: {  	[simem:s6], [sflag:s4] =	dma.local [hbm:s3], $0xF7A  }
0x26: {  	[smem:$0x3F9C] =	sst s1;
	(tag) =	ssettag s2;
	_ =	strace s9  }
0x27: {  	s1 =	sld [smem:$0x3FAC]  }
0x28: {  	s2 =	sld [smem:$0x3FAD]  }
0x29: {  	s4 =	sld [smem:$0x3FAF]  }
0x2a: {  	p0 =	seq.s32 s5, $0x0;
	s5 =	sld [smem:$0x3FB0]  }
0x2b: {  	s6 =	sld [smem:$0x3FB1]  }
0x2c: {  	s7 =	sld [smem:$0x3FB2]  }
0x2d: {  	s3 =	simm.s32 $0x108;
	s8 =	sld [smem:$0x3FB3]  }
0x2e: {  	s3 =	simm.s32 @!p0 $0x1082;
	s9 =	sld [smem:$0x3FB4]  }
0x2f: {  	lr =	sadd.s32 s0, s3;
	s0 =	sld [smem:$0x3FAB]  }
0x30: {  	s3 =	sld [smem:$0x3FAE]  }
0x31: {  	[smem:$0x3FB7] =	sst s10  }
0x32: {  	s10 =	sld [smem:$0x3FB5];
	_ =	sdelay $0x3  }
0x33: {  	p0 =	seq.s32 s10, $0x1;
	s10 =	sld [smem:$0x3FB7];
	_ =	sdelay $0x3  }
0x34: {  	[smem:$0x3FB7] =	sst s10  }
0x35: {  	s10 =	sld [smem:$0x3FB6];
	_ =	sdelay $0x3  }
0x36: {  	p1 =	seq.s32 s10, $0x1;
	s10 =	sld [smem:$0x3FB7];
	_ =	sdelay $0x3  }
0x37: {  	[smem:$0x3FB7] =	sst s10  }
0x38: {  	s10 =	sld [smem:$0x3FB8]  }
0x39: {  	_ = 	snop;
	(pc) =	sbr.ind lr, $3  }
0x3a: {  	_ = 	snop  }
0x3b: {  	_ = 	snop  }
0x3c: {  	p2 =	seq.s32 s10, $0x1;
	s10 =	sld [smem:$0x3FB7]  }
0x3d: {  	_ =	shalt  }
0x3e: {  	_ =	shalt  }
0x3f: {  	_ =	shalt  }
0x40: {  	_ =	shalt  }
0x41: {  	_ =	shalt  }
0x42: {  	_ =	shalt  }
0x43: {  	_ =	shalt  }
0x44: {  	_ =	shalt  }
0x45: {  	_ =	shalt  }
0x46: {  	_ =	shalt  }
0x47: {  	_ =	shalt  }
0x48: {  	_ =	shalt  }
0x49: {  	_ =	shalt  }
0x4a: {  	_ =	shalt  }
0x4b: {  	_ =	shalt  }
0x4c: {  	_ =	shalt  }
0x4d: {  	_ =	shalt  }
0x4e: {  	_ =	shalt  }
0x4f: {  	_ =	shalt  }
0x50: {  	_ =	shalt  }
0x51: {  	_ =	shalt  }
0x52: {  	_ =	shalt  }
0x53: {  	_ =	shalt  }
0x54: {  	_ =	shalt  }
0x55: {  	_ =	shalt  }
0x56: {  	_ =	shalt  }
0x57: {  	_ =	shalt  }
0x58: {  	_ =	shalt  }
0x59: {  	_ =	shalt  }
0x5a: {  	_ =	shalt  }
0x5b: {  	_ =	shalt  }
0x5c: {  	_ =	shalt  }
0x5d: {  	_ =	shalt  }
0x5e: {  	_ =	shalt  }
0x5f: {  	_ =	shalt  }
0x60: {  	_ =	shalt  }
0x61: {  	_ =	shalt  }
0x62: {  	_ =	shalt  }
0x63: {  	_ =	shalt  }
0x64: {  	_ =	shalt  }
0x65: {  	_ =	shalt  }
0x66: {  	_ =	shalt  }
0x67: {  	_ =	shalt  }
0x68: {  	_ =	shalt  }
0x69: {  	_ =	shalt  }
0x6a: {  	_ =	shalt  }
0x6b: {  	_ =	shalt  }
0x6c: {  	_ =	shalt  }
0x6d: {  	_ =	shalt  }
0x6e: {  	_ =	shalt  }
0x6f: {  	_ =	shalt  }
0x70: {  	_ =	shalt  }
0x71: {  	_ =	shalt  }
0x72: {  	_ =	shalt  }
0x73: {  	_ =	shalt  }
0x74: {  	_ =	shalt  }
0x75: {  	_ =	shalt  }
0x76: {  	_ =	shalt  }
0x77: {  	_ =	shalt  }
0x78: {  	_ =	shalt  }
0x79: {  	_ =	shalt  }
0x7a: {  	_ =	shalt  }
0x7b: {  	_ =	shalt  }
0x7c: {  	_ =	shalt  }
0x7d: {  	_ =	shalt  }
0x7e: {  	_ =	shalt  }
0x7f: {  	_ =	shalt  }
0x80: {  	_ =	shalt  }
0x81: {  	_ =	shalt  }
0x82: {  	_ =	shalt  }
0x83: {  	_ =	shalt  }
0x84: {  	_ =	shalt  }
0x85: {  	_ =	shalt  }
0x86: {  	_ =	shalt  }
0x87: {  	_ =	shalt  }
.Lfunc_end0:
.L_simem_size_0:
called_computation_lowered:
.L_overlay_start_0:
0x88: {  	s2 =	sld [smem:$0x3FD9]  }
0x89: {  	s3 =	sld [smem:$0x3FFE];
	_ =	sdelay $0x1  }
0x8a: {  	s1 =	srdreg.scid  }
0x8b: {  	s0 =	sand.u32 $0x1, s1  }
0x8c: {  	s17 =	sshll.u32 s0, $0xA;
	s2 =	sadd.s32 s3, s2  }
0x8d: {  	s2 =	sadd.s32 s2, s17  }
0x8e: {  	[smem:$0x3FC3] =	sst s2  }
0x8f: {  	_ = 	snop  }
0x90: {  	s2 =	sld [smem:$0x3FC9]  }
0x91: {  	s18 =	sld [smem:$0x3FC8]  }
0x92: {  	s4 =	sld [smem:$0x3FC5]  }
0x93: {  	s5 =	sld [smem:$0x3FD0];
	(tm) =	ssettm $0x1  }
0x94: {  	s6 =	sld [smem:$0x3FFB];
	_ =	sdelay $0x3  }
0x95: {  	_ =	strace s6  }
0x96: {  	s6 =	sld [smem:$0x3FFC];
	_ =	sdelay $0x3  }
0x97: {  	_ =	strace s6  }
0x98: {  	s6 =	sld [smem:$0x3FFD];
	_ =	sdelay $0x3  }
0x99: {  	_ =	strace s6  }
0x9a: {  	_ =	strace $0x8FFFFFFF  }
0x9b: {  	s19 =	sld [smem:$0x3FDB];
	_ =	sdelay $0x1  }
0x9c: {  	s7 =	simm.s32 $_scs_section_size  }
0x9d: {  	s8 =	simm.s32 $_size__tile_overlayer_lowered;
	s9 =	simm.s32 $_tile_overlayer_lowered  }
0x9e: {  	s22 =	simm.s32 $0x1BFF;
	s21 =	sshll.u32 s9, $0x1;
	s6 =	sadd.s32 s7, s19  }
0x9f: {  	s10 =	simm.s32 $0x0;
	s20 =	sshll.u32 s8, $0x1;
	s8 =	sadd.s32 s21, s6  }
0xa0: {  	[timem:s10], [sflag:s22] =	dma.local [hbm:s8], s20  }
0xa1: {  	_ =	swait.ge [sflag:s22], s20  }
0xa2: {  	s7 =	ssub.s32 $0x0, s20;
	[sflag:s22] =	ssyncset.done $0x0  }
0xa3: {  	[sflag:s22] =	ssyncadd.s32 s7;
	_ =	sdelay $0x1  }
0xa4: {  	s23 =	simm.s32 $0x1B8B  }
0xa5: {  	_ =	swait.ge [sflag:s23], $0x1  }
0xa6: {  	[sflag:s23] =	ssyncset.done $0x0  }
0xa7: {  	s25 =	simm.s32 $0x1B8E;
	s24 =	sld [smem:$0x3FFE];
	[sflag:s23] =	ssyncadd.s32 $0xFFFFFFFF  }
0xa8: {  	s26 =	simm.s32 $execute0_lowered;
	[smem:$0x3FD2] =	sst s25  }
0xa9: {  	s8 =	sshll.u32 s26, $0x1;
	_ =	strace $0x80000046;
	[dreg:$0x1] =	wrdreg $0xFFFFFFFF  }
0xaa: {  	s28 =	simm.s32 $_size_execute0_lowered;
	s6 =	sadd.s32 s6, s8;
	[dreg:$0x0] =	wrdreg $0x0  }
0xab: {  	s8 =	sshll.u32 s28, $0x1;
	[dreg:$0x2] =	wrdreg s6  }
0xac: {  	[dreg:$0x3] =	wrdreg s8  }
0xad: {  	[dreg:$0x4] =	wrdreg $0xC0  }
0xae: {  	_ =	task [dreg:s10], $0x5FFFF  }
0xaf: {  	[dreg:$0x1] =	wrdreg $0xFFFFFFFF  }
0xb0: {  	[dreg:$0x0] =	wrdreg $0x60  }
0xb1: {  	[dreg:$0x2] =	wrdreg s2  }
0xb2: {  	[dreg:$0x3] =	wrdreg s18  }
0xb3: {  	[dreg:$0x4] =	wrdreg s24  }
0xb4: {  	[dreg:$0x5] =	wrdreg s4  }
0xb5: {  	[dreg:$0x6] =	wrdreg s5  }
0xb6: {  	[dreg:$0x7] =	wrdreg $0x9  }
0xb7: {  	_ =	task.clear_ibuf [dreg:s10], $0x8FFFF;
	_ =	strace $0x90000046  }
0xb8: {  	s29 =	simm.s32 $0x9;
	_ =	strace $0x80000048  }
0xb9: {  	_ =	swait.ge [sflag:s29], $0x1  }
0xba: {  	[sflag:s29] =	ssyncadd.s32 $0xFFFFFFFF  }
0xbb: {  	_ =	strace $0x90000048  }
0xbc: {  	_ =	sfence  }
0xbd: {  	s30 =	sld [smem:$0x0];
	_ =	sdelay $0x2  }
0xbe: {  	s31 =	sshll.u32 s1, $0xD;
	s1 =	sshrl.u32 s1, $0x2  }
0xbf: {  	s3 =	sand.u32 $0x4000, s31;
	s1 =	sadd.s32 s1, s30  }
0xc0: {  	s0 =	sor.u32 s3, s0;
	s1 =	sshll.u32 s1, $0x11  }
0xc1: {  	s0 =	sor.u32 s1, s0  }
0xc2: {  	s0 =	sadd.s32 $0x8F2B, s0  }
0xc3: {  	[sflag:s0] =	ssyncadd.remote.s32 $0x1  }
0xc4: {  	_ =	sfence.sel $0xFFFF  }
0xc5: {  	[dreg:$0x0] =	wrdreg $0xFFFFFFFF;
	(pc) =	sbr.abs _section_cstart, $3  }
0xc6: {  	[dreg:$0x1] =	wrdreg $0xFFFFFFFF  }
0xc7: {  	_ =	task.clear_ibuf [dreg:s10], $0x2FFFF;
	_ =	strace $0x9FFFFFFF  }
0xc8: {  	(tm) =	ssettm $0x7FFFFFFF  }
0xc9: {  	_ =	shalt  }
tec
execute0_lowered:
.L_overlay_start_1:
0x0: {  	(tag) =	ssettag $0x1  }
0x1: {  	s0 =	rddreg [dreg:$0x0]  }
0x2: {  	s1 =	rddreg [dreg:$0x1]  }
0x3: {  	s2 =	rddreg [dreg:$0x2]  }
0x4: {  	s8 =	rddreg [dreg:$0x4];
	s3 =	simm.s32 $0x0;
	s4 =	srdreg.scid  }
0x5: {  	s5 =	stileid.u32;
	s11 =	simm.s32 $0xAC00;
	s12 =	simm.s32 $0x3000  }
0x6: {  	s13 =	simm.s32 $0xB000;
	s14 =	simm.s32 $0x3400;
	s15 =	simm.s32 $0xB400  }
0x7: {  	s16 =	simm.s32 $0x3800;
	s17 =	simm.s32 $0xB800;
	s18 =	simm.s32 $0x3C00  }
0x8: {  	v0 =	vlaneseq.u32;
	s19 =	simm.s32 $0xBC00;
	s20 =	simm.s32 $0x4000;
	s21 =	simm.s32 $0xC000  }
0x9: {  	s22 =	simm.s32 $0x1;
	s23 =	simm.s32 $0x10600;
	s24 =	simm.s32 $0x10400;
	v0 =	vmul.u32 $0x10, v0  }
0xa: {  	s25 =	simm.s32 $0x0;
	[smem:$0x7FF] =	sst s3;
	s4 =	sand.u32 $0x1, s4  }
.Ltmp0:
0xb: {  	s5 =	sshll.u32 s5, $0x7;
	_ =	strace $0x80000047;
	v1 =	vor.u32 $0x1, v0;
	v2 =	vor.u32 $0x2, v0;
	v3 =	vor.u32 $0x3, v0;
	(pc) =	sbr.rel .LBB2_1-.Ltmp0, $4  }
0xc: {  	s6 =	ssub.s32 $0x2, s4;
	s7 =	sshll.u32 s4, $0x6;
	s4 =	sadd.s32 $0x400, s2;
	v4 =	vor.u32 $0x4, v0;
	v5 =	vor.u32 $0x5, v0;
	v6 =	vor.u32 $0x6, v0  }
0xd: {  	s9 =	sshrl.u32 s6, $0x1;
	s10 =	sor.u32 s7, s5;
	s5 =	sadd.s32 $0xF42800, s2;
	v7 =	vor.u32 $0x7, v0;
	v8 =	vor.u32 $0x8, v0;
	v9 =	vor.u32 $0x9, v0  }
0xe: {  	v10 =	vor.u32 $0xA, v0;
	v11 =	vor.u32 $0xB, v0;
	v12 =	vor.u32 $0xC, v0;
	s31 =	ssub.s32 s6, s9;
	s6 =	sadd.s32 s0, s10;
	s7 =	sadd.s32 s1, s10  }
0xf: {  	v13 =	vor.u32 $0xD, v0;
	v14 =	vor.u32 $0xE, v0;
	v15 =	vor.u32 $0xF, v0;
	s8 =	sadd.s32 s8, s10;
	s10 =	simm.s32 $0x2;
	s9 =	smax.u32 s31, $0x1  }
.LBB2_5:
0x10: {  	s25 =	sadd.s32 $0x1, s25  }
0x11: {  	p0 =	sne.s32 s25, s9  }
.Ltmp1:
0x12: {  	_ = 	snop;
	(pc) =	sbr.rel @!p0 .LBB2_6-.Ltmp1, $4  }
0x13: {  	[hbm4b:s8+s3] =	stream.linear.scatter [tilespmem:s24], [sflag:$0x2], $0x200, $0x38;
	[tilespmem:$0x10780] =	vst v63  }
0x14: {  	_ =	swait.ge [sflag:s10], $0x200  }
0x15: {  	[sflag:s10] =	ssyncset.done $0x0  }
0x16: {  	[sflag:s10] =	ssyncadd.s32 $0xFFFFFE00  }
.LBB2_1:
0x17: {  	[tilespmem:s3], [sflag:$0x2] =	stream.linear.gather [hbm4b:s6+s3], $0x200, $0x38;
	[tilespmem:$0x10780] =	vst v63  }
0x18: {  	_ =	swait.ge [sflag:s10], $0x200  }
0x19: {  	[sflag:s10] =	ssyncset.done $0x0  }
0x1a: {  	s0 =	simm.s32 $0x200;
	[sflag:s10] =	ssyncadd.s32 $0xFFFFFE00  }
0x1b: {  	[tilespmem:s0], [sflag:$0x2] =	stream.linear.gather [hbm4b:s7+s3], $0x200, $0x38;
	[tilespmem:$0x10780] =	vst v63  }
0x1c: {  	_ =	swait.ge [sflag:s10], $0x200  }
0x1d: {  	[sflag:s10] =	ssyncset.done $0x0  }
0x1e: {  	[sflag:s10] =	ssyncadd.s32 $0xFFFFFE00  }
0x1f: {  	s1 =	simm.s32 $0x10700;
	s31 =	rddreg [dreg:$0x3]  }
0x20: {  	[tilespmem:s1], [sflag:$0x2] =	stream.linear.gather [hbm4b:s31+s3], $0x80, $0x38;
	[tilespmem:$0x10780] =	vst v63  }
0x21: {  	_ =	swait.ge [sflag:s10], $0x80  }
0x22: {  	[sflag:s10] =	ssyncset.done $0x0  }
0x23: {  	[sflag:s10] =	ssyncadd.s32 $0xFFFFFF80  }
0x24: {  	v16 =	vld [tilespmem:$0x0]  }
0x25: {  	v17 =	vld [tilespmem:$0x200];
	_ =	sdelay $0x3  }
0x26: {  	v16 =	vshrl.u32 v16, $0x3  }
0x27: {  	v22 =	vshll.u32 v16, $0x7;
	v16 =	vshrl.u32 v17, $0x3  }
0x28: {  	(v2sf) =	vpush v22, $0x0;
	v21 =	vshll.u32 v16, $0x7  }
0x29: {  	(v2sf) =	vpush v21, $0x0;
	_ =	sdelay $0x6  }
0x2a: {  	(v2sf) =	vpush v22, $0x1  }
0x2b: {  	(v2sf) =	vpush v21, $0x1;
	_ =	sdelay $0x5  }
0x2c: {  	s26 =	spop (v2sf);
	(v2sf) =	vpush v22, $0x2  }
0x2d: {  	s2 =	spop (v2sf);
	(v2sf) =	vpush v21, $0x2;
	_ =	sdelay $0x5  }
0x2e: {  	v18 =	vld [tilespmem:$0x10720];
	(v2sf) =	vpush v22, $0x3  }
0x2f: {  	v19 =	vld [tilespmem:$0x10730];
	s30 =	spop (v2sf)  }
0x30: {  	v20 =	vld [tilespmem:$0x10740];
	s26 =	sand.u32 $0x1FFFFF80, s26;
	s0 =	spop (v2sf);
	(v2sf) =	vpush v21, $0x3  }
0x31: {  	s1 =	simm.s32 $0x400;
	v17 =	vld [tilespmem:$0x10710];
	s26 =	sadd.s32 s4, s26  }
0x32: {  	v16 =	vld [tilespmem:$0x10700];
	[tilespmem:s1], [sflag:$0x1] =	stream.linear.gather [hbm4b:s26+s3], $0x400, $0x38  }
0x33: {  	s26 =	sand.u32 $0x1FFFFF80, s2  }
0x34: {  	s29 =	simm.s32 $0x8400;
	s26 =	sadd.s32 s5, s26  }
0x35: {  	[tilespmem:s29], [sflag:$0x1] =	stream.linear.gather [hbm4b:s26+s3], $0x400, $0x38;
	[tilespmem:$0x10780] =	vst v63  }
0x36: {  	s2 =	spop (v2sf);
	(v2sf) =	vpush v22, $0x4  }
0x37: {  	s26 =	sand.u32 $0x1FFFFF80, s30;
	s30 =	spop (v2sf);
	(v2sf) =	vpush v21, $0x4;
	_ =	sdelay $0x2  }
0x38: {  	s31 =	simm.s32 $0x800;
	s26 =	sadd.s32 s4, s26  }
0x39: {  	[tilespmem:s31], [sflag:$0x1] =	stream.linear.gather [hbm4b:s26+s3], $0x400, $0x38;
	[tilespmem:$0x10780] =	vst v63  }
0x3a: {  	s26 =	sand.u32 $0x1FFFFF80, s0  }
0x3b: {  	s1 =	simm.s32 $0x8800;
	s26 =	sadd.s32 s5, s26;
	s0 =	spop (v2sf);
	(v2sf) =	vpush v22, $0x5  }
0x3c: {  	[tilespmem:s1], [sflag:$0x1] =	stream.linear.gather [hbm4b:s26+s3], $0x400, $0x38;
	[tilespmem:$0x10780] =	vst v63  }
0x3d: {  	s26 =	sand.u32 $0x1FFFFF80, s2;
	s2 =	spop (v2sf);
	(v2sf) =	vpush v21, $0x5  }
0x3e: {  	s29 =	simm.s32 $0xC00;
	s26 =	sadd.s32 s4, s26  }
0x3f: {  	[tilespmem:s29], [sflag:$0x1] =	stream.linear.gather [hbm4b:s26+s3], $0x400, $0x38;
	[tilespmem:$0x10780] =	vst v63  }
0x40: {  	s26 =	sand.u32 $0x1FFFFF80, s30  }
0x41: {  	s31 =	simm.s32 $0x8C00;
	s26 =	sadd.s32 s5, s26  }
0x42: {  	[tilespmem:s31], [sflag:$0x1] =	stream.linear.gather [hbm4b:s26+s3], $0x400, $0x38;
	[tilespmem:$0x10780] =	vst v63  }
0x43: {  	s30 =	spop (v2sf);
	(v2sf) =	vpush v22, $0x6  }
0x44: {  	s26 =	sand.u32 $0x1FFFFF80, s0;
	s0 =	spop (v2sf);
	(v2sf) =	vpush v21, $0x6;
	_ =	sdelay $0x2  }
0x45: {  	s1 =	simm.s32 $0x1000;
	s26 =	sadd.s32 s4, s26  }
0x46: {  	[tilespmem:s1], [sflag:$0x1] =	stream.linear.gather [hbm4b:s26+s3], $0x400, $0x38;
	[tilespmem:$0x10780] =	vst v63  }
0x47: {  	s26 =	sand.u32 $0x1FFFFF80, s2  }
0x48: {  	s29 =	simm.s32 $0x9000;
	s26 =	sadd.s32 s5, s26;
	s2 =	spop (v2sf);
	(v2sf) =	vpush v22, $0x7  }
0x49: {  	[tilespmem:s29], [sflag:$0x1] =	stream.linear.gather [hbm4b:s26+s3], $0x400, $0x38;
	[tilespmem:$0x10780] =	vst v63  }
0x4a: {  	s26 =	sand.u32 $0x1FFFFF80, s30;
	s30 =	spop (v2sf);
	(v2sf) =	vpush v21, $0x7  }
0x4b: {  	s31 =	simm.s32 $0x1400;
	s26 =	sadd.s32 s4, s26  }
0x4c: {  	[tilespmem:s31], [sflag:$0x1] =	stream.linear.gather [hbm4b:s26+s3], $0x400, $0x38;
	[tilespmem:$0x10780] =	vst v63  }
0x4d: {  	s26 =	sand.u32 $0x1FFFFF80, s0  }
0x4e: {  	s1 =	simm.s32 $0x9400;
	s26 =	sadd.s32 s5, s26  }
0x4f: {  	[tilespmem:s1], [sflag:$0x1] =	stream.linear.gather [hbm4b:s26+s3], $0x400, $0x38;
	[tilespmem:$0x10780] =	vst v63  }
0x50: {  	s0 =	spop (v2sf);
	(v2sf) =	vpush v22, $0x8  }
0x51: {  	s26 =	sand.u32 $0x1FFFFF80, s2;
	s2 =	spop (v2sf);
	(v2sf) =	vpush v21, $0x8;
	_ =	sdelay $0x2  }
0x52: {  	s29 =	simm.s32 $0x1800;
	s26 =	sadd.s32 s4, s26  }
0x53: {  	[tilespmem:s29], [sflag:$0x1] =	stream.linear.gather [hbm4b:s26+s3], $0x400, $0x38;
	[tilespmem:$0x10780] =	vst v63  }
0x54: {  	s26 =	sand.u32 $0x1FFFFF80, s30  }
0x55: {  	s31 =	simm.s32 $0x9800;
	s26 =	sadd.s32 s5, s26;
	s30 =	spop (v2sf);
	(v2sf) =	vpush v22, $0x9  }
0x56: {  	[tilespmem:s31], [sflag:$0x1] =	stream.linear.gather [hbm4b:s26+s3], $0x400, $0x38;
	[tilespmem:$0x10780] =	vst v63  }
0x57: {  	s26 =	sand.u32 $0x1FFFFF80, s0;
	s0 =	spop (v2sf);
	(v2sf) =	vpush v21, $0x9  }
0x58: {  	s1 =	simm.s32 $0x1C00;
	s26 =	sadd.s32 s4, s26  }
0x59: {  	[tilespmem:s1], [sflag:$0x1] =	stream.linear.gather [hbm4b:s26+s3], $0x400, $0x38;
	[tilespmem:$0x10780] =	vst v63  }
0x5a: {  	s26 =	sand.u32 $0x1FFFFF80, s2  }
0x5b: {  	s29 =	simm.s32 $0x9C00;
	s26 =	sadd.s32 s5, s26  }
0x5c: {  	[tilespmem:s29], [sflag:$0x1] =	stream.linear.gather [hbm4b:s26+s3], $0x400, $0x38;
	[tilespmem:$0x10780] =	vst v63  }
0x5d: {  	s26 =	sand.u32 $0x1FFFFF80, s30;
	s2 =	spop (v2sf);
	(v2sf) =	vpush v22, $0xA  }
0x5e: {  	s31 =	simm.s32 $0x2000;
	s26 =	sadd.s32 s4, s26;
	s30 =	spop (v2sf);
	(v2sf) =	vpush v21, $0xA  }
0x5f: {  	[tilespmem:s31], [sflag:$0x1] =	stream.linear.gather [hbm4b:s26+s3], $0x400, $0x38;
	[tilespmem:$0x10780] =	vst v63  }
0x60: {  	s26 =	sand.u32 $0x1FFFFF80, s0  }
0x61: {  	s1 =	simm.s32 $0xA000;
	s26 =	sadd.s32 s5, s26  }
0x62: {  	[tilespmem:s1], [sflag:$0x1] =	stream.linear.gather [hbm4b:s26+s3], $0x400, $0x38;
	[tilespmem:$0x10780] =	vst v63  }
0x63: {  	s26 =	sand.u32 $0x1FFFFF80, s2  }
0x64: {  	s29 =	simm.s32 $0x2400;
	s26 =	sadd.s32 s4, s26;
	s0 =	spop (v2sf);
	(v2sf) =	vpush v22, $0xB  }
0x65: {  	[tilespmem:s29], [sflag:$0x1] =	stream.linear.gather [hbm4b:s26+s3], $0x400, $0x38;
	[tilespmem:$0x10780] =	vst v63  }
0x66: {  	s26 =	sand.u32 $0x1FFFFF80, s30;
	s2 =	spop (v2sf);
	(v2sf) =	vpush v21, $0xB  }
0x67: {  	s31 =	simm.s32 $0xA400;
	s26 =	sadd.s32 s5, s26  }
0x68: {  	[tilespmem:s31], [sflag:$0x1] =	stream.linear.gather [hbm4b:s26+s3], $0x400, $0x38;
	[tilespmem:$0x10780] =	vst v63  }
0x69: {  	s26 =	sand.u32 $0x1FFFFF80, s0  }
0x6a: {  	s1 =	simm.s32 $0x2800;
	s26 =	sadd.s32 s4, s26  }
0x6b: {  	[tilespmem:s1], [sflag:$0x1] =	stream.linear.gather [hbm4b:s26+s3], $0x400, $0x38;
	[tilespmem:$0x10780] =	vst v63  }
0x6c: {  	s26 =	sand.u32 $0x1FFFFF80, s2;
	s30 =	spop (v2sf);
	(v2sf) =	vpush v22, $0xC  }
0x6d: {  	s29 =	simm.s32 $0xA800;
	s26 =	sadd.s32 s5, s26;
	s1 =	spop (v2sf);
	(v2sf) =	vpush v21, $0xC  }
0x6e: {  	[tilespmem:s29], [sflag:$0x1] =	stream.linear.gather [hbm4b:s26+s3], $0x400, $0x38;
	[tilespmem:$0x10780] =	vst v63  }
0x6f: {  	s26 =	sand.u32 $0x1FFFFF80, s30  }
0x70: {  	s31 =	simm.s32 $0x2C00;
	s26 =	sadd.s32 s4, s26  }
0x71: {  	[tilespmem:s31], [sflag:$0x1] =	stream.linear.gather [hbm4b:s26+s3], $0x400, $0x38;
	[tilespmem:$0x10780] =	vst v63  }
0x72: {  	(v2sf) =	vpush v22, $0xD;
	s26 =	sand.u32 $0x1FFFFF80, s1  }
0x73: {  	s2 =	spop (v2sf);
	s26 =	sadd.s32 s5, s26  }
0x74: {  	(v2sf) =	vpush v21, $0xD;
	[tilespmem:s11], [sflag:$0x1] =	stream.linear.gather [hbm4b:s26+s3], $0x400, $0x38;
	[tilespmem:$0x10780] =	vst v63  }
0x75: {  	s29 =	spop (v2sf);
	(v2sf) =	vpush v22, $0xE;
	s26 =	sand.u32 $0x1FFFFF80, s2  }
0x76: {  	s26 =	sadd.s32 s4, s26  }
0x77: {  	[tilespmem:s12], [sflag:$0x1] =	stream.linear.gather [hbm4b:s26+s3], $0x400, $0x38;
	[tilespmem:$0x10780] =	vst v63  }
0x78: {  	s26 =	sand.u32 $0x1FFFFF80, s29  }
0x79: {  	s26 =	sadd.s32 s5, s26  }
0x7a: {  	[tilespmem:s13], [sflag:$0x1] =	stream.linear.gather [hbm4b:s26+s3], $0x400, $0x38;
	[tilespmem:$0x10780] =	vst v63  }
0x7b: {  	s30 =	spop (v2sf);
	(v2sf) =	vpush v21, $0xE  }
0x7c: {  	s31 =	spop (v2sf);
	(v2sf) =	vpush v22, $0xF  }
0x7d: {  	s26 =	sand.u32 $0x1FFFFF80, s30  }
0x7e: {  	s26 =	sadd.s32 s4, s26  }
0x7f: {  	[tilespmem:s14], [sflag:$0x1] =	stream.linear.gather [hbm4b:s26+s3], $0x400, $0x38;
	[tilespmem:$0x10780] =	vst v63  }
0x80: {  	s26 =	sand.u32 $0x1FFFFF80, s31  }
0x81: {  	s0 =	spop (v2sf);
	(v2sf) =	vpush v21, $0xF;
	s26 =	sadd.s32 s5, s26  }
0x82: {  	[tilespmem:s15], [sflag:$0x1] =	stream.linear.gather [hbm4b:s26+s3], $0x400, $0x38;
	[tilespmem:$0x10780] =	vst v63  }
0x83: {  	s28 =	spop (v2sf);
	s26 =	sand.u32 $0x1FFFFF80, s0  }
0x84: {  	s1 =	sand.u32 $0x1FFFFF80, s28;
	s28 =	spop (v2sf);
	s26 =	sadd.s32 s4, s26  }
0x85: {  	[tilespmem:s16], [sflag:$0x1] =	stream.linear.gather [hbm4b:s26+s3], $0x400, $0x38;
	[tilespmem:$0x10780] =	vst v63  }
0x86: {  	s2 =	sand.u32 $0x1FFFFF80, s28;
	s26 =	sadd.s32 s5, s1  }
0x87: {  	[tilespmem:s17], [sflag:$0x1] =	stream.linear.gather [hbm4b:s26+s3], $0x400, $0x38;
	[tilespmem:$0x10780] =	vst v63  }
0x88: {  	s26 =	sadd.s32 s4, s2  }
0x89: {  	[tilespmem:s18], [sflag:$0x1] =	stream.linear.gather [hbm4b:s26+s3], $0x400, $0x38;
	[tilespmem:$0x10780] =	vst v63  }
0x8a: {  	s28 =	spop (v2sf)  }
0x8b: {  	s29 =	sand.u32 $0x1FFFFF80, s28;
	s28 =	spop (v2sf)  }
0x8c: {  	s26 =	sadd.s32 s5, s29;
	s30 =	sand.u32 $0x1FFFFF80, s28  }
0x8d: {  	[tilespmem:s19], [sflag:$0x1] =	stream.linear.gather [hbm4b:s26+s3], $0x400, $0x38;
	[tilespmem:$0x10780] =	vst v63  }
0x8e: {  	s26 =	sadd.s32 s4, s30  }
0x8f: {  	[tilespmem:s20], [sflag:$0x1] =	stream.linear.gather [hbm4b:s26+s3], $0x400, $0x38;
	[tilespmem:$0x10780] =	vst v63  }
.Ltmp2:
0x90: {  	s31 =	spop (v2sf);
	(pc) =	sbr.rel .LBB2_2-.Ltmp2, $4  }
0x91: {  	s26 =	sand.u32 $0x1FFFFF80, s31  }
0x92: {  	s26 =	sadd.s32 s5, s26  }
0x93: {  	[tilespmem:s21], [sflag:$0x1] =	stream.linear.gather [hbm4b:s26+s3], $0x400, $0x38;
	[tilespmem:$0x10780] =	vst v63  }
0x94: {  	s28 =	simm.s32 $0x0;
	s26 =	simm.s32 $0x0  }
.LBB2_4:
0x95: {  	_ =	swait.ge [sflag:s22], $0x400  }
0x96: {  	[sflag:s22] =	ssyncset.done $0x0  }
0x97: {  	[sflag:s22] =	ssyncadd.s32 $0xFFFFFC00  }
0x98: {  	_ =	swait.ge [sflag:s22], $0x400  }
0x99: {  	[sflag:s22] =	ssyncset.done $0x0  }
0x9a: {  	[sflag:s22] =	ssyncadd.s32 $0xFFFFFC00  }
0x9b: {  	_ =	swait.ge [sflag:s22], $0x400  }
0x9c: {  	[sflag:s22] =	ssyncset.done $0x0  }
0x9d: {  	[sflag:s22] =	ssyncadd.s32 $0xFFFFFC00  }
0x9e: {  	_ =	swait.ge [sflag:s22], $0x400  }
0x9f: {  	[sflag:s22] =	ssyncset.done $0x0  }
0xa0: {  	[sflag:s22] =	ssyncadd.s32 $0xFFFFFC00  }
0xa1: {  	_ =	swait.ge [sflag:s22], $0x400  }
0xa2: {  	[sflag:s22] =	ssyncset.done $0x0  }
0xa3: {  	[sflag:s22] =	ssyncadd.s32 $0xFFFFFC00  }
0xa4: {  	_ =	swait.ge [sflag:s22], $0x400  }
0xa5: {  	[sflag:s22] =	ssyncset.done $0x0  }
0xa6: {  	[sflag:s22] =	ssyncadd.s32 $0xFFFFFC00  }
0xa7: {  	_ =	swait.ge [sflag:s22], $0x400  }
0xa8: {  	[sflag:s22] =	ssyncset.done $0x0  }
0xa9: {  	[sflag:s22] =	ssyncadd.s32 $0xFFFFFC00  }
0xaa: {  	_ =	swait.ge [sflag:s22], $0x400  }
0xab: {  	[sflag:s22] =	ssyncset.done $0x0  }
0xac: {  	[sflag:s22] =	ssyncadd.s32 $0xFFFFFC00  }
0xad: {  	_ =	swait.ge [sflag:s22], $0x400  }
0xae: {  	[sflag:s22] =	ssyncset.done $0x0  }
0xaf: {  	[sflag:s22] =	ssyncadd.s32 $0xFFFFFC00  }
0xb0: {  	_ =	swait.ge [sflag:s22], $0x400  }
0xb1: {  	[sflag:s22] =	ssyncset.done $0x0  }
0xb2: {  	[sflag:s22] =	ssyncadd.s32 $0xFFFFFC00  }
0xb3: {  	_ =	swait.ge [sflag:s22], $0x400  }
0xb4: {  	[sflag:s22] =	ssyncset.done $0x0  }
0xb5: {  	[sflag:s22] =	ssyncadd.s32 $0xFFFFFC00  }
0xb6: {  	_ =	swait.ge [sflag:s22], $0x400  }
0xb7: {  	[sflag:s22] =	ssyncset.done $0x0  }
0xb8: {  	[sflag:s22] =	ssyncadd.s32 $0xFFFFFC00  }
0xb9: {  	_ =	swait.ge [sflag:s22], $0x400  }
0xba: {  	[sflag:s22] =	ssyncset.done $0x0  }
0xbb: {  	[sflag:s22] =	ssyncadd.s32 $0xFFFFFC00  }
0xbc: {  	_ =	swait.ge [sflag:s22], $0x400  }
0xbd: {  	[sflag:s22] =	ssyncset.done $0x0  }
0xbe: {  	[sflag:s22] =	ssyncadd.s32 $0xFFFFFC00  }
0xbf: {  	_ =	swait.ge [sflag:s22], $0x400  }
0xc0: {  	[sflag:s22] =	ssyncset.done $0x0  }
0xc1: {  	[sflag:s22] =	ssyncadd.s32 $0xFFFFFC00  }
0xc2: {  	_ =	swait.ge [sflag:s22], $0x400  }
0xc3: {  	[sflag:s22] =	ssyncset.done $0x0  }
0xc4: {  	[sflag:s22] =	ssyncadd.s32 $0xFFFFFC00  }
0xc5: {  	_ =	swait.ge [sflag:s22], $0x400  }
0xc6: {  	[sflag:s22] =	ssyncset.done $0x0  }
0xc7: {  	[sflag:s22] =	ssyncadd.s32 $0xFFFFFC00  }
0xc8: {  	_ =	swait.ge [sflag:s22], $0x400  }
0xc9: {  	[sflag:s22] =	ssyncset.done $0x0  }
0xca: {  	[sflag:s22] =	ssyncadd.s32 $0xFFFFFC00  }
0xcb: {  	_ =	swait.ge [sflag:s22], $0x400  }
0xcc: {  	[sflag:s22] =	ssyncset.done $0x0  }
0xcd: {  	[sflag:s22] =	ssyncadd.s32 $0xFFFFFC00  }
0xce: {  	_ =	swait.ge [sflag:s22], $0x400  }
0xcf: {  	[sflag:s22] =	ssyncset.done $0x0  }
0xd0: {  	[sflag:s22] =	ssyncadd.s32 $0xFFFFFC00  }
0xd1: {  	_ =	swait.ge [sflag:s22], $0x400  }
0xd2: {  	[sflag:s22] =	ssyncset.done $0x0  }
0xd3: {  	[sflag:s22] =	ssyncadd.s32 $0xFFFFFC00  }
0xd4: {  	_ =	swait.ge [sflag:s22], $0x400  }
0xd5: {  	[sflag:s22] =	ssyncset.done $0x0  }
0xd6: {  	[sflag:s22] =	ssyncadd.s32 $0xFFFFFC00  }
0xd7: {  	_ =	swait.ge [sflag:s22], $0x400  }
0xd8: {  	[sflag:s22] =	ssyncset.done $0x0  }
0xd9: {  	[sflag:s22] =	ssyncadd.s32 $0xFFFFFC00  }
0xda: {  	_ =	swait.ge [sflag:s22], $0x400  }
0xdb: {  	[sflag:s22] =	ssyncset.done $0x0  }
0xdc: {  	[sflag:s22] =	ssyncadd.s32 $0xFFFFFC00  }
0xdd: {  	_ =	swait.ge [sflag:s22], $0x400  }
0xde: {  	[sflag:s22] =	ssyncset.done $0x0  }
0xdf: {  	[sflag:s22] =	ssyncadd.s32 $0xFFFFFC00  }
0xe0: {  	_ =	swait.ge [sflag:s22], $0x400  }
0xe1: {  	[sflag:s22] =	ssyncset.done $0x0  }
0xe2: {  	[sflag:s22] =	ssyncadd.s32 $0xFFFFFC00  }
0xe3: {  	_ =	swait.ge [sflag:s22], $0x400  }
0xe4: {  	[sflag:s22] =	ssyncset.done $0x0  }
0xe5: {  	[sflag:s22] =	ssyncadd.s32 $0xFFFFFC00  }
0xe6: {  	_ =	swait.ge [sflag:s22], $0x400  }
0xe7: {  	[sflag:s22] =	ssyncset.done $0x0  }
0xe8: {  	[sflag:s22] =	ssyncadd.s32 $0xFFFFFC00  }
0xe9: {  	_ =	swait.ge [sflag:s22], $0x400  }
0xea: {  	[sflag:s22] =	ssyncset.done $0x0  }
0xeb: {  	[sflag:s22] =	ssyncadd.s32 $0xFFFFFC00  }
0xec: {  	_ =	swait.ge [sflag:s22], $0x400  }
0xed: {  	[sflag:s22] =	ssyncset.done $0x0  }
0xee: {  	[sflag:s22] =	ssyncadd.s32 $0xFFFFFC00  }
0xef: {  	_ =	swait.ge [sflag:s22], $0x400  }
0xf0: {  	[sflag:s22] =	ssyncset.done $0x0  }
0xf1: {  	[sflag:s22] =	ssyncadd.s32 $0xFFFFFC00  }
0xf2: {  	_ =	swait.ge [sflag:s22], $0x400  }
0xf3: {  	[sflag:s22] =	ssyncset.done $0x0  }
0xf4: {  	s29 =	sshra.s32 s26, $0x2;
	[sflag:s22] =	ssyncadd.s32 $0xFFFFFC00  }
0xf5: {  	v21 =	vld [tilespmem:s29+$0x0];
	_ =	sdelay $0x3  }
0xf6: {  	v23 =	vld [tilespmem:s29+$0x200]  }
0xf7: {  	v21 =	vand.u32 $0x7, v21  }
0xf8: {  	v22 =	vshll.u32 v21, $0x7  }
0xf9: {  	(v2sf) =	vpush v22, $0x1  }
0xfa: {  	(v2sf) =	vpush v22, $0x0  }
0xfb: {  	v21 =	vand.u32 $0x7, v23  }
0xfc: {  	v21 =	vshll.u32 v21, $0x7  }
0xfd: {  	(v2sf) =	vpush v21, $0x0;
	_ =	sdelay $0xa  }
0xfe: {  	s30 =	sand.u32 $0x4000, s28;
	s31 =	spop (v2sf)  }
0xff: {  	s2 =	sor.u32 $0x400, s30;
	s0 =	spop (v2sf)  }
0x100: {  	s0 =	sor.u32 s0, s2  }
0x101: {  	v23 =	vld [tilespmem:s0+$0x0]  }
0x102: {  	s1 =	spop (v2sf);
	v25 =	vld [tilespmem:s0+$0x10]  }
0x103: {  	s1 =	sor.u32 s1, s30;
	v27 =	vld [tilespmem:s0+$0x20]  }
0x104: {  	v24 =	vld [tilespmem:s1+$0x8400]  }
0x105: {  	(v2sf) =	vpush v21, $0x1;
	v26 =	vld [tilespmem:s1+$0x8410]  }
0x106: {  	v28 =	vld [tilespmem:s1+$0x8420];
	_ =	sdelay $0x1  }
0x107: {  	v29 =	vld [tilespmem:s0+$0x30]  }
0x108: {  	v63 =	vld [tilespmem:s1+$0x8430]  }
0x109: {  	v23 =	vmul.f32 v24, v23;
	v25 =	vmul.f32 v26, v25  }
0x10a: {  	v30 =	vmul.f32 v28, v27  }
0x10b: {  	v23 =	vmul.f32 v23, v16;
	v25 =	vmul.f32 v25, v17;
	_ =	sdelay $0x1  }
0x10c: {  	v24 =	vmul.f32 v63, v29;
	v31 =	vmul.f32 v30, v18;
	v23 =	vadd.f32 v25, v23;
	_ =	sdelay $0x1  }
0x10d: {  	v24 =	vmul.f32 v24, v19;
	v23 =	vadd.f32 v31, v23;
	_ =	sdelay $0x1  }
0x10e: {  	v23 =	vadd.f32 v24, v23;
	_ =	sdelay $0x1  }
0x10f: {  	s31 =	sor.u32 s31, s2;
	s1 =	spop (v2sf);
	[tilespmem:$0x10600] =	vst v23  }
0x110: {  	s0 =	sor.u32 s1, s2;
	v23 =	vld [tilespmem:s31+$0x400]  }
0x111: {  	v32 =	vld [tilespmem:s0+$0x8400]  }
0x112: {  	(v2sf) =	vpush v22, $0x2;
	v33 =	vld [tilespmem:s31+$0x410]  }
0x113: {  	(v2sf) =	vpush v22, $0x3;
	v34 =	vld [tilespmem:s0+$0x8410]  }
0x114: {  	(v2sf) =	vpush v21, $0x2;
	v35 =	vld [tilespmem:s31+$0x420]  }
0x115: {  	v36 =	vld [tilespmem:s0+$0x8420];
	_ =	sdelay $0x1  }
0x116: {  	v37 =	vld [tilespmem:s31+$0x430]  }
0x117: {  	v38 =	vld [tilespmem:s0+$0x8430]  }
0x118: {  	v23 =	vmul.f32 v32, v23;
	v25 =	vmul.f32 v34, v33  }
0x119: {  	v39 =	vmul.f32 v36, v35  }
0x11a: {  	v23 =	vmul.f32 v23, v16;
	v25 =	vmul.f32 v25, v17;
	_ =	sdelay $0x1  }
0x11b: {  	v24 =	vmul.f32 v38, v37;
	v40 =	vmul.f32 v39, v18;
	v23 =	vadd.f32 v25, v23;
	_ =	sdelay $0x1  }
0x11c: {  	v24 =	vmul.f32 v24, v19;
	v23 =	vadd.f32 v40, v23;
	_ =	sdelay $0x1  }
0x11d: {  	s31 =	spop (v2sf);
	v23 =	vadd.f32 v24, v23  }
0x11e: {  	s1 =	sor.u32 $0x800, s30;
	s2 =	spop (v2sf)  }
0x11f: {  	s0 =	sor.u32 s31, s1;
	s31 =	spop (v2sf);
	[tilespmem:$0x10610] =	vst v23  }
0x120: {  	s1 =	sor.u32 s31, s1;
	v23 =	vld [tilespmem:s0+$0x400]  }
0x121: {  	v41 =	vld [tilespmem:s1+$0x8400]  }
0x122: {  	v42 =	vld [tilespmem:s0+$0x410]  }
0x123: {  	v43 =	vld [tilespmem:s1+$0x8410]  }
0x124: {  	(v2sf) =	vpush v21, $0x3;
	v44 =	vld [tilespmem:s0+$0x420]  }
0x125: {  	v45 =	vld [tilespmem:s1+$0x8420];
	_ =	sdelay $0x1  }
0x126: {  	v46 =	vld [tilespmem:s0+$0x430]  }
0x127: {  	v47 =	vld [tilespmem:s1+$0x8430]  }
0x128: {  	v23 =	vmul.f32 v41, v23;
	v25 =	vmul.f32 v43, v42  }
0x129: {  	v48 =	vmul.f32 v45, v44  }
0x12a: {  	v23 =	vmul.f32 v23, v16;
	v25 =	vmul.f32 v25, v17;
	_ =	sdelay $0x1  }
0x12b: {  	v24 =	vmul.f32 v47, v46;
	v49 =	vmul.f32 v48, v18;
	v23 =	vadd.f32 v25, v23;
	_ =	sdelay $0x1  }
0x12c: {  	v24 =	vmul.f32 v24, v19;
	v23 =	vadd.f32 v49, v23;
	_ =	sdelay $0x1  }
0x12d: {  	v23 =	vadd.f32 v24, v23  }
0x12e: {  	s1 =	sor.u32 $0xC00, s30  }
0x12f: {  	s31 =	spop (v2sf);
	s2 =	sor.u32 s2, s1;
	[tilespmem:$0x10620] =	vst v23  }
0x130: {  	s0 =	sor.u32 s31, s1;
	v23 =	vld [tilespmem:s2+$0x400]  }
0x131: {  	v50 =	vld [tilespmem:s0+$0x8400]  }
0x132: {  	(v2sf) =	vpush v22, $0x4;
	v51 =	vld [tilespmem:s2+$0x410]  }
0x133: {  	(v2sf) =	vpush v22, $0x5;
	v52 =	vld [tilespmem:s0+$0x8410]  }
0x134: {  	(v2sf) =	vpush v21, $0x4;
	v53 =	vld [tilespmem:s2+$0x420]  }
0x135: {  	v54 =	vld [tilespmem:s0+$0x8420];
	_ =	sdelay $0x1  }
0x136: {  	v55 =	vld [tilespmem:s2+$0x430]  }
0x137: {  	v56 =	vld [tilespmem:s0+$0x8430]  }
0x138: {  	v23 =	vmul.f32 v50, v23;
	v25 =	vmul.f32 v52, v51  }
0x139: {  	v57 =	vmul.f32 v54, v53  }
0x13a: {  	v23 =	vmul.f32 v23, v16;
	v25 =	vmul.f32 v25, v17;
	_ =	sdelay $0x1  }
0x13b: {  	v24 =	vmul.f32 v56, v55;
	v58 =	vmul.f32 v57, v18;
	v23 =	vadd.f32 v25, v23;
	_ =	sdelay $0x1  }
0x13c: {  	v24 =	vmul.f32 v24, v19;
	v23 =	vadd.f32 v58, v23;
	_ =	sdelay $0x1  }
0x13d: {  	s31 =	spop (v2sf);
	v23 =	vadd.f32 v24, v23  }
0x13e: {  	s1 =	sor.u32 $0x1000, s30;
	s2 =	spop (v2sf)  }
0x13f: {  	s0 =	sor.u32 s31, s1;
	s31 =	spop (v2sf);
	[tilespmem:$0x10630] =	vst v23  }
0x140: {  	s1 =	sor.u32 s31, s1;
	v23 =	vld [tilespmem:s0+$0x400]  }
0x141: {  	v59 =	vld [tilespmem:s1+$0x8400]  }
0x142: {  	v60 =	vld [tilespmem:s0+$0x410]  }
0x143: {  	v61 =	vld [tilespmem:s1+$0x8410]  }
0x144: {  	(v2sf) =	vpush v21, $0x5;
	v62 =	vld [tilespmem:s0+$0x420]  }
0x145: {  	v63 =	vld [tilespmem:s1+$0x8420];
	_ =	sdelay $0x1  }
0x146: {  	v32 =	vld [tilespmem:s0+$0x430]  }
0x147: {  	v33 =	vld [tilespmem:s1+$0x8430]  }
0x148: {  	v23 =	vmul.f32 v59, v23;
	v25 =	vmul.f32 v61, v60  }
0x149: {  	v34 =	vmul.f32 v63, v62  }
0x14a: {  	v23 =	vmul.f32 v23, v16;
	v25 =	vmul.f32 v25, v17;
	_ =	sdelay $0x1  }
0x14b: {  	v24 =	vmul.f32 v33, v32;
	v35 =	vmul.f32 v34, v18;
	v23 =	vadd.f32 v25, v23;
	_ =	sdelay $0x1  }
0x14c: {  	v24 =	vmul.f32 v24, v19;
	v23 =	vadd.f32 v35, v23;
	_ =	sdelay $0x1  }
0x14d: {  	v23 =	vadd.f32 v24, v23  }
0x14e: {  	s1 =	sor.u32 $0x1400, s30  }
0x14f: {  	s31 =	spop (v2sf);
	s2 =	sor.u32 s2, s1;
	[tilespmem:$0x10640] =	vst v23  }
0x150: {  	s0 =	sor.u32 s31, s1;
	v23 =	vld [tilespmem:s2+$0x400]  }
0x151: {  	v36 =	vld [tilespmem:s0+$0x8400]  }
0x152: {  	(v2sf) =	vpush v22, $0x6;
	v37 =	vld [tilespmem:s2+$0x410]  }
0x153: {  	(v2sf) =	vpush v22, $0x7;
	v38 =	vld [tilespmem:s0+$0x8410]  }
0x154: {  	(v2sf) =	vpush v21, $0x6;
	v39 =	vld [tilespmem:s2+$0x420]  }
0x155: {  	v40 =	vld [tilespmem:s0+$0x8420];
	_ =	sdelay $0x1  }
0x156: {  	v41 =	vld [tilespmem:s2+$0x430]  }
0x157: {  	v42 =	vld [tilespmem:s0+$0x8430]  }
0x158: {  	v23 =	vmul.f32 v36, v23;
	v25 =	vmul.f32 v38, v37  }
0x159: {  	v43 =	vmul.f32 v40, v39  }
0x15a: {  	v23 =	vmul.f32 v23, v16;
	v25 =	vmul.f32 v25, v17;
	_ =	sdelay $0x1  }
0x15b: {  	v24 =	vmul.f32 v42, v41;
	v44 =	vmul.f32 v43, v18;
	v23 =	vadd.f32 v25, v23;
	_ =	sdelay $0x1  }
0x15c: {  	v24 =	vmul.f32 v24, v19;
	v23 =	vadd.f32 v44, v23;
	_ =	sdelay $0x1  }
0x15d: {  	s31 =	spop (v2sf);
	v23 =	vadd.f32 v24, v23  }
0x15e: {  	s1 =	sor.u32 $0x1800, s30;
	s2 =	spop (v2sf)  }
0x15f: {  	s0 =	sor.u32 s31, s1;
	s31 =	spop (v2sf);
	[tilespmem:$0x10650] =	vst v23  }
0x160: {  	s1 =	sor.u32 s31, s1;
	v23 =	vld [tilespmem:s0+$0x400]  }
0x161: {  	v45 =	vld [tilespmem:s1+$0x8400]  }
0x162: {  	v46 =	vld [tilespmem:s0+$0x410]  }
0x163: {  	v47 =	vld [tilespmem:s1+$0x8410]  }
0x164: {  	(v2sf) =	vpush v21, $0x7;
	v48 =	vld [tilespmem:s0+$0x420]  }
0x165: {  	v49 =	vld [tilespmem:s1+$0x8420];
	_ =	sdelay $0x1  }
0x166: {  	v50 =	vld [tilespmem:s0+$0x430]  }
0x167: {  	v51 =	vld [tilespmem:s1+$0x8430]  }
0x168: {  	v23 =	vmul.f32 v45, v23;
	v25 =	vmul.f32 v47, v46  }
0x169: {  	v52 =	vmul.f32 v49, v48  }
0x16a: {  	v23 =	vmul.f32 v23, v16;
	v25 =	vmul.f32 v25, v17;
	_ =	sdelay $0x1  }
0x16b: {  	v24 =	vmul.f32 v51, v50;
	v53 =	vmul.f32 v52, v18;
	v23 =	vadd.f32 v25, v23;
	_ =	sdelay $0x1  }
0x16c: {  	v24 =	vmul.f32 v24, v19;
	v23 =	vadd.f32 v53, v23;
	_ =	sdelay $0x1  }
0x16d: {  	v23 =	vadd.f32 v24, v23  }
0x16e: {  	s1 =	sor.u32 $0x1C00, s30  }
0x16f: {  	s31 =	spop (v2sf);
	s2 =	sor.u32 s2, s1;
	[tilespmem:$0x10660] =	vst v23  }
0x170: {  	s0 =	sor.u32 s31, s1;
	v23 =	vld [tilespmem:s2+$0x400]  }
0x171: {  	v54 =	vld [tilespmem:s0+$0x8400]  }
0x172: {  	(v2sf) =	vpush v22, $0x8;
	v55 =	vld [tilespmem:s2+$0x410]  }
0x173: {  	(v2sf) =	vpush v22, $0x9;
	v56 =	vld [tilespmem:s0+$0x8410]  }
0x174: {  	(v2sf) =	vpush v21, $0x8;
	v57 =	vld [tilespmem:s2+$0x420]  }
0x175: {  	v58 =	vld [tilespmem:s0+$0x8420];
	_ =	sdelay $0x1  }
0x176: {  	v59 =	vld [tilespmem:s2+$0x430]  }
0x177: {  	v60 =	vld [tilespmem:s0+$0x8430]  }
0x178: {  	v23 =	vmul.f32 v54, v23;
	v25 =	vmul.f32 v56, v55  }
0x179: {  	v61 =	vmul.f32 v58, v57  }
0x17a: {  	v23 =	vmul.f32 v23, v16;
	v25 =	vmul.f32 v25, v17;
	_ =	sdelay $0x1  }
0x17b: {  	v24 =	vmul.f32 v60, v59;
	v62 =	vmul.f32 v61, v18;
	v23 =	vadd.f32 v25, v23;
	_ =	sdelay $0x1  }
0x17c: {  	v24 =	vmul.f32 v24, v19;
	v23 =	vadd.f32 v62, v23;
	_ =	sdelay $0x1  }
0x17d: {  	s31 =	spop (v2sf);
	v23 =	vadd.f32 v24, v23  }
0x17e: {  	s1 =	sor.u32 $0x2000, s30;
	s2 =	spop (v2sf)  }
0x17f: {  	s0 =	sor.u32 s31, s1;
	s31 =	spop (v2sf);
	[tilespmem:$0x10670] =	vst v23  }
0x180: {  	s1 =	sor.u32 s31, s1;
	v23 =	vld [tilespmem:s0+$0x400]  }
0x181: {  	v63 =	vld [tilespmem:s1+$0x8400]  }
0x182: {  	v32 =	vld [tilespmem:s0+$0x410]  }
0x183: {  	v33 =	vld [tilespmem:s1+$0x8410]  }
0x184: {  	(v2sf) =	vpush v21, $0x9;
	v34 =	vld [tilespmem:s0+$0x420]  }
0x185: {  	v35 =	vld [tilespmem:s1+$0x8420];
	_ =	sdelay $0x1  }
0x186: {  	v36 =	vld [tilespmem:s0+$0x430]  }
0x187: {  	v37 =	vld [tilespmem:s1+$0x8430]  }
0x188: {  	v23 =	vmul.f32 v63, v23;
	v25 =	vmul.f32 v33, v32  }
0x189: {  	v38 =	vmul.f32 v35, v34  }
0x18a: {  	v23 =	vmul.f32 v23, v16;
	v25 =	vmul.f32 v25, v17;
	_ =	sdelay $0x1  }
0x18b: {  	v24 =	vmul.f32 v37, v36;
	v39 =	vmul.f32 v38, v18;
	v23 =	vadd.f32 v25, v23;
	_ =	sdelay $0x1  }
0x18c: {  	v24 =	vmul.f32 v24, v19;
	v23 =	vadd.f32 v39, v23;
	_ =	sdelay $0x1  }
0x18d: {  	v23 =	vadd.f32 v24, v23  }
0x18e: {  	s1 =	sor.u32 $0x2400, s30  }
0x18f: {  	s31 =	spop (v2sf);
	s2 =	sor.u32 s2, s1;
	[tilespmem:$0x10680] =	vst v23  }
0x190: {  	s0 =	sor.u32 s31, s1;
	v23 =	vld [tilespmem:s2+$0x400]  }
0x191: {  	v40 =	vld [tilespmem:s0+$0x8400]  }
0x192: {  	(v2sf) =	vpush v22, $0xA;
	v41 =	vld [tilespmem:s2+$0x410]  }
0x193: {  	(v2sf) =	vpush v22, $0xB;
	v42 =	vld [tilespmem:s0+$0x8410]  }
0x194: {  	(v2sf) =	vpush v21, $0xA;
	v43 =	vld [tilespmem:s2+$0x420]  }
0x195: {  	v44 =	vld [tilespmem:s0+$0x8420];
	_ =	sdelay $0x1  }
0x196: {  	v45 =	vld [tilespmem:s2+$0x430]  }
0x197: {  	v46 =	vld [tilespmem:s0+$0x8430]  }
0x198: {  	v23 =	vmul.f32 v40, v23;
	v25 =	vmul.f32 v42, v41  }
0x199: {  	v47 =	vmul.f32 v44, v43  }
0x19a: {  	v23 =	vmul.f32 v23, v16;
	v25 =	vmul.f32 v25, v17;
	_ =	sdelay $0x1  }
0x19b: {  	v24 =	vmul.f32 v46, v45;
	v48 =	vmul.f32 v47, v18;
	v23 =	vadd.f32 v25, v23;
	_ =	sdelay $0x1  }
0x19c: {  	v24 =	vmul.f32 v24, v19;
	v23 =	vadd.f32 v48, v23;
	_ =	sdelay $0x1  }
0x19d: {  	s31 =	spop (v2sf);
	v23 =	vadd.f32 v24, v23  }
0x19e: {  	s1 =	sor.u32 $0x2800, s30;
	s2 =	spop (v2sf)  }
0x19f: {  	s0 =	sor.u32 s31, s1;
	s31 =	spop (v2sf);
	[tilespmem:$0x10690] =	vst v23  }
0x1a0: {  	s1 =	sor.u32 s31, s1;
	v23 =	vld [tilespmem:s0+$0x400]  }
0x1a1: {  	v49 =	vld [tilespmem:s1+$0x8400]  }
0x1a2: {  	v50 =	vld [tilespmem:s0+$0x410]  }
0x1a3: {  	v51 =	vld [tilespmem:s1+$0x8410]  }
0x1a4: {  	(v2sf) =	vpush v21, $0xB;
	v52 =	vld [tilespmem:s0+$0x420]  }
0x1a5: {  	v53 =	vld [tilespmem:s1+$0x8420];
	_ =	sdelay $0x1  }
0x1a6: {  	v54 =	vld [tilespmem:s0+$0x430]  }
0x1a7: {  	v55 =	vld [tilespmem:s1+$0x8430]  }
0x1a8: {  	v23 =	vmul.f32 v49, v23;
	v25 =	vmul.f32 v51, v50  }
0x1a9: {  	v56 =	vmul.f32 v53, v52  }
0x1aa: {  	v23 =	vmul.f32 v23, v16;
	v25 =	vmul.f32 v25, v17;
	_ =	sdelay $0x1  }
0x1ab: {  	v24 =	vmul.f32 v55, v54;
	v57 =	vmul.f32 v56, v18;
	v23 =	vadd.f32 v25, v23;
	_ =	sdelay $0x1  }
0x1ac: {  	v24 =	vmul.f32 v24, v19;
	v23 =	vadd.f32 v57, v23;
	_ =	sdelay $0x1  }
0x1ad: {  	v23 =	vadd.f32 v24, v23  }
0x1ae: {  	s1 =	sor.u32 $0x2C00, s30  }
0x1af: {  	s31 =	spop (v2sf);
	s2 =	sor.u32 s2, s1;
	[tilespmem:$0x106A0] =	vst v23  }
0x1b0: {  	s0 =	sor.u32 s31, s1;
	v23 =	vld [tilespmem:s2+$0x400]  }
0x1b1: {  	v58 =	vld [tilespmem:s0+$0x8400]  }
0x1b2: {  	(v2sf) =	vpush v22, $0xC;
	v59 =	vld [tilespmem:s2+$0x410]  }
0x1b3: {  	(v2sf) =	vpush v22, $0xD;
	v60 =	vld [tilespmem:s0+$0x8410]  }
0x1b4: {  	(v2sf) =	vpush v21, $0xC;
	v61 =	vld [tilespmem:s2+$0x420]  }
0x1b5: {  	v62 =	vld [tilespmem:s0+$0x8420];
	_ =	sdelay $0x1  }
0x1b6: {  	v63 =	vld [tilespmem:s2+$0x430]  }
0x1b7: {  	v30 =	vld [tilespmem:s0+$0x8430]  }
0x1b8: {  	v23 =	vmul.f32 v58, v23;
	v25 =	vmul.f32 v60, v59  }
0x1b9: {  	v31 =	vmul.f32 v62, v61  }
0x1ba: {  	v23 =	vmul.f32 v23, v16;
	v25 =	vmul.f32 v25, v17;
	_ =	sdelay $0x1  }
0x1bb: {  	v24 =	vmul.f32 v30, v63;
	v32 =	vmul.f32 v31, v18;
	v23 =	vadd.f32 v25, v23;
	_ =	sdelay $0x1  }
0x1bc: {  	v24 =	vmul.f32 v24, v19;
	v23 =	vadd.f32 v32, v23;
	_ =	sdelay $0x1  }
0x1bd: {  	s31 =	spop (v2sf);
	v23 =	vadd.f32 v24, v23  }
0x1be: {  	s1 =	sor.u32 $0x3000, s30;
	s2 =	spop (v2sf)  }
0x1bf: {  	s0 =	sor.u32 s31, s1;
	s31 =	spop (v2sf);
	[tilespmem:$0x106B0] =	vst v23  }
0x1c0: {  	s1 =	sor.u32 s31, s1;
	v23 =	vld [tilespmem:s0+$0x400]  }
0x1c1: {  	v33 =	vld [tilespmem:s1+$0x8400]  }
0x1c2: {  	v34 =	vld [tilespmem:s0+$0x410]  }
0x1c3: {  	v35 =	vld [tilespmem:s1+$0x8410]  }
0x1c4: {  	(v2sf) =	vpush v21, $0xD;
	v36 =	vld [tilespmem:s0+$0x420]  }
0x1c5: {  	v37 =	vld [tilespmem:s1+$0x8420];
	_ =	sdelay $0x1  }
0x1c6: {  	v38 =	vld [tilespmem:s0+$0x430]  }
0x1c7: {  	v39 =	vld [tilespmem:s1+$0x8430]  }
0x1c8: {  	v23 =	vmul.f32 v33, v23;
	v25 =	vmul.f32 v35, v34  }
0x1c9: {  	v40 =	vmul.f32 v37, v36  }
0x1ca: {  	v23 =	vmul.f32 v23, v16;
	v25 =	vmul.f32 v25, v17;
	_ =	sdelay $0x1  }
0x1cb: {  	v24 =	vmul.f32 v39, v38;
	v41 =	vmul.f32 v40, v18;
	v23 =	vadd.f32 v25, v23;
	_ =	sdelay $0x1  }
0x1cc: {  	v24 =	vmul.f32 v24, v19;
	v23 =	vadd.f32 v41, v23;
	_ =	sdelay $0x1  }
0x1cd: {  	v23 =	vadd.f32 v24, v23  }
0x1ce: {  	s1 =	sor.u32 $0x3400, s30  }
0x1cf: {  	s31 =	spop (v2sf);
	s2 =	sor.u32 s2, s1;
	[tilespmem:$0x106C0] =	vst v23  }
0x1d0: {  	s0 =	sor.u32 s31, s1;
	v23 =	vld [tilespmem:s2+$0x400]  }
0x1d1: {  	v42 =	vld [tilespmem:s0+$0x8400]  }
0x1d2: {  	(v2sf) =	vpush v22, $0xE;
	v43 =	vld [tilespmem:s2+$0x410]  }
0x1d3: {  	(v2sf) =	vpush v22, $0xF;
	v22 =	vld [tilespmem:s0+$0x8410]  }
0x1d4: {  	(v2sf) =	vpush v21, $0xE;
	v44 =	vld [tilespmem:s2+$0x420]  }
0x1d5: {  	v45 =	vld [tilespmem:s0+$0x8420];
	_ =	sdelay $0x1  }
0x1d6: {  	v46 =	vld [tilespmem:s2+$0x430]  }
0x1d7: {  	v47 =	vld [tilespmem:s0+$0x8430]  }
0x1d8: {  	v23 =	vmul.f32 v42, v23;
	v22 =	vmul.f32 v22, v43  }
0x1d9: {  	v48 =	vmul.f32 v45, v44  }
0x1da: {  	v23 =	vmul.f32 v23, v16;
	v22 =	vmul.f32 v22, v17;
	_ =	sdelay $0x1  }
0x1db: {  	v24 =	vmul.f32 v47, v46;
	v22 =	vadd.f32 v22, v23;
	v23 =	vmul.f32 v48, v18;
	_ =	sdelay $0x1  }
0x1dc: {  	v22 =	vadd.f32 v23, v22;
	v23 =	vmul.f32 v24, v19;
	_ =	sdelay $0x1  }
0x1dd: {  	s31 =	spop (v2sf);
	v22 =	vadd.f32 v23, v22  }
0x1de: {  	s1 =	spop (v2sf);
	s2 =	sor.u32 $0x3800, s30  }
0x1df: {  	s0 =	sor.u32 s31, s2;
	s31 =	spop (v2sf);
	[tilespmem:$0x106D0] =	vst v22  }
0x1e0: {  	s2 =	sor.u32 s31, s2;
	v22 =	vld [tilespmem:s0+$0x400]  }
0x1e1: {  	v23 =	vld [tilespmem:s2+$0x8400]  }
0x1e2: {  	v49 =	vld [tilespmem:s0+$0x410]  }
0x1e3: {  	(v2sf) =	vpush v21, $0xF;
	v21 =	vld [tilespmem:s2+$0x8410]  }
0x1e4: {  	v50 =	vld [tilespmem:s0+$0x420]  }
0x1e5: {  	v51 =	vld [tilespmem:s2+$0x8420];
	_ =	sdelay $0x1  }
0x1e6: {  	v52 =	vld [tilespmem:s0+$0x430]  }
0x1e7: {  	v22 =	vmul.f32 v23, v22;
	v23 =	vld [tilespmem:s2+$0x8430]  }
0x1e8: {  	v21 =	vmul.f32 v21, v49  }
0x1e9: {  	v53 =	vmul.f32 v51, v50  }
0x1ea: {  	v22 =	vmul.f32 v22, v16;
	v21 =	vmul.f32 v21, v17;
	_ =	sdelay $0x1  }
0x1eb: {  	v21 =	vadd.f32 v21, v22;
	v22 =	vmul.f32 v53, v18;
	v23 =	vmul.f32 v23, v52;
	_ =	sdelay $0x1  }
0x1ec: {  	v21 =	vadd.f32 v22, v21;
	v22 =	vmul.f32 v23, v19;
	_ =	sdelay $0x1  }
0x1ed: {  	v21 =	vadd.f32 v22, v21  }
0x1ee: {  	s30 =	sor.u32 $0x3C00, s30  }
0x1ef: {  	s1 =	sor.u32 s1, s30;
	s31 =	spop (v2sf);
	[tilespmem:$0x106E0] =	vst v21  }
0x1f0: {  	s0 =	sor.u32 s31, s30;
	v21 =	vld [tilespmem:s1+$0x400]  }
0x1f1: {  	v22 =	vld [tilespmem:s0+$0x8400]  }
0x1f2: {  	v23 =	vld [tilespmem:s1+$0x410]  }
0x1f3: {  	v54 =	vld [tilespmem:s0+$0x8410]  }
0x1f4: {  	v55 =	vld [tilespmem:s1+$0x420]  }
0x1f5: {  	v56 =	vld [tilespmem:s0+$0x8420];
	_ =	sdelay $0x1  }
0x1f6: {  	v57 =	vld [tilespmem:s1+$0x430]  }
0x1f7: {  	v58 =	vld [tilespmem:s0+$0x8430]  }
0x1f8: {  	v21 =	vmul.f32 v22, v21;
	v22 =	vmul.f32 v54, v23  }
0x1f9: {  	v23 =	vmul.f32 v56, v55  }
0x1fa: {  	v21 =	vmul.f32 v21, v16;
	v22 =	vmul.f32 v22, v17;
	_ =	sdelay $0x1  }
0x1fb: {  	v21 =	vadd.f32 v22, v21;
	v22 =	vmul.f32 v23, v18;
	v23 =	vmul.f32 v58, v57;
	_ =	sdelay $0x1  }
0x1fc: {  	v21 =	vadd.f32 v22, v21;
	v22 =	vmul.f32 v23, v19;
	_ =	sdelay $0x1  }
0x1fd: {  	v21 =	vadd.f32 v22, v21;
	_ =	sdelay $0x1  }
0x1fe: {  	[tilespmem:$0x106F0] =	vst v21  }
0x1ff: {  	v21 =	vld.idx.msk [tilespmem:v0+s23+$0x0], $0xffff;
	_ =	sdelay $0x1  }
0x200: {  	v22 =	vld.idx.msk [tilespmem:v1+s23+$0x0], $0xffff;
	_ =	sdelay $0x1  }
0x201: {  	v23 =	vld.idx.msk [tilespmem:v2+s23+$0x0], $0xffff  }
0x202: {  	v21 =	vadd.f32 v21, v20  }
0x203: {  	v59 =	vld.idx.msk [tilespmem:v3+s23+$0x0], $0xffff  }
0x204: {  	v21 =	vadd.f32 v22, v21  }
0x205: {  	v22 =	vld.idx.msk [tilespmem:v4+s23+$0x0], $0xffff  }
0x206: {  	v21 =	vadd.f32 v23, v21  }
0x207: {  	v23 =	vld.idx.msk [tilespmem:v5+s23+$0x0], $0xffff  }
0x208: {  	v21 =	vadd.f32 v59, v21  }
0x209: {  	v60 =	vld.idx.msk [tilespmem:v6+s23+$0x0], $0xffff  }
0x20a: {  	v21 =	vadd.f32 v22, v21  }
0x20b: {  	v22 =	vld.idx.msk [tilespmem:v7+s23+$0x0], $0xffff  }
0x20c: {  	v21 =	vadd.f32 v23, v21  }
0x20d: {  	v23 =	vld.idx.msk [tilespmem:v8+s23+$0x0], $0xffff  }
0x20e: {  	v21 =	vadd.f32 v60, v21  }
0x20f: {  	v61 =	vld.idx.msk [tilespmem:v9+s23+$0x0], $0xffff  }
0x210: {  	v21 =	vadd.f32 v22, v21  }
0x211: {  	v22 =	vld.idx.msk [tilespmem:v10+s23+$0x0], $0xffff  }
0x212: {  	v21 =	vadd.f32 v23, v21  }
0x213: {  	v23 =	vld.idx.msk [tilespmem:v11+s23+$0x0], $0xffff  }
0x214: {  	v21 =	vadd.f32 v61, v21  }
0x215: {  	v62 =	vld.idx.msk [tilespmem:v12+s23+$0x0], $0xffff  }
0x216: {  	v21 =	vadd.f32 v22, v21  }
0x217: {  	v22 =	vld.idx.msk [tilespmem:v13+s23+$0x0], $0xffff  }
0x218: {  	v21 =	vadd.f32 v23, v21  }
0x219: {  	v23 =	vld.idx.msk [tilespmem:v14+s23+$0x0], $0xffff  }
0x21a: {  	v21 =	vadd.f32 v62, v21  }
0x21b: {  	v63 =	vld.idx.msk [tilespmem:v15+s23+$0x0], $0xffff  }
0x21c: {  	s26 =	sadd.s32 $0x40, s26;
	v21 =	vadd.f32 v22, v21  }
0x21d: {  	p0 =	sne.s32 s26, $0x800  }
.Ltmp3:
0x21e: {  	v21 =	vadd.f32 v23, v21;
	(pc) =	sbr.rel @!p0 .LBB2_5-.Ltmp3, $3  }
0x21f: {  	_ = 	snop  }
0x220: {  	v21 =	vadd.f32 v63, v21;
	_ =	sdelay $0x1  }
0x221: {  	s28 =	sadd.s32 $0x4000, s28;
	[tilespmem:s29+$0x10400] =	vst v21  }
.LBB2_2:
0x222: {  	p0 =	seq.s32 s26, $0x7C0  }
.Ltmp4:
0x223: {  	_ = 	snop;
	(pc) =	sbr.rel @p0 .LBB2_4-.Ltmp4, $1  }
0x224: {  	_ =	sdelay $0x3  }
0x225: {  	s29 =	sshra.s32 s26, $0x2  }
0x226: {  	v21 =	vld [tilespmem:s29+$0x10];
	_ =	sdelay $0x3  }
0x227: {  	v23 =	vld [tilespmem:s29+$0x210]  }
0x228: {  	v21 =	vshrl.u32 v21, $0x3  }
0x229: {  	v22 =	vshll.u32 v21, $0x7  }
0x22a: {  	(v2sf) =	vpush v22, $0x0;
	_ =	sdelay $0x1  }
0x22b: {  	v21 =	vshrl.u32 v23, $0x3  }
0x22c: {  	v21 =	vshll.u32 v21, $0x7  }
0x22d: {  	(v2sf) =	vpush v21, $0x0;
	_ =	sdelay $0x1  }
0x22e: {  	(v2sf) =	vpush v22, $0x1;
	_ =	sdelay $0x2  }
0x22f: {  	(v2sf) =	vpush v21, $0x1;
	_ =	sdelay $0x5  }
0x230: {  	s2 =	sxor.u32 $0xFFFFFFFF, s28;
	s30 =	spop (v2sf);
	(v2sf) =	vpush v22, $0x2  }
0x231: {  	s29 =	sand.u32 $0x4000, s2;
	s30 =	sand.u32 $0x1FFFFF80, s30  }
0x232: {  	s31 =	sor.u32 $0x400, s29;
	s30 =	sadd.s32 s4, s30  }
0x233: {  	[tilespmem:s31], [sflag:$0x1] =	stream.linear.gather [hbm4b:s30+s3], $0x400, $0x38;
	[tilespmem:$0x10780] =	vst v63  }
0x234: {  	s31 =	spop (v2sf);
	(v2sf) =	vpush v21, $0x2;
	_ =	sdelay $0x1  }
0x235: {  	s1 =	spop (v2sf);
	(v2sf) =	vpush v22, $0x3;
	_ =	sdelay $0x2  }
0x236: {  	s30 =	sand.u32 $0x1FFFFF80, s31;
	s31 =	spop (v2sf);
	(v2sf) =	vpush v21, $0x3;
	_ =	sdelay $0x3  }
0x237: {  	s0 =	sor.u32 $0x8400, s29;
	s30 =	sadd.s32 s5, s30  }
0x238: {  	[tilespmem:s0], [sflag:$0x1] =	stream.linear.gather [hbm4b:s30+s3], $0x400, $0x38;
	[tilespmem:$0x10780] =	vst v63  }
0x239: {  	s30 =	sand.u32 $0x1FFFFF80, s1;
	s1 =	spop (v2sf);
	(v2sf) =	vpush v22, $0x4  }
0x23a: {  	s2 =	sor.u32 $0x800, s29;
	s30 =	sadd.s32 s4, s30  }
0x23b: {  	[tilespmem:s2], [sflag:$0x1] =	stream.linear.gather [hbm4b:s30+s3], $0x400, $0x38;
	[tilespmem:$0x10780] =	vst v63  }
0x23c: {  	s30 =	sand.u32 $0x1FFFFF80, s31  }
0x23d: {  	s0 =	sor.u32 $0x8800, s29;
	s30 =	sadd.s32 s5, s30;
	s31 =	spop (v2sf);
	(v2sf) =	vpush v21, $0x4  }
0x23e: {  	[tilespmem:s0], [sflag:$0x1] =	stream.linear.gather [hbm4b:s30+s3], $0x400, $0x38;
	[tilespmem:$0x10780] =	vst v63  }
0x23f: {  	s30 =	sand.u32 $0x1FFFFF80, s1;
	s1 =	spop (v2sf);
	(v2sf) =	vpush v22, $0x5  }
0x240: {  	s2 =	sor.u32 $0xC00, s29;
	s30 =	sadd.s32 s4, s30  }
0x241: {  	[tilespmem:s2], [sflag:$0x1] =	stream.linear.gather [hbm4b:s30+s3], $0x400, $0x38;
	[tilespmem:$0x10780] =	vst v63  }
0x242: {  	s30 =	sand.u32 $0x1FFFFF80, s31;
	s31 =	spop (v2sf);
	(v2sf) =	vpush v21, $0x5;
	_ =	sdelay $0x3  }
0x243: {  	s0 =	sor.u32 $0x8C00, s29;
	s30 =	sadd.s32 s5, s30  }
0x244: {  	[tilespmem:s0], [sflag:$0x1] =	stream.linear.gather [hbm4b:s30+s3], $0x400, $0x38;
	[tilespmem:$0x10780] =	vst v63  }
0x245: {  	s30 =	sand.u32 $0x1FFFFF80, s1;
	s1 =	spop (v2sf);
	(v2sf) =	vpush v22, $0x6  }
0x246: {  	s2 =	sor.u32 $0x1000, s29;
	s30 =	sadd.s32 s4, s30  }
0x247: {  	[tilespmem:s2], [sflag:$0x1] =	stream.linear.gather [hbm4b:s30+s3], $0x400, $0x38;
	[tilespmem:$0x10780] =	vst v63  }
0x248: {  	s30 =	sand.u32 $0x1FFFFF80, s31  }
0x249: {  	s0 =	sor.u32 $0x9000, s29;
	s30 =	sadd.s32 s5, s30;
	s31 =	spop (v2sf);
	(v2sf) =	vpush v21, $0x6  }
0x24a: {  	[tilespmem:s0], [sflag:$0x1] =	stream.linear.gather [hbm4b:s30+s3], $0x400, $0x38;
	[tilespmem:$0x10780] =	vst v63  }
0x24b: {  	s30 =	sand.u32 $0x1FFFFF80, s1;
	s1 =	spop (v2sf);
	(v2sf) =	vpush v22, $0x7  }
0x24c: {  	s2 =	sor.u32 $0x1400, s29;
	s30 =	sadd.s32 s4, s30  }
0x24d: {  	[tilespmem:s2], [sflag:$0x1] =	stream.linear.gather [hbm4b:s30+s3], $0x400, $0x38;
	[tilespmem:$0x10780] =	vst v63  }
0x24e: {  	s30 =	sand.u32 $0x1FFFFF80, s31;
	s31 =	spop (v2sf);
	(v2sf) =	vpush v21, $0x7;
	_ =	sdelay $0x3  }
0x24f: {  	s0 =	sor.u32 $0x9400, s29;
	s30 =	sadd.s32 s5, s30  }
0x250: {  	[tilespmem:s0], [sflag:$0x1] =	stream.linear.gather [hbm4b:s30+s3], $0x400, $0x38;
	[tilespmem:$0x10780] =	vst v63  }
0x251: {  	s30 =	sand.u32 $0x1FFFFF80, s1;
	s1 =	spop (v2sf);
	(v2sf) =	vpush v22, $0x8  }
0x252: {  	s2 =	sor.u32 $0x1800, s29;
	s30 =	sadd.s32 s4, s30  }
0x253: {  	[tilespmem:s2], [sflag:$0x1] =	stream.linear.gather [hbm4b:s30+s3], $0x400, $0x38;
	[tilespmem:$0x10780] =	vst v63  }
0x254: {  	s30 =	sand.u32 $0x1FFFFF80, s31  }
0x255: {  	s0 =	sor.u32 $0x9800, s29;
	s30 =	sadd.s32 s5, s30;
	s31 =	spop (v2sf);
	(v2sf) =	vpush v21, $0x8  }
0x256: {  	[tilespmem:s0], [sflag:$0x1] =	stream.linear.gather [hbm4b:s30+s3], $0x400, $0x38;
	[tilespmem:$0x10780] =	vst v63  }
0x257: {  	s30 =	sand.u32 $0x1FFFFF80, s1;
	s1 =	spop (v2sf);
	(v2sf) =	vpush v22, $0x9  }
0x258: {  	s2 =	sor.u32 $0x1C00, s29;
	s30 =	sadd.s32 s4, s30  }
0x259: {  	[tilespmem:s2], [sflag:$0x1] =	stream.linear.gather [hbm4b:s30+s3], $0x400, $0x38;
	[tilespmem:$0x10780] =	vst v63  }
0x25a: {  	s30 =	sand.u32 $0x1FFFFF80, s31;
	s31 =	spop (v2sf);
	(v2sf) =	vpush v21, $0x9;
	_ =	sdelay $0x3  }
0x25b: {  	s0 =	sor.u32 $0x9C00, s29;
	s30 =	sadd.s32 s5, s30  }
0x25c: {  	[tilespmem:s0], [sflag:$0x1] =	stream.linear.gather [hbm4b:s30+s3], $0x400, $0x38;
	[tilespmem:$0x10780] =	vst v63  }
0x25d: {  	s30 =	sand.u32 $0x1FFFFF80, s1;
	s1 =	spop (v2sf);
	(v2sf) =	vpush v22, $0xA  }
0x25e: {  	s2 =	sor.u32 $0x2000, s29;
	s30 =	sadd.s32 s4, s30  }
0x25f: {  	[tilespmem:s2], [sflag:$0x1] =	stream.linear.gather [hbm4b:s30+s3], $0x400, $0x38;
	[tilespmem:$0x10780] =	vst v63  }
0x260: {  	s30 =	sand.u32 $0x1FFFFF80, s31  }
0x261: {  	s0 =	sor.u32 $0xA000, s29;
	s30 =	sadd.s32 s5, s30;
	s31 =	spop (v2sf);
	(v2sf) =	vpush v21, $0xA  }
0x262: {  	[tilespmem:s0], [sflag:$0x1] =	stream.linear.gather [hbm4b:s30+s3], $0x400, $0x38;
	[tilespmem:$0x10780] =	vst v63  }
0x263: {  	s30 =	sand.u32 $0x1FFFFF80, s1;
	s1 =	spop (v2sf);
	(v2sf) =	vpush v22, $0xB  }
0x264: {  	s2 =	sor.u32 $0x2400, s29;
	s30 =	sadd.s32 s4, s30  }
0x265: {  	[tilespmem:s2], [sflag:$0x1] =	stream.linear.gather [hbm4b:s30+s3], $0x400, $0x38;
	[tilespmem:$0x10780] =	vst v63  }
0x266: {  	s30 =	sand.u32 $0x1FFFFF80, s31;
	s31 =	spop (v2sf);
	(v2sf) =	vpush v21, $0xB;
	_ =	sdelay $0x3  }
0x267: {  	s0 =	sor.u32 $0xA400, s29;
	s30 =	sadd.s32 s5, s30  }
0x268: {  	[tilespmem:s0], [sflag:$0x1] =	stream.linear.gather [hbm4b:s30+s3], $0x400, $0x38;
	[tilespmem:$0x10780] =	vst v63  }
0x269: {  	s30 =	sand.u32 $0x1FFFFF80, s1;
	s1 =	spop (v2sf);
	(v2sf) =	vpush v22, $0xC  }
0x26a: {  	s2 =	sor.u32 $0x2800, s29;
	s30 =	sadd.s32 s4, s30  }
0x26b: {  	[tilespmem:s2], [sflag:$0x1] =	stream.linear.gather [hbm4b:s30+s3], $0x400, $0x38;
	[tilespmem:$0x10780] =	vst v63  }
0x26c: {  	s30 =	sand.u32 $0x1FFFFF80, s31  }
0x26d: {  	s0 =	sor.u32 $0xA800, s29;
	s30 =	sadd.s32 s5, s30;
	s31 =	spop (v2sf);
	(v2sf) =	vpush v21, $0xC  }
0x26e: {  	[tilespmem:s0], [sflag:$0x1] =	stream.linear.gather [hbm4b:s30+s3], $0x400, $0x38;
	[tilespmem:$0x10780] =	vst v63  }
0x26f: {  	s30 =	sand.u32 $0x1FFFFF80, s1;
	s1 =	spop (v2sf);
	(v2sf) =	vpush v22, $0xD  }
0x270: {  	s2 =	sor.u32 $0x2C00, s29;
	s30 =	sadd.s32 s4, s30  }
0x271: {  	[tilespmem:s2], [sflag:$0x1] =	stream.linear.gather [hbm4b:s30+s3], $0x400, $0x38;
	[tilespmem:$0x10780] =	vst v63  }
0x272: {  	s30 =	sand.u32 $0x1FFFFF80, s31;
	s31 =	spop (v2sf);
	(v2sf) =	vpush v21, $0xD  }
0x273: {  	s0 =	sor.u32 $0xAC00, s29;
	s30 =	sadd.s32 s5, s30  }
0x274: {  	[tilespmem:s0], [sflag:$0x1] =	stream.linear.gather [hbm4b:s30+s3], $0x400, $0x38;
	[tilespmem:$0x10780] =	vst v63  }
0x275: {  	s30 =	sand.u32 $0x1FFFFF80, s1  }
0x276: {  	s2 =	sor.u32 $0x3000, s29;
	s30 =	sadd.s32 s4, s30  }
0x277: {  	[tilespmem:s2], [sflag:$0x1] =	stream.linear.gather [hbm4b:s30+s3], $0x400, $0x38;
	[tilespmem:$0x10780] =	vst v63  }
0x278: {  	s30 =	sand.u32 $0x1FFFFF80, s31;
	s1 =	spop (v2sf);
	(v2sf) =	vpush v22, $0xE  }
0x279: {  	s0 =	sor.u32 $0xB000, s29;
	s30 =	sadd.s32 s5, s30  }
0x27a: {  	[tilespmem:s0], [sflag:$0x1] =	stream.linear.gather [hbm4b:s30+s3], $0x400, $0x38;
	[tilespmem:$0x10780] =	vst v63  }
0x27b: {  	s30 =	sand.u32 $0x1FFFFF80, s1  }
0x27c: {  	s2 =	sor.u32 $0x3400, s29;
	s30 =	sadd.s32 s4, s30;
	s31 =	spop (v2sf);
	(v2sf) =	vpush v21, $0xE  }
0x27d: {  	[tilespmem:s2], [sflag:$0x1] =	stream.linear.gather [hbm4b:s30+s3], $0x400, $0x38;
	[tilespmem:$0x10780] =	vst v63  }
0x27e: {  	s30 =	sand.u32 $0x1FFFFF80, s31;
	s1 =	spop (v2sf);
	(v2sf) =	vpush v22, $0xF  }
0x27f: {  	s0 =	sor.u32 $0xB400, s29;
	s30 =	sadd.s32 s5, s30  }
0x280: {  	[tilespmem:s0], [sflag:$0x1] =	stream.linear.gather [hbm4b:s30+s3], $0x400, $0x38;
	[tilespmem:$0x10780] =	vst v63  }
0x281: {  	s31 =	spop (v2sf);
	(v2sf) =	vpush v21, $0xF;
	s30 =	sand.u32 $0x1FFFFF80, s1  }
0x282: {  	s2 =	sor.u32 $0x3800, s29;
	s30 =	sadd.s32 s4, s30  }
0x283: {  	[tilespmem:s2], [sflag:$0x1] =	stream.linear.gather [hbm4b:s30+s3], $0x400, $0x38;
	[tilespmem:$0x10780] =	vst v63  }
0x284: {  	s30 =	sand.u32 $0x1FFFFF80, s31  }
0x285: {  	s0 =	sor.u32 $0xB800, s29;
	s30 =	sadd.s32 s5, s30  }
0x286: {  	[tilespmem:s0], [sflag:$0x1] =	stream.linear.gather [hbm4b:s30+s3], $0x400, $0x38;
	[tilespmem:$0x10780] =	vst v63  }
0x287: {  	s1 =	spop (v2sf)  }
0x288: {  	s30 =	sand.u32 $0x1FFFFF80, s1  }
0x289: {  	s2 =	sor.u32 $0x3C00, s29;
	s30 =	sadd.s32 s4, s30  }
0x28a: {  	[tilespmem:s2], [sflag:$0x1] =	stream.linear.gather [hbm4b:s30+s3], $0x400, $0x38;
	[tilespmem:$0x10780] =	vst v63  }
0x28b: {  	s31 =	spop (v2sf)  }
0x28c: {  	s30 =	sand.u32 $0x1FFFFF80, s31  }
0x28d: {  	s0 =	sor.u32 $0xBC00, s29;
	s1 =	spop (v2sf);
	s30 =	sadd.s32 s5, s30  }
0x28e: {  	[tilespmem:s0], [sflag:$0x1] =	stream.linear.gather [hbm4b:s30+s3], $0x400, $0x38;
	[tilespmem:$0x10780] =	vst v63  }
0x28f: {  	s2 =	sadd.s32 $0x4000, s29;
	s30 =	sand.u32 $0x1FFFFF80, s1  }
.Ltmp5:
0x290: {  	s31 =	spop (v2sf);
	s30 =	sadd.s32 s4, s30;
	(pc) =	sbr.rel .LBB2_4-.Ltmp5, $4  }
0x291: {  	[tilespmem:s2], [sflag:$0x1] =	stream.linear.gather [hbm4b:s30+s3], $0x400, $0x38;
	[tilespmem:$0x10780] =	vst v63  }
0x292: {  	s30 =	sand.u32 $0x1FFFFF80, s31  }
0x293: {  	s29 =	sadd.s32 $0xC000, s29;
	s30 =	sadd.s32 s5, s30  }
0x294: {  	[tilespmem:s29], [sflag:$0x1] =	stream.linear.gather [hbm4b:s30+s3], $0x400, $0x38;
	[tilespmem:$0x10780] =	vst v63  }
.LBB2_6:
0x295: {  	_ =	sfence.sel $0x180000  }
0x296: {  	[bflag:$0x0] =	sbarrier.arrive $0xFFFF  }
0x297: {  	_ =	strace $0x90000047  }
0x298: {  	s0 =	stileid.u32;
	[bflag:$0x2] =	sbarrier.arrive $0xFFFF  }
0x299: {  	p0 =	sne.s32 s0, $0x0;
	s0 =	rddreg [dreg:$0x5]  }
0x29a: {  	s0 =	sadd.s32 @!p0 $0x100000, s0  }
0x29b: {  	[sflag:s0] =	ssyncadd.tile.s32 @!p0 $0x1;
	_ =	shalt  }
.Lfunc_end2:
_tile_overlayer_lowered:
.L_overlay_start_2:
0x29c: {  	(tag) =	ssettag $0x2  }
0x29d: {  	s0 =	rddreg [dreg:$0x0];
	s2 =	stileid.u32  }
0x29e: {  	s1 =	rddreg [dreg:$0x1];
	p0 =	sne.s32 s2, $0x0  }
0x29f: {  	s3 =	rddreg [dreg:$0x2];
	[bflag:$0x3] =	sbarrier.arrive $0xFFFF;
	s2 =	simm.s32 @!p0 $0x1C02  }
0x2a0: {  	[timem:s3], [sflag:s2] =	dma.local @!p0 [hbm:s0], s1  }
0x2a1: {  	s0 =	simm.s32 @!p0 $0x2  }
0x2a2: {  	_ =	swait.ge @!p0 [sflag:s0], s1  }
0x2a3: {  	s1 =	ssub.s32 @!p0 $0x0, s1;
	[sflag:s0] =	ssyncset.done @!p0 $0x0  }
0x2a4: {  	[sflag:s0] =	ssyncadd.s32 @!p0 s1  }
0x2a5: {  	[bflag:$0x3] =	sbarrier.arrive $0xFFFF  }
0x2a6: {  	_ =	shalt  }

</sc_bundles>
